<compile_context>
chip_gen: v7x
topology: tpu7x:2x2x1
jax: 0.10.2.dev20260603
libtpu: 0.0.44.dev20260713+nightly
codegen_flags: <defaults>
</compile_context>

<pallas_src>
import functools

import jax
import jax.numpy as jnp
from jax import lax
from jax.experimental import pallas as pl
from jax.experimental.pallas import tpu as pltpu
from jax.experimental.pallas import tpu_sc as plsc

N = 10000
E = 320000
D = 128
G = 64

NC = 2
NS = 16
EPT = E // (NC * NS)
K = 100
CH = EPT // K
KD = 125
EPTD = E // NS
CHD = EPTD // KD
WB = 624
TAIL = N - WB * NS
ZB = 48

_mesh = plsc.VectorSubcoreMesh(core_axis_name="c", subcore_axis_name="s")
_sc_params = pltpu.CompilerParams(use_tc_tiling_on_sc=False)


def _zero_rows(buf, nrows, ncols):
    def body(i, _):
        for j in range(ncols // 16):
            buf[i, pl.ds(j * 16, 16)] = jnp.zeros((16,), jnp.float32)
        return 0
    lax.fori_loop(0, nrows, body, 0)


@functools.partial(
    pl.kernel,
    mesh=_mesh,
    out_type=jax.ShapeDtypeStruct((NC, N, D), jnp.float32),
    scratch_types=[
        pltpu.VMEM((CH, K), jnp.int32),
        pltpu.VMEM((CH, K), jnp.int32),
        pltpu.VMEM((2, K, D), jnp.float32),
        pltpu.VMEM_SHARED((N, D), jnp.float32),
        pltpu.SemaphoreType.DMA((2,)),
    ],
    compiler_params=_sc_params,
)
def _sc_propagate(hs_hbm, src_hbm, dst_hbm, out_hbm,
                  src_v, dst_v, rows, acc, sem):
    c = lax.axis_index("c")
    s = lax.axis_index("s")

    pltpu.async_copy(src_hbm.at[c, s], src_v, sem.at[0])
    pltpu.async_copy(dst_hbm.at[c, s], dst_v, sem.at[0])
    _zero_rows(rows.at[0], ZB, D)
    for k in range(WB // ZB):
        pltpu.async_copy(rows.at[0].at[pl.ds(0, ZB)],
                         acc.at[pl.ds(s * WB + k * ZB, ZB)], sem.at[1])

    @pl.when(s == 0)
    def _():
        pltpu.async_copy(rows.at[0].at[pl.ds(0, TAIL)],
                         acc.at[pl.ds(WB * NS, TAIL)], sem.at[1])

    pltpu.make_async_copy(src_hbm.at[c, s], src_v, sem.at[0]).wait()
    pltpu.make_async_copy(dst_hbm.at[c, s], dst_v, sem.at[0]).wait()
    for k in range(WB // ZB):
        pltpu.make_async_copy(rows.at[0].at[pl.ds(0, ZB)],
                              acc.at[pl.ds(s * WB + k * ZB, ZB)],
                              sem.at[1]).wait()

    @pl.when(s == 0)
    def _():
        pltpu.make_async_copy(rows.at[0].at[pl.ds(0, TAIL)],
                              acc.at[pl.ds(WB * NS, TAIL)], sem.at[1]).wait()
    plsc.subcore_barrier()

    pltpu.async_copy(hs_hbm.at[src_v.at[0]], rows.at[0], sem.at[0])

    def body(i, _):
        nxt = jnp.minimum(i + 1, CH - 1)
        pn = lax.rem(i + 1, 2)
        pc = lax.rem(i, 2)
        pltpu.async_copy(hs_hbm.at[src_v.at[nxt]], rows.at[pn], sem.at[pn])
        pltpu.make_async_copy(hs_hbm.at[src_v.at[i]], rows.at[pc],
                              sem.at[pc]).wait()
        pltpu.sync_copy(rows.at[pc], acc.at[dst_v.at[i]], add=True)
        return 0

    lax.fori_loop(0, CH, body, 0)
    pltpu.make_async_copy(hs_hbm.at[src_v.at[CH - 1]], rows.at[CH % 2],
                          sem.at[CH % 2]).wait()

    plsc.subcore_barrier()
    pltpu.sync_copy(acc.at[pl.ds(s * WB, WB)],
                    out_hbm.at[c, pl.ds(s * WB, WB), :])

    @pl.when(s == 0)
    def _():
        pltpu.sync_copy(acc.at[pl.ds(WB * NS, TAIL)],
                        out_hbm.at[c, pl.ds(WB * NS, TAIL), :])


@functools.partial(
    pl.kernel,
    mesh=_mesh,
    out_type=jax.ShapeDtypeStruct((NC, N, 16), jnp.float32),
    scratch_types=[
        pltpu.VMEM((CHD, KD), jnp.int32),
        pltpu.VMEM((KD, 16), jnp.float32),
        pltpu.VMEM((KD, 16), jnp.float32),
        pltpu.VMEM_SHARED((N, 16), jnp.float32),
    ],
    compiler_params=_sc_params,
)
def _sc_degree(dst_hbm, out_hbm, dst_v, ones_v, zero_v, acc):
    c = lax.axis_index("c")
    s = lax.axis_index("s")

    pltpu.sync_copy(dst_hbm.at[s], dst_v)

    def fill(i, _):
        ones_v[i, pl.ds(0, 16)] = jnp.ones((16,), jnp.float32)
        zero_v[i, pl.ds(0, 16)] = jnp.zeros((16,), jnp.float32)
        return 0
    lax.fori_loop(0, KD, fill, 0)
    for k in range(WB // ZB):
        pltpu.sync_copy(zero_v.at[pl.ds(0, ZB)],
                        acc.at[pl.ds(s * WB + k * ZB, ZB)])

    @pl.when(s == 0)
    def _():
        pltpu.sync_copy(zero_v.at[pl.ds(0, TAIL)], acc.at[pl.ds(WB * NS, TAIL)])
    plsc.subcore_barrier()

    def body(i, _):
        pltpu.sync_copy(ones_v, acc.at[dst_v.at[c * (CHD // 2) + i]], add=True)
        return 0
    lax.fori_loop(0, CHD // 2, body, 0)

    plsc.subcore_barrier()
    pltpu.sync_copy(acc.at[pl.ds(s * WB, WB)],
                    out_hbm.at[c, pl.ds(s * WB, WB), :])

    @pl.when(s == 0)
    def _():
        pltpu.sync_copy(acc.at[pl.ds(WB * NS, TAIL)],
                        out_hbm.at[c, pl.ds(WB * NS, TAIL), :])



def _tc_pre(x_ref, w_ref, degp_ref, hs_ref, dinv_ref):
    deg = 1.0 + degp_ref[0, :, 0:1] + degp_ref[1, :, 0:1]
    dinv = lax.rsqrt(deg)
    hp = jnp.dot(x_ref[...], w_ref[...], preferred_element_type=jnp.float32)
    hs_ref[...] = hp * dinv
    dinv_ref[...] = dinv


def _bn_input(accp_ref, hs_ref, dinv_ref, b_ref):
    y = (accp_ref[0] + accp_ref[1] + hs_ref[...]) * dinv_ref[...] + b_ref[...]
    mu = jnp.mean(y, axis=0, keepdims=True)
    var = jnp.mean((y - mu) ** 2, axis=0, keepdims=True)
    return y, mu, var


def _tc_mid(accp_ref, hs_ref, dinv_ref, b_ref, g_ref, be_ref, w_ref,
            hs2_ref):
    y, mu, var = _bn_input(accp_ref, hs_ref, dinv_ref, b_ref)
    h = (y - mu) * lax.rsqrt(var + 1e-5) * g_ref[...] + be_ref[...]
    h = jnp.maximum(h, 0.0)
    hp2 = jnp.dot(h, w_ref[...], preferred_element_type=jnp.float32)
    hs2_ref[...] = hp2 * dinv_ref[...]


def _tc_post(accp_ref, hs_ref, dinv_ref, b_ref, g_ref, be_ref, batch_ref,
             out_ref):
    y, mu, var = _bn_input(accp_ref, hs_ref, dinv_ref, b_ref)
    h = (y - mu) * lax.rsqrt(var + 1e-5) * g_ref[...] + be_ref[...]
    onehot = (lax.broadcasted_iota(jnp.int32, (G, N), 0)
              == batch_ref[...]).astype(jnp.float32)
    cnt = jnp.sum(onehot, axis=1, keepdims=True)
    pooled = jnp.dot(onehot, h, preferred_element_type=jnp.float32)
    out_ref[...] = pooled / jnp.maximum(cnt, 1.0)


_f32 = jnp.float32


def kernel(x, edge_index, batch, W1, b1, g1, be1, W2, b2, g2, be2,
           W3, b3, g3, be3):
    src4 = edge_index[0].reshape(NC, NS, CH, K).astype(jnp.int32)
    dst4 = edge_index[1].reshape(NC, NS, CH, K).astype(jnp.int32)
    dst3 = edge_index[1].reshape(NS, CHD, KD).astype(jnp.int32)
    batch2 = batch.reshape(1, N).astype(jnp.int32)
    b1r, b2r, b3r = (v.reshape(1, D) for v in (b1, b2, b3))
    g1r, g2r, g3r = (v.reshape(1, D) for v in (g1, g2, g3))
    be1r, be2r, be3r = (v.reshape(1, D) for v in (be1, be2, be3))

    degp = _sc_degree(dst3)

    hs1, dinv = pl.pallas_call(
        _tc_pre,
        out_shape=[jax.ShapeDtypeStruct((N, D), _f32),
                   jax.ShapeDtypeStruct((N, 1), _f32)],
    )(x, W1, degp)

    acc1 = _sc_propagate(hs1, src4, dst4)
    hs2 = pl.pallas_call(
        _tc_mid,
        out_shape=jax.ShapeDtypeStruct((N, D), _f32),
    )(acc1, hs1, dinv, b1r, g1r, be1r, W2)

    acc2 = _sc_propagate(hs2, src4, dst4)
    hs3 = pl.pallas_call(
        _tc_mid,
        out_shape=jax.ShapeDtypeStruct((N, D), _f32),
    )(acc2, hs2, dinv, b2r, g2r, be2r, W3)

    acc3 = _sc_propagate(hs3, src4, dst4)
    out = pl.pallas_call(
        _tc_post,
        out_shape=jax.ShapeDtypeStruct((G, D), _f32),
    )(acc3, hs3, dinv, b3r, g3r, be3r, batch2)
    return out

# --- scband reference (transcript-rebuilt; emitter-appended) ---
"""Pipeline reference for scband-custom-generaic-gnn-encoder-83726092468975 (READ-ONLY COPY).

The authoritative reference and input builder live on the scoring server;
editing this copy changes nothing except your own understanding.
"""

import jax, jax.numpy as jnp
import numpy as np

N = 10000
E = 320000
D = 128
G = 64
L = 3


def setup_inputs(seed: int = 0) -> dict:
    key = jax.random.key(seed)
    ks = jax.random.split(key, 2 + 4 * L)
    inp = {}
    inp["x"] = jax.random.normal(ks[0], (N, D), dtype=jnp.float32)
    inp["edge_index"] = jax.random.randint(ks[1], (2, E), 0, N)
    inp["batch"] = jnp.sort(jax.random.randint(jax.random.fold_in(key, 123), (N,), 0, G))
    scale = 1.0 / np.sqrt(D)
    for l in range(L):
        inp[f"W{l+1}"] = jax.random.normal(ks[2 + 4 * l], (D, D), dtype=jnp.float32) * scale
        inp[f"b{l+1}"] = jnp.zeros((D,), dtype=jnp.float32)
        inp[f"g{l+1}"] = jnp.ones((D,), dtype=jnp.float32)
        inp[f"be{l+1}"] = jnp.zeros((D,), dtype=jnp.float32)
    return inp


def _gcn_conv(h, edge_index, W, b):
    # PyG GCNConv: linear (no bias) -> symmetric-normalized propagate with self-loops -> + bias
    n = h.shape[0]
    h = h @ W
    src = edge_index[0]
    dst = edge_index[1]
    loop = jnp.arange(n, dtype=src.dtype)
    src2 = jnp.concatenate([src, loop])
    dst2 = jnp.concatenate([dst, loop])
    deg = jnp.zeros((n,), dtype=h.dtype).at[dst2].add(1.0)
    dinv = jnp.where(deg > 0, deg ** -0.5, 0.0)
    norm = dinv[src2] * dinv[dst2]
    msg = h[src2] * norm[:, None]
    out = jnp.zeros_like(h).at[dst2].add(msg)
    return out + b


def _batch_norm(h, g, be, eps=1e-5):
    mu = h.mean(axis=0)
    var = ((h - mu) ** 2).mean(axis=0)
    return (h - mu) / jnp.sqrt(var + eps) * g + be


def reference(x, edge_index, batch, W1, b1, g1, be1, W2, b2, g2, be2, W3, b3, g3, be3):
    params = [(W1, b1, g1, be1), (W2, b2, g2, be2), (W3, b3, g3, be3)]
    h = x
    for i, (W, b, g, be) in enumerate(params):
        h = _gcn_conv(h, edge_index, W, b)
        h = _batch_norm(h, g, be)
        if i < L - 1:
            h = jax.nn.relu(h)
        # drop_ratio=0 -> dropout is identity
    # JK='last' -> node_representation = h; global_mean_pool over batch
    sums = jax.ops.segment_sum(h, batch, num_segments=G)
    cnt = jax.ops.segment_sum(jnp.ones((h.shape[0],), dtype=h.dtype), batch, num_segments=G)
    graph_rep = sums / jnp.clip(cnt, 1.0)[:, None]
    return graph_rep

if __name__ == "__main__":
    import jax
    _d = setup_inputs()
    print(jax.jit(kernel)(*tuple(_d.values())))

</pallas_src>

<mosaic_0001>
#map = affine_map<(d0, d1) -> (0, 0, 0)>
module attributes {stable_mosaic.version = 14 : i64} {
  func.func @_sc_degree(%arg0: i32, %arg1: i32, %arg2: memref<16x160x125xi32, #tpu.memory_space<hbm>>, %arg3: memref<2x10000x16xf32, #tpu.memory_space<hbm>>, %arg4: memref<160x125xi32, #tpu.memory_space<vmem>>, %arg5: memref<125x16xf32, #tpu.memory_space<vmem>>, %arg6: memref<125x16xf32, #tpu.memory_space<vmem>>, %arg7: memref<10000x16xf32, #tpu.memory_space<vmem_shared>>) attributes {dimension_semantics = [#tpu.dimension_semantics<core_parallel>, #tpu.dimension_semantics<subcore_parallel>], iteration_bounds = array<i64: 2, 16>, scalar_prefetch = 0 : i64, scratch_operands = 4 : i64, tpu.core_type = #tpu.core_type<sc_vector_subcore>, window_params = [{transform_indices = #map}, {transform_indices = #map}]} {
    "tpu.region"() ({
      %run_scoped3A = tpu.sem_alloc : memref<!tpu.dma_semaphore, #tpu.memory_space<semaphore_mem>>
      %dma_start3A = arith.constant 0 : i32
      %dma_start3A_75 = arith.constant 0 : i32
      %dma_start3A_76 = tpu.memref_slice %arg2[%arg1, %dma_start3A, %dma_start3A_75] : memref<16x160x125xi32, #tpu.memory_space<hbm>> -> memref<1x160x125xi32, #tpu.memory_space<hbm>>
      %dma_start3A_77 = tpu.memref_squeeze %dma_start3A_76 : memref<1x160x125xi32, #tpu.memory_space<hbm>> -> memref<160x125xi32, #tpu.memory_space<hbm>>
      %dma_start3A_78 = arith.constant 0 : i32
      %dma_start3A_79 = arith.constant 0 : i32
      %dma_start3A_80 = tpu.memref_slice %arg2[%arg1, %dma_start3A_78, %dma_start3A_79] : memref<16x160x125xi32, #tpu.memory_space<hbm>> -> memref<1x160x125xi32, #tpu.memory_space<hbm>>
      %dma_start3A_81 = tpu.memref_squeeze %dma_start3A_80 : memref<1x160x125xi32, #tpu.memory_space<hbm>> -> memref<160x125xi32, #tpu.memory_space<hbm>>
      tpu.enqueue_dma source(%dma_start3A_81 : memref<160x125xi32, #tpu.memory_space<hbm>>) target(%arg4 : memref<160x125xi32, #tpu.memory_space<vmem>>) target_semaphore(%run_scoped3A : memref<!tpu.dma_semaphore, #tpu.memory_space<semaphore_mem>>)
      %dma_wait3A = arith.constant 0 : i32
      %dma_wait3A_82 = arith.constant 0 : i32
      %dma_wait3A_83 = tpu.memref_slice %arg2[%arg1, %dma_wait3A, %dma_wait3A_82] : memref<16x160x125xi32, #tpu.memory_space<hbm>> -> memref<1x160x125xi32, #tpu.memory_space<hbm>>
      %dma_wait3A_84 = tpu.memref_squeeze %dma_wait3A_83 : memref<1x160x125xi32, #tpu.memory_space<hbm>> -> memref<160x125xi32, #tpu.memory_space<hbm>>
      %dma_wait3A_85 = arith.constant 0 : i32
      %dma_wait3A_86 = arith.constant 0 : i32
      %dma_wait3A_87 = tpu.memref_slice %arg2[%arg1, %dma_wait3A_85, %dma_wait3A_86] : memref<16x160x125xi32, #tpu.memory_space<hbm>> -> memref<1x160x125xi32, #tpu.memory_space<hbm>>
      %dma_wait3A_88 = tpu.memref_squeeze %dma_wait3A_87 : memref<1x160x125xi32, #tpu.memory_space<hbm>> -> memref<160x125xi32, #tpu.memory_space<hbm>>
      tpu.wait_dma2 semaphore(%run_scoped3A : memref<!tpu.dma_semaphore, #tpu.memory_space<semaphore_mem>>) src(%dma_wait3A_88 : memref<160x125xi32, #tpu.memory_space<hbm>>) dst(%arg4 : memref<160x125xi32, #tpu.memory_space<vmem>>)
      tpu.yield
    }) : () -> ()
    %scan3A = arith.constant 0 : i32
    %scan3A_0 = arith.constant 0 : i32
    %scan3A_1 = arith.constant 125 : i32
    %scan3A_2 = arith.addi %scan3A_0, %scan3A_1 : i32
    %scan3A_3 = arith.constant 1 : i32
    %scan3A_4 = scf.for %scan3A_75 = %scan3A_0 to %scan3A_2 step %scan3A_3 iter_args(%scan3A_76 = %scan3A) -> (i32)  : i32 {
      %broadcast_in_dim3A = arith.constant 1.000000e+00 : f32
      %broadcast_in_dim3A_77 = vector.broadcast %broadcast_in_dim3A : f32 to vector<16xf32>
      %swap3A = arith.index_cast %scan3A_75 : i32 to index
      %swap3A_78 = arith.constant 0 : index
      %swap3A_79 = tpu.vector_load %arg5[%swap3A, %swap3A_78] {strides = array<i32>} : memref<125x16xf32, #tpu.memory_space<vmem>>, vector<1x16xf32>,
      %swap3A_80 = vector.shape_cast %swap3A_79 : vector<1x16xf32> to vector<16xf32>
      %swap3A_81 = vector.shape_cast %broadcast_in_dim3A_77 : vector<16xf32> to vector<1x16xf32>
      tpu.vector_store %arg5[%swap3A, %swap3A_78], %swap3A_81 {strides = array<i32>} : memref<125x16xf32, #tpu.memory_space<vmem>>, vector<1x16xf32>,
      %broadcast_in_dim3A_82 = arith.constant 0.000000e+00 : f32
      %broadcast_in_dim3A_83 = vector.broadcast %broadcast_in_dim3A_82 : f32 to vector<16xf32>
      %swap3A_84 = arith.index_cast %scan3A_75 : i32 to index
      %swap3A_85 = arith.constant 0 : index
      %swap3A_86 = tpu.vector_load %arg6[%swap3A_84, %swap3A_85] {strides = array<i32>} : memref<125x16xf32, #tpu.memory_space<vmem>>, vector<1x16xf32>,
      %swap3A_87 = vector.shape_cast %swap3A_86 : vector<1x16xf32> to vector<16xf32>
      %swap3A_88 = vector.shape_cast %broadcast_in_dim3A_83 : vector<16xf32> to vector<1x16xf32>
      tpu.vector_store %arg6[%swap3A_84, %swap3A_85], %swap3A_88 {strides = array<i32>} : memref<125x16xf32, #tpu.memory_space<vmem>>, vector<1x16xf32>,
      %scan3A_89 = arith.constant 0 : i32
      scf.yield %scan3A_89 : i32
    }
    %scan3A_5 = arith.constant 125 : i32
    %mul3A = arith.constant 624 : i32
    %mul3A_6 = arith.muli %arg1, %mul3A : i32
    %add3A = arith.constant 0 : i32
    %add3A_7 = arith.addi %mul3A_6, %add3A : i32
    "tpu.region"() ({
      %run_scoped3A = tpu.sem_alloc : memref<!tpu.dma_semaphore, #tpu.memory_space<semaphore_mem>>
      %dma_start3A = arith.constant 0 : i32
      %dma_start3A_75 = arith.constant 0 : i32
      %dma_start3A_76 = tpu.memref_slice %arg6[%dma_start3A, %dma_start3A_75] : memref<125x16xf32, #tpu.memory_space<vmem>> -> memref<48x16xf32, #tpu.memory_space<vmem>>
      %dma_start3A_77 = arith.constant 0 : i32
      %dma_start3A_78 = tpu.memref_slice %arg7[%add3A_7, %dma_start3A_77] : memref<10000x16xf32, #tpu.memory_space<vmem_shared>> -> memref<48x16xf32, #tpu.memory_space<vmem_shared>>
      %dma_start3A_79 = arith.constant 0 : i32
      %dma_start3A_80 = tpu.memref_slice %arg7[%add3A_7, %dma_start3A_79] : memref<10000x16xf32, #tpu.memory_space<vmem_shared>> -> memref<48x16xf32, #tpu.memory_space<vmem_shared>>
      %dma_start3A_81 = arith.constant 0 : i32
      %dma_start3A_82 = arith.constant 0 : i32
      %dma_start3A_83 = tpu.memref_slice %arg6[%dma_start3A_81, %dma_start3A_82] : memref<125x16xf32, #tpu.memory_space<vmem>> -> memref<48x16xf32, #tpu.memory_space<vmem>>
      tpu.enqueue_dma source(%dma_start3A_83 : memref<48x16xf32, #tpu.memory_space<vmem>>) target(%dma_start3A_80 : memref<48x16xf32, #tpu.memory_space<vmem_shared>>) target_semaphore(%run_scoped3A : memref<!tpu.dma_semaphore, #tpu.memory_space<semaphore_mem>>)
      %dma_wait3A = arith.constant 0 : i32
      %dma_wait3A_84 = arith.constant 0 : i32
      %dma_wait3A_85 = tpu.memref_slice %arg6[%dma_wait3A, %dma_wait3A_84] : memref<125x16xf32, #tpu.memory_space<vmem>> -> memref<48x16xf32, #tpu.memory_space<vmem>>
      %dma_wait3A_86 = arith.constant 0 : i32
      %dma_wait3A_87 = tpu.memref_slice %arg7[%add3A_7, %dma_wait3A_86] : memref<10000x16xf32, #tpu.memory_space<vmem_shared>> -> memref<48x16xf32, #tpu.memory_space<vmem_shared>>
      %dma_wait3A_88 = arith.constant 0 : i32
      %dma_wait3A_89 = tpu.memref_slice %arg7[%add3A_7, %dma_wait3A_88] : memref<10000x16xf32, #tpu.memory_space<vmem_shared>> -> memref<48x16xf32, #tpu.memory_space<vmem_shared>>
      %dma_wait3A_90 = arith.constant 0 : i32
      %dma_wait3A_91 = arith.constant 0 : i32
      %dma_wait3A_92 = tpu.memref_slice %arg6[%dma_wait3A_90, %dma_wait3A_91] : memref<125x16xf32, #tpu.memory_space<vmem>> -> memref<48x16xf32, #tpu.memory_space<vmem>>
      tpu.wait_dma2 semaphore(%run_scoped3A : memref<!tpu.dma_semaphore, #tpu.memory_space<semaphore_mem>>) src(%dma_wait3A_92 : memref<48x16xf32, #tpu.memory_space<vmem>>) dst(%dma_wait3A_89 : memref<48x16xf32, #tpu.memory_space<vmem_shared>>)
      tpu.yield
    }) : () -> ()
    %mul3A_8 = arith.constant 624 : i32
    %mul3A_9 = arith.muli %arg1, %mul3A_8 : i32
    %add3A_10 = arith.constant 48 : i32
    %add3A_11 = arith.addi %mul3A_9, %add3A_10 : i32
    "tpu.region"() ({
      %run_scoped3A = tpu.sem_alloc : memref<!tpu.dma_semaphore, #tpu.memory_space<semaphore_mem>>
      %dma_start3A = arith.constant 0 : i32
      %dma_start3A_75 = arith.constant 0 : i32
      %dma_start3A_76 = tpu.memref_slice %arg6[%dma_start3A, %dma_start3A_75] : memref<125x16xf32, #tpu.memory_space<vmem>> -> memref<48x16xf32, #tpu.memory_space<vmem>>
      %dma_start3A_77 = arith.constant 0 : i32
      %dma_start3A_78 = tpu.memref_slice %arg7[%add3A_11, %dma_start3A_77] : memref<10000x16xf32, #tpu.memory_space<vmem_shared>> -> memref<48x16xf32, #tpu.memory_space<vmem_shared>>
      %dma_start3A_79 = arith.constant 0 : i32
      %dma_start3A_80 = tpu.memref_slice %arg7[%add3A_11, %dma_start3A_79] : memref<10000x16xf32, #tpu.memory_space<vmem_shared>> -> memref<48x16xf32, #tpu.memory_space<vmem_shared>>
      %dma_start3A_81 = arith.constant 0 : i32
      %dma_start3A_82 = arith.constant 0 : i32
      %dma_start3A_83 = tpu.memref_slice %arg6[%dma_start3A_81, %dma_start3A_82] : memref<125x16xf32, #tpu.memory_space<vmem>> -> memref<48x16xf32, #tpu.memory_space<vmem>>
      tpu.enqueue_dma source(%dma_start3A_83 : memref<48x16xf32, #tpu.memory_space<vmem>>) target(%dma_start3A_80 : memref<48x16xf32, #tpu.memory_space<vmem_shared>>) target_semaphore(%run_scoped3A : memref<!tpu.dma_semaphore, #tpu.memory_space<semaphore_mem>>)
      %dma_wait3A = arith.constant 0 : i32
      %dma_wait3A_84 = arith.constant 0 : i32
      %dma_wait3A_85 = tpu.memref_slice %arg6[%dma_wait3A, %dma_wait3A_84] : memref<125x16xf32, #tpu.memory_space<vmem>> -> memref<48x16xf32, #tpu.memory_space<vmem>>
      %dma_wait3A_86 = arith.constant 0 : i32
      %dma_wait3A_87 = tpu.memref_slice %arg7[%add3A_11, %dma_wait3A_86] : memref<10000x16xf32, #tpu.memory_space<vmem_shared>> -> memref<48x16xf32, #tpu.memory_space<vmem_shared>>
      %dma_wait3A_88 = arith.constant 0 : i32
      %dma_wait3A_89 = tpu.memref_slice %arg7[%add3A_11, %dma_wait3A_88] : memref<10000x16xf32, #tpu.memory_space<vmem_shared>> -> memref<48x16xf32, #tpu.memory_space<vmem_shared>>
      %dma_wait3A_90 = arith.constant 0 : i32
      %dma_wait3A_91 = arith.constant 0 : i32
      %dma_wait3A_92 = tpu.memref_slice %arg6[%dma_wait3A_90, %dma_wait3A_91] : memref<125x16xf32, #tpu.memory_space<vmem>> -> memref<48x16xf32, #tpu.memory_space<vmem>>
      tpu.wait_dma2 semaphore(%run_scoped3A : memref<!tpu.dma_semaphore, #tpu.memory_space<semaphore_mem>>) src(%dma_wait3A_92 : memref<48x16xf32, #tpu.memory_space<vmem>>) dst(%dma_wait3A_89 : memref<48x16xf32, #tpu.memory_space<vmem_shared>>)
      tpu.yield
    }) : () -> ()
    %mul3A_12 = arith.constant 624 : i32
    %mul3A_13 = arith.muli %arg1, %mul3A_12 : i32
    %add3A_14 = arith.constant 96 : i32
    %add3A_15 = arith.addi %mul3A_13, %add3A_14 : i32
    "tpu.region"() ({
      %run_scoped3A = tpu.sem_alloc : memref<!tpu.dma_semaphore, #tpu.memory_space<semaphore_mem>>
      %dma_start3A = arith.constant 0 : i32
      %dma_start3A_75 = arith.constant 0 : i32
      %dma_start3A_76 = tpu.memref_slice %arg6[%dma_start3A, %dma_start3A_75] : memref<125x16xf32, #tpu.memory_space<vmem>> -> memref<48x16xf32, #tpu.memory_space<vmem>>
      %dma_start3A_77 = arith.constant 0 : i32
      %dma_start3A_78 = tpu.memref_slice %arg7[%add3A_15, %dma_start3A_77] : memref<10000x16xf32, #tpu.memory_space<vmem_shared>> -> memref<48x16xf32, #tpu.memory_space<vmem_shared>>
      %dma_start3A_79 = arith.constant 0 : i32
      %dma_start3A_80 = tpu.memref_slice %arg7[%add3A_15, %dma_start3A_79] : memref<10000x16xf32, #tpu.memory_space<vmem_shared>> -> memref<48x16xf32, #tpu.memory_space<vmem_shared>>
      %dma_start3A_81 = arith.constant 0 : i32
      %dma_start3A_82 = arith.constant 0 : i32
      %dma_start3A_83 = tpu.memref_slice %arg6[%dma_start3A_81, %dma_start3A_82] : memref<125x16xf32, #tpu.memory_space<vmem>> -> memref<48x16xf32, #tpu.memory_space<vmem>>
      tpu.enqueue_dma source(%dma_start3A_83 : memref<48x16xf32, #tpu.memory_space<vmem>>) target(%dma_start3A_80 : memref<48x16xf32, #tpu.memory_space<vmem_shared>>) target_semaphore(%run_scoped3A : memref<!tpu.dma_semaphore, #tpu.memory_space<semaphore_mem>>)
      %dma_wait3A = arith.constant 0 : i32
      %dma_wait3A_84 = arith.constant 0 : i32
      %dma_wait3A_85 = tpu.memref_slice %arg6[%dma_wait3A, %dma_wait3A_84] : memref<125x16xf32, #tpu.memory_space<vmem>> -> memref<48x16xf32, #tpu.memory_space<vmem>>
      %dma_wait3A_86 = arith.constant 0 : i32
      %dma_wait3A_87 = tpu.memref_slice %arg7[%add3A_15, %dma_wait3A_86] : memref<10000x16xf32, #tpu.memory_space<vmem_shared>> -> memref<48x16xf32, #tpu.memory_space<vmem_shared>>
      %dma_wait3A_88 = arith.constant 0 : i32
      %dma_wait3A_89 = tpu.memref_slice %arg7[%add3A_15, %dma_wait3A_88] : memref<10000x16xf32, #tpu.memory_space<vmem_shared>> -> memref<48x16xf32, #tpu.memory_space<vmem_shared>>
      %dma_wait3A_90 = arith.constant 0 : i32
      %dma_wait3A_91 = arith.constant 0 : i32
      %dma_wait3A_92 = tpu.memref_slice %arg6[%dma_wait3A_90, %dma_wait3A_91] : memref<125x16xf32, #tpu.memory_space<vmem>> -> memref<48x16xf32, #tpu.memory_space<vmem>>
      tpu.wait_dma2 semaphore(%run_scoped3A : memref<!tpu.dma_semaphore, #tpu.memory_space<semaphore_mem>>) src(%dma_wait3A_92 : memref<48x16xf32, #tpu.memory_space<vmem>>) dst(%dma_wait3A_89 : memref<48x16xf32, #tpu.memory_space<vmem_shared>>)
      tpu.yield
    }) : () -> ()
    %mul3A_16 = arith.constant 624 : i32
    %mul3A_17 = arith.muli %arg1, %mul3A_16 : i32
    %add3A_18 = arith.constant 144 : i32
    %add3A_19 = arith.addi %mul3A_17, %add3A_18 : i32
    "tpu.region"() ({
      %run_scoped3A = tpu.sem_alloc : memref<!tpu.dma_semaphore, #tpu.memory_space<semaphore_mem>>
      %dma_start3A = arith.constant 0 : i32
      %dma_start3A_75 = arith.constant 0 : i32
      %dma_start3A_76 = tpu.memref_slice %arg6[%dma_start3A, %dma_start3A_75] : memref<125x16xf32, #tpu.memory_space<vmem>> -> memref<48x16xf32, #tpu.memory_space<vmem>>
      %dma_start3A_77 = arith.constant 0 : i32
      %dma_start3A_78 = tpu.memref_slice %arg7[%add3A_19, %dma_start3A_77] : memref<10000x16xf32, #tpu.memory_space<vmem_shared>> -> memref<48x16xf32, #tpu.memory_space<vmem_shared>>
      %dma_start3A_79 = arith.constant 0 : i32
      %dma_start3A_80 = tpu.memref_slice %arg7[%add3A_19, %dma_start3A_79] : memref<10000x16xf32, #tpu.memory_space<vmem_shared>> -> memref<48x16xf32, #tpu.memory_space<vmem_shared>>
      %dma_start3A_81 = arith.constant 0 : i32
      %dma_start3A_82 = arith.constant 0 : i32
      %dma_start3A_83 = tpu.memref_slice %arg6[%dma_start3A_81, %dma_start3A_82] : memref<125x16xf32, #tpu.memory_space<vmem>> -> memref<48x16xf32, #tpu.memory_space<vmem>>
      tpu.enqueue_dma source(%dma_start3A_83 : memref<48x16xf32, #tpu.memory_space<vmem>>) target(%dma_start3A_80 : memref<48x16xf32, #tpu.memory_space<vmem_shared>>) target_semaphore(%run_scoped3A : memref<!tpu.dma_semaphore, #tpu.memory_space<semaphore_mem>>)
      %dma_wait3A = arith.constant 0 : i32
      %dma_wait3A_84 = arith.constant 0 : i32
      %dma_wait3A_85 = tpu.memref_slice %arg6[%dma_wait3A, %dma_wait3A_84] : memref<125x16xf32, #tpu.memory_space<vmem>> -> memref<48x16xf32, #tpu.memory_space<vmem>>
      %dma_wait3A_86 = arith.constant 0 : i32
      %dma_wait3A_87 = tpu.memref_slice %arg7[%add3A_19, %dma_wait3A_86] : memref<10000x16xf32, #tpu.memory_space<vmem_shared>> -> memref<48x16xf32, #tpu.memory_space<vmem_shared>>
      %dma_wait3A_88 = arith.constant 0 : i32
      %dma_wait3A_89 = tpu.memref_slice %arg7[%add3A_19, %dma_wait3A_88] : memref<10000x16xf32, #tpu.memory_space<vmem_shared>> -> memref<48x16xf32, #tpu.memory_space<vmem_shared>>
      %dma_wait3A_90 = arith.constant 0 : i32
      %dma_wait3A_91 = arith.constant 0 : i32
      %dma_wait3A_92 = tpu.memref_slice %arg6[%dma_wait3A_90, %dma_wait3A_91] : memref<125x16xf32, #tpu.memory_space<vmem>> -> memref<48x16xf32, #tpu.memory_space<vmem>>
      tpu.wait_dma2 semaphore(%run_scoped3A : memref<!tpu.dma_semaphore, #tpu.memory_space<semaphore_mem>>) src(%dma_wait3A_92 : memref<48x16xf32, #tpu.memory_space<vmem>>) dst(%dma_wait3A_89 : memref<48x16xf32, #tpu.memory_space<vmem_shared>>)
      tpu.yield
    }) : () -> ()
    %mul3A_20 = arith.constant 624 : i32
    %mul3A_21 = arith.muli %arg1, %mul3A_20 : i32
    %add3A_22 = arith.constant 192 : i32
    %add3A_23 = arith.addi %mul3A_21, %add3A_22 : i32
    "tpu.region"() ({
      %run_scoped3A = tpu.sem_alloc : memref<!tpu.dma_semaphore, #tpu.memory_space<semaphore_mem>>
      %dma_start3A = arith.constant 0 : i32
      %dma_start3A_75 = arith.constant 0 : i32
      %dma_start3A_76 = tpu.memref_slice %arg6[%dma_start3A, %dma_start3A_75] : memref<125x16xf32, #tpu.memory_space<vmem>> -> memref<48x16xf32, #tpu.memory_space<vmem>>
      %dma_start3A_77 = arith.constant 0 : i32
      %dma_start3A_78 = tpu.memref_slice %arg7[%add3A_23, %dma_start3A_77] : memref<10000x16xf32, #tpu.memory_space<vmem_shared>> -> memref<48x16xf32, #tpu.memory_space<vmem_shared>>
      %dma_start3A_79 = arith.constant 0 : i32
      %dma_start3A_80 = tpu.memref_slice %arg7[%add3A_23, %dma_start3A_79] : memref<10000x16xf32, #tpu.memory_space<vmem_shared>> -> memref<48x16xf32, #tpu.memory_space<vmem_shared>>
      %dma_start3A_81 = arith.constant 0 : i32
      %dma_start3A_82 = arith.constant 0 : i32
      %dma_start3A_83 = tpu.memref_slice %arg6[%dma_start3A_81, %dma_start3A_82] : memref<125x16xf32, #tpu.memory_space<vmem>> -> memref<48x16xf32, #tpu.memory_space<vmem>>
      tpu.enqueue_dma source(%dma_start3A_83 : memref<48x16xf32, #tpu.memory_space<vmem>>) target(%dma_start3A_80 : memref<48x16xf32, #tpu.memory_space<vmem_shared>>) target_semaphore(%run_scoped3A : memref<!tpu.dma_semaphore, #tpu.memory_space<semaphore_mem>>)
      %dma_wait3A = arith.constant 0 : i32
      %dma_wait3A_84 = arith.constant 0 : i32
      %dma_wait3A_85 = tpu.memref_slice %arg6[%dma_wait3A, %dma_wait3A_84] : memref<125x16xf32, #tpu.memory_space<vmem>> -> memref<48x16xf32, #tpu.memory_space<vmem>>
      %dma_wait3A_86 = arith.constant 0 : i32
      %dma_wait3A_87 = tpu.memref_slice %arg7[%add3A_23, %dma_wait3A_86] : memref<10000x16xf32, #tpu.memory_space<vmem_shared>> -> memref<48x16xf32, #tpu.memory_space<vmem_shared>>
      %dma_wait3A_88 = arith.constant 0 : i32
      %dma_wait3A_89 = tpu.memref_slice %arg7[%add3A_23, %dma_wait3A_88] : memref<10000x16xf32, #tpu.memory_space<vmem_shared>> -> memref<48x16xf32, #tpu.memory_space<vmem_shared>>
      %dma_wait3A_90 = arith.constant 0 : i32
      %dma_wait3A_91 = arith.constant 0 : i32
      %dma_wait3A_92 = tpu.memref_slice %arg6[%dma_wait3A_90, %dma_wait3A_91] : memref<125x16xf32, #tpu.memory_space<vmem>> -> memref<48x16xf32, #tpu.memory_space<vmem>>
      tpu.wait_dma2 semaphore(%run_scoped3A : memref<!tpu.dma_semaphore, #tpu.memory_space<semaphore_mem>>) src(%dma_wait3A_92 : memref<48x16xf32, #tpu.memory_space<vmem>>) dst(%dma_wait3A_89 : memref<48x16xf32, #tpu.memory_space<vmem_shared>>)
      tpu.yield
    }) : () -> ()
    %mul3A_24 = arith.constant 624 : i32
    %mul3A_25 = arith.muli %arg1, %mul3A_24 : i32
    %add3A_26 = arith.constant 240 : i32
    %add3A_27 = arith.addi %mul3A_25, %add3A_26 : i32
    "tpu.region"() ({
      %run_scoped3A = tpu.sem_alloc : memref<!tpu.dma_semaphore, #tpu.memory_space<semaphore_mem>>
      %dma_start3A = arith.constant 0 : i32
      %dma_start3A_75 = arith.constant 0 : i32
      %dma_start3A_76 = tpu.memref_slice %arg6[%dma_start3A, %dma_start3A_75] : memref<125x16xf32, #tpu.memory_space<vmem>> -> memref<48x16xf32, #tpu.memory_space<vmem>>
      %dma_start3A_77 = arith.constant 0 : i32
      %dma_start3A_78 = tpu.memref_slice %arg7[%add3A_27, %dma_start3A_77] : memref<10000x16xf32, #tpu.memory_space<vmem_shared>> -> memref<48x16xf32, #tpu.memory_space<vmem_shared>>
      %dma_start3A_79 = arith.constant 0 : i32
      %dma_start3A_80 = tpu.memref_slice %arg7[%add3A_27, %dma_start3A_79] : memref<10000x16xf32, #tpu.memory_space<vmem_shared>> -> memref<48x16xf32, #tpu.memory_space<vmem_shared>>
      %dma_start3A_81 = arith.constant 0 : i32
      %dma_start3A_82 = arith.constant 0 : i32
      %dma_start3A_83 = tpu.memref_slice %arg6[%dma_start3A_81, %dma_start3A_82] : memref<125x16xf32, #tpu.memory_space<vmem>> -> memref<48x16xf32, #tpu.memory_space<vmem>>
      tpu.enqueue_dma source(%dma_start3A_83 : memref<48x16xf32, #tpu.memory_space<vmem>>) target(%dma_start3A_80 : memref<48x16xf32, #tpu.memory_space<vmem_shared>>) target_semaphore(%run_scoped3A : memref<!tpu.dma_semaphore, #tpu.memory_space<semaphore_mem>>)
      %dma_wait3A = arith.constant 0 : i32
      %dma_wait3A_84 = arith.constant 0 : i32
      %dma_wait3A_85 = tpu.memref_slice %arg6[%dma_wait3A, %dma_wait3A_84] : memref<125x16xf32, #tpu.memory_space<vmem>> -> memref<48x16xf32, #tpu.memory_space<vmem>>
      %dma_wait3A_86 = arith.constant 0 : i32
      %dma_wait3A_87 = tpu.memref_slice %arg7[%add3A_27, %dma_wait3A_86] : memref<10000x16xf32, #tpu.memory_space<vmem_shared>> -> memref<48x16xf32, #tpu.memory_space<vmem_shared>>
      %dma_wait3A_88 = arith.constant 0 : i32
      %dma_wait3A_89 = tpu.memref_slice %arg7[%add3A_27, %dma_wait3A_88] : memref<10000x16xf32, #tpu.memory_space<vmem_shared>> -> memref<48x16xf32, #tpu.memory_space<vmem_shared>>
      %dma_wait3A_90 = arith.constant 0 : i32
      %dma_wait3A_91 = arith.constant 0 : i32
      %dma_wait3A_92 = tpu.memref_slice %arg6[%dma_wait3A_90, %dma_wait3A_91] : memref<125x16xf32, #tpu.memory_space<vmem>> -> memref<48x16xf32, #tpu.memory_space<vmem>>
      tpu.wait_dma2 semaphore(%run_scoped3A : memref<!tpu.dma_semaphore, #tpu.memory_space<semaphore_mem>>) src(%dma_wait3A_92 : memref<48x16xf32, #tpu.memory_space<vmem>>) dst(%dma_wait3A_89 : memref<48x16xf32, #tpu.memory_space<vmem_shared>>)
      tpu.yield
    }) : () -> ()
    %mul3A_28 = arith.constant 624 : i32
    %mul3A_29 = arith.muli %arg1, %mul3A_28 : i32
    %add3A_30 = arith.constant 288 : i32
    %add3A_31 = arith.addi %mul3A_29, %add3A_30 : i32
    "tpu.region"() ({
      %run_scoped3A = tpu.sem_alloc : memref<!tpu.dma_semaphore, #tpu.memory_space<semaphore_mem>>
      %dma_start3A = arith.constant 0 : i32
      %dma_start3A_75 = arith.constant 0 : i32
      %dma_start3A_76 = tpu.memref_slice %arg6[%dma_start3A, %dma_start3A_75] : memref<125x16xf32, #tpu.memory_space<vmem>> -> memref<48x16xf32, #tpu.memory_space<vmem>>
      %dma_start3A_77 = arith.constant 0 : i32
      %dma_start3A_78 = tpu.memref_slice %arg7[%add3A_31, %dma_start3A_77] : memref<10000x16xf32, #tpu.memory_space<vmem_shared>> -> memref<48x16xf32, #tpu.memory_space<vmem_shared>>
      %dma_start3A_79 = arith.constant 0 : i32
      %dma_start3A_80 = tpu.memref_slice %arg7[%add3A_31, %dma_start3A_79] : memref<10000x16xf32, #tpu.memory_space<vmem_shared>> -> memref<48x16xf32, #tpu.memory_space<vmem_shared>>
      %dma_start3A_81 = arith.constant 0 : i32
      %dma_start3A_82 = arith.constant 0 : i32
      %dma_start3A_83 = tpu.memref_slice %arg6[%dma_start3A_81, %dma_start3A_82] : memref<125x16xf32, #tpu.memory_space<vmem>> -> memref<48x16xf32, #tpu.memory_space<vmem>>
      tpu.enqueue_dma source(%dma_start3A_83 : memref<48x16xf32, #tpu.memory_space<vmem>>) target(%dma_start3A_80 : memref<48x16xf32, #tpu.memory_space<vmem_shared>>) target_semaphore(%run_scoped3A : memref<!tpu.dma_semaphore, #tpu.memory_space<semaphore_mem>>)
      %dma_wait3A = arith.constant 0 : i32
      %dma_wait3A_84 = arith.constant 0 : i32
      %dma_wait3A_85 = tpu.memref_slice %arg6[%dma_wait3A, %dma_wait3A_84] : memref<125x16xf32, #tpu.memory_space<vmem>> -> memref<48x16xf32, #tpu.memory_space<vmem>>
      %dma_wait3A_86 = arith.constant 0 : i32
      %dma_wait3A_87 = tpu.memref_slice %arg7[%add3A_31, %dma_wait3A_86] : memref<10000x16xf32, #tpu.memory_space<vmem_shared>> -> memref<48x16xf32, #tpu.memory_space<vmem_shared>>
      %dma_wait3A_88 = arith.constant 0 : i32
      %dma_wait3A_89 = tpu.memref_slice %arg7[%add3A_31, %dma_wait3A_88] : memref<10000x16xf32, #tpu.memory_space<vmem_shared>> -> memref<48x16xf32, #tpu.memory_space<vmem_shared>>
      %dma_wait3A_90 = arith.constant 0 : i32
      %dma_wait3A_91 = arith.constant 0 : i32
      %dma_wait3A_92 = tpu.memref_slice %arg6[%dma_wait3A_90, %dma_wait3A_91] : memref<125x16xf32, #tpu.memory_space<vmem>> -> memref<48x16xf32, #tpu.memory_space<vmem>>
      tpu.wait_dma2 semaphore(%run_scoped3A : memref<!tpu.dma_semaphore, #tpu.memory_space<semaphore_mem>>) src(%dma_wait3A_92 : memref<48x16xf32, #tpu.memory_space<vmem>>) dst(%dma_wait3A_89 : memref<48x16xf32, #tpu.memory_space<vmem_shared>>)
      tpu.yield
    }) : () -> ()
    %mul3A_32 = arith.constant 624 : i32
    %mul3A_33 = arith.muli %arg1, %mul3A_32 : i32
    %add3A_34 = arith.constant 336 : i32
    %add3A_35 = arith.addi %mul3A_33, %add3A_34 : i32
    "tpu.region"() ({
      %run_scoped3A = tpu.sem_alloc : memref<!tpu.dma_semaphore, #tpu.memory_space<semaphore_mem>>
      %dma_start3A = arith.constant 0 : i32
      %dma_start3A_75 = arith.constant 0 : i32
      %dma_start3A_76 = tpu.memref_slice %arg6[%dma_start3A, %dma_start3A_75] : memref<125x16xf32, #tpu.memory_space<vmem>> -> memref<48x16xf32, #tpu.memory_space<vmem>>
      %dma_start3A_77 = arith.constant 0 : i32
      %dma_start3A_78 = tpu.memref_slice %arg7[%add3A_35, %dma_start3A_77] : memref<10000x16xf32, #tpu.memory_space<vmem_shared>> -> memref<48x16xf32, #tpu.memory_space<vmem_shared>>
      %dma_start3A_79 = arith.constant 0 : i32
      %dma_start3A_80 = tpu.memref_slice %arg7[%add3A_35, %dma_start3A_79] : memref<10000x16xf32, #tpu.memory_space<vmem_shared>> -> memref<48x16xf32, #tpu.memory_space<vmem_shared>>
      %dma_start3A_81 = arith.constant 0 : i32
      %dma_start3A_82 = arith.constant 0 : i32
      %dma_start3A_83 = tpu.memref_slice %arg6[%dma_start3A_81, %dma_start3A_82] : memref<125x16xf32, #tpu.memory_space<vmem>> -> memref<48x16xf32, #tpu.memory_space<vmem>>
      tpu.enqueue_dma source(%dma_start3A_83 : memref<48x16xf32, #tpu.memory_space<vmem>>) target(%dma_start3A_80 : memref<48x16xf32, #tpu.memory_space<vmem_shared>>) target_semaphore(%run_scoped3A : memref<!tpu.dma_semaphore, #tpu.memory_space<semaphore_mem>>)
      %dma_wait3A = arith.constant 0 : i32
      %dma_wait3A_84 = arith.constant 0 : i32
      %dma_wait3A_85 = tpu.memref_slice %arg6[%dma_wait3A, %dma_wait3A_84] : memref<125x16xf32, #tpu.memory_space<vmem>> -> memref<48x16xf32, #tpu.memory_space<vmem>>
      %dma_wait3A_86 = arith.constant 0 : i32
      %dma_wait3A_87 = tpu.memref_slice %arg7[%add3A_35, %dma_wait3A_86] : memref<10000x16xf32, #tpu.memory_space<vmem_shared>> -> memref<48x16xf32, #tpu.memory_space<vmem_shared>>
      %dma_wait3A_88 = arith.constant 0 : i32
      %dma_wait3A_89 = tpu.memref_slice %arg7[%add3A_35, %dma_wait3A_88] : memref<10000x16xf32, #tpu.memory_space<vmem_shared>> -> memref<48x16xf32, #tpu.memory_space<vmem_shared>>
      %dma_wait3A_90 = arith.constant 0 : i32
      %dma_wait3A_91 = arith.constant 0 : i32
      %dma_wait3A_92 = tpu.memref_slice %arg6[%dma_wait3A_90, %dma_wait3A_91] : memref<125x16xf32, #tpu.memory_space<vmem>> -> memref<48x16xf32, #tpu.memory_space<vmem>>
      tpu.wait_dma2 semaphore(%run_scoped3A : memref<!tpu.dma_semaphore, #tpu.memory_space<semaphore_mem>>) src(%dma_wait3A_92 : memref<48x16xf32, #tpu.memory_space<vmem>>) dst(%dma_wait3A_89 : memref<48x16xf32, #tpu.memory_space<vmem_shared>>)
      tpu.yield
    }) : () -> ()
    %mul3A_36 = arith.constant 624 : i32
    %mul3A_37 = arith.muli %arg1, %mul3A_36 : i32
    %add3A_38 = arith.constant 384 : i32
    %add3A_39 = arith.addi %mul3A_37, %add3A_38 : i32
    "tpu.region"() ({
      %run_scoped3A = tpu.sem_alloc : memref<!tpu.dma_semaphore, #tpu.memory_space<semaphore_mem>>
      %dma_start3A = arith.constant 0 : i32
      %dma_start3A_75 = arith.constant 0 : i32
      %dma_start3A_76 = tpu.memref_slice %arg6[%dma_start3A, %dma_start3A_75] : memref<125x16xf32, #tpu.memory_space<vmem>> -> memref<48x16xf32, #tpu.memory_space<vmem>>
      %dma_start3A_77 = arith.constant 0 : i32
      %dma_start3A_78 = tpu.memref_slice %arg7[%add3A_39, %dma_start3A_77] : memref<10000x16xf32, #tpu.memory_space<vmem_shared>> -> memref<48x16xf32, #tpu.memory_space<vmem_shared>>
      %dma_start3A_79 = arith.constant 0 : i32
      %dma_start3A_80 = tpu.memref_slice %arg7[%add3A_39, %dma_start3A_79] : memref<10000x16xf32, #tpu.memory_space<vmem_shared>> -> memref<48x16xf32, #tpu.memory_space<vmem_shared>>
      %dma_start3A_81 = arith.constant 0 : i32
      %dma_start3A_82 = arith.constant 0 : i32
      %dma_start3A_83 = tpu.memref_slice %arg6[%dma_start3A_81, %dma_start3A_82] : memref<125x16xf32, #tpu.memory_space<vmem>> -> memref<48x16xf32, #tpu.memory_space<vmem>>
      tpu.enqueue_dma source(%dma_start3A_83 : memref<48x16xf32, #tpu.memory_space<vmem>>) target(%dma_start3A_80 : memref<48x16xf32, #tpu.memory_space<vmem_shared>>) target_semaphore(%run_scoped3A : memref<!tpu.dma_semaphore, #tpu.memory_space<semaphore_mem>>)
      %dma_wait3A = arith.constant 0 : i32
      %dma_wait3A_84 = arith.constant 0 : i32
      %dma_wait3A_85 = tpu.memref_slice %arg6[%dma_wait3A, %dma_wait3A_84] : memref<125x16xf32, #tpu.memory_space<vmem>> -> memref<48x16xf32, #tpu.memory_space<vmem>>
      %dma_wait3A_86 = arith.constant 0 : i32
      %dma_wait3A_87 = tpu.memref_slice %arg7[%add3A_39, %dma_wait3A_86] : memref<10000x16xf32, #tpu.memory_space<vmem_shared>> -> memref<48x16xf32, #tpu.memory_space<vmem_shared>>
      %dma_wait3A_88 = arith.constant 0 : i32
      %dma_wait3A_89 = tpu.memref_slice %arg7[%add3A_39, %dma_wait3A_88] : memref<10000x16xf32, #tpu.memory_space<vmem_shared>> -> memref<48x16xf32, #tpu.memory_space<vmem_shared>>
      %dma_wait3A_90 = arith.constant 0 : i32
      %dma_wait3A_91 = arith.constant 0 : i32
      %dma_wait3A_92 = tpu.memref_slice %arg6[%dma_wait3A_90, %dma_wait3A_91] : memref<125x16xf32, #tpu.memory_space<vmem>> -> memref<48x16xf32, #tpu.memory_space<vmem>>
      tpu.wait_dma2 semaphore(%run_scoped3A : memref<!tpu.dma_semaphore, #tpu.memory_space<semaphore_mem>>) src(%dma_wait3A_92 : memref<48x16xf32, #tpu.memory_space<vmem>>) dst(%dma_wait3A_89 : memref<48x16xf32, #tpu.memory_space<vmem_shared>>)
      tpu.yield
    }) : () -> ()
    %mul3A_40 = arith.constant 624 : i32
    %mul3A_41 = arith.muli %arg1, %mul3A_40 : i32
    %add3A_42 = arith.constant 432 : i32
    %add3A_43 = arith.addi %mul3A_41, %add3A_42 : i32
    "tpu.region"() ({
      %run_scoped3A = tpu.sem_alloc : memref<!tpu.dma_semaphore, #tpu.memory_space<semaphore_mem>>
      %dma_start3A = arith.constant 0 : i32
      %dma_start3A_75 = arith.constant 0 : i32
      %dma_start3A_76 = tpu.memref_slice %arg6[%dma_start3A, %dma_start3A_75] : memref<125x16xf32, #tpu.memory_space<vmem>> -> memref<48x16xf32, #tpu.memory_space<vmem>>
      %dma_start3A_77 = arith.constant 0 : i32
      %dma_start3A_78 = tpu.memref_slice %arg7[%add3A_43, %dma_start3A_77] : memref<10000x16xf32, #tpu.memory_space<vmem_shared>> -> memref<48x16xf32, #tpu.memory_space<vmem_shared>>
      %dma_start3A_79 = arith.constant 0 : i32
      %dma_start3A_80 = tpu.memref_slice %arg7[%add3A_43, %dma_start3A_79] : memref<10000x16xf32, #tpu.memory_space<vmem_shared>> -> memref<48x16xf32, #tpu.memory_space<vmem_shared>>
      %dma_start3A_81 = arith.constant 0 : i32
      %dma_start3A_82 = arith.constant 0 : i32
      %dma_start3A_83 = tpu.memref_slice %arg6[%dma_start3A_81, %dma_start3A_82] : memref<125x16xf32, #tpu.memory_space<vmem>> -> memref<48x16xf32, #tpu.memory_space<vmem>>
      tpu.enqueue_dma source(%dma_start3A_83 : memref<48x16xf32, #tpu.memory_space<vmem>>) target(%dma_start3A_80 : memref<48x16xf32, #tpu.memory_space<vmem_shared>>) target_semaphore(%run_scoped3A : memref<!tpu.dma_semaphore, #tpu.memory_space<semaphore_mem>>)
      %dma_wait3A = arith.constant 0 : i32
      %dma_wait3A_84 = arith.constant 0 : i32
      %dma_wait3A_85 = tpu.memref_slice %arg6[%dma_wait3A, %dma_wait3A_84] : memref<125x16xf32, #tpu.memory_space<vmem>> -> memref<48x16xf32, #tpu.memory_space<vmem>>
      %dma_wait3A_86 = arith.constant 0 : i32
      %dma_wait3A_87 = tpu.memref_slice %arg7[%add3A_43, %dma_wait3A_86] : memref<10000x16xf32, #tpu.memory_space<vmem_shared>> -> memref<48x16xf32, #tpu.memory_space<vmem_shared>>
      %dma_wait3A_88 = arith.constant 0 : i32
      %dma_wait3A_89 = tpu.memref_slice %arg7[%add3A_43, %dma_wait3A_88] : memref<10000x16xf32, #tpu.memory_space<vmem_shared>> -> memref<48x16xf32, #tpu.memory_space<vmem_shared>>
      %dma_wait3A_90 = arith.constant 0 : i32
      %dma_wait3A_91 = arith.constant 0 : i32
      %dma_wait3A_92 = tpu.memref_slice %arg6[%dma_wait3A_90, %dma_wait3A_91] : memref<125x16xf32, #tpu.memory_space<vmem>> -> memref<48x16xf32, #tpu.memory_space<vmem>>
      tpu.wait_dma2 semaphore(%run_scoped3A : memref<!tpu.dma_semaphore, #tpu.memory_space<semaphore_mem>>) src(%dma_wait3A_92 : memref<48x16xf32, #tpu.memory_space<vmem>>) dst(%dma_wait3A_89 : memref<48x16xf32, #tpu.memory_space<vmem_shared>>)
      tpu.yield
    }) : () -> ()
    %mul3A_44 = arith.constant 624 : i32
    %mul3A_45 = arith.muli %arg1, %mul3A_44 : i32
    %add3A_46 = arith.constant 480 : i32
    %add3A_47 = arith.addi %mul3A_45, %add3A_46 : i32
    "tpu.region"() ({
      %run_scoped3A = tpu.sem_alloc : memref<!tpu.dma_semaphore, #tpu.memory_space<semaphore_mem>>
      %dma_start3A = arith.constant 0 : i32
      %dma_start3A_75 = arith.constant 0 : i32
      %dma_start3A_76 = tpu.memref_slice %arg6[%dma_start3A, %dma_start3A_75] : memref<125x16xf32, #tpu.memory_space<vmem>> -> memref<48x16xf32, #tpu.memory_space<vmem>>
      %dma_start3A_77 = arith.constant 0 : i32
      %dma_start3A_78 = tpu.memref_slice %arg7[%add3A_47, %dma_start3A_77] : memref<10000x16xf32, #tpu.memory_space<vmem_shared>> -> memref<48x16xf32, #tpu.memory_space<vmem_shared>>
      %dma_start3A_79 = arith.constant 0 : i32
      %dma_start3A_80 = tpu.memref_slice %arg7[%add3A_47, %dma_start3A_79] : memref<10000x16xf32, #tpu.memory_space<vmem_shared>> -> memref<48x16xf32, #tpu.memory_space<vmem_shared>>
      %dma_start3A_81 = arith.constant 0 : i32
      %dma_start3A_82 = arith.constant 0 : i32
      %dma_start3A_83 = tpu.memref_slice %arg6[%dma_start3A_81, %dma_start3A_82] : memref<125x16xf32, #tpu.memory_space<vmem>> -> memref<48x16xf32, #tpu.memory_space<vmem>>
      tpu.enqueue_dma source(%dma_start3A_83 : memref<48x16xf32, #tpu.memory_space<vmem>>) target(%dma_start3A_80 : memref<48x16xf32, #tpu.memory_space<vmem_shared>>) target_semaphore(%run_scoped3A : memref<!tpu.dma_semaphore, #tpu.memory_space<semaphore_mem>>)
      %dma_wait3A = arith.constant 0 : i32
      %dma_wait3A_84 = arith.constant 0 : i32
      %dma_wait3A_85 = tpu.memref_slice %arg6[%dma_wait3A, %dma_wait3A_84] : memref<125x16xf32, #tpu.memory_space<vmem>> -> memref<48x16xf32, #tpu.memory_space<vmem>>
      %dma_wait3A_86 = arith.constant 0 : i32
      %dma_wait3A_87 = tpu.memref_slice %arg7[%add3A_47, %dma_wait3A_86] : memref<10000x16xf32, #tpu.memory_space<vmem_shared>> -> memref<48x16xf32, #tpu.memory_space<vmem_shared>>
      %dma_wait3A_88 = arith.constant 0 : i32
      %dma_wait3A_89 = tpu.memref_slice %arg7[%add3A_47, %dma_wait3A_88] : memref<10000x16xf32, #tpu.memory_space<vmem_shared>> -> memref<48x16xf32, #tpu.memory_space<vmem_shared>>
      %dma_wait3A_90 = arith.constant 0 : i32
      %dma_wait3A_91 = arith.constant 0 : i32
      %dma_wait3A_92 = tpu.memref_slice %arg6[%dma_wait3A_90, %dma_wait3A_91] : memref<125x16xf32, #tpu.memory_space<vmem>> -> memref<48x16xf32, #tpu.memory_space<vmem>>
      tpu.wait_dma2 semaphore(%run_scoped3A : memref<!tpu.dma_semaphore, #tpu.memory_space<semaphore_mem>>) src(%dma_wait3A_92 : memref<48x16xf32, #tpu.memory_space<vmem>>) dst(%dma_wait3A_89 : memref<48x16xf32, #tpu.memory_space<vmem_shared>>)
      tpu.yield
    }) : () -> ()
    %mul3A_48 = arith.constant 624 : i32
    %mul3A_49 = arith.muli %arg1, %mul3A_48 : i32
    %add3A_50 = arith.constant 528 : i32
    %add3A_51 = arith.addi %mul3A_49, %add3A_50 : i32
    "tpu.region"() ({
      %run_scoped3A = tpu.sem_alloc : memref<!tpu.dma_semaphore, #tpu.memory_space<semaphore_mem>>
      %dma_start3A = arith.constant 0 : i32
      %dma_start3A_75 = arith.constant 0 : i32
      %dma_start3A_76 = tpu.memref_slice %arg6[%dma_start3A, %dma_start3A_75] : memref<125x16xf32, #tpu.memory_space<vmem>> -> memref<48x16xf32, #tpu.memory_space<vmem>>
      %dma_start3A_77 = arith.constant 0 : i32
      %dma_start3A_78 = tpu.memref_slice %arg7[%add3A_51, %dma_start3A_77] : memref<10000x16xf32, #tpu.memory_space<vmem_shared>> -> memref<48x16xf32, #tpu.memory_space<vmem_shared>>
      %dma_start3A_79 = arith.constant 0 : i32
      %dma_start3A_80 = tpu.memref_slice %arg7[%add3A_51, %dma_start3A_79] : memref<10000x16xf32, #tpu.memory_space<vmem_shared>> -> memref<48x16xf32, #tpu.memory_space<vmem_shared>>
      %dma_start3A_81 = arith.constant 0 : i32
      %dma_start3A_82 = arith.constant 0 : i32
      %dma_start3A_83 = tpu.memref_slice %arg6[%dma_start3A_81, %dma_start3A_82] : memref<125x16xf32, #tpu.memory_space<vmem>> -> memref<48x16xf32, #tpu.memory_space<vmem>>
      tpu.enqueue_dma source(%dma_start3A_83 : memref<48x16xf32, #tpu.memory_space<vmem>>) target(%dma_start3A_80 : memref<48x16xf32, #tpu.memory_space<vmem_shared>>) target_semaphore(%run_scoped3A : memref<!tpu.dma_semaphore, #tpu.memory_space<semaphore_mem>>)
      %dma_wait3A = arith.constant 0 : i32
      %dma_wait3A_84 = arith.constant 0 : i32
      %dma_wait3A_85 = tpu.memref_slice %arg6[%dma_wait3A, %dma_wait3A_84] : memref<125x16xf32, #tpu.memory_space<vmem>> -> memref<48x16xf32, #tpu.memory_space<vmem>>
      %dma_wait3A_86 = arith.constant 0 : i32
      %dma_wait3A_87 = tpu.memref_slice %arg7[%add3A_51, %dma_wait3A_86] : memref<10000x16xf32, #tpu.memory_space<vmem_shared>> -> memref<48x16xf32, #tpu.memory_space<vmem_shared>>
      %dma_wait3A_88 = arith.constant 0 : i32
      %dma_wait3A_89 = tpu.memref_slice %arg7[%add3A_51, %dma_wait3A_88] : memref<10000x16xf32, #tpu.memory_space<vmem_shared>> -> memref<48x16xf32, #tpu.memory_space<vmem_shared>>
      %dma_wait3A_90 = arith.constant 0 : i32
      %dma_wait3A_91 = arith.constant 0 : i32
      %dma_wait3A_92 = tpu.memref_slice %arg6[%dma_wait3A_90, %dma_wait3A_91] : memref<125x16xf32, #tpu.memory_space<vmem>> -> memref<48x16xf32, #tpu.memory_space<vmem>>
      tpu.wait_dma2 semaphore(%run_scoped3A : memref<!tpu.dma_semaphore, #tpu.memory_space<semaphore_mem>>) src(%dma_wait3A_92 : memref<48x16xf32, #tpu.memory_space<vmem>>) dst(%dma_wait3A_89 : memref<48x16xf32, #tpu.memory_space<vmem_shared>>)
      tpu.yield
    }) : () -> ()
    %mul3A_52 = arith.constant 624 : i32
    %mul3A_53 = arith.muli %arg1, %mul3A_52 : i32
    %add3A_54 = arith.constant 576 : i32
    %add3A_55 = arith.addi %mul3A_53, %add3A_54 : i32
    "tpu.region"() ({
      %run_scoped3A = tpu.sem_alloc : memref<!tpu.dma_semaphore, #tpu.memory_space<semaphore_mem>>
      %dma_start3A = arith.constant 0 : i32
      %dma_start3A_75 = arith.constant 0 : i32
      %dma_start3A_76 = tpu.memref_slice %arg6[%dma_start3A, %dma_start3A_75] : memref<125x16xf32, #tpu.memory_space<vmem>> -> memref<48x16xf32, #tpu.memory_space<vmem>>
      %dma_start3A_77 = arith.constant 0 : i32
      %dma_start3A_78 = tpu.memref_slice %arg7[%add3A_55, %dma_start3A_77] : memref<10000x16xf32, #tpu.memory_space<vmem_shared>> -> memref<48x16xf32, #tpu.memory_space<vmem_shared>>
      %dma_start3A_79 = arith.constant 0 : i32
      %dma_start3A_80 = tpu.memref_slice %arg7[%add3A_55, %dma_start3A_79] : memref<10000x16xf32, #tpu.memory_space<vmem_shared>> -> memref<48x16xf32, #tpu.memory_space<vmem_shared>>
      %dma_start3A_81 = arith.constant 0 : i32
      %dma_start3A_82 = arith.constant 0 : i32
      %dma_start3A_83 = tpu.memref_slice %arg6[%dma_start3A_81, %dma_start3A_82] : memref<125x16xf32, #tpu.memory_space<vmem>> -> memref<48x16xf32, #tpu.memory_space<vmem>>
      tpu.enqueue_dma source(%dma_start3A_83 : memref<48x16xf32, #tpu.memory_space<vmem>>) target(%dma_start3A_80 : memref<48x16xf32, #tpu.memory_space<vmem_shared>>) target_semaphore(%run_scoped3A : memref<!tpu.dma_semaphore, #tpu.memory_space<semaphore_mem>>)
      %dma_wait3A = arith.constant 0 : i32
      %dma_wait3A_84 = arith.constant 0 : i32
      %dma_wait3A_85 = tpu.memref_slice %arg6[%dma_wait3A, %dma_wait3A_84] : memref<125x16xf32, #tpu.memory_space<vmem>> -> memref<48x16xf32, #tpu.memory_space<vmem>>
      %dma_wait3A_86 = arith.constant 0 : i32
      %dma_wait3A_87 = tpu.memref_slice %arg7[%add3A_55, %dma_wait3A_86] : memref<10000x16xf32, #tpu.memory_space<vmem_shared>> -> memref<48x16xf32, #tpu.memory_space<vmem_shared>>
      %dma_wait3A_88 = arith.constant 0 : i32
      %dma_wait3A_89 = tpu.memref_slice %arg7[%add3A_55, %dma_wait3A_88] : memref<10000x16xf32, #tpu.memory_space<vmem_shared>> -> memref<48x16xf32, #tpu.memory_space<vmem_shared>>
      %dma_wait3A_90 = arith.constant 0 : i32
      %dma_wait3A_91 = arith.constant 0 : i32
      %dma_wait3A_92 = tpu.memref_slice %arg6[%dma_wait3A_90, %dma_wait3A_91] : memref<125x16xf32, #tpu.memory_space<vmem>> -> memref<48x16xf32, #tpu.memory_space<vmem>>
      tpu.wait_dma2 semaphore(%run_scoped3A : memref<!tpu.dma_semaphore, #tpu.memory_space<semaphore_mem>>) src(%dma_wait3A_92 : memref<48x16xf32, #tpu.memory_space<vmem>>) dst(%dma_wait3A_89 : memref<48x16xf32, #tpu.memory_space<vmem_shared>>)
      tpu.yield
    }) : () -> ()
    %eq3A = arith.constant 0 : i32
    %eq3A_56 = arith.cmpi eq, %arg1, %eq3A : i32
    %convert_element_type3A = arith.extui %eq3A_56 : i1 to i32
    %cond3A = arith.constant 0 : i32
    %cond3A_57 = arith.cmpi ne, %convert_element_type3A, %cond3A : i32
    scf.if %cond3A_57 {
      "tpu.region"() ({
        %run_scoped3A = tpu.sem_alloc : memref<!tpu.dma_semaphore, #tpu.memory_space<semaphore_mem>>
        %dma_start3A = arith.constant 0 : i32
        %dma_start3A_75 = arith.constant 0 : i32
        %dma_start3A_76 = tpu.memref_slice %arg6[%dma_start3A, %dma_start3A_75] : memref<125x16xf32, #tpu.memory_space<vmem>> -> memref<16x16xf32, #tpu.memory_space<vmem>>
        %dma_start3A_77 = arith.constant 9984 : i32
        %dma_start3A_78 = arith.constant 0 : i32
        %dma_start3A_79 = tpu.memref_slice %arg7[%dma_start3A_77, %dma_start3A_78] : memref<10000x16xf32, #tpu.memory_space<vmem_shared>> -> memref<16x16xf32, #tpu.memory_space<vmem_shared>>
        %dma_start3A_80 = arith.constant 9984 : i32
        %dma_start3A_81 = arith.constant 0 : i32
        %dma_start3A_82 = tpu.memref_slice %arg7[%dma_start3A_80, %dma_start3A_81] : memref<10000x16xf32, #tpu.memory_space<vmem_shared>> -> memref<16x16xf32, #tpu.memory_space<vmem_shared>>
        %dma_start3A_83 = arith.constant 0 : i32
        %dma_start3A_84 = arith.constant 0 : i32
        %dma_start3A_85 = tpu.memref_slice %arg6[%dma_start3A_83, %dma_start3A_84] : memref<125x16xf32, #tpu.memory_space<vmem>> -> memref<16x16xf32, #tpu.memory_space<vmem>>
        tpu.enqueue_dma source(%dma_start3A_85 : memref<16x16xf32, #tpu.memory_space<vmem>>) target(%dma_start3A_82 : memref<16x16xf32, #tpu.memory_space<vmem_shared>>) target_semaphore(%run_scoped3A : memref<!tpu.dma_semaphore, #tpu.memory_space<semaphore_mem>>)
        %dma_wait3A = arith.constant 0 : i32
        %dma_wait3A_86 = arith.constant 0 : i32
        %dma_wait3A_87 = tpu.memref_slice %arg6[%dma_wait3A, %dma_wait3A_86] : memref<125x16xf32, #tpu.memory_space<vmem>> -> memref<16x16xf32, #tpu.memory_space<vmem>>
        %dma_wait3A_88 = arith.constant 9984 : i32
        %dma_wait3A_89 = arith.constant 0 : i32
        %dma_wait3A_90 = tpu.memref_slice %arg7[%dma_wait3A_88, %dma_wait3A_89] : memref<10000x16xf32, #tpu.memory_space<vmem_shared>> -> memref<16x16xf32, #tpu.memory_space<vmem_shared>>
        %dma_wait3A_91 = arith.constant 9984 : i32
        %dma_wait3A_92 = arith.constant 0 : i32
        %dma_wait3A_93 = tpu.memref_slice %arg7[%dma_wait3A_91, %dma_wait3A_92] : memref<10000x16xf32, #tpu.memory_space<vmem_shared>> -> memref<16x16xf32, #tpu.memory_space<vmem_shared>>
        %dma_wait3A_94 = arith.constant 0 : i32
        %dma_wait3A_95 = arith.constant 0 : i32
        %dma_wait3A_96 = tpu.memref_slice %arg6[%dma_wait3A_94, %dma_wait3A_95] : memref<125x16xf32, #tpu.memory_space<vmem>> -> memref<16x16xf32, #tpu.memory_space<vmem>>
        tpu.wait_dma2 semaphore(%run_scoped3A : memref<!tpu.dma_semaphore, #tpu.memory_space<semaphore_mem>>) src(%dma_wait3A_96 : memref<16x16xf32, #tpu.memory_space<vmem>>) dst(%dma_wait3A_93 : memref<16x16xf32, #tpu.memory_space<vmem_shared>>)
        tpu.yield
      }) : () -> ()
    } else {
    }
    %barrier3A = arith.constant 0 : index
    tpu.barrier barrier_id(%barrier3A)
    %scan3A_58 = arith.constant 0 : i32
    %scan3A_59 = arith.constant 0 : i32
    %scan3A_60 = arith.constant 80 : i32
    %scan3A_61 = arith.addi %scan3A_59, %scan3A_60 : i32
    %scan3A_62 = arith.constant 1 : i32
    %scan3A_63 = scf.for %scan3A_75 = %scan3A_59 to %scan3A_61 step %scan3A_62 iter_args(%scan3A_76 = %scan3A_58) -> (i32)  : i32 {
      %mul3A_77 = arith.constant 80 : i32
      %mul3A_78 = arith.muli %arg0, %mul3A_77 : i32
      %add3A_79 = arith.addi %mul3A_78, %scan3A_75 : i32
      "tpu.region"() ({
        %run_scoped3A = tpu.sem_alloc : memref<!tpu.dma_semaphore, #tpu.memory_space<semaphore_mem>>
        %dma_start3A = arith.constant 0 : i32
        %dma_start3A_81 = tpu.memref_slice %arg4[%add3A_79, %dma_start3A] : memref<160x125xi32, #tpu.memory_space<vmem>> -> memref<1x125xi32, #tpu.memory_space<vmem>>
        %dma_start3A_82 = tpu.memref_squeeze %dma_start3A_81 : memref<1x125xi32, #tpu.memory_space<vmem>> -> memref<125xi32, #tpu.memory_space<vmem>>
        %dma_start3A_83 = arith.constant 0 : i32
        %dma_start3A_84 = arith.constant 0 : i32
        %dma_start3A_85 = tpu.memref_slice %arg7[%dma_start3A_83, %dma_start3A_84] : memref<10000x16xf32, #tpu.memory_space<vmem_shared>> -> memref<10000x16xf32, #tpu.memory_space<vmem_shared>>
        tpu.enqueue_indirect_dma source(%arg5 : memref<125x16xf32, #tpu.memory_space<vmem>>) target(%dma_start3A_85 : memref<10000x16xf32, #tpu.memory_space<vmem_shared>>) offsets(%dma_start3A_82 : memref<125xi32, #tpu.memory_space<vmem>>) semaphore(%run_scoped3A : memref<!tpu.dma_semaphore, #tpu.memory_space<semaphore_mem>>) {add = true}
        %dma_wait3A = arith.constant 0 : i32
        %dma_wait3A_86 = tpu.memref_slice %arg4[%add3A_79, %dma_wait3A] : memref<160x125xi32, #tpu.memory_space<vmem>> -> memref<1x125xi32, #tpu.memory_space<vmem>>
        %dma_wait3A_87 = tpu.memref_squeeze %dma_wait3A_86 : memref<1x125xi32, #tpu.memory_space<vmem>> -> memref<125xi32, #tpu.memory_space<vmem>>
        %dma_wait3A_88 = arith.constant 0 : i32
        %dma_wait3A_89 = arith.constant 0 : i32
        %dma_wait3A_90 = tpu.memref_slice %arg7[%dma_wait3A_88, %dma_wait3A_89] : memref<10000x16xf32, #tpu.memory_space<vmem_shared>> -> memref<10000x16xf32, #tpu.memory_space<vmem_shared>>
        tpu.wait_indirect_dma semaphore(%run_scoped3A : memref<!tpu.dma_semaphore, #tpu.memory_space<semaphore_mem>>) src(%arg5 : memref<125x16xf32, #tpu.memory_space<vmem>>) dst(%dma_wait3A_90 : memref<10000x16xf32, #tpu.memory_space<vmem_shared>>)
        tpu.yield
      }) : () -> ()
      %scan3A_80 = arith.constant 0 : i32
      scf.yield %scan3A_80 : i32
    }
    %scan3A_64 = arith.constant 80 : i32
    %barrier3A_65 = arith.constant 0 : index
    tpu.barrier barrier_id(%barrier3A_65)
    %mul3A_66 = arith.constant 624 : i32
    %mul3A_67 = arith.muli %arg1, %mul3A_66 : i32
    %mul3A_68 = arith.constant 624 : i32
    %mul3A_69 = arith.muli %arg1, %mul3A_68 : i32
    "tpu.region"() ({
      %run_scoped3A = tpu.sem_alloc : memref<!tpu.dma_semaphore, #tpu.memory_space<semaphore_mem>>
      %dma_start3A = arith.constant 0 : i32
      %dma_start3A_75 = tpu.memref_slice %arg3[%arg0, %mul3A_69, %dma_start3A] : memref<2x10000x16xf32, #tpu.memory_space<hbm>> -> memref<1x624x16xf32, #tpu.memory_space<hbm>>
      %dma_start3A_76 = tpu.memref_squeeze %dma_start3A_75 : memref<1x624x16xf32, #tpu.memory_space<hbm>> -> memref<624x16xf32, #tpu.memory_space<hbm>>
      %dma_start3A_77 = arith.constant 0 : i32
      %dma_start3A_78 = tpu.memref_slice %arg7[%mul3A_67, %dma_start3A_77] : memref<10000x16xf32, #tpu.memory_space<vmem_shared>> -> memref<624x16xf32, #tpu.memory_space<vmem_shared>>
      tpu.enqueue_dma source(%dma_start3A_78 : memref<624x16xf32, #tpu.memory_space<vmem_shared>>) target(%dma_start3A_76 : memref<624x16xf32, #tpu.memory_space<hbm>>) target_semaphore(%run_scoped3A : memref<!tpu.dma_semaphore, #tpu.memory_space<semaphore_mem>>)
      %dma_wait3A = arith.constant 0 : i32
      %dma_wait3A_79 = tpu.memref_slice %arg3[%arg0, %mul3A_69, %dma_wait3A] : memref<2x10000x16xf32, #tpu.memory_space<hbm>> -> memref<1x624x16xf32, #tpu.memory_space<hbm>>
      %dma_wait3A_80 = tpu.memref_squeeze %dma_wait3A_79 : memref<1x624x16xf32, #tpu.memory_space<hbm>> -> memref<624x16xf32, #tpu.memory_space<hbm>>
      %dma_wait3A_81 = arith.constant 0 : i32
      %dma_wait3A_82 = tpu.memref_slice %arg7[%mul3A_67, %dma_wait3A_81] : memref<10000x16xf32, #tpu.memory_space<vmem_shared>> -> memref<624x16xf32, #tpu.memory_space<vmem_shared>>
      tpu.wait_dma2 semaphore(%run_scoped3A : memref<!tpu.dma_semaphore, #tpu.memory_space<semaphore_mem>>) src(%dma_wait3A_82 : memref<624x16xf32, #tpu.memory_space<vmem_shared>>) dst(%dma_wait3A_80 : memref<624x16xf32, #tpu.memory_space<hbm>>)
      tpu.yield
    }) : () -> ()
    %eq3A_70 = arith.constant 0 : i32
    %eq3A_71 = arith.cmpi eq, %arg1, %eq3A_70 : i32
    %convert_element_type3A_72 = arith.extui %eq3A_71 : i1 to i32
    %cond3A_73 = arith.constant 0 : i32
    %cond3A_74 = arith.cmpi ne, %convert_element_type3A_72, %cond3A_73 : i32
    scf.if %cond3A_74 {
      "tpu.region"() ({
        %run_scoped3A = tpu.sem_alloc : memref<!tpu.dma_semaphore, #tpu.memory_space<semaphore_mem>>
        %dma_start3A = arith.constant 9984 : i32
        %dma_start3A_75 = arith.constant 0 : i32
        %dma_start3A_76 = tpu.memref_slice %arg3[%arg0, %dma_start3A, %dma_start3A_75] : memref<2x10000x16xf32, #tpu.memory_space<hbm>> -> memref<1x16x16xf32, #tpu.memory_space<hbm>>
        %dma_start3A_77 = tpu.memref_squeeze %dma_start3A_76 : memref<1x16x16xf32, #tpu.memory_space<hbm>> -> memref<16x16xf32, #tpu.memory_space<hbm>>
        %dma_start3A_78 = arith.constant 9984 : i32
        %dma_start3A_79 = arith.constant 0 : i32
        %dma_start3A_80 = tpu.memref_slice %arg7[%dma_start3A_78, %dma_start3A_79] : memref<10000x16xf32, #tpu.memory_space<vmem_shared>> -> memref<16x16xf32, #tpu.memory_space<vmem_shared>>
        tpu.enqueue_dma source(%dma_start3A_80 : memref<16x16xf32, #tpu.memory_space<vmem_shared>>) target(%dma_start3A_77 : memref<16x16xf32, #tpu.memory_space<hbm>>) target_semaphore(%run_scoped3A : memref<!tpu.dma_semaphore, #tpu.memory_space<semaphore_mem>>)
        %dma_wait3A = arith.constant 9984 : i32
        %dma_wait3A_81 = arith.constant 0 : i32
        %dma_wait3A_82 = tpu.memref_slice %arg3[%arg0, %dma_wait3A, %dma_wait3A_81] : memref<2x10000x16xf32, #tpu.memory_space<hbm>> -> memref<1x16x16xf32, #tpu.memory_space<hbm>>
        %dma_wait3A_83 = tpu.memref_squeeze %dma_wait3A_82 : memref<1x16x16xf32, #tpu.memory_space<hbm>> -> memref<16x16xf32, #tpu.memory_space<hbm>>
        %dma_wait3A_84 = arith.constant 9984 : i32
        %dma_wait3A_85 = arith.constant 0 : i32
        %dma_wait3A_86 = tpu.memref_slice %arg7[%dma_wait3A_84, %dma_wait3A_85] : memref<10000x16xf32, #tpu.memory_space<vmem_shared>> -> memref<16x16xf32, #tpu.memory_space<vmem_shared>>
        tpu.wait_dma2 semaphore(%run_scoped3A : memref<!tpu.dma_semaphore, #tpu.memory_space<semaphore_mem>>) src(%dma_wait3A_86 : memref<16x16xf32, #tpu.memory_space<vmem_shared>>) dst(%dma_wait3A_83 : memref<16x16xf32, #tpu.memory_space<hbm>>)
        tpu.yield
      }) : () -> ()
    } else {
    }
    return
  }
}

#map = affine_map<(d0, d1) -> (0, 0)>
#map1 = affine_map<(d0, d1) -> (0, 0, 0, 0)>
#map2 = affine_map<(d0, d1) -> (0, 0, 0)>
module attributes {stable_mosaic.version = 14 : i64} {
  func.func @_sc_propagate(%arg0: i32, %arg1: i32, %arg2: memref<10000x128xf32, #tpu.memory_space<hbm>>, %arg3: memref<2x16x100x100xi32, #tpu.memory_space<hbm>>, %arg4: memref<2x16x100x100xi32, #tpu.memory_space<hbm>>, %arg5: memref<2x10000x128xf32, #tpu.memory_space<hbm>>, %arg6: memref<100x100xi32, #tpu.memory_space<vmem>>, %arg7: memref<100x100xi32, #tpu.memory_space<vmem>>, %arg8: memref<2x100x128xf32, #tpu.memory_space<vmem>>, %arg9: memref<10000x128xf32, #tpu.memory_space<vmem_shared>>, %arg10: memref<2x!tpu.dma_semaphore, #tpu.memory_space<semaphore_mem>>) attributes {dimension_semantics = [#tpu.dimension_semantics<core_parallel>, #tpu.dimension_semantics<subcore_parallel>], iteration_bounds = array<i64: 2, 16>, scalar_prefetch = 0 : i64, scratch_operands = 5 : i64, tpu.core_type = #tpu.core_type<sc_vector_subcore>, window_params = [{transform_indices = #map}, {transform_indices = #map1}, {transform_indices = #map1}, {transform_indices = #map2}]} {
    %dma_start3A = arith.constant 0 : i32
    %dma_start3A_0 = arith.constant 0 : i32
    %dma_start3A_1 = arith.constant 0 : i32
    %dma_start3A_2 = tpu.memref_slice %arg3[%arg0, %arg1, %dma_start3A_0, %dma_start3A_1] : memref<2x16x100x100xi32, #tpu.memory_space<hbm>> -> memref<1x1x100x100xi32, #tpu.memory_space<hbm>>
    %dma_start3A_3 = tpu.memref_squeeze %dma_start3A_2 : memref<1x1x100x100xi32, #tpu.memory_space<hbm>> -> memref<100x100xi32, #tpu.memory_space<hbm>>
    %dma_start3A_4 = tpu.memref_slice %arg10[%dma_start3A] : memref<2x!tpu.dma_semaphore, #tpu.memory_space<semaphore_mem>> -> memref<1x!tpu.dma_semaphore, #tpu.memory_space<semaphore_mem>>
    %dma_start3A_5 = tpu.memref_squeeze %dma_start3A_4 : memref<1x!tpu.dma_semaphore, #tpu.memory_space<semaphore_mem>> -> memref<!tpu.dma_semaphore, #tpu.memory_space<semaphore_mem>>
    %dma_start3A_6 = arith.constant 0 : i32
    %dma_start3A_7 = arith.constant 0 : i32
    %dma_start3A_8 = tpu.memref_slice %arg3[%arg0, %arg1, %dma_start3A_6, %dma_start3A_7] : memref<2x16x100x100xi32, #tpu.memory_space<hbm>> -> memref<1x1x100x100xi32, #tpu.memory_space<hbm>>
    %dma_start3A_9 = tpu.memref_squeeze %dma_start3A_8 : memref<1x1x100x100xi32, #tpu.memory_space<hbm>> -> memref<100x100xi32, #tpu.memory_space<hbm>>
    tpu.enqueue_dma source(%dma_start3A_9 : memref<100x100xi32, #tpu.memory_space<hbm>>) target(%arg6 : memref<100x100xi32, #tpu.memory_space<vmem>>) target_semaphore(%dma_start3A_5 : memref<!tpu.dma_semaphore, #tpu.memory_space<semaphore_mem>>)
    %dma_start3A_10 = arith.constant 0 : i32
    %dma_start3A_11 = arith.constant 0 : i32
    %dma_start3A_12 = arith.constant 0 : i32
    %dma_start3A_13 = tpu.memref_slice %arg4[%arg0, %arg1, %dma_start3A_11, %dma_start3A_12] : memref<2x16x100x100xi32, #tpu.memory_space<hbm>> -> memref<1x1x100x100xi32, #tpu.memory_space<hbm>>
    %dma_start3A_14 = tpu.memref_squeeze %dma_start3A_13 : memref<1x1x100x100xi32, #tpu.memory_space<hbm>> -> memref<100x100xi32, #tpu.memory_space<hbm>>
    %dma_start3A_15 = tpu.memref_slice %arg10[%dma_start3A_10] : memref<2x!tpu.dma_semaphore, #tpu.memory_space<semaphore_mem>> -> memref<1x!tpu.dma_semaphore, #tpu.memory_space<semaphore_mem>>
    %dma_start3A_16 = tpu.memref_squeeze %dma_start3A_15 : memref<1x!tpu.dma_semaphore, #tpu.memory_space<semaphore_mem>> -> memref<!tpu.dma_semaphore, #tpu.memory_space<semaphore_mem>>
    %dma_start3A_17 = arith.constant 0 : i32
    %dma_start3A_18 = arith.constant 0 : i32
    %dma_start3A_19 = tpu.memref_slice %arg4[%arg0, %arg1, %dma_start3A_17, %dma_start3A_18] : memref<2x16x100x100xi32, #tpu.memory_space<hbm>> -> memref<1x1x100x100xi32, #tpu.memory_space<hbm>>
    %dma_start3A_20 = tpu.memref_squeeze %dma_start3A_19 : memref<1x1x100x100xi32, #tpu.memory_space<hbm>> -> memref<100x100xi32, #tpu.memory_space<hbm>>
    tpu.enqueue_dma source(%dma_start3A_20 : memref<100x100xi32, #tpu.memory_space<hbm>>) target(%arg7 : memref<100x100xi32, #tpu.memory_space<vmem>>) target_semaphore(%dma_start3A_16 : memref<!tpu.dma_semaphore, #tpu.memory_space<semaphore_mem>>)
    %scan3A = arith.constant 0 : i32
    %scan3A_21 = arith.constant 0 : i32
    %scan3A_22 = arith.constant 0 : i32
    %scan3A_23 = arith.constant 48 : i32
    %scan3A_24 = arith.addi %scan3A_22, %scan3A_23 : i32
    %scan3A_25 = arith.constant 1 : i32
    %scan3A_26 = scf.for %scan3A_777 = %scan3A_22 to %scan3A_24 step %scan3A_25 iter_args(%scan3A_778 = %scan3A_21) -> (i32)  : i32 {
      %broadcast_in_dim3A = arith.constant 0.000000e+00 : f32
      %broadcast_in_dim3A_779 = vector.broadcast %broadcast_in_dim3A : f32 to vector<16xf32>
      %swap3A = arith.constant 0 : i32
      %swap3A_780 = arith.constant 0 : i32
      %swap3A_781 = tpu.memref_slice %arg8[%scan3A, %swap3A, %swap3A_780] : memref<2x100x128xf32, #tpu.memory_space<vmem>> -> memref<1x100x128xf32, #tpu.memory_space<vmem>>
      %swap3A_782 = tpu.memref_squeeze %swap3A_781 : memref<1x100x128xf32, #tpu.memory_space<vmem>> -> memref<100x128xf32, #tpu.memory_space<vmem>>
      %swap3A_783 = arith.index_cast %scan3A_777 : i32 to index
      %swap3A_784 = arith.constant 0 : index
      %swap3A_785 = tpu.vector_load %swap3A_782[%swap3A_783, %swap3A_784] {strides = array<i32>} : memref<100x128xf32, #tpu.memory_space<vmem>>, vector<1x16xf32>,
      %swap3A_786 = vector.shape_cast %swap3A_785 : vector<1x16xf32> to vector<16xf32>
      %swap3A_787 = vector.shape_cast %broadcast_in_dim3A_779 : vector<16xf32> to vector<1x16xf32>
      tpu.vector_store %swap3A_782[%swap3A_783, %swap3A_784], %swap3A_787 {strides = array<i32>} : memref<100x128xf32, #tpu.memory_space<vmem>>, vector<1x16xf32>,
      %broadcast_in_dim3A_788 = arith.constant 0.000000e+00 : f32
      %broadcast_in_dim3A_789 = vector.broadcast %broadcast_in_dim3A_788 : f32 to vector<16xf32>
      %swap3A_790 = arith.constant 0 : i32
      %swap3A_791 = arith.constant 0 : i32
      %swap3A_792 = tpu.memref_slice %arg8[%scan3A, %swap3A_790, %swap3A_791] : memref<2x100x128xf32, #tpu.memory_space<vmem>> -> memref<1x100x128xf32, #tpu.memory_space<vmem>>
      %swap3A_793 = tpu.memref_squeeze %swap3A_792 : memref<1x100x128xf32, #tpu.memory_space<vmem>> -> memref<100x128xf32, #tpu.memory_space<vmem>>
      %swap3A_794 = arith.index_cast %scan3A_777 : i32 to index
      %swap3A_795 = arith.constant 16 : index
      %swap3A_796 = tpu.vector_load %swap3A_793[%swap3A_794, %swap3A_795] {strides = array<i32>} : memref<100x128xf32, #tpu.memory_space<vmem>>, vector<1x16xf32>,
      %swap3A_797 = vector.shape_cast %swap3A_796 : vector<1x16xf32> to vector<16xf32>
      %swap3A_798 = vector.shape_cast %broadcast_in_dim3A_789 : vector<16xf32> to vector<1x16xf32>
      tpu.vector_store %swap3A_793[%swap3A_794, %swap3A_795], %swap3A_798 {strides = array<i32>} : memref<100x128xf32, #tpu.memory_space<vmem>>, vector<1x16xf32>,
      %broadcast_in_dim3A_799 = arith.constant 0.000000e+00 : f32
      %broadcast_in_dim3A_800 = vector.broadcast %broadcast_in_dim3A_799 : f32 to vector<16xf32>
      %swap3A_801 = arith.constant 0 : i32
      %swap3A_802 = arith.constant 0 : i32
      %swap3A_803 = tpu.memref_slice %arg8[%scan3A, %swap3A_801, %swap3A_802] : memref<2x100x128xf32, #tpu.memory_space<vmem>> -> memref<1x100x128xf32, #tpu.memory_space<vmem>>
      %swap3A_804 = tpu.memref_squeeze %swap3A_803 : memref<1x100x128xf32, #tpu.memory_space<vmem>> -> memref<100x128xf32, #tpu.memory_space<vmem>>
      %swap3A_805 = arith.index_cast %scan3A_777 : i32 to index
      %swap3A_806 = arith.constant 32 : index
      %swap3A_807 = tpu.vector_load %swap3A_804[%swap3A_805, %swap3A_806] {strides = array<i32>} : memref<100x128xf32, #tpu.memory_space<vmem>>, vector<1x16xf32>,
      %swap3A_808 = vector.shape_cast %swap3A_807 : vector<1x16xf32> to vector<16xf32>
      %swap3A_809 = vector.shape_cast %broadcast_in_dim3A_800 : vector<16xf32> to vector<1x16xf32>
      tpu.vector_store %swap3A_804[%swap3A_805, %swap3A_806], %swap3A_809 {strides = array<i32>} : memref<100x128xf32, #tpu.memory_space<vmem>>, vector<1x16xf32>,
      %broadcast_in_dim3A_810 = arith.constant 0.000000e+00 : f32
      %broadcast_in_dim3A_811 = vector.broadcast %broadcast_in_dim3A_810 : f32 to vector<16xf32>
      %swap3A_812 = arith.constant 0 : i32
      %swap3A_813 = arith.constant 0 : i32
      %swap3A_814 = tpu.memref_slice %arg8[%scan3A, %swap3A_812, %swap3A_813] : memref<2x100x128xf32, #tpu.memory_space<vmem>> -> memref<1x100x128xf32, #tpu.memory_space<vmem>>
      %swap3A_815 = tpu.memref_squeeze %swap3A_814 : memref<1x100x128xf32, #tpu.memory_space<vmem>> -> memref<100x128xf32, #tpu.memory_space<vmem>>
      %swap3A_816 = arith.index_cast %scan3A_777 : i32 to index
      %swap3A_817 = arith.constant 48 : index
      %swap3A_818 = tpu.vector_load %swap3A_815[%swap3A_816, %swap3A_817] {strides = array<i32>} : memref<100x128xf32, #tpu.memory_space<vmem>>, vector<1x16xf32>,
      %swap3A_819 = vector.shape_cast %swap3A_818 : vector<1x16xf32> to vector<16xf32>
      %swap3A_820 = vector.shape_cast %broadcast_in_dim3A_811 : vector<16xf32> to vector<1x16xf32>
      tpu.vector_store %swap3A_815[%swap3A_816, %swap3A_817], %swap3A_820 {strides = array<i32>} : memref<100x128xf32, #tpu.memory_space<vmem>>, vector<1x16xf32>,
      %broadcast_in_dim3A_821 = arith.constant 0.000000e+00 : f32
      %broadcast_in_dim3A_822 = vector.broadcast %broadcast_in_dim3A_821 : f32 to vector<16xf32>
      %swap3A_823 = arith.constant 0 : i32
      %swap3A_824 = arith.constant 0 : i32
      %swap3A_825 = tpu.memref_slice %arg8[%scan3A, %swap3A_823, %swap3A_824] : memref<2x100x128xf32, #tpu.memory_space<vmem>> -> memref<1x100x128xf32, #tpu.memory_space<vmem>>
      %swap3A_826 = tpu.memref_squeeze %swap3A_825 : memref<1x100x128xf32, #tpu.memory_space<vmem>> -> memref<100x128xf32, #tpu.memory_space<vmem>>
      %swap3A_827 = arith.index_cast %scan3A_777 : i32 to index
      %swap3A_828 = arith.constant 64 : index
      %swap3A_829 = tpu.vector_load %swap3A_826[%swap3A_827, %swap3A_828] {strides = array<i32>} : memref<100x128xf32, #tpu.memory_space<vmem>>, vector<1x16xf32>,
      %swap3A_830 = vector.shape_cast %swap3A_829 : vector<1x16xf32> to vector<16xf32>
      %swap3A_831 = vector.shape_cast %broadcast_in_dim3A_822 : vector<16xf32> to vector<1x16xf32>
      tpu.vector_store %swap3A_826[%swap3A_827, %swap3A_828], %swap3A_831 {strides = array<i32>} : memref<100x128xf32, #tpu.memory_space<vmem>>, vector<1x16xf32>,
      %broadcast_in_dim3A_832 = arith.constant 0.000000e+00 : f32
      %broadcast_in_dim3A_833 = vector.broadcast %broadcast_in_dim3A_832 : f32 to vector<16xf32>
      %swap3A_834 = arith.constant 0 : i32
      %swap3A_835 = arith.constant 0 : i32
      %swap3A_836 = tpu.memref_slice %arg8[%scan3A, %swap3A_834, %swap3A_835] : memref<2x100x128xf32, #tpu.memory_space<vmem>> -> memref<1x100x128xf32, #tpu.memory_space<vmem>>
      %swap3A_837 = tpu.memref_squeeze %swap3A_836 : memref<1x100x128xf32, #tpu.memory_space<vmem>> -> memref<100x128xf32, #tpu.memory_space<vmem>>
      %swap3A_838 = arith.index_cast %scan3A_777 : i32 to index
      %swap3A_839 = arith.constant 80 : index
      %swap3A_840 = tpu.vector_load %swap3A_837[%swap3A_838, %swap3A_839] {strides = array<i32>} : memref<100x128xf32, #tpu.memory_space<vmem>>, vector<1x16xf32>,
      %swap3A_841 = vector.shape_cast %swap3A_840 : vector<1x16xf32> to vector<16xf32>
      %swap3A_842 = vector.shape_cast %broadcast_in_dim3A_833 : vector<16xf32> to vector<1x16xf32>
      tpu.vector_store %swap3A_837[%swap3A_838, %swap3A_839], %swap3A_842 {strides = array<i32>} : memref<100x128xf32, #tpu.memory_space<vmem>>, vector<1x16xf32>,
      %broadcast_in_dim3A_843 = arith.constant 0.000000e+00 : f32
      %broadcast_in_dim3A_844 = vector.broadcast %broadcast_in_dim3A_843 : f32 to vector<16xf32>
      %swap3A_845 = arith.constant 0 : i32
      %swap3A_846 = arith.constant 0 : i32
      %swap3A_847 = tpu.memref_slice %arg8[%scan3A, %swap3A_845, %swap3A_846] : memref<2x100x128xf32, #tpu.memory_space<vmem>> -> memref<1x100x128xf32, #tpu.memory_space<vmem>>
      %swap3A_848 = tpu.memref_squeeze %swap3A_847 : memref<1x100x128xf32, #tpu.memory_space<vmem>> -> memref<100x128xf32, #tpu.memory_space<vmem>>
      %swap3A_849 = arith.index_cast %scan3A_777 : i32 to index
      %swap3A_850 = arith.constant 96 : index
      %swap3A_851 = tpu.vector_load %swap3A_848[%swap3A_849, %swap3A_850] {strides = array<i32>} : memref<100x128xf32, #tpu.memory_space<vmem>>, vector<1x16xf32>,
      %swap3A_852 = vector.shape_cast %swap3A_851 : vector<1x16xf32> to vector<16xf32>
      %swap3A_853 = vector.shape_cast %broadcast_in_dim3A_844 : vector<16xf32> to vector<1x16xf32>
      tpu.vector_store %swap3A_848[%swap3A_849, %swap3A_850], %swap3A_853 {strides = array<i32>} : memref<100x128xf32, #tpu.memory_space<vmem>>, vector<1x16xf32>,
      %broadcast_in_dim3A_854 = arith.constant 0.000000e+00 : f32
      %broadcast_in_dim3A_855 = vector.broadcast %broadcast_in_dim3A_854 : f32 to vector<16xf32>
      %swap3A_856 = arith.constant 0 : i32
      %swap3A_857 = arith.constant 0 : i32
      %swap3A_858 = tpu.memref_slice %arg8[%scan3A, %swap3A_856, %swap3A_857] : memref<2x100x128xf32, #tpu.memory_space<vmem>> -> memref<1x100x128xf32, #tpu.memory_space<vmem>>
      %swap3A_859 = tpu.memref_squeeze %swap3A_858 : memref<1x100x128xf32, #tpu.memory_space<vmem>> -> memref<100x128xf32, #tpu.memory_space<vmem>>
      %swap3A_860 = arith.index_cast %scan3A_777 : i32 to index
      %swap3A_861 = arith.constant 112 : index
      %swap3A_862 = tpu.vector_load %swap3A_859[%swap3A_860, %swap3A_861] {strides = array<i32>} : memref<100x128xf32, #tpu.memory_space<vmem>>, vector<1x16xf32>,
      %swap3A_863 = vector.shape_cast %swap3A_862 : vector<1x16xf32> to vector<16xf32>
      %swap3A_864 = vector.shape_cast %broadcast_in_dim3A_855 : vector<16xf32> to vector<1x16xf32>
      tpu.vector_store %swap3A_859[%swap3A_860, %swap3A_861], %swap3A_864 {strides = array<i32>} : memref<100x128xf32, #tpu.memory_space<vmem>>, vector<1x16xf32>,
      %scan3A_865 = arith.constant 0 : i32
      scf.yield %scan3A_865 : i32
    }
    %scan3A_27 = arith.constant 48 : i32
    %mul3A = arith.constant 624 : i32
    %mul3A_28 = arith.muli %arg1, %mul3A : i32
    %add3A = arith.constant 0 : i32
    %add3A_29 = arith.addi %mul3A_28, %add3A : i32
    %dma_start3A_30 = arith.constant 0 : i32
    %dma_start3A_31 = arith.constant 1 : i32
    %dma_start3A_32 = arith.constant 0 : i32
    %dma_start3A_33 = arith.constant 0 : i32
    %dma_start3A_34 = tpu.memref_slice %arg8[%dma_start3A_30, %dma_start3A_32, %dma_start3A_33] : memref<2x100x128xf32, #tpu.memory_space<vmem>> -> memref<1x100x128xf32, #tpu.memory_space<vmem>>
    %dma_start3A_35 = tpu.memref_squeeze %dma_start3A_34 : memref<1x100x128xf32, #tpu.memory_space<vmem>> -> memref<100x128xf32, #tpu.memory_space<vmem>>
    %dma_start3A_36 = arith.constant 0 : i32
    %dma_start3A_37 = arith.constant 0 : i32
    %dma_start3A_38 = tpu.memref_slice %dma_start3A_35[%dma_start3A_36, %dma_start3A_37] : memref<100x128xf32, #tpu.memory_space<vmem>> -> memref<48x128xf32, #tpu.memory_space<vmem>>
    %dma_start3A_39 = arith.constant 0 : i32
    %dma_start3A_40 = tpu.memref_slice %arg9[%add3A_29, %dma_start3A_39] : memref<10000x128xf32, #tpu.memory_space<vmem_shared>> -> memref<48x128xf32, #tpu.memory_space<vmem_shared>>
    %dma_start3A_41 = tpu.memref_slice %arg10[%dma_start3A_31] : memref<2x!tpu.dma_semaphore, #tpu.memory_space<semaphore_mem>> -> memref<1x!tpu.dma_semaphore, #tpu.memory_space<semaphore_mem>>
    %dma_start3A_42 = tpu.memref_squeeze %dma_start3A_41 : memref<1x!tpu.dma_semaphore, #tpu.memory_space<semaphore_mem>> -> memref<!tpu.dma_semaphore, #tpu.memory_space<semaphore_mem>>
    %dma_start3A_43 = arith.constant 0 : i32
    %dma_start3A_44 = tpu.memref_slice %arg9[%add3A_29, %dma_start3A_43] : memref<10000x128xf32, #tpu.memory_space<vmem_shared>> -> memref<48x128xf32, #tpu.memory_space<vmem_shared>>
    %dma_start3A_45 = arith.constant 0 : i32
    %dma_start3A_46 = arith.constant 0 : i32
    %dma_start3A_47 = tpu.memref_slice %arg8[%dma_start3A_30, %dma_start3A_45, %dma_start3A_46] : memref<2x100x128xf32, #tpu.memory_space<vmem>> -> memref<1x100x128xf32, #tpu.memory_space<vmem>>
    %dma_start3A_48 = tpu.memref_squeeze %dma_start3A_47 : memref<1x100x128xf32, #tpu.memory_space<vmem>> -> memref<100x128xf32, #tpu.memory_space<vmem>>
    %dma_start3A_49 = arith.constant 0 : i32
    %dma_start3A_50 = arith.constant 0 : i32
    %dma_start3A_51 = tpu.memref_slice %dma_start3A_48[%dma_start3A_49, %dma_start3A_50] : memref<100x128xf32, #tpu.memory_space<vmem>> -> memref<48x128xf32, #tpu.memory_space<vmem>>
    tpu.enqueue_dma source(%dma_start3A_51 : memref<48x128xf32, #tpu.memory_space<vmem>>) target(%dma_start3A_44 : memref<48x128xf32, #tpu.memory_space<vmem_shared>>) target_semaphore(%dma_start3A_42 : memref<!tpu.dma_semaphore, #tpu.memory_space<semaphore_mem>>)
    %mul3A_52 = arith.constant 624 : i32
    %mul3A_53 = arith.muli %arg1, %mul3A_52 : i32
    %add3A_54 = arith.constant 48 : i32
    %add3A_55 = arith.addi %mul3A_53, %add3A_54 : i32
    %dma_start3A_56 = arith.constant 0 : i32
    %dma_start3A_57 = arith.constant 1 : i32
    %dma_start3A_58 = arith.constant 0 : i32
    %dma_start3A_59 = arith.constant 0 : i32
    %dma_start3A_60 = tpu.memref_slice %arg8[%dma_start3A_56, %dma_start3A_58, %dma_start3A_59] : memref<2x100x128xf32, #tpu.memory_space<vmem>> -> memref<1x100x128xf32, #tpu.memory_space<vmem>>
    %dma_start3A_61 = tpu.memref_squeeze %dma_start3A_60 : memref<1x100x128xf32, #tpu.memory_space<vmem>> -> memref<100x128xf32, #tpu.memory_space<vmem>>
    %dma_start3A_62 = arith.constant 0 : i32
    %dma_start3A_63 = arith.constant 0 : i32
    %dma_start3A_64 = tpu.memref_slice %dma_start3A_61[%dma_start3A_62, %dma_start3A_63] : memref<100x128xf32, #tpu.memory_space<vmem>> -> memref<48x128xf32, #tpu.memory_space<vmem>>
    %dma_start3A_65 = arith.constant 0 : i32
    %dma_start3A_66 = tpu.memref_slice %arg9[%add3A_55, %dma_start3A_65] : memref<10000x128xf32, #tpu.memory_space<vmem_shared>> -> memref<48x128xf32, #tpu.memory_space<vmem_shared>>
    %dma_start3A_67 = tpu.memref_slice %arg10[%dma_start3A_57] : memref<2x!tpu.dma_semaphore, #tpu.memory_space<semaphore_mem>> -> memref<1x!tpu.dma_semaphore, #tpu.memory_space<semaphore_mem>>
    %dma_start3A_68 = tpu.memref_squeeze %dma_start3A_67 : memref<1x!tpu.dma_semaphore, #tpu.memory_space<semaphore_mem>> -> memref<!tpu.dma_semaphore, #tpu.memory_space<semaphore_mem>>
    %dma_start3A_69 = arith.constant 0 : i32
    %dma_start3A_70 = tpu.memref_slice %arg9[%add3A_55, %dma_start3A_69] : memref<10000x128xf32, #tpu.memory_space<vmem_shared>> -> memref<48x128xf32, #tpu.memory_space<vmem_shared>>
    %dma_start3A_71 = arith.constant 0 : i32
    %dma_start3A_72 = arith.constant 0 : i32
    %dma_start3A_73 = tpu.memref_slice %arg8[%dma_start3A_56, %dma_start3A_71, %dma_start3A_72] : memref<2x100x128xf32, #tpu.memory_space<vmem>> -> memref<1x100x128xf32, #tpu.memory_space<vmem>>
    %dma_start3A_74 = tpu.memref_squeeze %dma_start3A_73 : memref<1x100x128xf32, #tpu.memory_space<vmem>> -> memref<100x128xf32, #tpu.memory_space<vmem>>
    %dma_start3A_75 = arith.constant 0 : i32
    %dma_start3A_76 = arith.constant 0 : i32
    %dma_start3A_77 = tpu.memref_slice %dma_start3A_74[%dma_start3A_75, %dma_start3A_76] : memref<100x128xf32, #tpu.memory_space<vmem>> -> memref<48x128xf32, #tpu.memory_space<vmem>>
    tpu.enqueue_dma source(%dma_start3A_77 : memref<48x128xf32, #tpu.memory_space<vmem>>) target(%dma_start3A_70 : memref<48x128xf32, #tpu.memory_space<vmem_shared>>) target_semaphore(%dma_start3A_68 : memref<!tpu.dma_semaphore, #tpu.memory_space<semaphore_mem>>)
    %mul3A_78 = arith.constant 624 : i32
    %mul3A_79 = arith.muli %arg1, %mul3A_78 : i32
    %add3A_80 = arith.constant 96 : i32
    %add3A_81 = arith.addi %mul3A_79, %add3A_80 : i32
    %dma_start3A_82 = arith.constant 0 : i32
    %dma_start3A_83 = arith.constant 1 : i32
    %dma_start3A_84 = arith.constant 0 : i32
    %dma_start3A_85 = arith.constant 0 : i32
    %dma_start3A_86 = tpu.memref_slice %arg8[%dma_start3A_82, %dma_start3A_84, %dma_start3A_85] : memref<2x100x128xf32, #tpu.memory_space<vmem>> -> memref<1x100x128xf32, #tpu.memory_space<vmem>>
    %dma_start3A_87 = tpu.memref_squeeze %dma_start3A_86 : memref<1x100x128xf32, #tpu.memory_space<vmem>> -> memref<100x128xf32, #tpu.memory_space<vmem>>
    %dma_start3A_88 = arith.constant 0 : i32
    %dma_start3A_89 = arith.constant 0 : i32
    %dma_start3A_90 = tpu.memref_slice %dma_start3A_87[%dma_start3A_88, %dma_start3A_89] : memref<100x128xf32, #tpu.memory_space<vmem>> -> memref<48x128xf32, #tpu.memory_space<vmem>>
    %dma_start3A_91 = arith.constant 0 : i32
    %dma_start3A_92 = tpu.memref_slice %arg9[%add3A_81, %dma_start3A_91] : memref<10000x128xf32, #tpu.memory_space<vmem_shared>> -> memref<48x128xf32, #tpu.memory_space<vmem_shared>>
    %dma_start3A_93 = tpu.memref_slice %arg10[%dma_start3A_83] : memref<2x!tpu.dma_semaphore, #tpu.memory_space<semaphore_mem>> -> memref<1x!tpu.dma_semaphore, #tpu.memory_space<semaphore_mem>>
    %dma_start3A_94 = tpu.memref_squeeze %dma_start3A_93 : memref<1x!tpu.dma_semaphore, #tpu.memory_space<semaphore_mem>> -> memref<!tpu.dma_semaphore, #tpu.memory_space<semaphore_mem>>
    %dma_start3A_95 = arith.constant 0 : i32
    %dma_start3A_96 = tpu.memref_slice %arg9[%add3A_81, %dma_start3A_95] : memref<10000x128xf32, #tpu.memory_space<vmem_shared>> -> memref<48x128xf32, #tpu.memory_space<vmem_shared>>
    %dma_start3A_97 = arith.constant 0 : i32
    %dma_start3A_98 = arith.constant 0 : i32
    %dma_start3A_99 = tpu.memref_slice %arg8[%dma_start3A_82, %dma_start3A_97, %dma_start3A_98] : memref<2x100x128xf32, #tpu.memory_space<vmem>> -> memref<1x100x128xf32, #tpu.memory_space<vmem>>
    %dma_start3A_100 = tpu.memref_squeeze %dma_start3A_99 : memref<1x100x128xf32, #tpu.memory_space<vmem>> -> memref<100x128xf32, #tpu.memory_space<vmem>>
    %dma_start3A_101 = arith.constant 0 : i32
    %dma_start3A_102 = arith.constant 0 : i32
    %dma_start3A_103 = tpu.memref_slice %dma_start3A_100[%dma_start3A_101, %dma_start3A_102] : memref<100x128xf32, #tpu.memory_space<vmem>> -> memref<48x128xf32, #tpu.memory_space<vmem>>
    tpu.enqueue_dma source(%dma_start3A_103 : memref<48x128xf32, #tpu.memory_space<vmem>>) target(%dma_start3A_96 : memref<48x128xf32, #tpu.memory_space<vmem_shared>>) target_semaphore(%dma_start3A_94 : memref<!tpu.dma_semaphore, #tpu.memory_space<semaphore_mem>>)
    %mul3A_104 = arith.constant 624 : i32
    %mul3A_105 = arith.muli %arg1, %mul3A_104 : i32
    %add3A_106 = arith.constant 144 : i32
    %add3A_107 = arith.addi %mul3A_105, %add3A_106 : i32
    %dma_start3A_108 = arith.constant 0 : i32
    %dma_start3A_109 = arith.constant 1 : i32
    %dma_start3A_110 = arith.constant 0 : i32
    %dma_start3A_111 = arith.constant 0 : i32
    %dma_start3A_112 = tpu.memref_slice %arg8[%dma_start3A_108, %dma_start3A_110, %dma_start3A_111] : memref<2x100x128xf32, #tpu.memory_space<vmem>> -> memref<1x100x128xf32, #tpu.memory_space<vmem>>
    %dma_start3A_113 = tpu.memref_squeeze %dma_start3A_112 : memref<1x100x128xf32, #tpu.memory_space<vmem>> -> memref<100x128xf32, #tpu.memory_space<vmem>>
    %dma_start3A_114 = arith.constant 0 : i32
    %dma_start3A_115 = arith.constant 0 : i32
    %dma_start3A_116 = tpu.memref_slice %dma_start3A_113[%dma_start3A_114, %dma_start3A_115] : memref<100x128xf32, #tpu.memory_space<vmem>> -> memref<48x128xf32, #tpu.memory_space<vmem>>
    %dma_start3A_117 = arith.constant 0 : i32
    %dma_start3A_118 = tpu.memref_slice %arg9[%add3A_107, %dma_start3A_117] : memref<10000x128xf32, #tpu.memory_space<vmem_shared>> -> memref<48x128xf32, #tpu.memory_space<vmem_shared>>
    %dma_start3A_119 = tpu.memref_slice %arg10[%dma_start3A_109] : memref<2x!tpu.dma_semaphore, #tpu.memory_space<semaphore_mem>> -> memref<1x!tpu.dma_semaphore, #tpu.memory_space<semaphore_mem>>
    %dma_start3A_120 = tpu.memref_squeeze %dma_start3A_119 : memref<1x!tpu.dma_semaphore, #tpu.memory_space<semaphore_mem>> -> memref<!tpu.dma_semaphore, #tpu.memory_space<semaphore_mem>>
    %dma_start3A_121 = arith.constant 0 : i32
    %dma_start3A_122 = tpu.memref_slice %arg9[%add3A_107, %dma_start3A_121] : memref<10000x128xf32, #tpu.memory_space<vmem_shared>> -> memref<48x128xf32, #tpu.memory_space<vmem_shared>>
    %dma_start3A_123 = arith.constant 0 : i32
    %dma_start3A_124 = arith.constant 0 : i32
    %dma_start3A_125 = tpu.memref_slice %arg8[%dma_start3A_108, %dma_start3A_123, %dma_start3A_124] : memref<2x100x128xf32, #tpu.memory_space<vmem>> -> memref<1x100x128xf32, #tpu.memory_space<vmem>>
    %dma_start3A_126 = tpu.memref_squeeze %dma_start3A_125 : memref<1x100x128xf32, #tpu.memory_space<vmem>> -> memref<100x128xf32, #tpu.memory_space<vmem>>
    %dma_start3A_127 = arith.constant 0 : i32
    %dma_start3A_128 = arith.constant 0 : i32
    %dma_start3A_129 = tpu.memref_slice %dma_start3A_126[%dma_start3A_127, %dma_start3A_128] : memref<100x128xf32, #tpu.memory_space<vmem>> -> memref<48x128xf32, #tpu.memory_space<vmem>>
    tpu.enqueue_dma source(%dma_start3A_129 : memref<48x128xf32, #tpu.memory_space<vmem>>) target(%dma_start3A_122 : memref<48x128xf32, #tpu.memory_space<vmem_shared>>) target_semaphore(%dma_start3A_120 : memref<!tpu.dma_semaphore, #tpu.memory_space<semaphore_mem>>)
    %mul3A_130 = arith.constant 624 : i32
    %mul3A_131 = arith.muli %arg1, %mul3A_130 : i32
    %add3A_132 = arith.constant 192 : i32
    %add3A_133 = arith.addi %mul3A_131, %add3A_132 : i32
    %dma_start3A_134 = arith.constant 0 : i32
    %dma_start3A_135 = arith.constant 1 : i32
    %dma_start3A_136 = arith.constant 0 : i32
    %dma_start3A_137 = arith.constant 0 : i32
    %dma_start3A_138 = tpu.memref_slice %arg8[%dma_start3A_134, %dma_start3A_136, %dma_start3A_137] : memref<2x100x128xf32, #tpu.memory_space<vmem>> -> memref<1x100x128xf32, #tpu.memory_space<vmem>>
    %dma_start3A_139 = tpu.memref_squeeze %dma_start3A_138 : memref<1x100x128xf32, #tpu.memory_space<vmem>> -> memref<100x128xf32, #tpu.memory_space<vmem>>
    %dma_start3A_140 = arith.constant 0 : i32
    %dma_start3A_141 = arith.constant 0 : i32
    %dma_start3A_142 = tpu.memref_slice %dma_start3A_139[%dma_start3A_140, %dma_start3A_141] : memref<100x128xf32, #tpu.memory_space<vmem>> -> memref<48x128xf32, #tpu.memory_space<vmem>>
    %dma_start3A_143 = arith.constant 0 : i32
    %dma_start3A_144 = tpu.memref_slice %arg9[%add3A_133, %dma_start3A_143] : memref<10000x128xf32, #tpu.memory_space<vmem_shared>> -> memref<48x128xf32, #tpu.memory_space<vmem_shared>>
    %dma_start3A_145 = tpu.memref_slice %arg10[%dma_start3A_135] : memref<2x!tpu.dma_semaphore, #tpu.memory_space<semaphore_mem>> -> memref<1x!tpu.dma_semaphore, #tpu.memory_space<semaphore_mem>>
    %dma_start3A_146 = tpu.memref_squeeze %dma_start3A_145 : memref<1x!tpu.dma_semaphore, #tpu.memory_space<semaphore_mem>> -> memref<!tpu.dma_semaphore, #tpu.memory_space<semaphore_mem>>
    %dma_start3A_147 = arith.constant 0 : i32
    %dma_start3A_148 = tpu.memref_slice %arg9[%add3A_133, %dma_start3A_147] : memref<10000x128xf32, #tpu.memory_space<vmem_shared>> -> memref<48x128xf32, #tpu.memory_space<vmem_shared>>
    %dma_start3A_149 = arith.constant 0 : i32
    %dma_start3A_150 = arith.constant 0 : i32
    %dma_start3A_151 = tpu.memref_slice %arg8[%dma_start3A_134, %dma_start3A_149, %dma_start3A_150] : memref<2x100x128xf32, #tpu.memory_space<vmem>> -> memref<1x100x128xf32, #tpu.memory_space<vmem>>
    %dma_start3A_152 = tpu.memref_squeeze %dma_start3A_151 : memref<1x100x128xf32, #tpu.memory_space<vmem>> -> memref<100x128xf32, #tpu.memory_space<vmem>>
    %dma_start3A_153 = arith.constant 0 : i32
    %dma_start3A_154 = arith.constant 0 : i32
    %dma_start3A_155 = tpu.memref_slice %dma_start3A_152[%dma_start3A_153, %dma_start3A_154] : memref<100x128xf32, #tpu.memory_space<vmem>> -> memref<48x128xf32, #tpu.memory_space<vmem>>
    tpu.enqueue_dma source(%dma_start3A_155 : memref<48x128xf32, #tpu.memory_space<vmem>>) target(%dma_start3A_148 : memref<48x128xf32, #tpu.memory_space<vmem_shared>>) target_semaphore(%dma_start3A_146 : memref<!tpu.dma_semaphore, #tpu.memory_space<semaphore_mem>>)
    %mul3A_156 = arith.constant 624 : i32
    %mul3A_157 = arith.muli %arg1, %mul3A_156 : i32
    %add3A_158 = arith.constant 240 : i32
    %add3A_159 = arith.addi %mul3A_157, %add3A_158 : i32
    %dma_start3A_160 = arith.constant 0 : i32
    %dma_start3A_161 = arith.constant 1 : i32
    %dma_start3A_162 = arith.constant 0 : i32
    %dma_start3A_163 = arith.constant 0 : i32
    %dma_start3A_164 = tpu.memref_slice %arg8[%dma_start3A_160, %dma_start3A_162, %dma_start3A_163] : memref<2x100x128xf32, #tpu.memory_space<vmem>> -> memref<1x100x128xf32, #tpu.memory_space<vmem>>
    %dma_start3A_165 = tpu.memref_squeeze %dma_start3A_164 : memref<1x100x128xf32, #tpu.memory_space<vmem>> -> memref<100x128xf32, #tpu.memory_space<vmem>>
    %dma_start3A_166 = arith.constant 0 : i32
    %dma_start3A_167 = arith.constant 0 : i32
    %dma_start3A_168 = tpu.memref_slice %dma_start3A_165[%dma_start3A_166, %dma_start3A_167] : memref<100x128xf32, #tpu.memory_space<vmem>> -> memref<48x128xf32, #tpu.memory_space<vmem>>
    %dma_start3A_169 = arith.constant 0 : i32
    %dma_start3A_170 = tpu.memref_slice %arg9[%add3A_159, %dma_start3A_169] : memref<10000x128xf32, #tpu.memory_space<vmem_shared>> -> memref<48x128xf32, #tpu.memory_space<vmem_shared>>
    %dma_start3A_171 = tpu.memref_slice %arg10[%dma_start3A_161] : memref<2x!tpu.dma_semaphore, #tpu.memory_space<semaphore_mem>> -> memref<1x!tpu.dma_semaphore, #tpu.memory_space<semaphore_mem>>
    %dma_start3A_172 = tpu.memref_squeeze %dma_start3A_171 : memref<1x!tpu.dma_semaphore, #tpu.memory_space<semaphore_mem>> -> memref<!tpu.dma_semaphore, #tpu.memory_space<semaphore_mem>>
    %dma_start3A_173 = arith.constant 0 : i32
    %dma_start3A_174 = tpu.memref_slice %arg9[%add3A_159, %dma_start3A_173] : memref<10000x128xf32, #tpu.memory_space<vmem_shared>> -> memref<48x128xf32, #tpu.memory_space<vmem_shared>>
    %dma_start3A_175 = arith.constant 0 : i32
    %dma_start3A_176 = arith.constant 0 : i32
    %dma_start3A_177 = tpu.memref_slice %arg8[%dma_start3A_160, %dma_start3A_175, %dma_start3A_176] : memref<2x100x128xf32, #tpu.memory_space<vmem>> -> memref<1x100x128xf32, #tpu.memory_space<vmem>>
    %dma_start3A_178 = tpu.memref_squeeze %dma_start3A_177 : memref<1x100x128xf32, #tpu.memory_space<vmem>> -> memref<100x128xf32, #tpu.memory_space<vmem>>
    %dma_start3A_179 = arith.constant 0 : i32
    %dma_start3A_180 = arith.constant 0 : i32
    %dma_start3A_181 = tpu.memref_slice %dma_start3A_178[%dma_start3A_179, %dma_start3A_180] : memref<100x128xf32, #tpu.memory_space<vmem>> -> memref<48x128xf32, #tpu.memory_space<vmem>>
    tpu.enqueue_dma source(%dma_start3A_181 : memref<48x128xf32, #tpu.memory_space<vmem>>) target(%dma_start3A_174 : memref<48x128xf32, #tpu.memory_space<vmem_shared>>) target_semaphore(%dma_start3A_172 : memref<!tpu.dma_semaphore, #tpu.memory_space<semaphore_mem>>)
    %mul3A_182 = arith.constant 624 : i32
    %mul3A_183 = arith.muli %arg1, %mul3A_182 : i32
    %add3A_184 = arith.constant 288 : i32
    %add3A_185 = arith.addi %mul3A_183, %add3A_184 : i32
    %dma_start3A_186 = arith.constant 0 : i32
    %dma_start3A_187 = arith.constant 1 : i32
    %dma_start3A_188 = arith.constant 0 : i32
    %dma_start3A_189 = arith.constant 0 : i32
    %dma_start3A_190 = tpu.memref_slice %arg8[%dma_start3A_186, %dma_start3A_188, %dma_start3A_189] : memref<2x100x128xf32, #tpu.memory_space<vmem>> -> memref<1x100x128xf32, #tpu.memory_space<vmem>>
    %dma_start3A_191 = tpu.memref_squeeze %dma_start3A_190 : memref<1x100x128xf32, #tpu.memory_space<vmem>> -> memref<100x128xf32, #tpu.memory_space<vmem>>
    %dma_start3A_192 = arith.constant 0 : i32
    %dma_start3A_193 = arith.constant 0 : i32
    %dma_start3A_194 = tpu.memref_slice %dma_start3A_191[%dma_start3A_192, %dma_start3A_193] : memref<100x128xf32, #tpu.memory_space<vmem>> -> memref<48x128xf32, #tpu.memory_space<vmem>>
    %dma_start3A_195 = arith.constant 0 : i32
    %dma_start3A_196 = tpu.memref_slice %arg9[%add3A_185, %dma_start3A_195] : memref<10000x128xf32, #tpu.memory_space<vmem_shared>> -> memref<48x128xf32, #tpu.memory_space<vmem_shared>>
    %dma_start3A_197 = tpu.memref_slice %arg10[%dma_start3A_187] : memref<2x!tpu.dma_semaphore, #tpu.memory_space<semaphore_mem>> -> memref<1x!tpu.dma_semaphore, #tpu.memory_space<semaphore_mem>>
    %dma_start3A_198 = tpu.memref_squeeze %dma_start3A_197 : memref<1x!tpu.dma_semaphore, #tpu.memory_space<semaphore_mem>> -> memref<!tpu.dma_semaphore, #tpu.memory_space<semaphore_mem>>
    %dma_start3A_199 = arith.constant 0 : i32
    %dma_start3A_200 = tpu.memref_slice %arg9[%add3A_185, %dma_start3A_199] : memref<10000x128xf32, #tpu.memory_space<vmem_shared>> -> memref<48x128xf32, #tpu.memory_space<vmem_shared>>
    %dma_start3A_201 = arith.constant 0 : i32
    %dma_start3A_202 = arith.constant 0 : i32
    %dma_start3A_203 = tpu.memref_slice %arg8[%dma_start3A_186, %dma_start3A_201, %dma_start3A_202] : memref<2x100x128xf32, #tpu.memory_space<vmem>> -> memref<1x100x128xf32, #tpu.memory_space<vmem>>
    %dma_start3A_204 = tpu.memref_squeeze %dma_start3A_203 : memref<1x100x128xf32, #tpu.memory_space<vmem>> -> memref<100x128xf32, #tpu.memory_space<vmem>>
    %dma_start3A_205 = arith.constant 0 : i32
    %dma_start3A_206 = arith.constant 0 : i32
    %dma_start3A_207 = tpu.memref_slice %dma_start3A_204[%dma_start3A_205, %dma_start3A_206] : memref<100x128xf32, #tpu.memory_space<vmem>> -> memref<48x128xf32, #tpu.memory_space<vmem>>
    tpu.enqueue_dma source(%dma_start3A_207 : memref<48x128xf32, #tpu.memory_space<vmem>>) target(%dma_start3A_200 : memref<48x128xf32, #tpu.memory_space<vmem_shared>>) target_semaphore(%dma_start3A_198 : memref<!tpu.dma_semaphore, #tpu.memory_space<semaphore_mem>>)
    %mul3A_208 = arith.constant 624 : i32
    %mul3A_209 = arith.muli %arg1, %mul3A_208 : i32
    %add3A_210 = arith.constant 336 : i32
    %add3A_211 = arith.addi %mul3A_209, %add3A_210 : i32
    %dma_start3A_212 = arith.constant 0 : i32
    %dma_start3A_213 = arith.constant 1 : i32
    %dma_start3A_214 = arith.constant 0 : i32
    %dma_start3A_215 = arith.constant 0 : i32
    %dma_start3A_216 = tpu.memref_slice %arg8[%dma_start3A_212, %dma_start3A_214, %dma_start3A_215] : memref<2x100x128xf32, #tpu.memory_space<vmem>> -> memref<1x100x128xf32, #tpu.memory_space<vmem>>
    %dma_start3A_217 = tpu.memref_squeeze %dma_start3A_216 : memref<1x100x128xf32, #tpu.memory_space<vmem>> -> memref<100x128xf32, #tpu.memory_space<vmem>>
    %dma_start3A_218 = arith.constant 0 : i32
    %dma_start3A_219 = arith.constant 0 : i32
    %dma_start3A_220 = tpu.memref_slice %dma_start3A_217[%dma_start3A_218, %dma_start3A_219] : memref<100x128xf32, #tpu.memory_space<vmem>> -> memref<48x128xf32, #tpu.memory_space<vmem>>
    %dma_start3A_221 = arith.constant 0 : i32
    %dma_start3A_222 = tpu.memref_slice %arg9[%add3A_211, %dma_start3A_221] : memref<10000x128xf32, #tpu.memory_space<vmem_shared>> -> memref<48x128xf32, #tpu.memory_space<vmem_shared>>
    %dma_start3A_223 = tpu.memref_slice %arg10[%dma_start3A_213] : memref<2x!tpu.dma_semaphore, #tpu.memory_space<semaphore_mem>> -> memref<1x!tpu.dma_semaphore, #tpu.memory_space<semaphore_mem>>
    %dma_start3A_224 = tpu.memref_squeeze %dma_start3A_223 : memref<1x!tpu.dma_semaphore, #tpu.memory_space<semaphore_mem>> -> memref<!tpu.dma_semaphore, #tpu.memory_space<semaphore_mem>>
    %dma_start3A_225 = arith.constant 0 : i32
    %dma_start3A_226 = tpu.memref_slice %arg9[%add3A_211, %dma_start3A_225] : memref<10000x128xf32, #tpu.memory_space<vmem_shared>> -> memref<48x128xf32, #tpu.memory_space<vmem_shared>>
    %dma_start3A_227 = arith.constant 0 : i32
    %dma_start3A_228 = arith.constant 0 : i32
    %dma_start3A_229 = tpu.memref_slice %arg8[%dma_start3A_212, %dma_start3A_227, %dma_start3A_228] : memref<2x100x128xf32, #tpu.memory_space<vmem>> -> memref<1x100x128xf32, #tpu.memory_space<vmem>>
    %dma_start3A_230 = tpu.memref_squeeze %dma_start3A_229 : memref<1x100x128xf32, #tpu.memory_space<vmem>> -> memref<100x128xf32, #tpu.memory_space<vmem>>
    %dma_start3A_231 = arith.constant 0 : i32
    %dma_start3A_232 = arith.constant 0 : i32
    %dma_start3A_233 = tpu.memref_slice %dma_start3A_230[%dma_start3A_231, %dma_start3A_232] : memref<100x128xf32, #tpu.memory_space<vmem>> -> memref<48x128xf32, #tpu.memory_space<vmem>>
    tpu.enqueue_dma source(%dma_start3A_233 : memref<48x128xf32, #tpu.memory_space<vmem>>) target(%dma_start3A_226 : memref<48x128xf32, #tpu.memory_space<vmem_shared>>) target_semaphore(%dma_start3A_224 : memref<!tpu.dma_semaphore, #tpu.memory_space<semaphore_mem>>)
    %mul3A_234 = arith.constant 624 : i32
    %mul3A_235 = arith.muli %arg1, %mul3A_234 : i32
    %add3A_236 = arith.constant 384 : i32
    %add3A_237 = arith.addi %mul3A_235, %add3A_236 : i32
    %dma_start3A_238 = arith.constant 0 : i32
    %dma_start3A_239 = arith.constant 1 : i32
    %dma_start3A_240 = arith.constant 0 : i32
    %dma_start3A_241 = arith.constant 0 : i32
    %dma_start3A_242 = tpu.memref_slice %arg8[%dma_start3A_238, %dma_start3A_240, %dma_start3A_241] : memref<2x100x128xf32, #tpu.memory_space<vmem>> -> memref<1x100x128xf32, #tpu.memory_space<vmem>>
    %dma_start3A_243 = tpu.memref_squeeze %dma_start3A_242 : memref<1x100x128xf32, #tpu.memory_space<vmem>> -> memref<100x128xf32, #tpu.memory_space<vmem>>
    %dma_start3A_244 = arith.constant 0 : i32
    %dma_start3A_245 = arith.constant 0 : i32
    %dma_start3A_246 = tpu.memref_slice %dma_start3A_243[%dma_start3A_244, %dma_start3A_245] : memref<100x128xf32, #tpu.memory_space<vmem>> -> memref<48x128xf32, #tpu.memory_space<vmem>>
    %dma_start3A_247 = arith.constant 0 : i32
    %dma_start3A_248 = tpu.memref_slice %arg9[%add3A_237, %dma_start3A_247] : memref<10000x128xf32, #tpu.memory_space<vmem_shared>> -> memref<48x128xf32, #tpu.memory_space<vmem_shared>>
    %dma_start3A_249 = tpu.memref_slice %arg10[%dma_start3A_239] : memref<2x!tpu.dma_semaphore, #tpu.memory_space<semaphore_mem>> -> memref<1x!tpu.dma_semaphore, #tpu.memory_space<semaphore_mem>>
    %dma_start3A_250 = tpu.memref_squeeze %dma_start3A_249 : memref<1x!tpu.dma_semaphore, #tpu.memory_space<semaphore_mem>> -> memref<!tpu.dma_semaphore, #tpu.memory_space<semaphore_mem>>
    %dma_start3A_251 = arith.constant 0 : i32
    %dma_start3A_252 = tpu.memref_slice %arg9[%add3A_237, %dma_start3A_251] : memref<10000x128xf32, #tpu.memory_space<vmem_shared>> -> memref<48x128xf32, #tpu.memory_space<vmem_shared>>
    %dma_start3A_253 = arith.constant 0 : i32
    %dma_start3A_254 = arith.constant 0 : i32
    %dma_start3A_255 = tpu.memref_slice %arg8[%dma_start3A_238, %dma_start3A_253, %dma_start3A_254] : memref<2x100x128xf32, #tpu.memory_space<vmem>> -> memref<1x100x128xf32, #tpu.memory_space<vmem>>
    %dma_start3A_256 = tpu.memref_squeeze %dma_start3A_255 : memref<1x100x128xf32, #tpu.memory_space<vmem>> -> memref<100x128xf32, #tpu.memory_space<vmem>>
    %dma_start3A_257 = arith.constant 0 : i32
    %dma_start3A_258 = arith.constant 0 : i32
    %dma_start3A_259 = tpu.memref_slice %dma_start3A_256[%dma_start3A_257, %dma_start3A_258] : memref<100x128xf32, #tpu.memory_space<vmem>> -> memref<48x128xf32, #tpu.memory_space<vmem>>
    tpu.enqueue_dma source(%dma_start3A_259 : memref<48x128xf32, #tpu.memory_space<vmem>>) target(%dma_start3A_252 : memref<48x128xf32, #tpu.memory_space<vmem_shared>>) target_semaphore(%dma_start3A_250 : memref<!tpu.dma_semaphore, #tpu.memory_space<semaphore_mem>>)
    %mul3A_260 = arith.constant 624 : i32
    %mul3A_261 = arith.muli %arg1, %mul3A_260 : i32
    %add3A_262 = arith.constant 432 : i32
    %add3A_263 = arith.addi %mul3A_261, %add3A_262 : i32
    %dma_start3A_264 = arith.constant 0 : i32
    %dma_start3A_265 = arith.constant 1 : i32
    %dma_start3A_266 = arith.constant 0 : i32
    %dma_start3A_267 = arith.constant 0 : i32
    %dma_start3A_268 = tpu.memref_slice %arg8[%dma_start3A_264, %dma_start3A_266, %dma_start3A_267] : memref<2x100x128xf32, #tpu.memory_space<vmem>> -> memref<1x100x128xf32, #tpu.memory_space<vmem>>
    %dma_start3A_269 = tpu.memref_squeeze %dma_start3A_268 : memref<1x100x128xf32, #tpu.memory_space<vmem>> -> memref<100x128xf32, #tpu.memory_space<vmem>>
    %dma_start3A_270 = arith.constant 0 : i32
    %dma_start3A_271 = arith.constant 0 : i32
    %dma_start3A_272 = tpu.memref_slice %dma_start3A_269[%dma_start3A_270, %dma_start3A_271] : memref<100x128xf32, #tpu.memory_space<vmem>> -> memref<48x128xf32, #tpu.memory_space<vmem>>
    %dma_start3A_273 = arith.constant 0 : i32
    %dma_start3A_274 = tpu.memref_slice %arg9[%add3A_263, %dma_start3A_273] : memref<10000x128xf32, #tpu.memory_space<vmem_shared>> -> memref<48x128xf32, #tpu.memory_space<vmem_shared>>
    %dma_start3A_275 = tpu.memref_slice %arg10[%dma_start3A_265] : memref<2x!tpu.dma_semaphore, #tpu.memory_space<semaphore_mem>> -> memref<1x!tpu.dma_semaphore, #tpu.memory_space<semaphore_mem>>
    %dma_start3A_276 = tpu.memref_squeeze %dma_start3A_275 : memref<1x!tpu.dma_semaphore, #tpu.memory_space<semaphore_mem>> -> memref<!tpu.dma_semaphore, #tpu.memory_space<semaphore_mem>>
    %dma_start3A_277 = arith.constant 0 : i32
    %dma_start3A_278 = tpu.memref_slice %arg9[%add3A_263, %dma_start3A_277] : memref<10000x128xf32, #tpu.memory_space<vmem_shared>> -> memref<48x128xf32, #tpu.memory_space<vmem_shared>>
    %dma_start3A_279 = arith.constant 0 : i32
    %dma_start3A_280 = arith.constant 0 : i32
    %dma_start3A_281 = tpu.memref_slice %arg8[%dma_start3A_264, %dma_start3A_279, %dma_start3A_280] : memref<2x100x128xf32, #tpu.memory_space<vmem>> -> memref<1x100x128xf32, #tpu.memory_space<vmem>>
    %dma_start3A_282 = tpu.memref_squeeze %dma_start3A_281 : memref<1x100x128xf32, #tpu.memory_space<vmem>> -> memref<100x128xf32, #tpu.memory_space<vmem>>
    %dma_start3A_283 = arith.constant 0 : i32
    %dma_start3A_284 = arith.constant 0 : i32
    %dma_start3A_285 = tpu.memref_slice %dma_start3A_282[%dma_start3A_283, %dma_start3A_284] : memref<100x128xf32, #tpu.memory_space<vmem>> -> memref<48x128xf32, #tpu.memory_space<vmem>>
    tpu.enqueue_dma source(%dma_start3A_285 : memref<48x128xf32, #tpu.memory_space<vmem>>) target(%dma_start3A_278 : memref<48x128xf32, #tpu.memory_space<vmem_shared>>) target_semaphore(%dma_start3A_276 : memref<!tpu.dma_semaphore, #tpu.memory_space<semaphore_mem>>)
    %mul3A_286 = arith.constant 624 : i32
    %mul3A_287 = arith.muli %arg1, %mul3A_286 : i32
    %add3A_288 = arith.constant 480 : i32
    %add3A_289 = arith.addi %mul3A_287, %add3A_288 : i32
    %dma_start3A_290 = arith.constant 0 : i32
    %dma_start3A_291 = arith.constant 1 : i32
    %dma_start3A_292 = arith.constant 0 : i32
    %dma_start3A_293 = arith.constant 0 : i32
    %dma_start3A_294 = tpu.memref_slice %arg8[%dma_start3A_290, %dma_start3A_292, %dma_start3A_293] : memref<2x100x128xf32, #tpu.memory_space<vmem>> -> memref<1x100x128xf32, #tpu.memory_space<vmem>>
    %dma_start3A_295 = tpu.memref_squeeze %dma_start3A_294 : memref<1x100x128xf32, #tpu.memory_space<vmem>> -> memref<100x128xf32, #tpu.memory_space<vmem>>
    %dma_start3A_296 = arith.constant 0 : i32
    %dma_start3A_297 = arith.constant 0 : i32
    %dma_start3A_298 = tpu.memref_slice %dma_start3A_295[%dma_start3A_296, %dma_start3A_297] : memref<100x128xf32, #tpu.memory_space<vmem>> -> memref<48x128xf32, #tpu.memory_space<vmem>>
    %dma_start3A_299 = arith.constant 0 : i32
    %dma_start3A_300 = tpu.memref_slice %arg9[%add3A_289, %dma_start3A_299] : memref<10000x128xf32, #tpu.memory_space<vmem_shared>> -> memref<48x128xf32, #tpu.memory_space<vmem_shared>>
    %dma_start3A_301 = tpu.memref_slice %arg10[%dma_start3A_291] : memref<2x!tpu.dma_semaphore, #tpu.memory_space<semaphore_mem>> -> memref<1x!tpu.dma_semaphore, #tpu.memory_space<semaphore_mem>>
    %dma_start3A_302 = tpu.memref_squeeze %dma_start3A_301 : memref<1x!tpu.dma_semaphore, #tpu.memory_space<semaphore_mem>> -> memref<!tpu.dma_semaphore, #tpu.memory_space<semaphore_mem>>
    %dma_start3A_303 = arith.constant 0 : i32
    %dma_start3A_304 = tpu.memref_slice %arg9[%add3A_289, %dma_start3A_303] : memref<10000x128xf32, #tpu.memory_space<vmem_shared>> -> memref<48x128xf32, #tpu.memory_space<vmem_shared>>
    %dma_start3A_305 = arith.constant 0 : i32
    %dma_start3A_306 = arith.constant 0 : i32
    %dma_start3A_307 = tpu.memref_slice %arg8[%dma_start3A_290, %dma_start3A_305, %dma_start3A_306] : memref<2x100x128xf32, #tpu.memory_space<vmem>> -> memref<1x100x128xf32, #tpu.memory_space<vmem>>
    %dma_start3A_308 = tpu.memref_squeeze %dma_start3A_307 : memref<1x100x128xf32, #tpu.memory_space<vmem>> -> memref<100x128xf32, #tpu.memory_space<vmem>>
    %dma_start3A_309 = arith.constant 0 : i32
    %dma_start3A_310 = arith.constant 0 : i32
    %dma_start3A_311 = tpu.memref_slice %dma_start3A_308[%dma_start3A_309, %dma_start3A_310] : memref<100x128xf32, #tpu.memory_space<vmem>> -> memref<48x128xf32, #tpu.memory_space<vmem>>
    tpu.enqueue_dma source(%dma_start3A_311 : memref<48x128xf32, #tpu.memory_space<vmem>>) target(%dma_start3A_304 : memref<48x128xf32, #tpu.memory_space<vmem_shared>>) target_semaphore(%dma_start3A_302 : memref<!tpu.dma_semaphore, #tpu.memory_space<semaphore_mem>>)
    %mul3A_312 = arith.constant 624 : i32
    %mul3A_313 = arith.muli %arg1, %mul3A_312 : i32
    %add3A_314 = arith.constant 528 : i32
    %add3A_315 = arith.addi %mul3A_313, %add3A_314 : i32
    %dma_start3A_316 = arith.constant 0 : i32
    %dma_start3A_317 = arith.constant 1 : i32
    %dma_start3A_318 = arith.constant 0 : i32
    %dma_start3A_319 = arith.constant 0 : i32
    %dma_start3A_320 = tpu.memref_slice %arg8[%dma_start3A_316, %dma_start3A_318, %dma_start3A_319] : memref<2x100x128xf32, #tpu.memory_space<vmem>> -> memref<1x100x128xf32, #tpu.memory_space<vmem>>
    %dma_start3A_321 = tpu.memref_squeeze %dma_start3A_320 : memref<1x100x128xf32, #tpu.memory_space<vmem>> -> memref<100x128xf32, #tpu.memory_space<vmem>>
    %dma_start3A_322 = arith.constant 0 : i32
    %dma_start3A_323 = arith.constant 0 : i32
    %dma_start3A_324 = tpu.memref_slice %dma_start3A_321[%dma_start3A_322, %dma_start3A_323] : memref<100x128xf32, #tpu.memory_space<vmem>> -> memref<48x128xf32, #tpu.memory_space<vmem>>
    %dma_start3A_325 = arith.constant 0 : i32
    %dma_start3A_326 = tpu.memref_slice %arg9[%add3A_315, %dma_start3A_325] : memref<10000x128xf32, #tpu.memory_space<vmem_shared>> -> memref<48x128xf32, #tpu.memory_space<vmem_shared>>
    %dma_start3A_327 = tpu.memref_slice %arg10[%dma_start3A_317] : memref<2x!tpu.dma_semaphore, #tpu.memory_space<semaphore_mem>> -> memref<1x!tpu.dma_semaphore, #tpu.memory_space<semaphore_mem>>
    %dma_start3A_328 = tpu.memref_squeeze %dma_start3A_327 : memref<1x!tpu.dma_semaphore, #tpu.memory_space<semaphore_mem>> -> memref<!tpu.dma_semaphore, #tpu.memory_space<semaphore_mem>>
    %dma_start3A_329 = arith.constant 0 : i32
    %dma_start3A_330 = tpu.memref_slice %arg9[%add3A_315, %dma_start3A_329] : memref<10000x128xf32, #tpu.memory_space<vmem_shared>> -> memref<48x128xf32, #tpu.memory_space<vmem_shared>>
    %dma_start3A_331 = arith.constant 0 : i32
    %dma_start3A_332 = arith.constant 0 : i32
    %dma_start3A_333 = tpu.memref_slice %arg8[%dma_start3A_316, %dma_start3A_331, %dma_start3A_332] : memref<2x100x128xf32, #tpu.memory_space<vmem>> -> memref<1x100x128xf32, #tpu.memory_space<vmem>>
    %dma_start3A_334 = tpu.memref_squeeze %dma_start3A_333 : memref<1x100x128xf32, #tpu.memory_space<vmem>> -> memref<100x128xf32, #tpu.memory_space<vmem>>
    %dma_start3A_335 = arith.constant 0 : i32
    %dma_start3A_336 = arith.constant 0 : i32
    %dma_start3A_337 = tpu.memref_slice %dma_start3A_334[%dma_start3A_335, %dma_start3A_336] : memref<100x128xf32, #tpu.memory_space<vmem>> -> memref<48x128xf32, #tpu.memory_space<vmem>>
    tpu.enqueue_dma source(%dma_start3A_337 : memref<48x128xf32, #tpu.memory_space<vmem>>) target(%dma_start3A_330 : memref<48x128xf32, #tpu.memory_space<vmem_shared>>) target_semaphore(%dma_start3A_328 : memref<!tpu.dma_semaphore, #tpu.memory_space<semaphore_mem>>)
    %mul3A_338 = arith.constant 624 : i32
    %mul3A_339 = arith.muli %arg1, %mul3A_338 : i32
    %add3A_340 = arith.constant 576 : i32
    %add3A_341 = arith.addi %mul3A_339, %add3A_340 : i32
    %dma_start3A_342 = arith.constant 0 : i32
    %dma_start3A_343 = arith.constant 1 : i32
    %dma_start3A_344 = arith.constant 0 : i32
    %dma_start3A_345 = arith.constant 0 : i32
    %dma_start3A_346 = tpu.memref_slice %arg8[%dma_start3A_342, %dma_start3A_344, %dma_start3A_345] : memref<2x100x128xf32, #tpu.memory_space<vmem>> -> memref<1x100x128xf32, #tpu.memory_space<vmem>>
    %dma_start3A_347 = tpu.memref_squeeze %dma_start3A_346 : memref<1x100x128xf32, #tpu.memory_space<vmem>> -> memref<100x128xf32, #tpu.memory_space<vmem>>
    %dma_start3A_348 = arith.constant 0 : i32
    %dma_start3A_349 = arith.constant 0 : i32
    %dma_start3A_350 = tpu.memref_slice %dma_start3A_347[%dma_start3A_348, %dma_start3A_349] : memref<100x128xf32, #tpu.memory_space<vmem>> -> memref<48x128xf32, #tpu.memory_space<vmem>>
    %dma_start3A_351 = arith.constant 0 : i32
    %dma_start3A_352 = tpu.memref_slice %arg9[%add3A_341, %dma_start3A_351] : memref<10000x128xf32, #tpu.memory_space<vmem_shared>> -> memref<48x128xf32, #tpu.memory_space<vmem_shared>>
    %dma_start3A_353 = tpu.memref_slice %arg10[%dma_start3A_343] : memref<2x!tpu.dma_semaphore, #tpu.memory_space<semaphore_mem>> -> memref<1x!tpu.dma_semaphore, #tpu.memory_space<semaphore_mem>>
    %dma_start3A_354 = tpu.memref_squeeze %dma_start3A_353 : memref<1x!tpu.dma_semaphore, #tpu.memory_space<semaphore_mem>> -> memref<!tpu.dma_semaphore, #tpu.memory_space<semaphore_mem>>
    %dma_start3A_355 = arith.constant 0 : i32
    %dma_start3A_356 = tpu.memref_slice %arg9[%add3A_341, %dma_start3A_355] : memref<10000x128xf32, #tpu.memory_space<vmem_shared>> -> memref<48x128xf32, #tpu.memory_space<vmem_shared>>
    %dma_start3A_357 = arith.constant 0 : i32
    %dma_start3A_358 = arith.constant 0 : i32
    %dma_start3A_359 = tpu.memref_slice %arg8[%dma_start3A_342, %dma_start3A_357, %dma_start3A_358] : memref<2x100x128xf32, #tpu.memory_space<vmem>> -> memref<1x100x128xf32, #tpu.memory_space<vmem>>
    %dma_start3A_360 = tpu.memref_squeeze %dma_start3A_359 : memref<1x100x128xf32, #tpu.memory_space<vmem>> -> memref<100x128xf32, #tpu.memory_space<vmem>>
    %dma_start3A_361 = arith.constant 0 : i32
    %dma_start3A_362 = arith.constant 0 : i32
    %dma_start3A_363 = tpu.memref_slice %dma_start3A_360[%dma_start3A_361, %dma_start3A_362] : memref<100x128xf32, #tpu.memory_space<vmem>> -> memref<48x128xf32, #tpu.memory_space<vmem>>
    tpu.enqueue_dma source(%dma_start3A_363 : memref<48x128xf32, #tpu.memory_space<vmem>>) target(%dma_start3A_356 : memref<48x128xf32, #tpu.memory_space<vmem_shared>>) target_semaphore(%dma_start3A_354 : memref<!tpu.dma_semaphore, #tpu.memory_space<semaphore_mem>>)
    %eq3A = arith.constant 0 : i32
    %eq3A_364 = arith.cmpi eq, %arg1, %eq3A : i32
    %convert_element_type3A = arith.extui %eq3A_364 : i1 to i32
    %cond3A = arith.constant 0 : i32
    %cond3A_365 = arith.cmpi ne, %convert_element_type3A, %cond3A : i32
    scf.if %cond3A_365 {
      %dma_start3A_777 = arith.constant 0 : i32
      %dma_start3A_778 = arith.constant 1 : i32
      %dma_start3A_779 = arith.constant 0 : i32
      %dma_start3A_780 = arith.constant 0 : i32
      %dma_start3A_781 = tpu.memref_slice %arg8[%dma_start3A_777, %dma_start3A_779, %dma_start3A_780] : memref<2x100x128xf32, #tpu.memory_space<vmem>> -> memref<1x100x128xf32, #tpu.memory_space<vmem>>
      %dma_start3A_782 = tpu.memref_squeeze %dma_start3A_781 : memref<1x100x128xf32, #tpu.memory_space<vmem>> -> memref<100x128xf32, #tpu.memory_space<vmem>>
      %dma_start3A_783 = arith.constant 0 : i32
      %dma_start3A_784 = arith.constant 0 : i32
      %dma_start3A_785 = tpu.memref_slice %dma_start3A_782[%dma_start3A_783, %dma_start3A_784] : memref<100x128xf32, #tpu.memory_space<vmem>> -> memref<16x128xf32, #tpu.memory_space<vmem>>
      %dma_start3A_786 = arith.constant 9984 : i32
      %dma_start3A_787 = arith.constant 0 : i32
      %dma_start3A_788 = tpu.memref_slice %arg9[%dma_start3A_786, %dma_start3A_787] : memref<10000x128xf32, #tpu.memory_space<vmem_shared>> -> memref<16x128xf32, #tpu.memory_space<vmem_shared>>
      %dma_start3A_789 = tpu.memref_slice %arg10[%dma_start3A_778] : memref<2x!tpu.dma_semaphore, #tpu.memory_space<semaphore_mem>> -> memref<1x!tpu.dma_semaphore, #tpu.memory_space<semaphore_mem>>
      %dma_start3A_790 = tpu.memref_squeeze %dma_start3A_789 : memref<1x!tpu.dma_semaphore, #tpu.memory_space<semaphore_mem>> -> memref<!tpu.dma_semaphore, #tpu.memory_space<semaphore_mem>>
      %dma_start3A_791 = arith.constant 9984 : i32
      %dma_start3A_792 = arith.constant 0 : i32
      %dma_start3A_793 = tpu.memref_slice %arg9[%dma_start3A_791, %dma_start3A_792] : memref<10000x128xf32, #tpu.memory_space<vmem_shared>> -> memref<16x128xf32, #tpu.memory_space<vmem_shared>>
      %dma_start3A_794 = arith.constant 0 : i32
      %dma_start3A_795 = arith.constant 0 : i32
      %dma_start3A_796 = tpu.memref_slice %arg8[%dma_start3A_777, %dma_start3A_794, %dma_start3A_795] : memref<2x100x128xf32, #tpu.memory_space<vmem>> -> memref<1x100x128xf32, #tpu.memory_space<vmem>>
      %dma_start3A_797 = tpu.memref_squeeze %dma_start3A_796 : memref<1x100x128xf32, #tpu.memory_space<vmem>> -> memref<100x128xf32, #tpu.memory_space<vmem>>
      %dma_start3A_798 = arith.constant 0 : i32
      %dma_start3A_799 = arith.constant 0 : i32
      %dma_start3A_800 = tpu.memref_slice %dma_start3A_797[%dma_start3A_798, %dma_start3A_799] : memref<100x128xf32, #tpu.memory_space<vmem>> -> memref<16x128xf32, #tpu.memory_space<vmem>>
      tpu.enqueue_dma source(%dma_start3A_800 : memref<16x128xf32, #tpu.memory_space<vmem>>) target(%dma_start3A_793 : memref<16x128xf32, #tpu.memory_space<vmem_shared>>) target_semaphore(%dma_start3A_790 : memref<!tpu.dma_semaphore, #tpu.memory_space<semaphore_mem>>)
    } else {
    }
    %dma_wait3A = arith.constant 0 : i32
    %dma_wait3A_366 = arith.constant 0 : i32
    %dma_wait3A_367 = arith.constant 0 : i32
    %dma_wait3A_368 = tpu.memref_slice %arg3[%arg0, %arg1, %dma_wait3A_366, %dma_wait3A_367] : memref<2x16x100x100xi32, #tpu.memory_space<hbm>> -> memref<1x1x100x100xi32, #tpu.memory_space<hbm>>
    %dma_wait3A_369 = tpu.memref_squeeze %dma_wait3A_368 : memref<1x1x100x100xi32, #tpu.memory_space<hbm>> -> memref<100x100xi32, #tpu.memory_space<hbm>>
    %dma_wait3A_370 = tpu.memref_slice %arg10[%dma_wait3A] : memref<2x!tpu.dma_semaphore, #tpu.memory_space<semaphore_mem>> -> memref<1x!tpu.dma_semaphore, #tpu.memory_space<semaphore_mem>>
    %dma_wait3A_371 = tpu.memref_squeeze %dma_wait3A_370 : memref<1x!tpu.dma_semaphore, #tpu.memory_space<semaphore_mem>> -> memref<!tpu.dma_semaphore, #tpu.memory_space<semaphore_mem>>
    %dma_wait3A_372 = arith.constant 0 : i32
    %dma_wait3A_373 = arith.constant 0 : i32
    %dma_wait3A_374 = tpu.memref_slice %arg3[%arg0, %arg1, %dma_wait3A_372, %dma_wait3A_373] : memref<2x16x100x100xi32, #tpu.memory_space<hbm>> -> memref<1x1x100x100xi32, #tpu.memory_space<hbm>>
    %dma_wait3A_375 = tpu.memref_squeeze %dma_wait3A_374 : memref<1x1x100x100xi32, #tpu.memory_space<hbm>> -> memref<100x100xi32, #tpu.memory_space<hbm>>
    tpu.wait_dma2 semaphore(%dma_wait3A_371 : memref<!tpu.dma_semaphore, #tpu.memory_space<semaphore_mem>>) src(%dma_wait3A_375 : memref<100x100xi32, #tpu.memory_space<hbm>>) dst(%arg6 : memref<100x100xi32, #tpu.memory_space<vmem>>)
    %dma_wait3A_376 = arith.constant 0 : i32
    %dma_wait3A_377 = arith.constant 0 : i32
    %dma_wait3A_378 = arith.constant 0 : i32
    %dma_wait3A_379 = tpu.memref_slice %arg4[%arg0, %arg1, %dma_wait3A_377, %dma_wait3A_378] : memref<2x16x100x100xi32, #tpu.memory_space<hbm>> -> memref<1x1x100x100xi32, #tpu.memory_space<hbm>>
    %dma_wait3A_380 = tpu.memref_squeeze %dma_wait3A_379 : memref<1x1x100x100xi32, #tpu.memory_space<hbm>> -> memref<100x100xi32, #tpu.memory_space<hbm>>
    %dma_wait3A_381 = tpu.memref_slice %arg10[%dma_wait3A_376] : memref<2x!tpu.dma_semaphore, #tpu.memory_space<semaphore_mem>> -> memref<1x!tpu.dma_semaphore, #tpu.memory_space<semaphore_mem>>
    %dma_wait3A_382 = tpu.memref_squeeze %dma_wait3A_381 : memref<1x!tpu.dma_semaphore, #tpu.memory_space<semaphore_mem>> -> memref<!tpu.dma_semaphore, #tpu.memory_space<semaphore_mem>>
    %dma_wait3A_383 = arith.constant 0 : i32
    %dma_wait3A_384 = arith.constant 0 : i32
    %dma_wait3A_385 = tpu.memref_slice %arg4[%arg0, %arg1, %dma_wait3A_383, %dma_wait3A_384] : memref<2x16x100x100xi32, #tpu.memory_space<hbm>> -> memref<1x1x100x100xi32, #tpu.memory_space<hbm>>
    %dma_wait3A_386 = tpu.memref_squeeze %dma_wait3A_385 : memref<1x1x100x100xi32, #tpu.memory_space<hbm>> -> memref<100x100xi32, #tpu.memory_space<hbm>>
    tpu.wait_dma2 semaphore(%dma_wait3A_382 : memref<!tpu.dma_semaphore, #tpu.memory_space<semaphore_mem>>) src(%dma_wait3A_386 : memref<100x100xi32, #tpu.memory_space<hbm>>) dst(%arg7 : memref<100x100xi32, #tpu.memory_space<vmem>>)
    %mul3A_387 = arith.constant 624 : i32
    %mul3A_388 = arith.muli %arg1, %mul3A_387 : i32
    %add3A_389 = arith.constant 0 : i32
    %add3A_390 = arith.addi %mul3A_388, %add3A_389 : i32
    %dma_wait3A_391 = arith.constant 0 : i32
    %dma_wait3A_392 = arith.constant 1 : i32
    %dma_wait3A_393 = arith.constant 0 : i32
    %dma_wait3A_394 = arith.constant 0 : i32
    %dma_wait3A_395 = tpu.memref_slice %arg8[%dma_wait3A_391, %dma_wait3A_393, %dma_wait3A_394] : memref<2x100x128xf32, #tpu.memory_space<vmem>> -> memref<1x100x128xf32, #tpu.memory_space<vmem>>
    %dma_wait3A_396 = tpu.memref_squeeze %dma_wait3A_395 : memref<1x100x128xf32, #tpu.memory_space<vmem>> -> memref<100x128xf32, #tpu.memory_space<vmem>>
    %dma_wait3A_397 = arith.constant 0 : i32
    %dma_wait3A_398 = arith.constant 0 : i32
    %dma_wait3A_399 = tpu.memref_slice %dma_wait3A_396[%dma_wait3A_397, %dma_wait3A_398] : memref<100x128xf32, #tpu.memory_space<vmem>> -> memref<48x128xf32, #tpu.memory_space<vmem>>
    %dma_wait3A_400 = arith.constant 0 : i32
    %dma_wait3A_401 = tpu.memref_slice %arg9[%add3A_390, %dma_wait3A_400] : memref<10000x128xf32, #tpu.memory_space<vmem_shared>> -> memref<48x128xf32, #tpu.memory_space<vmem_shared>>
    %dma_wait3A_402 = tpu.memref_slice %arg10[%dma_wait3A_392] : memref<2x!tpu.dma_semaphore, #tpu.memory_space<semaphore_mem>> -> memref<1x!tpu.dma_semaphore, #tpu.memory_space<semaphore_mem>>
    %dma_wait3A_403 = tpu.memref_squeeze %dma_wait3A_402 : memref<1x!tpu.dma_semaphore, #tpu.memory_space<semaphore_mem>> -> memref<!tpu.dma_semaphore, #tpu.memory_space<semaphore_mem>>
    %dma_wait3A_404 = arith.constant 0 : i32
    %dma_wait3A_405 = tpu.memref_slice %arg9[%add3A_390, %dma_wait3A_404] : memref<10000x128xf32, #tpu.memory_space<vmem_shared>> -> memref<48x128xf32, #tpu.memory_space<vmem_shared>>
    %dma_wait3A_406 = arith.constant 0 : i32
    %dma_wait3A_407 = arith.constant 0 : i32
    %dma_wait3A_408 = tpu.memref_slice %arg8[%dma_wait3A_391, %dma_wait3A_406, %dma_wait3A_407] : memref<2x100x128xf32, #tpu.memory_space<vmem>> -> memref<1x100x128xf32, #tpu.memory_space<vmem>>
    %dma_wait3A_409 = tpu.memref_squeeze %dma_wait3A_408 : memref<1x100x128xf32, #tpu.memory_space<vmem>> -> memref<100x128xf32, #tpu.memory_space<vmem>>
    %dma_wait3A_410 = arith.constant 0 : i32
    %dma_wait3A_411 = arith.constant 0 : i32
    %dma_wait3A_412 = tpu.memref_slice %dma_wait3A_409[%dma_wait3A_410, %dma_wait3A_411] : memref<100x128xf32, #tpu.memory_space<vmem>> -> memref<48x128xf32, #tpu.memory_space<vmem>>
    tpu.wait_dma2 semaphore(%dma_wait3A_403 : memref<!tpu.dma_semaphore, #tpu.memory_space<semaphore_mem>>) src(%dma_wait3A_412 : memref<48x128xf32, #tpu.memory_space<vmem>>) dst(%dma_wait3A_405 : memref<48x128xf32, #tpu.memory_space<vmem_shared>>)
    %mul3A_413 = arith.constant 624 : i32
    %mul3A_414 = arith.muli %arg1, %mul3A_413 : i32
    %add3A_415 = arith.constant 48 : i32
    %add3A_416 = arith.addi %mul3A_414, %add3A_415 : i32
    %dma_wait3A_417 = arith.constant 0 : i32
    %dma_wait3A_418 = arith.constant 1 : i32
    %dma_wait3A_419 = arith.constant 0 : i32
    %dma_wait3A_420 = arith.constant 0 : i32
    %dma_wait3A_421 = tpu.memref_slice %arg8[%dma_wait3A_417, %dma_wait3A_419, %dma_wait3A_420] : memref<2x100x128xf32, #tpu.memory_space<vmem>> -> memref<1x100x128xf32, #tpu.memory_space<vmem>>
    %dma_wait3A_422 = tpu.memref_squeeze %dma_wait3A_421 : memref<1x100x128xf32, #tpu.memory_space<vmem>> -> memref<100x128xf32, #tpu.memory_space<vmem>>
    %dma_wait3A_423 = arith.constant 0 : i32
    %dma_wait3A_424 = arith.constant 0 : i32
    %dma_wait3A_425 = tpu.memref_slice %dma_wait3A_422[%dma_wait3A_423, %dma_wait3A_424] : memref<100x128xf32, #tpu.memory_space<vmem>> -> memref<48x128xf32, #tpu.memory_space<vmem>>
    %dma_wait3A_426 = arith.constant 0 : i32
    %dma_wait3A_427 = tpu.memref_slice %arg9[%add3A_416, %dma_wait3A_426] : memref<10000x128xf32, #tpu.memory_space<vmem_shared>> -> memref<48x128xf32, #tpu.memory_space<vmem_shared>>
    %dma_wait3A_428 = tpu.memref_slice %arg10[%dma_wait3A_418] : memref<2x!tpu.dma_semaphore, #tpu.memory_space<semaphore_mem>> -> memref<1x!tpu.dma_semaphore, #tpu.memory_space<semaphore_mem>>
    %dma_wait3A_429 = tpu.memref_squeeze %dma_wait3A_428 : memref<1x!tpu.dma_semaphore, #tpu.memory_space<semaphore_mem>> -> memref<!tpu.dma_semaphore, #tpu.memory_space<semaphore_mem>>
    %dma_wait3A_430 = arith.constant 0 : i32
    %dma_wait3A_431 = tpu.memref_slice %arg9[%add3A_416, %dma_wait3A_430] : memref<10000x128xf32, #tpu.memory_space<vmem_shared>> -> memref<48x128xf32, #tpu.memory_space<vmem_shared>>
    %dma_wait3A_432 = arith.constant 0 : i32
    %dma_wait3A_433 = arith.constant 0 : i32
    %dma_wait3A_434 = tpu.memref_slice %arg8[%dma_wait3A_417, %dma_wait3A_432, %dma_wait3A_433] : memref<2x100x128xf32, #tpu.memory_space<vmem>> -> memref<1x100x128xf32, #tpu.memory_space<vmem>>
    %dma_wait3A_435 = tpu.memref_squeeze %dma_wait3A_434 : memref<1x100x128xf32, #tpu.memory_space<vmem>> -> memref<100x128xf32, #tpu.memory_space<vmem>>
    %dma_wait3A_436 = arith.constant 0 : i32
    %dma_wait3A_437 = arith.constant 0 : i32
    %dma_wait3A_438 = tpu.memref_slice %dma_wait3A_435[%dma_wait3A_436, %dma_wait3A_437] : memref<100x128xf32, #tpu.memory_space<vmem>> -> memref<48x128xf32, #tpu.memory_space<vmem>>
    tpu.wait_dma2 semaphore(%dma_wait3A_429 : memref<!tpu.dma_semaphore, #tpu.memory_space<semaphore_mem>>) src(%dma_wait3A_438 : memref<48x128xf32, #tpu.memory_space<vmem>>) dst(%dma_wait3A_431 : memref<48x128xf32, #tpu.memory_space<vmem_shared>>)
    %mul3A_439 = arith.constant 624 : i32
    %mul3A_440 = arith.muli %arg1, %mul3A_439 : i32
    %add3A_441 = arith.constant 96 : i32
    %add3A_442 = arith.addi %mul3A_440, %add3A_441 : i32
    %dma_wait3A_443 = arith.constant 0 : i32
    %dma_wait3A_444 = arith.constant 1 : i32
    %dma_wait3A_445 = arith.constant 0 : i32
    %dma_wait3A_446 = arith.constant 0 : i32
    %dma_wait3A_447 = tpu.memref_slice %arg8[%dma_wait3A_443, %dma_wait3A_445, %dma_wait3A_446] : memref<2x100x128xf32, #tpu.memory_space<vmem>> -> memref<1x100x128xf32, #tpu.memory_space<vmem>>
    %dma_wait3A_448 = tpu.memref_squeeze %dma_wait3A_447 : memref<1x100x128xf32, #tpu.memory_space<vmem>> -> memref<100x128xf32, #tpu.memory_space<vmem>>
    %dma_wait3A_449 = arith.constant 0 : i32
    %dma_wait3A_450 = arith.constant 0 : i32
    %dma_wait3A_451 = tpu.memref_slice %dma_wait3A_448[%dma_wait3A_449, %dma_wait3A_450] : memref<100x128xf32, #tpu.memory_space<vmem>> -> memref<48x128xf32, #tpu.memory_space<vmem>>
    %dma_wait3A_452 = arith.constant 0 : i32
    %dma_wait3A_453 = tpu.memref_slice %arg9[%add3A_442, %dma_wait3A_452] : memref<10000x128xf32, #tpu.memory_space<vmem_shared>> -> memref<48x128xf32, #tpu.memory_space<vmem_shared>>
    %dma_wait3A_454 = tpu.memref_slice %arg10[%dma_wait3A_444] : memref<2x!tpu.dma_semaphore, #tpu.memory_space<semaphore_mem>> -> memref<1x!tpu.dma_semaphore, #tpu.memory_space<semaphore_mem>>
    %dma_wait3A_455 = tpu.memref_squeeze %dma_wait3A_454 : memref<1x!tpu.dma_semaphore, #tpu.memory_space<semaphore_mem>> -> memref<!tpu.dma_semaphore, #tpu.memory_space<semaphore_mem>>
    %dma_wait3A_456 = arith.constant 0 : i32
    %dma_wait3A_457 = tpu.memref_slice %arg9[%add3A_442, %dma_wait3A_456] : memref<10000x128xf32, #tpu.memory_space<vmem_shared>> -> memref<48x128xf32, #tpu.memory_space<vmem_shared>>
    %dma_wait3A_458 = arith.constant 0 : i32
    %dma_wait3A_459 = arith.constant 0 : i32
    %dma_wait3A_460 = tpu.memref_slice %arg8[%dma_wait3A_443, %dma_wait3A_458, %dma_wait3A_459] : memref<2x100x128xf32, #tpu.memory_space<vmem>> -> memref<1x100x128xf32, #tpu.memory_space<vmem>>
    %dma_wait3A_461 = tpu.memref_squeeze %dma_wait3A_460 : memref<1x100x128xf32, #tpu.memory_space<vmem>> -> memref<100x128xf32, #tpu.memory_space<vmem>>
    %dma_wait3A_462 = arith.constant 0 : i32
    %dma_wait3A_463 = arith.constant 0 : i32
    %dma_wait3A_464 = tpu.memref_slice %dma_wait3A_461[%dma_wait3A_462, %dma_wait3A_463] : memref<100x128xf32, #tpu.memory_space<vmem>> -> memref<48x128xf32, #tpu.memory_space<vmem>>
    tpu.wait_dma2 semaphore(%dma_wait3A_455 : memref<!tpu.dma_semaphore, #tpu.memory_space<semaphore_mem>>) src(%dma_wait3A_464 : memref<48x128xf32, #tpu.memory_space<vmem>>) dst(%dma_wait3A_457 : memref<48x128xf32, #tpu.memory_space<vmem_shared>>)
    %mul3A_465 = arith.constant 624 : i32
    %mul3A_466 = arith.muli %arg1, %mul3A_465 : i32
    %add3A_467 = arith.constant 144 : i32
    %add3A_468 = arith.addi %mul3A_466, %add3A_467 : i32
    %dma_wait3A_469 = arith.constant 0 : i32
    %dma_wait3A_470 = arith.constant 1 : i32
    %dma_wait3A_471 = arith.constant 0 : i32
    %dma_wait3A_472 = arith.constant 0 : i32
    %dma_wait3A_473 = tpu.memref_slice %arg8[%dma_wait3A_469, %dma_wait3A_471, %dma_wait3A_472] : memref<2x100x128xf32, #tpu.memory_space<vmem>> -> memref<1x100x128xf32, #tpu.memory_space<vmem>>
    %dma_wait3A_474 = tpu.memref_squeeze %dma_wait3A_473 : memref<1x100x128xf32, #tpu.memory_space<vmem>> -> memref<100x128xf32, #tpu.memory_space<vmem>>
    %dma_wait3A_475 = arith.constant 0 : i32
    %dma_wait3A_476 = arith.constant 0 : i32
    %dma_wait3A_477 = tpu.memref_slice %dma_wait3A_474[%dma_wait3A_475, %dma_wait3A_476] : memref<100x128xf32, #tpu.memory_space<vmem>> -> memref<48x128xf32, #tpu.memory_space<vmem>>
    %dma_wait3A_478 = arith.constant 0 : i32
    %dma_wait3A_479 = tpu.memref_slice %arg9[%add3A_468, %dma_wait3A_478] : memref<10000x128xf32, #tpu.memory_space<vmem_shared>> -> memref<48x128xf32, #tpu.memory_space<vmem_shared>>
    %dma_wait3A_480 = tpu.memref_slice %arg10[%dma_wait3A_470] : memref<2x!tpu.dma_semaphore, #tpu.memory_space<semaphore_mem>> -> memref<1x!tpu.dma_semaphore, #tpu.memory_space<semaphore_mem>>
    %dma_wait3A_481 = tpu.memref_squeeze %dma_wait3A_480 : memref<1x!tpu.dma_semaphore, #tpu.memory_space<semaphore_mem>> -> memref<!tpu.dma_semaphore, #tpu.memory_space<semaphore_mem>>
    %dma_wait3A_482 = arith.constant 0 : i32
    %dma_wait3A_483 = tpu.memref_slice %arg9[%add3A_468, %dma_wait3A_482] : memref<10000x128xf32, #tpu.memory_space<vmem_shared>> -> memref<48x128xf32, #tpu.memory_space<vmem_shared>>
    %dma_wait3A_484 = arith.constant 0 : i32
    %dma_wait3A_485 = arith.constant 0 : i32
    %dma_wait3A_486 = tpu.memref_slice %arg8[%dma_wait3A_469, %dma_wait3A_484, %dma_wait3A_485] : memref<2x100x128xf32, #tpu.memory_space<vmem>> -> memref<1x100x128xf32, #tpu.memory_space<vmem>>
    %dma_wait3A_487 = tpu.memref_squeeze %dma_wait3A_486 : memref<1x100x128xf32, #tpu.memory_space<vmem>> -> memref<100x128xf32, #tpu.memory_space<vmem>>
    %dma_wait3A_488 = arith.constant 0 : i32
    %dma_wait3A_489 = arith.constant 0 : i32
    %dma_wait3A_490 = tpu.memref_slice %dma_wait3A_487[%dma_wait3A_488, %dma_wait3A_489] : memref<100x128xf32, #tpu.memory_space<vmem>> -> memref<48x128xf32, #tpu.memory_space<vmem>>
    tpu.wait_dma2 semaphore(%dma_wait3A_481 : memref<!tpu.dma_semaphore, #tpu.memory_space<semaphore_mem>>) src(%dma_wait3A_490 : memref<48x128xf32, #tpu.memory_space<vmem>>) dst(%dma_wait3A_483 : memref<48x128xf32, #tpu.memory_space<vmem_shared>>)
    %mul3A_491 = arith.constant 624 : i32
    %mul3A_492 = arith.muli %arg1, %mul3A_491 : i32
    %add3A_493 = arith.constant 192 : i32
    %add3A_494 = arith.addi %mul3A_492, %add3A_493 : i32
    %dma_wait3A_495 = arith.constant 0 : i32
    %dma_wait3A_496 = arith.constant 1 : i32
    %dma_wait3A_497 = arith.constant 0 : i32
    %dma_wait3A_498 = arith.constant 0 : i32
    %dma_wait3A_499 = tpu.memref_slice %arg8[%dma_wait3A_495, %dma_wait3A_497, %dma_wait3A_498] : memref<2x100x128xf32, #tpu.memory_space<vmem>> -> memref<1x100x128xf32, #tpu.memory_space<vmem>>
    %dma_wait3A_500 = tpu.memref_squeeze %dma_wait3A_499 : memref<1x100x128xf32, #tpu.memory_space<vmem>> -> memref<100x128xf32, #tpu.memory_space<vmem>>
    %dma_wait3A_501 = arith.constant 0 : i32
    %dma_wait3A_502 = arith.constant 0 : i32
    %dma_wait3A_503 = tpu.memref_slice %dma_wait3A_500[%dma_wait3A_501, %dma_wait3A_502] : memref<100x128xf32, #tpu.memory_space<vmem>> -> memref<48x128xf32, #tpu.memory_space<vmem>>
    %dma_wait3A_504 = arith.constant 0 : i32
    %dma_wait3A_505 = tpu.memref_slice %arg9[%add3A_494, %dma_wait3A_504] : memref<10000x128xf32, #tpu.memory_space<vmem_shared>> -> memref<48x128xf32, #tpu.memory_space<vmem_shared>>
    %dma_wait3A_506 = tpu.memref_slice %arg10[%dma_wait3A_496] : memref<2x!tpu.dma_semaphore, #tpu.memory_space<semaphore_mem>> -> memref<1x!tpu.dma_semaphore, #tpu.memory_space<semaphore_mem>>
    %dma_wait3A_507 = tpu.memref_squeeze %dma_wait3A_506 : memref<1x!tpu.dma_semaphore, #tpu.memory_space<semaphore_mem>> -> memref<!tpu.dma_semaphore, #tpu.memory_space<semaphore_mem>>
    %dma_wait3A_508 = arith.constant 0 : i32
    %dma_wait3A_509 = tpu.memref_slice %arg9[%add3A_494, %dma_wait3A_508] : memref<10000x128xf32, #tpu.memory_space<vmem_shared>> -> memref<48x128xf32, #tpu.memory_space<vmem_shared>>
    %dma_wait3A_510 = arith.constant 0 : i32
    %dma_wait3A_511 = arith.constant 0 : i32
    %dma_wait3A_512 = tpu.memref_slice %arg8[%dma_wait3A_495, %dma_wait3A_510, %dma_wait3A_511] : memref<2x100x128xf32, #tpu.memory_space<vmem>> -> memref<1x100x128xf32, #tpu.memory_space<vmem>>
    %dma_wait3A_513 = tpu.memref_squeeze %dma_wait3A_512 : memref<1x100x128xf32, #tpu.memory_space<vmem>> -> memref<100x128xf32, #tpu.memory_space<vmem>>
    %dma_wait3A_514 = arith.constant 0 : i32
    %dma_wait3A_515 = arith.constant 0 : i32
    %dma_wait3A_516 = tpu.memref_slice %dma_wait3A_513[%dma_wait3A_514, %dma_wait3A_515] : memref<100x128xf32, #tpu.memory_space<vmem>> -> memref<48x128xf32, #tpu.memory_space<vmem>>
    tpu.wait_dma2 semaphore(%dma_wait3A_507 : memref<!tpu.dma_semaphore, #tpu.memory_space<semaphore_mem>>) src(%dma_wait3A_516 : memref<48x128xf32, #tpu.memory_space<vmem>>) dst(%dma_wait3A_509 : memref<48x128xf32, #tpu.memory_space<vmem_shared>>)
    %mul3A_517 = arith.constant 624 : i32
    %mul3A_518 = arith.muli %arg1, %mul3A_517 : i32
    %add3A_519 = arith.constant 240 : i32
    %add3A_520 = arith.addi %mul3A_518, %add3A_519 : i32
    %dma_wait3A_521 = arith.constant 0 : i32
    %dma_wait3A_522 = arith.constant 1 : i32
    %dma_wait3A_523 = arith.constant 0 : i32
    %dma_wait3A_524 = arith.constant 0 : i32
    %dma_wait3A_525 = tpu.memref_slice %arg8[%dma_wait3A_521, %dma_wait3A_523, %dma_wait3A_524] : memref<2x100x128xf32, #tpu.memory_space<vmem>> -> memref<1x100x128xf32, #tpu.memory_space<vmem>>
    %dma_wait3A_526 = tpu.memref_squeeze %dma_wait3A_525 : memref<1x100x128xf32, #tpu.memory_space<vmem>> -> memref<100x128xf32, #tpu.memory_space<vmem>>
    %dma_wait3A_527 = arith.constant 0 : i32
    %dma_wait3A_528 = arith.constant 0 : i32
    %dma_wait3A_529 = tpu.memref_slice %dma_wait3A_526[%dma_wait3A_527, %dma_wait3A_528] : memref<100x128xf32, #tpu.memory_space<vmem>> -> memref<48x128xf32, #tpu.memory_space<vmem>>
    %dma_wait3A_530 = arith.constant 0 : i32
    %dma_wait3A_531 = tpu.memref_slice %arg9[%add3A_520, %dma_wait3A_530] : memref<10000x128xf32, #tpu.memory_space<vmem_shared>> -> memref<48x128xf32, #tpu.memory_space<vmem_shared>>
    %dma_wait3A_532 = tpu.memref_slice %arg10[%dma_wait3A_522] : memref<2x!tpu.dma_semaphore, #tpu.memory_space<semaphore_mem>> -> memref<1x!tpu.dma_semaphore, #tpu.memory_space<semaphore_mem>>
    %dma_wait3A_533 = tpu.memref_squeeze %dma_wait3A_532 : memref<1x!tpu.dma_semaphore, #tpu.memory_space<semaphore_mem>> -> memref<!tpu.dma_semaphore, #tpu.memory_space<semaphore_mem>>
    %dma_wait3A_534 = arith.constant 0 : i32
    %dma_wait3A_535 = tpu.memref_slice %arg9[%add3A_520, %dma_wait3A_534] : memref<10000x128xf32, #tpu.memory_space<vmem_shared>> -> memref<48x128xf32, #tpu.memory_space<vmem_shared>>
    %dma_wait3A_536 = arith.constant 0 : i32
    %dma_wait3A_537 = arith.constant 0 : i32
    %dma_wait3A_538 = tpu.memref_slice %arg8[%dma_wait3A_521, %dma_wait3A_536, %dma_wait3A_537] : memref<2x100x128xf32, #tpu.memory_space<vmem>> -> memref<1x100x128xf32, #tpu.memory_space<vmem>>
    %dma_wait3A_539 = tpu.memref_squeeze %dma_wait3A_538 : memref<1x100x128xf32, #tpu.memory_space<vmem>> -> memref<100x128xf32, #tpu.memory_space<vmem>>
    %dma_wait3A_540 = arith.constant 0 : i32
    %dma_wait3A_541 = arith.constant 0 : i32
    %dma_wait3A_542 = tpu.memref_slice %dma_wait3A_539[%dma_wait3A_540, %dma_wait3A_541] : memref<100x128xf32, #tpu.memory_space<vmem>> -> memref<48x128xf32, #tpu.memory_space<vmem>>
    tpu.wait_dma2 semaphore(%dma_wait3A_533 : memref<!tpu.dma_semaphore, #tpu.memory_space<semaphore_mem>>) src(%dma_wait3A_542 : memref<48x128xf32, #tpu.memory_space<vmem>>) dst(%dma_wait3A_535 : memref<48x128xf32, #tpu.memory_space<vmem_shared>>)
    %mul3A_543 = arith.constant 624 : i32
    %mul3A_544 = arith.muli %arg1, %mul3A_543 : i32
    %add3A_545 = arith.constant 288 : i32
    %add3A_546 = arith.addi %mul3A_544, %add3A_545 : i32
    %dma_wait3A_547 = arith.constant 0 : i32
    %dma_wait3A_548 = arith.constant 1 : i32
    %dma_wait3A_549 = arith.constant 0 : i32
    %dma_wait3A_550 = arith.constant 0 : i32
    %dma_wait3A_551 = tpu.memref_slice %arg8[%dma_wait3A_547, %dma_wait3A_549, %dma_wait3A_550] : memref<2x100x128xf32, #tpu.memory_space<vmem>> -> memref<1x100x128xf32, #tpu.memory_space<vmem>>
    %dma_wait3A_552 = tpu.memref_squeeze %dma_wait3A_551 : memref<1x100x128xf32, #tpu.memory_space<vmem>> -> memref<100x128xf32, #tpu.memory_space<vmem>>
    %dma_wait3A_553 = arith.constant 0 : i32
    %dma_wait3A_554 = arith.constant 0 : i32
    %dma_wait3A_555 = tpu.memref_slice %dma_wait3A_552[%dma_wait3A_553, %dma_wait3A_554] : memref<100x128xf32, #tpu.memory_space<vmem>> -> memref<48x128xf32, #tpu.memory_space<vmem>>
    %dma_wait3A_556 = arith.constant 0 : i32
    %dma_wait3A_557 = tpu.memref_slice %arg9[%add3A_546, %dma_wait3A_556] : memref<10000x128xf32, #tpu.memory_space<vmem_shared>> -> memref<48x128xf32, #tpu.memory_space<vmem_shared>>
    %dma_wait3A_558 = tpu.memref_slice %arg10[%dma_wait3A_548] : memref<2x!tpu.dma_semaphore, #tpu.memory_space<semaphore_mem>> -> memref<1x!tpu.dma_semaphore, #tpu.memory_space<semaphore_mem>>
    %dma_wait3A_559 = tpu.memref_squeeze %dma_wait3A_558 : memref<1x!tpu.dma_semaphore, #tpu.memory_space<semaphore_mem>> -> memref<!tpu.dma_semaphore, #tpu.memory_space<semaphore_mem>>
    %dma_wait3A_560 = arith.constant 0 : i32
    %dma_wait3A_561 = tpu.memref_slice %arg9[%add3A_546, %dma_wait3A_560] : memref<10000x128xf32, #tpu.memory_space<vmem_shared>> -> memref<48x128xf32, #tpu.memory_space<vmem_shared>>
    %dma_wait3A_562 = arith.constant 0 : i32
    %dma_wait3A_563 = arith.constant 0 : i32
    %dma_wait3A_564 = tpu.memref_slice %arg8[%dma_wait3A_547, %dma_wait3A_562, %dma_wait3A_563] : memref<2x100x128xf32, #tpu.memory_space<vmem>> -> memref<1x100x128xf32, #tpu.memory_space<vmem>>
    %dma_wait3A_565 = tpu.memref_squeeze %dma_wait3A_564 : memref<1x100x128xf32, #tpu.memory_space<vmem>> -> memref<100x128xf32, #tpu.memory_space<vmem>>
    %dma_wait3A_566 = arith.constant 0 : i32
    %dma_wait3A_567 = arith.constant 0 : i32
    %dma_wait3A_568 = tpu.memref_slice %dma_wait3A_565[%dma_wait3A_566, %dma_wait3A_567] : memref<100x128xf32, #tpu.memory_space<vmem>> -> memref<48x128xf32, #tpu.memory_space<vmem>>
    tpu.wait_dma2 semaphore(%dma_wait3A_559 : memref<!tpu.dma_semaphore, #tpu.memory_space<semaphore_mem>>) src(%dma_wait3A_568 : memref<48x128xf32, #tpu.memory_space<vmem>>) dst(%dma_wait3A_561 : memref<48x128xf32, #tpu.memory_space<vmem_shared>>)
    %mul3A_569 = arith.constant 624 : i32
    %mul3A_570 = arith.muli %arg1, %mul3A_569 : i32
    %add3A_571 = arith.constant 336 : i32
    %add3A_572 = arith.addi %mul3A_570, %add3A_571 : i32
    %dma_wait3A_573 = arith.constant 0 : i32
    %dma_wait3A_574 = arith.constant 1 : i32
    %dma_wait3A_575 = arith.constant 0 : i32
    %dma_wait3A_576 = arith.constant 0 : i32
    %dma_wait3A_577 = tpu.memref_slice %arg8[%dma_wait3A_573, %dma_wait3A_575, %dma_wait3A_576] : memref<2x100x128xf32, #tpu.memory_space<vmem>> -> memref<1x100x128xf32, #tpu.memory_space<vmem>>
    %dma_wait3A_578 = tpu.memref_squeeze %dma_wait3A_577 : memref<1x100x128xf32, #tpu.memory_space<vmem>> -> memref<100x128xf32, #tpu.memory_space<vmem>>
    %dma_wait3A_579 = arith.constant 0 : i32
    %dma_wait3A_580 = arith.constant 0 : i32
    %dma_wait3A_581 = tpu.memref_slice %dma_wait3A_578[%dma_wait3A_579, %dma_wait3A_580] : memref<100x128xf32, #tpu.memory_space<vmem>> -> memref<48x128xf32, #tpu.memory_space<vmem>>
    %dma_wait3A_582 = arith.constant 0 : i32
    %dma_wait3A_583 = tpu.memref_slice %arg9[%add3A_572, %dma_wait3A_582] : memref<10000x128xf32, #tpu.memory_space<vmem_shared>> -> memref<48x128xf32, #tpu.memory_space<vmem_shared>>
    %dma_wait3A_584 = tpu.memref_slice %arg10[%dma_wait3A_574] : memref<2x!tpu.dma_semaphore, #tpu.memory_space<semaphore_mem>> -> memref<1x!tpu.dma_semaphore, #tpu.memory_space<semaphore_mem>>
    %dma_wait3A_585 = tpu.memref_squeeze %dma_wait3A_584 : memref<1x!tpu.dma_semaphore, #tpu.memory_space<semaphore_mem>> -> memref<!tpu.dma_semaphore, #tpu.memory_space<semaphore_mem>>
    %dma_wait3A_586 = arith.constant 0 : i32
    %dma_wait3A_587 = tpu.memref_slice %arg9[%add3A_572, %dma_wait3A_586] : memref<10000x128xf32, #tpu.memory_space<vmem_shared>> -> memref<48x128xf32, #tpu.memory_space<vmem_shared>>
    %dma_wait3A_588 = arith.constant 0 : i32
    %dma_wait3A_589 = arith.constant 0 : i32
    %dma_wait3A_590 = tpu.memref_slice %arg8[%dma_wait3A_573, %dma_wait3A_588, %dma_wait3A_589] : memref<2x100x128xf32, #tpu.memory_space<vmem>> -> memref<1x100x128xf32, #tpu.memory_space<vmem>>
    %dma_wait3A_591 = tpu.memref_squeeze %dma_wait3A_590 : memref<1x100x128xf32, #tpu.memory_space<vmem>> -> memref<100x128xf32, #tpu.memory_space<vmem>>
    %dma_wait3A_592 = arith.constant 0 : i32
    %dma_wait3A_593 = arith.constant 0 : i32
    %dma_wait3A_594 = tpu.memref_slice %dma_wait3A_591[%dma_wait3A_592, %dma_wait3A_593] : memref<100x128xf32, #tpu.memory_space<vmem>> -> memref<48x128xf32, #tpu.memory_space<vmem>>
    tpu.wait_dma2 semaphore(%dma_wait3A_585 : memref<!tpu.dma_semaphore, #tpu.memory_space<semaphore_mem>>) src(%dma_wait3A_594 : memref<48x128xf32, #tpu.memory_space<vmem>>) dst(%dma_wait3A_587 : memref<48x128xf32, #tpu.memory_space<vmem_shared>>)
    %mul3A_595 = arith.constant 624 : i32
    %mul3A_596 = arith.muli %arg1, %mul3A_595 : i32
    %add3A_597 = arith.constant 384 : i32
    %add3A_598 = arith.addi %mul3A_596, %add3A_597 : i32
    %dma_wait3A_599 = arith.constant 0 : i32
    %dma_wait3A_600 = arith.constant 1 : i32
    %dma_wait3A_601 = arith.constant 0 : i32
    %dma_wait3A_602 = arith.constant 0 : i32
    %dma_wait3A_603 = tpu.memref_slice %arg8[%dma_wait3A_599, %dma_wait3A_601, %dma_wait3A_602] : memref<2x100x128xf32, #tpu.memory_space<vmem>> -> memref<1x100x128xf32, #tpu.memory_space<vmem>>
    %dma_wait3A_604 = tpu.memref_squeeze %dma_wait3A_603 : memref<1x100x128xf32, #tpu.memory_space<vmem>> -> memref<100x128xf32, #tpu.memory_space<vmem>>
    %dma_wait3A_605 = arith.constant 0 : i32
    %dma_wait3A_606 = arith.constant 0 : i32
    %dma_wait3A_607 = tpu.memref_slice %dma_wait3A_604[%dma_wait3A_605, %dma_wait3A_606] : memref<100x128xf32, #tpu.memory_space<vmem>> -> memref<48x128xf32, #tpu.memory_space<vmem>>
    %dma_wait3A_608 = arith.constant 0 : i32
    %dma_wait3A_609 = tpu.memref_slice %arg9[%add3A_598, %dma_wait3A_608] : memref<10000x128xf32, #tpu.memory_space<vmem_shared>> -> memref<48x128xf32, #tpu.memory_space<vmem_shared>>
    %dma_wait3A_610 = tpu.memref_slice %arg10[%dma_wait3A_600] : memref<2x!tpu.dma_semaphore, #tpu.memory_space<semaphore_mem>> -> memref<1x!tpu.dma_semaphore, #tpu.memory_space<semaphore_mem>>
    %dma_wait3A_611 = tpu.memref_squeeze %dma_wait3A_610 : memref<1x!tpu.dma_semaphore, #tpu.memory_space<semaphore_mem>> -> memref<!tpu.dma_semaphore, #tpu.memory_space<semaphore_mem>>
    %dma_wait3A_612 = arith.constant 0 : i32
    %dma_wait3A_613 = tpu.memref_slice %arg9[%add3A_598, %dma_wait3A_612] : memref<10000x128xf32, #tpu.memory_space<vmem_shared>> -> memref<48x128xf32, #tpu.memory_space<vmem_shared>>
    %dma_wait3A_614 = arith.constant 0 : i32
    %dma_wait3A_615 = arith.constant 0 : i32
    %dma_wait3A_616 = tpu.memref_slice %arg8[%dma_wait3A_599, %dma_wait3A_614, %dma_wait3A_615] : memref<2x100x128xf32, #tpu.memory_space<vmem>> -> memref<1x100x128xf32, #tpu.memory_space<vmem>>
    %dma_wait3A_617 = tpu.memref_squeeze %dma_wait3A_616 : memref<1x100x128xf32, #tpu.memory_space<vmem>> -> memref<100x128xf32, #tpu.memory_space<vmem>>
    %dma_wait3A_618 = arith.constant 0 : i32
    %dma_wait3A_619 = arith.constant 0 : i32
    %dma_wait3A_620 = tpu.memref_slice %dma_wait3A_617[%dma_wait3A_618, %dma_wait3A_619] : memref<100x128xf32, #tpu.memory_space<vmem>> -> memref<48x128xf32, #tpu.memory_space<vmem>>
    tpu.wait_dma2 semaphore(%dma_wait3A_611 : memref<!tpu.dma_semaphore, #tpu.memory_space<semaphore_mem>>) src(%dma_wait3A_620 : memref<48x128xf32, #tpu.memory_space<vmem>>) dst(%dma_wait3A_613 : memref<48x128xf32, #tpu.memory_space<vmem_shared>>)
    %mul3A_621 = arith.constant 624 : i32
    %mul3A_622 = arith.muli %arg1, %mul3A_621 : i32
    %add3A_623 = arith.constant 432 : i32
    %add3A_624 = arith.addi %mul3A_622, %add3A_623 : i32
    %dma_wait3A_625 = arith.constant 0 : i32
    %dma_wait3A_626 = arith.constant 1 : i32
    %dma_wait3A_627 = arith.constant 0 : i32
    %dma_wait3A_628 = arith.constant 0 : i32
    %dma_wait3A_629 = tpu.memref_slice %arg8[%dma_wait3A_625, %dma_wait3A_627, %dma_wait3A_628] : memref<2x100x128xf32, #tpu.memory_space<vmem>> -> memref<1x100x128xf32, #tpu.memory_space<vmem>>
    %dma_wait3A_630 = tpu.memref_squeeze %dma_wait3A_629 : memref<1x100x128xf32, #tpu.memory_space<vmem>> -> memref<100x128xf32, #tpu.memory_space<vmem>>
    %dma_wait3A_631 = arith.constant 0 : i32
    %dma_wait3A_632 = arith.constant 0 : i32
    %dma_wait3A_633 = tpu.memref_slice %dma_wait3A_630[%dma_wait3A_631, %dma_wait3A_632] : memref<100x128xf32, #tpu.memory_space<vmem>> -> memref<48x128xf32, #tpu.memory_space<vmem>>
    %dma_wait3A_634 = arith.constant 0 : i32
    %dma_wait3A_635 = tpu.memref_slice %arg9[%add3A_624, %dma_wait3A_634] : memref<10000x128xf32, #tpu.memory_space<vmem_shared>> -> memref<48x128xf32, #tpu.memory_space<vmem_shared>>
    %dma_wait3A_636 = tpu.memref_slice %arg10[%dma_wait3A_626] : memref<2x!tpu.dma_semaphore, #tpu.memory_space<semaphore_mem>> -> memref<1x!tpu.dma_semaphore, #tpu.memory_space<semaphore_mem>>
    %dma_wait3A_637 = tpu.memref_squeeze %dma_wait3A_636 : memref<1x!tpu.dma_semaphore, #tpu.memory_space<semaphore_mem>> -> memref<!tpu.dma_semaphore, #tpu.memory_space<semaphore_mem>>
    %dma_wait3A_638 = arith.constant 0 : i32
    %dma_wait3A_639 = tpu.memref_slice %arg9[%add3A_624, %dma_wait3A_638] : memref<10000x128xf32, #tpu.memory_space<vmem_shared>> -> memref<48x128xf32, #tpu.memory_space<vmem_shared>>
    %dma_wait3A_640 = arith.constant 0 : i32
    %dma_wait3A_641 = arith.constant 0 : i32
    %dma_wait3A_642 = tpu.memref_slice %arg8[%dma_wait3A_625, %dma_wait3A_640, %dma_wait3A_641] : memref<2x100x128xf32, #tpu.memory_space<vmem>> -> memref<1x100x128xf32, #tpu.memory_space<vmem>>
    %dma_wait3A_643 = tpu.memref_squeeze %dma_wait3A_642 : memref<1x100x128xf32, #tpu.memory_space<vmem>> -> memref<100x128xf32, #tpu.memory_space<vmem>>
    %dma_wait3A_644 = arith.constant 0 : i32
    %dma_wait3A_645 = arith.constant 0 : i32
    %dma_wait3A_646 = tpu.memref_slice %dma_wait3A_643[%dma_wait3A_644, %dma_wait3A_645] : memref<100x128xf32, #tpu.memory_space<vmem>> -> memref<48x128xf32, #tpu.memory_space<vmem>>
    tpu.wait_dma2 semaphore(%dma_wait3A_637 : memref<!tpu.dma_semaphore, #tpu.memory_space<semaphore_mem>>) src(%dma_wait3A_646 : memref<48x128xf32, #tpu.memory_space<vmem>>) dst(%dma_wait3A_639 : memref<48x128xf32, #tpu.memory_space<vmem_shared>>)
    %mul3A_647 = arith.constant 624 : i32
    %mul3A_648 = arith.muli %arg1, %mul3A_647 : i32
    %add3A_649 = arith.constant 480 : i32
    %add3A_650 = arith.addi %mul3A_648, %add3A_649 : i32
    %dma_wait3A_651 = arith.constant 0 : i32
    %dma_wait3A_652 = arith.constant 1 : i32
    %dma_wait3A_653 = arith.constant 0 : i32
    %dma_wait3A_654 = arith.constant 0 : i32
    %dma_wait3A_655 = tpu.memref_slice %arg8[%dma_wait3A_651, %dma_wait3A_653, %dma_wait3A_654] : memref<2x100x128xf32, #tpu.memory_space<vmem>> -> memref<1x100x128xf32, #tpu.memory_space<vmem>>
    %dma_wait3A_656 = tpu.memref_squeeze %dma_wait3A_655 : memref<1x100x128xf32, #tpu.memory_space<vmem>> -> memref<100x128xf32, #tpu.memory_space<vmem>>
    %dma_wait3A_657 = arith.constant 0 : i32
    %dma_wait3A_658 = arith.constant 0 : i32
    %dma_wait3A_659 = tpu.memref_slice %dma_wait3A_656[%dma_wait3A_657, %dma_wait3A_658] : memref<100x128xf32, #tpu.memory_space<vmem>> -> memref<48x128xf32, #tpu.memory_space<vmem>>
    %dma_wait3A_660 = arith.constant 0 : i32
    %dma_wait3A_661 = tpu.memref_slice %arg9[%add3A_650, %dma_wait3A_660] : memref<10000x128xf32, #tpu.memory_space<vmem_shared>> -> memref<48x128xf32, #tpu.memory_space<vmem_shared>>
    %dma_wait3A_662 = tpu.memref_slice %arg10[%dma_wait3A_652] : memref<2x!tpu.dma_semaphore, #tpu.memory_space<semaphore_mem>> -> memref<1x!tpu.dma_semaphore, #tpu.memory_space<semaphore_mem>>
    %dma_wait3A_663 = tpu.memref_squeeze %dma_wait3A_662 : memref<1x!tpu.dma_semaphore, #tpu.memory_space<semaphore_mem>> -> memref<!tpu.dma_semaphore, #tpu.memory_space<semaphore_mem>>
    %dma_wait3A_664 = arith.constant 0 : i32
    %dma_wait3A_665 = tpu.memref_slice %arg9[%add3A_650, %dma_wait3A_664] : memref<10000x128xf32, #tpu.memory_space<vmem_shared>> -> memref<48x128xf32, #tpu.memory_space<vmem_shared>>
    %dma_wait3A_666 = arith.constant 0 : i32
    %dma_wait3A_667 = arith.constant 0 : i32
    %dma_wait3A_668 = tpu.memref_slice %arg8[%dma_wait3A_651, %dma_wait3A_666, %dma_wait3A_667] : memref<2x100x128xf32, #tpu.memory_space<vmem>> -> memref<1x100x128xf32, #tpu.memory_space<vmem>>
    %dma_wait3A_669 = tpu.memref_squeeze %dma_wait3A_668 : memref<1x100x128xf32, #tpu.memory_space<vmem>> -> memref<100x128xf32, #tpu.memory_space<vmem>>
    %dma_wait3A_670 = arith.constant 0 : i32
    %dma_wait3A_671 = arith.constant 0 : i32
    %dma_wait3A_672 = tpu.memref_slice %dma_wait3A_669[%dma_wait3A_670, %dma_wait3A_671] : memref<100x128xf32, #tpu.memory_space<vmem>> -> memref<48x128xf32, #tpu.memory_space<vmem>>
    tpu.wait_dma2 semaphore(%dma_wait3A_663 : memref<!tpu.dma_semaphore, #tpu.memory_space<semaphore_mem>>) src(%dma_wait3A_672 : memref<48x128xf32, #tpu.memory_space<vmem>>) dst(%dma_wait3A_665 : memref<48x128xf32, #tpu.memory_space<vmem_shared>>)
    %mul3A_673 = arith.constant 624 : i32
    %mul3A_674 = arith.muli %arg1, %mul3A_673 : i32
    %add3A_675 = arith.constant 528 : i32
    %add3A_676 = arith.addi %mul3A_674, %add3A_675 : i32
    %dma_wait3A_677 = arith.constant 0 : i32
    %dma_wait3A_678 = arith.constant 1 : i32
    %dma_wait3A_679 = arith.constant 0 : i32
    %dma_wait3A_680 = arith.constant 0 : i32
    %dma_wait3A_681 = tpu.memref_slice %arg8[%dma_wait3A_677, %dma_wait3A_679, %dma_wait3A_680] : memref<2x100x128xf32, #tpu.memory_space<vmem>> -> memref<1x100x128xf32, #tpu.memory_space<vmem>>
    %dma_wait3A_682 = tpu.memref_squeeze %dma_wait3A_681 : memref<1x100x128xf32, #tpu.memory_space<vmem>> -> memref<100x128xf32, #tpu.memory_space<vmem>>
    %dma_wait3A_683 = arith.constant 0 : i32
    %dma_wait3A_684 = arith.constant 0 : i32
    %dma_wait3A_685 = tpu.memref_slice %dma_wait3A_682[%dma_wait3A_683, %dma_wait3A_684] : memref<100x128xf32, #tpu.memory_space<vmem>> -> memref<48x128xf32, #tpu.memory_space<vmem>>
    %dma_wait3A_686 = arith.constant 0 : i32
    %dma_wait3A_687 = tpu.memref_slice %arg9[%add3A_676, %dma_wait3A_686] : memref<10000x128xf32, #tpu.memory_space<vmem_shared>> -> memref<48x128xf32, #tpu.memory_space<vmem_shared>>
    %dma_wait3A_688 = tpu.memref_slice %arg10[%dma_wait3A_678] : memref<2x!tpu.dma_semaphore, #tpu.memory_space<semaphore_mem>> -> memref<1x!tpu.dma_semaphore, #tpu.memory_space<semaphore_mem>>
    %dma_wait3A_689 = tpu.memref_squeeze %dma_wait3A_688 : memref<1x!tpu.dma_semaphore, #tpu.memory_space<semaphore_mem>> -> memref<!tpu.dma_semaphore, #tpu.memory_space<semaphore_mem>>
    %dma_wait3A_690 = arith.constant 0 : i32
    %dma_wait3A_691 = tpu.memref_slice %arg9[%add3A_676, %dma_wait3A_690] : memref<10000x128xf32, #tpu.memory_space<vmem_shared>> -> memref<48x128xf32, #tpu.memory_space<vmem_shared>>
    %dma_wait3A_692 = arith.constant 0 : i32
    %dma_wait3A_693 = arith.constant 0 : i32
    %dma_wait3A_694 = tpu.memref_slice %arg8[%dma_wait3A_677, %dma_wait3A_692, %dma_wait3A_693] : memref<2x100x128xf32, #tpu.memory_space<vmem>> -> memref<1x100x128xf32, #tpu.memory_space<vmem>>
    %dma_wait3A_695 = tpu.memref_squeeze %dma_wait3A_694 : memref<1x100x128xf32, #tpu.memory_space<vmem>> -> memref<100x128xf32, #tpu.memory_space<vmem>>
    %dma_wait3A_696 = arith.constant 0 : i32
    %dma_wait3A_697 = arith.constant 0 : i32
    %dma_wait3A_698 = tpu.memref_slice %dma_wait3A_695[%dma_wait3A_696, %dma_wait3A_697] : memref<100x128xf32, #tpu.memory_space<vmem>> -> memref<48x128xf32, #tpu.memory_space<vmem>>
    tpu.wait_dma2 semaphore(%dma_wait3A_689 : memref<!tpu.dma_semaphore, #tpu.memory_space<semaphore_mem>>) src(%dma_wait3A_698 : memref<48x128xf32, #tpu.memory_space<vmem>>) dst(%dma_wait3A_691 : memref<48x128xf32, #tpu.memory_space<vmem_shared>>)
    %mul3A_699 = arith.constant 624 : i32
    %mul3A_700 = arith.muli %arg1, %mul3A_699 : i32
    %add3A_701 = arith.constant 576 : i32
    %add3A_702 = arith.addi %mul3A_700, %add3A_701 : i32
    %dma_wait3A_703 = arith.constant 0 : i32
    %dma_wait3A_704 = arith.constant 1 : i32
    %dma_wait3A_705 = arith.constant 0 : i32
    %dma_wait3A_706 = arith.constant 0 : i32
    %dma_wait3A_707 = tpu.memref_slice %arg8[%dma_wait3A_703, %dma_wait3A_705, %dma_wait3A_706] : memref<2x100x128xf32, #tpu.memory_space<vmem>> -> memref<1x100x128xf32, #tpu.memory_space<vmem>>
    %dma_wait3A_708 = tpu.memref_squeeze %dma_wait3A_707 : memref<1x100x128xf32, #tpu.memory_space<vmem>> -> memref<100x128xf32, #tpu.memory_space<vmem>>
    %dma_wait3A_709 = arith.constant 0 : i32
    %dma_wait3A_710 = arith.constant 0 : i32
    %dma_wait3A_711 = tpu.memref_slice %dma_wait3A_708[%dma_wait3A_709, %dma_wait3A_710] : memref<100x128xf32, #tpu.memory_space<vmem>> -> memref<48x128xf32, #tpu.memory_space<vmem>>
    %dma_wait3A_712 = arith.constant 0 : i32
    %dma_wait3A_713 = tpu.memref_slice %arg9[%add3A_702, %dma_wait3A_712] : memref<10000x128xf32, #tpu.memory_space<vmem_shared>> -> memref<48x128xf32, #tpu.memory_space<vmem_shared>>
    %dma_wait3A_714 = tpu.memref_slice %arg10[%dma_wait3A_704] : memref<2x!tpu.dma_semaphore, #tpu.memory_space<semaphore_mem>> -> memref<1x!tpu.dma_semaphore, #tpu.memory_space<semaphore_mem>>
    %dma_wait3A_715 = tpu.memref_squeeze %dma_wait3A_714 : memref<1x!tpu.dma_semaphore, #tpu.memory_space<semaphore_mem>> -> memref<!tpu.dma_semaphore, #tpu.memory_space<semaphore_mem>>
    %dma_wait3A_716 = arith.constant 0 : i32
    %dma_wait3A_717 = tpu.memref_slice %arg9[%add3A_702, %dma_wait3A_716] : memref<10000x128xf32, #tpu.memory_space<vmem_shared>> -> memref<48x128xf32, #tpu.memory_space<vmem_shared>>
    %dma_wait3A_718 = arith.constant 0 : i32
    %dma_wait3A_719 = arith.constant 0 : i32
    %dma_wait3A_720 = tpu.memref_slice %arg8[%dma_wait3A_703, %dma_wait3A_718, %dma_wait3A_719] : memref<2x100x128xf32, #tpu.memory_space<vmem>> -> memref<1x100x128xf32, #tpu.memory_space<vmem>>
    %dma_wait3A_721 = tpu.memref_squeeze %dma_wait3A_720 : memref<1x100x128xf32, #tpu.memory_space<vmem>> -> memref<100x128xf32, #tpu.memory_space<vmem>>
    %dma_wait3A_722 = arith.constant 0 : i32
    %dma_wait3A_723 = arith.constant 0 : i32
    %dma_wait3A_724 = tpu.memref_slice %dma_wait3A_721[%dma_wait3A_722, %dma_wait3A_723] : memref<100x128xf32, #tpu.memory_space<vmem>> -> memref<48x128xf32, #tpu.memory_space<vmem>>
    tpu.wait_dma2 semaphore(%dma_wait3A_715 : memref<!tpu.dma_semaphore, #tpu.memory_space<semaphore_mem>>) src(%dma_wait3A_724 : memref<48x128xf32, #tpu.memory_space<vmem>>) dst(%dma_wait3A_717 : memref<48x128xf32, #tpu.memory_space<vmem_shared>>)
    %eq3A_725 = arith.constant 0 : i32
    %eq3A_726 = arith.cmpi eq, %arg1, %eq3A_725 : i32
    %convert_element_type3A_727 = arith.extui %eq3A_726 : i1 to i32
    %cond3A_728 = arith.constant 0 : i32
    %cond3A_729 = arith.cmpi ne, %convert_element_type3A_727, %cond3A_728 : i32
    scf.if %cond3A_729 {
      %dma_wait3A_777 = arith.constant 0 : i32
      %dma_wait3A_778 = arith.constant 1 : i32
      %dma_wait3A_779 = arith.constant 0 : i32
      %dma_wait3A_780 = arith.constant 0 : i32
      %dma_wait3A_781 = tpu.memref_slice %arg8[%dma_wait3A_777, %dma_wait3A_779, %dma_wait3A_780] : memref<2x100x128xf32, #tpu.memory_space<vmem>> -> memref<1x100x128xf32, #tpu.memory_space<vmem>>
      %dma_wait3A_782 = tpu.memref_squeeze %dma_wait3A_781 : memref<1x100x128xf32, #tpu.memory_space<vmem>> -> memref<100x128xf32, #tpu.memory_space<vmem>>
      %dma_wait3A_783 = arith.constant 0 : i32
      %dma_wait3A_784 = arith.constant 0 : i32
      %dma_wait3A_785 = tpu.memref_slice %dma_wait3A_782[%dma_wait3A_783, %dma_wait3A_784] : memref<100x128xf32, #tpu.memory_space<vmem>> -> memref<16x128xf32, #tpu.memory_space<vmem>>
      %dma_wait3A_786 = arith.constant 9984 : i32
      %dma_wait3A_787 = arith.constant 0 : i32
      %dma_wait3A_788 = tpu.memref_slice %arg9[%dma_wait3A_786, %dma_wait3A_787] : memref<10000x128xf32, #tpu.memory_space<vmem_shared>> -> memref<16x128xf32, #tpu.memory_space<vmem_shared>>
      %dma_wait3A_789 = tpu.memref_slice %arg10[%dma_wait3A_778] : memref<2x!tpu.dma_semaphore, #tpu.memory_space<semaphore_mem>> -> memref<1x!tpu.dma_semaphore, #tpu.memory_space<semaphore_mem>>
      %dma_wait3A_790 = tpu.memref_squeeze %dma_wait3A_789 : memref<1x!tpu.dma_semaphore, #tpu.memory_space<semaphore_mem>> -> memref<!tpu.dma_semaphore, #tpu.memory_space<semaphore_mem>>
      %dma_wait3A_791 = arith.constant 9984 : i32
      %dma_wait3A_792 = arith.constant 0 : i32
      %dma_wait3A_793 = tpu.memref_slice %arg9[%dma_wait3A_791, %dma_wait3A_792] : memref<10000x128xf32, #tpu.memory_space<vmem_shared>> -> memref<16x128xf32, #tpu.memory_space<vmem_shared>>
      %dma_wait3A_794 = arith.constant 0 : i32
      %dma_wait3A_795 = arith.constant 0 : i32
      %dma_wait3A_796 = tpu.memref_slice %arg8[%dma_wait3A_777, %dma_wait3A_794, %dma_wait3A_795] : memref<2x100x128xf32, #tpu.memory_space<vmem>> -> memref<1x100x128xf32, #tpu.memory_space<vmem>>
      %dma_wait3A_797 = tpu.memref_squeeze %dma_wait3A_796 : memref<1x100x128xf32, #tpu.memory_space<vmem>> -> memref<100x128xf32, #tpu.memory_space<vmem>>
      %dma_wait3A_798 = arith.constant 0 : i32
      %dma_wait3A_799 = arith.constant 0 : i32
      %dma_wait3A_800 = tpu.memref_slice %dma_wait3A_797[%dma_wait3A_798, %dma_wait3A_799] : memref<100x128xf32, #tpu.memory_space<vmem>> -> memref<16x128xf32, #tpu.memory_space<vmem>>
      tpu.wait_dma2 semaphore(%dma_wait3A_790 : memref<!tpu.dma_semaphore, #tpu.memory_space<semaphore_mem>>) src(%dma_wait3A_800 : memref<16x128xf32, #tpu.memory_space<vmem>>) dst(%dma_wait3A_793 : memref<16x128xf32, #tpu.memory_space<vmem_shared>>)
    } else {
    }
    %barrier3A = arith.constant 0 : index
    tpu.barrier barrier_id(%barrier3A)
    %dma_start3A_730 = arith.constant 0 : i32
    %dma_start3A_731 = arith.constant 0 : i32
    %dma_start3A_732 = arith.constant 0 : i32
    %dma_start3A_733 = arith.constant 0 : i32
    %dma_start3A_734 = arith.constant 0 : i32
    %dma_start3A_735 = tpu.memref_slice %arg8[%dma_start3A_731, %dma_start3A_733, %dma_start3A_734] : memref<2x100x128xf32, #tpu.memory_space<vmem>> -> memref<1x100x128xf32, #tpu.memory_space<vmem>>
    %dma_start3A_736 = tpu.memref_squeeze %dma_start3A_735 : memref<1x100x128xf32, #tpu.memory_space<vmem>> -> memref<100x128xf32, #tpu.memory_space<vmem>>
    %dma_start3A_737 = arith.constant 0 : i32
    %dma_start3A_738 = tpu.memref_slice %arg6[%dma_start3A_730, %dma_start3A_737] : memref<100x100xi32, #tpu.memory_space<vmem>> -> memref<1x100xi32, #tpu.memory_space<vmem>>
    %dma_start3A_739 = tpu.memref_squeeze %dma_start3A_738 : memref<1x100xi32, #tpu.memory_space<vmem>> -> memref<100xi32, #tpu.memory_space<vmem>>
    %dma_start3A_740 = arith.constant 0 : i32
    %dma_start3A_741 = arith.constant 0 : i32
    %dma_start3A_742 = tpu.memref_slice %arg2[%dma_start3A_740, %dma_start3A_741] : memref<10000x128xf32, #tpu.memory_space<hbm>> -> memref<10000x128xf32, #tpu.memory_space<hbm>>
    %dma_start3A_743 = tpu.memref_slice %arg10[%dma_start3A_732] : memref<2x!tpu.dma_semaphore, #tpu.memory_space<semaphore_mem>> -> memref<1x!tpu.dma_semaphore, #tpu.memory_space<semaphore_mem>>
    %dma_start3A_744 = tpu.memref_squeeze %dma_start3A_743 : memref<1x!tpu.dma_semaphore, #tpu.memory_space<semaphore_mem>> -> memref<!tpu.dma_semaphore, #tpu.memory_space<semaphore_mem>>
    tpu.enqueue_indirect_dma source(%dma_start3A_742 : memref<10000x128xf32, #tpu.memory_space<hbm>>) target(%dma_start3A_736 : memref<100x128xf32, #tpu.memory_space<vmem>>) offsets(%dma_start3A_739 : memref<100xi32, #tpu.memory_space<vmem>>) semaphore(%dma_start3A_744 : memref<!tpu.dma_semaphore, #tpu.memory_space<semaphore_mem>>)
    %scan3A_745 = arith.constant 0 : i32
    %scan3A_746 = arith.constant 0 : i32
    %scan3A_747 = arith.constant 100 : i32
    %scan3A_748 = arith.addi %scan3A_746, %scan3A_747 : i32
    %scan3A_749 = arith.constant 1 : i32
    %scan3A_750 = scf.for %scan3A_777 = %scan3A_746 to %scan3A_748 step %scan3A_749 iter_args(%scan3A_778 = %scan3A_745) -> (i32)  : i32 {
      %add3A_779 = arith.constant 1 : i32
      %add3A_780 = arith.addi %scan3A_777, %add3A_779 : i32
      %min3A = arith.constant 99 : i32
      %min3A_781 = arith.minsi %add3A_780, %min3A : i32
      %add3A_782 = arith.constant 1 : i32
      %add3A_783 = arith.addi %scan3A_777, %add3A_782 : i32
      %rem3A = arith.constant 2 : i32
      %rem3A_784 = arith.remsi %add3A_783, %rem3A : i32
      %rem3A_785 = arith.constant 2 : i32
      %rem3A_786 = arith.remsi %scan3A_777, %rem3A_785 : i32
      %dma_start3A_787 = arith.constant 0 : i32
      %dma_start3A_788 = arith.constant 0 : i32
      %dma_start3A_789 = tpu.memref_slice %arg8[%rem3A_784, %dma_start3A_787, %dma_start3A_788] : memref<2x100x128xf32, #tpu.memory_space<vmem>> -> memref<1x100x128xf32, #tpu.memory_space<vmem>>
      %dma_start3A_790 = tpu.memref_squeeze %dma_start3A_789 : memref<1x100x128xf32, #tpu.memory_space<vmem>> -> memref<100x128xf32, #tpu.memory_space<vmem>>
      %dma_start3A_791 = arith.constant 0 : i32
      %dma_start3A_792 = tpu.memref_slice %arg6[%min3A_781, %dma_start3A_791] : memref<100x100xi32, #tpu.memory_space<vmem>> -> memref<1x100xi32, #tpu.memory_space<vmem>>
      %dma_start3A_793 = tpu.memref_squeeze %dma_start3A_792 : memref<1x100xi32, #tpu.memory_space<vmem>> -> memref<100xi32, #tpu.memory_space<vmem>>
      %dma_start3A_794 = arith.constant 0 : i32
      %dma_start3A_795 = arith.constant 0 : i32
      %dma_start3A_796 = tpu.memref_slice %arg2[%dma_start3A_794, %dma_start3A_795] : memref<10000x128xf32, #tpu.memory_space<hbm>> -> memref<10000x128xf32, #tpu.memory_space<hbm>>
      %dma_start3A_797 = tpu.memref_slice %arg10[%rem3A_784] : memref<2x!tpu.dma_semaphore, #tpu.memory_space<semaphore_mem>> -> memref<1x!tpu.dma_semaphore, #tpu.memory_space<semaphore_mem>>
      %dma_start3A_798 = tpu.memref_squeeze %dma_start3A_797 : memref<1x!tpu.dma_semaphore, #tpu.memory_space<semaphore_mem>> -> memref<!tpu.dma_semaphore, #tpu.memory_space<semaphore_mem>>
      tpu.enqueue_indirect_dma source(%dma_start3A_796 : memref<10000x128xf32, #tpu.memory_space<hbm>>) target(%dma_start3A_790 : memref<100x128xf32, #tpu.memory_space<vmem>>) offsets(%dma_start3A_793 : memref<100xi32, #tpu.memory_space<vmem>>) semaphore(%dma_start3A_798 : memref<!tpu.dma_semaphore, #tpu.memory_space<semaphore_mem>>)
      %dma_wait3A_799 = arith.constant 0 : i32
      %dma_wait3A_800 = arith.constant 0 : i32
      %dma_wait3A_801 = tpu.memref_slice %arg8[%rem3A_786, %dma_wait3A_799, %dma_wait3A_800] : memref<2x100x128xf32, #tpu.memory_space<vmem>> -> memref<1x100x128xf32, #tpu.memory_space<vmem>>
      %dma_wait3A_802 = tpu.memref_squeeze %dma_wait3A_801 : memref<1x100x128xf32, #tpu.memory_space<vmem>> -> memref<100x128xf32, #tpu.memory_space<vmem>>
      %dma_wait3A_803 = arith.constant 0 : i32
      %dma_wait3A_804 = tpu.memref_slice %arg6[%scan3A_777, %dma_wait3A_803] : memref<100x100xi32, #tpu.memory_space<vmem>> -> memref<1x100xi32, #tpu.memory_space<vmem>>
      %dma_wait3A_805 = tpu.memref_squeeze %dma_wait3A_804 : memref<1x100xi32, #tpu.memory_space<vmem>> -> memref<100xi32, #tpu.memory_space<vmem>>
      %dma_wait3A_806 = arith.constant 0 : i32
      %dma_wait3A_807 = arith.constant 0 : i32
      %dma_wait3A_808 = tpu.memref_slice %arg2[%dma_wait3A_806, %dma_wait3A_807] : memref<10000x128xf32, #tpu.memory_space<hbm>> -> memref<10000x128xf32, #tpu.memory_space<hbm>>
      %dma_wait3A_809 = tpu.memref_slice %arg10[%rem3A_786] : memref<2x!tpu.dma_semaphore, #tpu.memory_space<semaphore_mem>> -> memref<1x!tpu.dma_semaphore, #tpu.memory_space<semaphore_mem>>
      %dma_wait3A_810 = tpu.memref_squeeze %dma_wait3A_809 : memref<1x!tpu.dma_semaphore, #tpu.memory_space<semaphore_mem>> -> memref<!tpu.dma_semaphore, #tpu.memory_space<semaphore_mem>>
      tpu.wait_indirect_dma semaphore(%dma_wait3A_810 : memref<!tpu.dma_semaphore, #tpu.memory_space<semaphore_mem>>) src(%dma_wait3A_808 : memref<10000x128xf32, #tpu.memory_space<hbm>>) dst(%dma_wait3A_802 : memref<100x128xf32, #tpu.memory_space<vmem>>)
      "tpu.region"() ({
        %run_scoped3A = tpu.sem_alloc : memref<!tpu.dma_semaphore, #tpu.memory_space<semaphore_mem>>
        %dma_start3A_812 = arith.constant 0 : i32
        %dma_start3A_813 = arith.constant 0 : i32
        %dma_start3A_814 = tpu.memref_slice %arg8[%rem3A_786, %dma_start3A_812, %dma_start3A_813] : memref<2x100x128xf32, #tpu.memory_space<vmem>> -> memref<1x100x128xf32, #tpu.memory_space<vmem>>
        %dma_start3A_815 = tpu.memref_squeeze %dma_start3A_814 : memref<1x100x128xf32, #tpu.memory_space<vmem>> -> memref<100x128xf32, #tpu.memory_space<vmem>>
        %dma_start3A_816 = arith.constant 0 : i32
        %dma_start3A_817 = tpu.memref_slice %arg7[%scan3A_777, %dma_start3A_816] : memref<100x100xi32, #tpu.memory_space<vmem>> -> memref<1x100xi32, #tpu.memory_space<vmem>>
        %dma_start3A_818 = tpu.memref_squeeze %dma_start3A_817 : memref<1x100xi32, #tpu.memory_space<vmem>> -> memref<100xi32, #tpu.memory_space<vmem>>
        %dma_start3A_819 = arith.constant 0 : i32
        %dma_start3A_820 = arith.constant 0 : i32
        %dma_start3A_821 = tpu.memref_slice %arg9[%dma_start3A_819, %dma_start3A_820] : memref<10000x128xf32, #tpu.memory_space<vmem_shared>> -> memref<10000x128xf32, #tpu.memory_space<vmem_shared>>
        tpu.enqueue_indirect_dma source(%dma_start3A_815 : memref<100x128xf32, #tpu.memory_space<vmem>>) target(%dma_start3A_821 : memref<10000x128xf32, #tpu.memory_space<vmem_shared>>) offsets(%dma_start3A_818 : memref<100xi32, #tpu.memory_space<vmem>>) semaphore(%run_scoped3A : memref<!tpu.dma_semaphore, #tpu.memory_space<semaphore_mem>>) {add = true}
        %dma_wait3A_822 = arith.constant 0 : i32
        %dma_wait3A_823 = arith.constant 0 : i32
        %dma_wait3A_824 = tpu.memref_slice %arg8[%rem3A_786, %dma_wait3A_822, %dma_wait3A_823] : memref<2x100x128xf32, #tpu.memory_space<vmem>> -> memref<1x100x128xf32, #tpu.memory_space<vmem>>
        %dma_wait3A_825 = tpu.memref_squeeze %dma_wait3A_824 : memref<1x100x128xf32, #tpu.memory_space<vmem>> -> memref<100x128xf32, #tpu.memory_space<vmem>>
        %dma_wait3A_826 = arith.constant 0 : i32
        %dma_wait3A_827 = tpu.memref_slice %arg7[%scan3A_777, %dma_wait3A_826] : memref<100x100xi32, #tpu.memory_space<vmem>> -> memref<1x100xi32, #tpu.memory_space<vmem>>
        %dma_wait3A_828 = tpu.memref_squeeze %dma_wait3A_827 : memref<1x100xi32, #tpu.memory_space<vmem>> -> memref<100xi32, #tpu.memory_space<vmem>>
        %dma_wait3A_829 = arith.constant 0 : i32
        %dma_wait3A_830 = arith.constant 0 : i32
        %dma_wait3A_831 = tpu.memref_slice %arg9[%dma_wait3A_829, %dma_wait3A_830] : memref<10000x128xf32, #tpu.memory_space<vmem_shared>> -> memref<10000x128xf32, #tpu.memory_space<vmem_shared>>
        tpu.wait_indirect_dma semaphore(%run_scoped3A : memref<!tpu.dma_semaphore, #tpu.memory_space<semaphore_mem>>) src(%dma_wait3A_825 : memref<100x128xf32, #tpu.memory_space<vmem>>) dst(%dma_wait3A_831 : memref<10000x128xf32, #tpu.memory_space<vmem_shared>>)
        tpu.yield
      }) : () -> ()
      %scan3A_811 = arith.constant 0 : i32
      scf.yield %scan3A_811 : i32
    }
    %scan3A_751 = arith.constant 100 : i32
    %dma_wait3A_752 = arith.constant 99 : i32
    %dma_wait3A_753 = arith.constant 0 : i32
    %dma_wait3A_754 = arith.constant 0 : i32
    %dma_wait3A_755 = arith.constant 0 : i32
    %dma_wait3A_756 = arith.constant 0 : i32
    %dma_wait3A_757 = tpu.memref_slice %arg8[%dma_wait3A_753, %dma_wait3A_755, %dma_wait3A_756] : memref<2x100x128xf32, #tpu.memory_space<vmem>> -> memref<1x100x128xf32, #tpu.memory_space<vmem>>
    %dma_wait3A_758 = tpu.memref_squeeze %dma_wait3A_757 : memref<1x100x128xf32, #tpu.memory_space<vmem>> -> memref<100x128xf32, #tpu.memory_space<vmem>>
    %dma_wait3A_759 = arith.constant 0 : i32
    %dma_wait3A_760 = tpu.memref_slice %arg6[%dma_wait3A_752, %dma_wait3A_759] : memref<100x100xi32, #tpu.memory_space<vmem>> -> memref<1x100xi32, #tpu.memory_space<vmem>>
    %dma_wait3A_761 = tpu.memref_squeeze %dma_wait3A_760 : memref<1x100xi32, #tpu.memory_space<vmem>> -> memref<100xi32, #tpu.memory_space<vmem>>
    %dma_wait3A_762 = arith.constant 0 : i32
    %dma_wait3A_763 = arith.constant 0 : i32
    %dma_wait3A_764 = tpu.memref_slice %arg2[%dma_wait3A_762, %dma_wait3A_763] : memref<10000x128xf32, #tpu.memory_space<hbm>> -> memref<10000x128xf32, #tpu.memory_space<hbm>>
    %dma_wait3A_765 = tpu.memref_slice %arg10[%dma_wait3A_754] : memref<2x!tpu.dma_semaphore, #tpu.memory_space<semaphore_mem>> -> memref<1x!tpu.dma_semaphore, #tpu.memory_space<semaphore_mem>>
    %dma_wait3A_766 = tpu.memref_squeeze %dma_wait3A_765 : memref<1x!tpu.dma_semaphore, #tpu.memory_space<semaphore_mem>> -> memref<!tpu.dma_semaphore, #tpu.memory_space<semaphore_mem>>
    tpu.wait_indirect_dma semaphore(%dma_wait3A_766 : memref<!tpu.dma_semaphore, #tpu.memory_space<semaphore_mem>>) src(%dma_wait3A_764 : memref<10000x128xf32, #tpu.memory_space<hbm>>) dst(%dma_wait3A_758 : memref<100x128xf32, #tpu.memory_space<vmem>>)
    %barrier3A_767 = arith.constant 0 : index
    tpu.barrier barrier_id(%barrier3A_767)
    %mul3A_768 = arith.constant 624 : i32
    %mul3A_769 = arith.muli %arg1, %mul3A_768 : i32
    %mul3A_770 = arith.constant 624 : i32
    %mul3A_771 = arith.muli %arg1, %mul3A_770 : i32
    "tpu.region"() ({
      %run_scoped3A = tpu.sem_alloc : memref<!tpu.dma_semaphore, #tpu.memory_space<semaphore_mem>>
      %dma_start3A_777 = arith.constant 0 : i32
      %dma_start3A_778 = tpu.memref_slice %arg5[%arg0, %mul3A_771, %dma_start3A_777] : memref<2x10000x128xf32, #tpu.memory_space<hbm>> -> memref<1x624x128xf32, #tpu.memory_space<hbm>>
      %dma_start3A_779 = tpu.memref_squeeze %dma_start3A_778 : memref<1x624x128xf32, #tpu.memory_space<hbm>> -> memref<624x128xf32, #tpu.memory_space<hbm>>
      %dma_start3A_780 = arith.constant 0 : i32
      %dma_start3A_781 = tpu.memref_slice %arg9[%mul3A_769, %dma_start3A_780] : memref<10000x128xf32, #tpu.memory_space<vmem_shared>> -> memref<624x128xf32, #tpu.memory_space<vmem_shared>>
      tpu.enqueue_dma source(%dma_start3A_781 : memref<624x128xf32, #tpu.memory_space<vmem_shared>>) target(%dma_start3A_779 : memref<624x128xf32, #tpu.memory_space<hbm>>) target_semaphore(%run_scoped3A : memref<!tpu.dma_semaphore, #tpu.memory_space<semaphore_mem>>)
      %dma_wait3A_782 = arith.constant 0 : i32
      %dma_wait3A_783 = tpu.memref_slice %arg5[%arg0, %mul3A_771, %dma_wait3A_782] : memref<2x10000x128xf32, #tpu.memory_space<hbm>> -> memref<1x624x128xf32, #tpu.memory_space<hbm>>
      %dma_wait3A_784 = tpu.memref_squeeze %dma_wait3A_783 : memref<1x624x128xf32, #tpu.memory_space<hbm>> -> memref<624x128xf32, #tpu.memory_space<hbm>>
      %dma_wait3A_785 = arith.constant 0 : i32
      %dma_wait3A_786 = tpu.memref_slice %arg9[%mul3A_769, %dma_wait3A_785] : memref<10000x128xf32, #tpu.memory_space<vmem_shared>> -> memref<624x128xf32, #tpu.memory_space<vmem_shared>>
      tpu.wait_dma2 semaphore(%run_scoped3A : memref<!tpu.dma_semaphore, #tpu.memory_space<semaphore_mem>>) src(%dma_wait3A_786 : memref<624x128xf32, #tpu.memory_space<vmem_shared>>) dst(%dma_wait3A_784 : memref<624x128xf32, #tpu.memory_space<hbm>>)
      tpu.yield
    }) : () -> ()
    %eq3A_772 = arith.constant 0 : i32
    %eq3A_773 = arith.cmpi eq, %arg1, %eq3A_772 : i32
    %convert_element_type3A_774 = arith.extui %eq3A_773 : i1 to i32
    %cond3A_775 = arith.constant 0 : i32
    %cond3A_776 = arith.cmpi ne, %convert_element_type3A_774, %cond3A_775 : i32
    scf.if %cond3A_776 {
      "tpu.region"() ({
        %run_scoped3A = tpu.sem_alloc : memref<!tpu.dma_semaphore, #tpu.memory_space<semaphore_mem>>
        %dma_start3A_777 = arith.constant 9984 : i32
        %dma_start3A_778 = arith.constant 0 : i32
        %dma_start3A_779 = tpu.memref_slice %arg5[%arg0, %dma_start3A_777, %dma_start3A_778] : memref<2x10000x128xf32, #tpu.memory_space<hbm>> -> memref<1x16x128xf32, #tpu.memory_space<hbm>>
        %dma_start3A_780 = tpu.memref_squeeze %dma_start3A_779 : memref<1x16x128xf32, #tpu.memory_space<hbm>> -> memref<16x128xf32, #tpu.memory_space<hbm>>
        %dma_start3A_781 = arith.constant 9984 : i32
        %dma_start3A_782 = arith.constant 0 : i32
        %dma_start3A_783 = tpu.memref_slice %arg9[%dma_start3A_781, %dma_start3A_782] : memref<10000x128xf32, #tpu.memory_space<vmem_shared>> -> memref<16x128xf32, #tpu.memory_space<vmem_shared>>
        tpu.enqueue_dma source(%dma_start3A_783 : memref<16x128xf32, #tpu.memory_space<vmem_shared>>) target(%dma_start3A_780 : memref<16x128xf32, #tpu.memory_space<hbm>>) target_semaphore(%run_scoped3A : memref<!tpu.dma_semaphore, #tpu.memory_space<semaphore_mem>>)
        %dma_wait3A_784 = arith.constant 9984 : i32
        %dma_wait3A_785 = arith.constant 0 : i32
        %dma_wait3A_786 = tpu.memref_slice %arg5[%arg0, %dma_wait3A_784, %dma_wait3A_785] : memref<2x10000x128xf32, #tpu.memory_space<hbm>> -> memref<1x16x128xf32, #tpu.memory_space<hbm>>
        %dma_wait3A_787 = tpu.memref_squeeze %dma_wait3A_786 : memref<1x16x128xf32, #tpu.memory_space<hbm>> -> memref<16x128xf32, #tpu.memory_space<hbm>>
        %dma_wait3A_788 = arith.constant 9984 : i32
        %dma_wait3A_789 = arith.constant 0 : i32
        %dma_wait3A_790 = tpu.memref_slice %arg9[%dma_wait3A_788, %dma_wait3A_789] : memref<10000x128xf32, #tpu.memory_space<vmem_shared>> -> memref<16x128xf32, #tpu.memory_space<vmem_shared>>
        tpu.wait_dma2 semaphore(%run_scoped3A : memref<!tpu.dma_semaphore, #tpu.memory_space<semaphore_mem>>) src(%dma_wait3A_790 : memref<16x128xf32, #tpu.memory_space<vmem_shared>>) dst(%dma_wait3A_787 : memref<16x128xf32, #tpu.memory_space<hbm>>)
        tpu.yield
      }) : () -> ()
    } else {
    }
    return
  }
}

#map = affine_map<(d0, d1) -> (0, 0)>
#map1 = affine_map<(d0, d1) -> (0, 0, 0, 0)>
#map2 = affine_map<(d0, d1) -> (0, 0, 0)>
module attributes {stable_mosaic.version = 14 : i64} {
  func.func @_sc_propagate(%arg0: i32, %arg1: i32, %arg2: memref<10000x128xf32, #tpu.memory_space<hbm>>, %arg3: memref<2x16x100x100xi32, #tpu.memory_space<hbm>>, %arg4: memref<2x16x100x100xi32, #tpu.memory_space<hbm>>, %arg5: memref<2x10000x128xf32, #tpu.memory_space<hbm>>, %arg6: memref<100x100xi32, #tpu.memory_space<vmem>>, %arg7: memref<100x100xi32, #tpu.memory_space<vmem>>, %arg8: memref<2x100x128xf32, #tpu.memory_space<vmem>>, %arg9: memref<10000x128xf32, #tpu.memory_space<vmem_shared>>, %arg10: memref<2x!tpu.dma_semaphore, #tpu.memory_space<semaphore_mem>>) attributes {dimension_semantics = [#tpu.dimension_semantics<core_parallel>, #tpu.dimension_semantics<subcore_parallel>], iteration_bounds = array<i64: 2, 16>, scalar_prefetch = 0 : i64, scratch_operands = 5 : i64, tpu.core_type = #tpu.core_type<sc_vector_subcore>, window_params = [{transform_indices = #map}, {transform_indices = #map1}, {transform_indices = #map1}, {transform_indices = #map2}]} {
    %dma_start3A = arith.constant 0 : i32
    %dma_start3A_0 = arith.constant 0 : i32
    %dma_start3A_1 = arith.constant 0 : i32
    %dma_start3A_2 = tpu.memref_slice %arg3[%arg0, %arg1, %dma_start3A_0, %dma_start3A_1] : memref<2x16x100x100xi32, #tpu.memory_space<hbm>> -> memref<1x1x100x100xi32, #tpu.memory_space<hbm>>
    %dma_start3A_3 = tpu.memref_squeeze %dma_start3A_2 : memref<1x1x100x100xi32, #tpu.memory_space<hbm>> -> memref<100x100xi32, #tpu.memory_space<hbm>>
    %dma_start3A_4 = tpu.memref_slice %arg10[%dma_start3A] : memref<2x!tpu.dma_semaphore, #tpu.memory_space<semaphore_mem>> -> memref<1x!tpu.dma_semaphore, #tpu.memory_space<semaphore_mem>>
    %dma_start3A_5 = tpu.memref_squeeze %dma_start3A_4 : memref<1x!tpu.dma_semaphore, #tpu.memory_space<semaphore_mem>> -> memref<!tpu.dma_semaphore, #tpu.memory_space<semaphore_mem>>
    %dma_start3A_6 = arith.constant 0 : i32
    %dma_start3A_7 = arith.constant 0 : i32
    %dma_start3A_8 = tpu.memref_slice %arg3[%arg0, %arg1, %dma_start3A_6, %dma_start3A_7] : memref<2x16x100x100xi32, #tpu.memory_space<hbm>> -> memref<1x1x100x100xi32, #tpu.memory_space<hbm>>
    %dma_start3A_9 = tpu.memref_squeeze %dma_start3A_8 : memref<1x1x100x100xi32, #tpu.memory_space<hbm>> -> memref<100x100xi32, #tpu.memory_space<hbm>>
    tpu.enqueue_dma source(%dma_start3A_9 : memref<100x100xi32, #tpu.memory_space<hbm>>) target(%arg6 : memref<100x100xi32, #tpu.memory_space<vmem>>) target_semaphore(%dma_start3A_5 : memref<!tpu.dma_semaphore, #tpu.memory_space<semaphore_mem>>)
    %dma_start3A_10 = arith.constant 0 : i32
    %dma_start3A_11 = arith.constant 0 : i32
    %dma_start3A_12 = arith.constant 0 : i32
    %dma_start3A_13 = tpu.memref_slice %arg4[%arg0, %arg1, %dma_start3A_11, %dma_start3A_12] : memref<2x16x100x100xi32, #tpu.memory_space<hbm>> -> memref<1x1x100x100xi32, #tpu.memory_space<hbm>>
    %dma_start3A_14 = tpu.memref_squeeze %dma_start3A_13 : memref<1x1x100x100xi32, #tpu.memory_space<hbm>> -> memref<100x100xi32, #tpu.memory_space<hbm>>
    %dma_start3A_15 = tpu.memref_slice %arg10[%dma_start3A_10] : memref<2x!tpu.dma_semaphore, #tpu.memory_space<semaphore_mem>> -> memref<1x!tpu.dma_semaphore, #tpu.memory_space<semaphore_mem>>
    %dma_start3A_16 = tpu.memref_squeeze %dma_start3A_15 : memref<1x!tpu.dma_semaphore, #tpu.memory_space<semaphore_mem>> -> memref<!tpu.dma_semaphore, #tpu.memory_space<semaphore_mem>>
    %dma_start3A_17 = arith.constant 0 : i32
    %dma_start3A_18 = arith.constant 0 : i32
    %dma_start3A_19 = tpu.memref_slice %arg4[%arg0, %arg1, %dma_start3A_17, %dma_start3A_18] : memref<2x16x100x100xi32, #tpu.memory_space<hbm>> -> memref<1x1x100x100xi32, #tpu.memory_space<hbm>>
    %dma_start3A_20 = tpu.memref_squeeze %dma_start3A_19 : memref<1x1x100x100xi32, #tpu.memory_space<hbm>> -> memref<100x100xi32, #tpu.memory_space<hbm>>
    tpu.enqueue_dma source(%dma_start3A_20 : memref<100x100xi32, #tpu.memory_space<hbm>>) target(%arg7 : memref<100x100xi32, #tpu.memory_space<vmem>>) target_semaphore(%dma_start3A_16 : memref<!tpu.dma_semaphore, #tpu.memory_space<semaphore_mem>>)
    %scan3A = arith.constant 0 : i32
    %scan3A_21 = arith.constant 0 : i32
    %scan3A_22 = arith.constant 0 : i32
    %scan3A_23 = arith.constant 48 : i32
    %scan3A_24 = arith.addi %scan3A_22, %scan3A_23 : i32
    %scan3A_25 = arith.constant 1 : i32
    %scan3A_26 = scf.for %scan3A_777 = %scan3A_22 to %scan3A_24 step %scan3A_25 iter_args(%scan3A_778 = %scan3A_21) -> (i32)  : i32 {
      %broadcast_in_dim3A = arith.constant 0.000000e+00 : f32
      %broadcast_in_dim3A_779 = vector.broadcast %broadcast_in_dim3A : f32 to vector<16xf32>
      %swap3A = arith.constant 0 : i32
      %swap3A_780 = arith.constant 0 : i32
      %swap3A_781 = tpu.memref_slice %arg8[%scan3A, %swap3A, %swap3A_780] : memref<2x100x128xf32, #tpu.memory_space<vmem>> -> memref<1x100x128xf32, #tpu.memory_space<vmem>>
      %swap3A_782 = tpu.memref_squeeze %swap3A_781 : memref<1x100x128xf32, #tpu.memory_space<vmem>> -> memref<100x128xf32, #tpu.memory_space<vmem>>
      %swap3A_783 = arith.index_cast %scan3A_777 : i32 to index
      %swap3A_784 = arith.constant 0 : index
      %swap3A_785 = tpu.vector_load %swap3A_782[%swap3A_783, %swap3A_784] {strides = array<i32>} : memref<100x128xf32, #tpu.memory_space<vmem>>, vector<1x16xf32>,
      %swap3A_786 = vector.shape_cast %swap3A_785 : vector<1x16xf32> to vector<16xf32>
      %swap3A_787 = vector.shape_cast %broadcast_in_dim3A_779 : vector<16xf32> to vector<1x16xf32>
      tpu.vector_store %swap3A_782[%swap3A_783, %swap3A_784], %swap3A_787 {strides = array<i32>} : memref<100x128xf32, #tpu.memory_space<vmem>>, vector<1x16xf32>,
      %broadcast_in_dim3A_788 = arith.constant 0.000000e+00 : f32
      %broadcast_in_dim3A_789 = vector.broadcast %broadcast_in_dim3A_788 : f32 to vector<16xf32>
      %swap3A_790 = arith.constant 0 : i32
      %swap3A_791 = arith.constant 0 : i32
      %swap3A_792 = tpu.memref_slice %arg8[%scan3A, %swap3A_790, %swap3A_791] : memref<2x100x128xf32, #tpu.memory_space<vmem>> -> memref<1x100x128xf32, #tpu.memory_space<vmem>>
      %swap3A_793 = tpu.memref_squeeze %swap3A_792 : memref<1x100x128xf32, #tpu.memory_space<vmem>> -> memref<100x128xf32, #tpu.memory_space<vmem>>
      %swap3A_794 = arith.index_cast %scan3A_777 : i32 to index
      %swap3A_795 = arith.constant 16 : index
      %swap3A_796 = tpu.vector_load %swap3A_793[%swap3A_794, %swap3A_795] {strides = array<i32>} : memref<100x128xf32, #tpu.memory_space<vmem>>, vector<1x16xf32>,
      %swap3A_797 = vector.shape_cast %swap3A_796 : vector<1x16xf32> to vector<16xf32>
      %swap3A_798 = vector.shape_cast %broadcast_in_dim3A_789 : vector<16xf32> to vector<1x16xf32>
      tpu.vector_store %swap3A_793[%swap3A_794, %swap3A_795], %swap3A_798 {strides = array<i32>} : memref<100x128xf32, #tpu.memory_space<vmem>>, vector<1x16xf32>,
      %broadcast_in_dim3A_799 = arith.constant 0.000000e+00 : f32
      %broadcast_in_dim3A_800 = vector.broadcast %broadcast_in_dim3A_799 : f32 to vector<16xf32>
      %swap3A_801 = arith.constant 0 : i32
      %swap3A_802 = arith.constant 0 : i32
      %swap3A_803 = tpu.memref_slice %arg8[%scan3A, %swap3A_801, %swap3A_802] : memref<2x100x128xf32, #tpu.memory_space<vmem>> -> memref<1x100x128xf32, #tpu.memory_space<vmem>>
      %swap3A_804 = tpu.memref_squeeze %swap3A_803 : memref<1x100x128xf32, #tpu.memory_space<vmem>> -> memref<100x128xf32, #tpu.memory_space<vmem>>
      %swap3A_805 = arith.index_cast %scan3A_777 : i32 to index
      %swap3A_806 = arith.constant 32 : index
      %swap3A_807 = tpu.vector_load %swap3A_804[%swap3A_805, %swap3A_806] {strides = array<i32>} : memref<100x128xf32, #tpu.memory_space<vmem>>, vector<1x16xf32>,
      %swap3A_808 = vector.shape_cast %swap3A_807 : vector<1x16xf32> to vector<16xf32>
      %swap3A_809 = vector.shape_cast %broadcast_in_dim3A_800 : vector<16xf32> to vector<1x16xf32>
      tpu.vector_store %swap3A_804[%swap3A_805, %swap3A_806], %swap3A_809 {strides = array<i32>} : memref<100x128xf32, #tpu.memory_space<vmem>>, vector<1x16xf32>,
      %broadcast_in_dim3A_810 = arith.constant 0.000000e+00 : f32
      %broadcast_in_dim3A_811 = vector.broadcast %broadcast_in_dim3A_810 : f32 to vector<16xf32>
      %swap3A_812 = arith.constant 0 : i32
      %swap3A_813 = arith.constant 0 : i32
      %swap3A_814 = tpu.memref_slice %arg8[%scan3A, %swap3A_812, %swap3A_813] : memref<2x100x128xf32, #tpu.memory_space<vmem>> -> memref<1x100x128xf32, #tpu.memory_space<vmem>>
      %swap3A_815 = tpu.memref_squeeze %swap3A_814 : memref<1x100x128xf32, #tpu.memory_space<vmem>> -> memref<100x128xf32, #tpu.memory_space<vmem>>
      %swap3A_816 = arith.index_cast %scan3A_777 : i32 to index
      %swap3A_817 = arith.constant 48 : index
      %swap3A_818 = tpu.vector_load %swap3A_815[%swap3A_816, %swap3A_817] {strides = array<i32>} : memref<100x128xf32, #tpu.memory_space<vmem>>, vector<1x16xf32>,
      %swap3A_819 = vector.shape_cast %swap3A_818 : vector<1x16xf32> to vector<16xf32>
      %swap3A_820 = vector.shape_cast %broadcast_in_dim3A_811 : vector<16xf32> to vector<1x16xf32>
      tpu.vector_store %swap3A_815[%swap3A_816, %swap3A_817], %swap3A_820 {strides = array<i32>} : memref<100x128xf32, #tpu.memory_space<vmem>>, vector<1x16xf32>,
      %broadcast_in_dim3A_821 = arith.constant 0.000000e+00 : f32
      %broadcast_in_dim3A_822 = vector.broadcast %broadcast_in_dim3A_821 : f32 to vector<16xf32>
      %swap3A_823 = arith.constant 0 : i32
      %swap3A_824 = arith.constant 0 : i32
      %swap3A_825 = tpu.memref_slice %arg8[%scan3A, %swap3A_823, %swap3A_824] : memref<2x100x128xf32, #tpu.memory_space<vmem>> -> memref<1x100x128xf32, #tpu.memory_space<vmem>>
      %swap3A_826 = tpu.memref_squeeze %swap3A_825 : memref<1x100x128xf32, #tpu.memory_space<vmem>> -> memref<100x128xf32, #tpu.memory_space<vmem>>
      %swap3A_827 = arith.index_cast %scan3A_777 : i32 to index
      %swap3A_828 = arith.constant 64 : index
      %swap3A_829 = tpu.vector_load %swap3A_826[%swap3A_827, %swap3A_828] {strides = array<i32>} : memref<100x128xf32, #tpu.memory_space<vmem>>, vector<1x16xf32>,
      %swap3A_830 = vector.shape_cast %swap3A_829 : vector<1x16xf32> to vector<16xf32>
      %swap3A_831 = vector.shape_cast %broadcast_in_dim3A_822 : vector<16xf32> to vector<1x16xf32>
      tpu.vector_store %swap3A_826[%swap3A_827, %swap3A_828], %swap3A_831 {strides = array<i32>} : memref<100x128xf32, #tpu.memory_space<vmem>>, vector<1x16xf32>,
      %broadcast_in_dim3A_832 = arith.constant 0.000000e+00 : f32
      %broadcast_in_dim3A_833 = vector.broadcast %broadcast_in_dim3A_832 : f32 to vector<16xf32>
      %swap3A_834 = arith.constant 0 : i32
      %swap3A_835 = arith.constant 0 : i32
      %swap3A_836 = tpu.memref_slice %arg8[%scan3A, %swap3A_834, %swap3A_835] : memref<2x100x128xf32, #tpu.memory_space<vmem>> -> memref<1x100x128xf32, #tpu.memory_space<vmem>>
      %swap3A_837 = tpu.memref_squeeze %swap3A_836 : memref<1x100x128xf32, #tpu.memory_space<vmem>> -> memref<100x128xf32, #tpu.memory_space<vmem>>
      %swap3A_838 = arith.index_cast %scan3A_777 : i32 to index
      %swap3A_839 = arith.constant 80 : index
      %swap3A_840 = tpu.vector_load %swap3A_837[%swap3A_838, %swap3A_839] {strides = array<i32>} : memref<100x128xf32, #tpu.memory_space<vmem>>, vector<1x16xf32>,
      %swap3A_841 = vector.shape_cast %swap3A_840 : vector<1x16xf32> to vector<16xf32>
      %swap3A_842 = vector.shape_cast %broadcast_in_dim3A_833 : vector<16xf32> to vector<1x16xf32>
      tpu.vector_store %swap3A_837[%swap3A_838, %swap3A_839], %swap3A_842 {strides = array<i32>} : memref<100x128xf32, #tpu.memory_space<vmem>>, vector<1x16xf32>,
      %broadcast_in_dim3A_843 = arith.constant 0.000000e+00 : f32
      %broadcast_in_dim3A_844 = vector.broadcast %broadcast_in_dim3A_843 : f32 to vector<16xf32>
      %swap3A_845 = arith.constant 0 : i32
      %swap3A_846 = arith.constant 0 : i32
      %swap3A_847 = tpu.memref_slice %arg8[%scan3A, %swap3A_845, %swap3A_846] : memref<2x100x128xf32, #tpu.memory_space<vmem>> -> memref<1x100x128xf32, #tpu.memory_space<vmem>>
      %swap3A_848 = tpu.memref_squeeze %swap3A_847 : memref<1x100x128xf32, #tpu.memory_space<vmem>> -> memref<100x128xf32, #tpu.memory_space<vmem>>
      %swap3A_849 = arith.index_cast %scan3A_777 : i32 to index
      %swap3A_850 = arith.constant 96 : index
      %swap3A_851 = tpu.vector_load %swap3A_848[%swap3A_849, %swap3A_850] {strides = array<i32>} : memref<100x128xf32, #tpu.memory_space<vmem>>, vector<1x16xf32>,
      %swap3A_852 = vector.shape_cast %swap3A_851 : vector<1x16xf32> to vector<16xf32>
      %swap3A_853 = vector.shape_cast %broadcast_in_dim3A_844 : vector<16xf32> to vector<1x16xf32>
      tpu.vector_store %swap3A_848[%swap3A_849, %swap3A_850], %swap3A_853 {strides = array<i32>} : memref<100x128xf32, #tpu.memory_space<vmem>>, vector<1x16xf32>,
      %broadcast_in_dim3A_854 = arith.constant 0.000000e+00 : f32
      %broadcast_in_dim3A_855 = vector.broadcast %broadcast_in_dim3A_854 : f32 to vector<16xf32>
      %swap3A_856 = arith.constant 0 : i32
      %swap3A_857 = arith.constant 0 : i32
      %swap3A_858 = tpu.memref_slice %arg8[%scan3A, %swap3A_856, %swap3A_857] : memref<2x100x128xf32, #tpu.memory_space<vmem>> -> memref<1x100x128xf32, #tpu.memory_space<vmem>>
      %swap3A_859 = tpu.memref_squeeze %swap3A_858 : memref<1x100x128xf32, #tpu.memory_space<vmem>> -> memref<100x128xf32, #tpu.memory_space<vmem>>
      %swap3A_860 = arith.index_cast %scan3A_777 : i32 to index
      %swap3A_861 = arith.constant 112 : index
      %swap3A_862 = tpu.vector_load %swap3A_859[%swap3A_860, %swap3A_861] {strides = array<i32>} : memref<100x128xf32, #tpu.memory_space<vmem>>, vector<1x16xf32>,
      %swap3A_863 = vector.shape_cast %swap3A_862 : vector<1x16xf32> to vector<16xf32>
      %swap3A_864 = vector.shape_cast %broadcast_in_dim3A_855 : vector<16xf32> to vector<1x16xf32>
      tpu.vector_store %swap3A_859[%swap3A_860, %swap3A_861], %swap3A_864 {strides = array<i32>} : memref<100x128xf32, #tpu.memory_space<vmem>>, vector<1x16xf32>,
      %scan3A_865 = arith.constant 0 : i32
      scf.yield %scan3A_865 : i32
    }
    %scan3A_27 = arith.constant 48 : i32
    %mul3A = arith.constant 624 : i32
    %mul3A_28 = arith.muli %arg1, %mul3A : i32
    %add3A = arith.constant 0 : i32
    %add3A_29 = arith.addi %mul3A_28, %add3A : i32
    %dma_start3A_30 = arith.constant 0 : i32
    %dma_start3A_31 = arith.constant 1 : i32
    %dma_start3A_32 = arith.constant 0 : i32
    %dma_start3A_33 = arith.constant 0 : i32
    %dma_start3A_34 = tpu.memref_slice %arg8[%dma_start3A_30, %dma_start3A_32, %dma_start3A_33] : memref<2x100x128xf32, #tpu.memory_space<vmem>> -> memref<1x100x128xf32, #tpu.memory_space<vmem>>
    %dma_start3A_35 = tpu.memref_squeeze %dma_start3A_34 : memref<1x100x128xf32, #tpu.memory_space<vmem>> -> memref<100x128xf32, #tpu.memory_space<vmem>>
    %dma_start3A_36 = arith.constant 0 : i32
    %dma_start3A_37 = arith.constant 0 : i32
    %dma_start3A_38 = tpu.memref_slice %dma_start3A_35[%dma_start3A_36, %dma_start3A_37] : memref<100x128xf32, #tpu.memory_space<vmem>> -> memref<48x128xf32, #tpu.memory_space<vmem>>
    %dma_start3A_39 = arith.constant 0 : i32
    %dma_start3A_40 = tpu.memref_slice %arg9[%add3A_29, %dma_start3A_39] : memref<10000x128xf32, #tpu.memory_space<vmem_shared>> -> memref<48x128xf32, #tpu.memory_space<vmem_shared>>
    %dma_start3A_41 = tpu.memref_slice %arg10[%dma_start3A_31] : memref<2x!tpu.dma_semaphore, #tpu.memory_space<semaphore_mem>> -> memref<1x!tpu.dma_semaphore, #tpu.memory_space<semaphore_mem>>
    %dma_start3A_42 = tpu.memref_squeeze %dma_start3A_41 : memref<1x!tpu.dma_semaphore, #tpu.memory_space<semaphore_mem>> -> memref<!tpu.dma_semaphore, #tpu.memory_space<semaphore_mem>>
    %dma_start3A_43 = arith.constant 0 : i32
    %dma_start3A_44 = tpu.memref_slice %arg9[%add3A_29, %dma_start3A_43] : memref<10000x128xf32, #tpu.memory_space<vmem_shared>> -> memref<48x128xf32, #tpu.memory_space<vmem_shared>>
    %dma_start3A_45 = arith.constant 0 : i32
    %dma_start3A_46 = arith.constant 0 : i32
    %dma_start3A_47 = tpu.memref_slice %arg8[%dma_start3A_30, %dma_start3A_45, %dma_start3A_46] : memref<2x100x128xf32, #tpu.memory_space<vmem>> -> memref<1x100x128xf32, #tpu.memory_space<vmem>>
    %dma_start3A_48 = tpu.memref_squeeze %dma_start3A_47 : memref<1x100x128xf32, #tpu.memory_space<vmem>> -> memref<100x128xf32, #tpu.memory_space<vmem>>
    %dma_start3A_49 = arith.constant 0 : i32
    %dma_start3A_50 = arith.constant 0 : i32
    %dma_start3A_51 = tpu.memref_slice %dma_start3A_48[%dma_start3A_49, %dma_start3A_50] : memref<100x128xf32, #tpu.memory_space<vmem>> -> memref<48x128xf32, #tpu.memory_space<vmem>>
    tpu.enqueue_dma source(%dma_start3A_51 : memref<48x128xf32, #tpu.memory_space<vmem>>) target(%dma_start3A_44 : memref<48x128xf32, #tpu.memory_space<vmem_shared>>) target_semaphore(%dma_start3A_42 : memref<!tpu.dma_semaphore, #tpu.memory_space<semaphore_mem>>)
    %mul3A_52 = arith.constant 624 : i32
    %mul3A_53 = arith.muli %arg1, %mul3A_52 : i32
    %add3A_54 = arith.constant 48 : i32
    %add3A_55 = arith.addi %mul3A_53, %add3A_54 : i32
    %dma_start3A_56 = arith.constant 0 : i32
    %dma_start3A_57 = arith.constant 1 : i32
    %dma_start3A_58 = arith.constant 0 : i32
    %dma_start3A_59 = arith.constant 0 : i32
    %dma_start3A_60 = tpu.memref_slice %arg8[%dma_start3A_56, %dma_start3A_58, %dma_start3A_59] : memref<2x100x128xf32, #tpu.memory_space<vmem>> -> memref<1x100x128xf32, #tpu.memory_space<vmem>>
    %dma_start3A_61 = tpu.memref_squeeze %dma_start3A_60 : memref<1x100x128xf32, #tpu.memory_space<vmem>> -> memref<100x128xf32, #tpu.memory_space<vmem>>
    %dma_start3A_62 = arith.constant 0 : i32
    %dma_start3A_63 = arith.constant 0 : i32
    %dma_start3A_64 = tpu.memref_slice %dma_start3A_61[%dma_start3A_62, %dma_start3A_63] : memref<100x128xf32, #tpu.memory_space<vmem>> -> memref<48x128xf32, #tpu.memory_space<vmem>>
    %dma_start3A_65 = arith.constant 0 : i32
    %dma_start3A_66 = tpu.memref_slice %arg9[%add3A_55, %dma_start3A_65] : memref<10000x128xf32, #tpu.memory_space<vmem_shared>> -> memref<48x128xf32, #tpu.memory_space<vmem_shared>>
    %dma_start3A_67 = tpu.memref_slice %arg10[%dma_start3A_57] : memref<2x!tpu.dma_semaphore, #tpu.memory_space<semaphore_mem>> -> memref<1x!tpu.dma_semaphore, #tpu.memory_space<semaphore_mem>>
    %dma_start3A_68 = tpu.memref_squeeze %dma_start3A_67 : memref<1x!tpu.dma_semaphore, #tpu.memory_space<semaphore_mem>> -> memref<!tpu.dma_semaphore, #tpu.memory_space<semaphore_mem>>
    %dma_start3A_69 = arith.constant 0 : i32
    %dma_start3A_70 = tpu.memref_slice %arg9[%add3A_55, %dma_start3A_69] : memref<10000x128xf32, #tpu.memory_space<vmem_shared>> -> memref<48x128xf32, #tpu.memory_space<vmem_shared>>
    %dma_start3A_71 = arith.constant 0 : i32
    %dma_start3A_72 = arith.constant 0 : i32
    %dma_start3A_73 = tpu.memref_slice %arg8[%dma_start3A_56, %dma_start3A_71, %dma_start3A_72] : memref<2x100x128xf32, #tpu.memory_space<vmem>> -> memref<1x100x128xf32, #tpu.memory_space<vmem>>
    %dma_start3A_74 = tpu.memref_squeeze %dma_start3A_73 : memref<1x100x128xf32, #tpu.memory_space<vmem>> -> memref<100x128xf32, #tpu.memory_space<vmem>>
    %dma_start3A_75 = arith.constant 0 : i32
    %dma_start3A_76 = arith.constant 0 : i32
    %dma_start3A_77 = tpu.memref_slice %dma_start3A_74[%dma_start3A_75, %dma_start3A_76] : memref<100x128xf32, #tpu.memory_space<vmem>> -> memref<48x128xf32, #tpu.memory_space<vmem>>
    tpu.enqueue_dma source(%dma_start3A_77 : memref<48x128xf32, #tpu.memory_space<vmem>>) target(%dma_start3A_70 : memref<48x128xf32, #tpu.memory_space<vmem_shared>>) target_semaphore(%dma_start3A_68 : memref<!tpu.dma_semaphore, #tpu.memory_space<semaphore_mem>>)
    %mul3A_78 = arith.constant 624 : i32
    %mul3A_79 = arith.muli %arg1, %mul3A_78 : i32
    %add3A_80 = arith.constant 96 : i32
    %add3A_81 = arith.addi %mul3A_79, %add3A_80 : i32
    %dma_start3A_82 = arith.constant 0 : i32
    %dma_start3A_83 = arith.constant 1 : i32
    %dma_start3A_84 = arith.constant 0 : i32
    %dma_start3A_85 = arith.constant 0 : i32
    %dma_start3A_86 = tpu.memref_slice %arg8[%dma_start3A_82, %dma_start3A_84, %dma_start3A_85] : memref<2x100x128xf32, #tpu.memory_space<vmem>> -> memref<1x100x128xf32, #tpu.memory_space<vmem>>
    %dma_start3A_87 = tpu.memref_squeeze %dma_start3A_86 : memref<1x100x128xf32, #tpu.memory_space<vmem>> -> memref<100x128xf32, #tpu.memory_space<vmem>>
    %dma_start3A_88 = arith.constant 0 : i32
    %dma_start3A_89 = arith.constant 0 : i32
    %dma_start3A_90 = tpu.memref_slice %dma_start3A_87[%dma_start3A_88, %dma_start3A_89] : memref<100x128xf32, #tpu.memory_space<vmem>> -> memref<48x128xf32, #tpu.memory_space<vmem>>
    %dma_start3A_91 = arith.constant 0 : i32
    %dma_start3A_92 = tpu.memref_slice %arg9[%add3A_81, %dma_start3A_91] : memref<10000x128xf32, #tpu.memory_space<vmem_shared>> -> memref<48x128xf32, #tpu.memory_space<vmem_shared>>
    %dma_start3A_93 = tpu.memref_slice %arg10[%dma_start3A_83] : memref<2x!tpu.dma_semaphore, #tpu.memory_space<semaphore_mem>> -> memref<1x!tpu.dma_semaphore, #tpu.memory_space<semaphore_mem>>
    %dma_start3A_94 = tpu.memref_squeeze %dma_start3A_93 : memref<1x!tpu.dma_semaphore, #tpu.memory_space<semaphore_mem>> -> memref<!tpu.dma_semaphore, #tpu.memory_space<semaphore_mem>>
    %dma_start3A_95 = arith.constant 0 : i32
    %dma_start3A_96 = tpu.memref_slice %arg9[%add3A_81, %dma_start3A_95] : memref<10000x128xf32, #tpu.memory_space<vmem_shared>> -> memref<48x128xf32, #tpu.memory_space<vmem_shared>>
    %dma_start3A_97 = arith.constant 0 : i32
    %dma_start3A_98 = arith.constant 0 : i32
    %dma_start3A_99 = tpu.memref_slice %arg8[%dma_start3A_82, %dma_start3A_97, %dma_start3A_98] : memref<2x100x128xf32, #tpu.memory_space<vmem>> -> memref<1x100x128xf32, #tpu.memory_space<vmem>>
    %dma_start3A_100 = tpu.memref_squeeze %dma_start3A_99 : memref<1x100x128xf32, #tpu.memory_space<vmem>> -> memref<100x128xf32, #tpu.memory_space<vmem>>
    %dma_start3A_101 = arith.constant 0 : i32
    %dma_start3A_102 = arith.constant 0 : i32
    %dma_start3A_103 = tpu.memref_slice %dma_start3A_100[%dma_start3A_101, %dma_start3A_102] : memref<100x128xf32, #tpu.memory_space<vmem>> -> memref<48x128xf32, #tpu.memory_space<vmem>>
    tpu.enqueue_dma source(%dma_start3A_103 : memref<48x128xf32, #tpu.memory_space<vmem>>) target(%dma_start3A_96 : memref<48x128xf32, #tpu.memory_space<vmem_shared>>) target_semaphore(%dma_start3A_94 : memref<!tpu.dma_semaphore, #tpu.memory_space<semaphore_mem>>)
    %mul3A_104 = arith.constant 624 : i32
    %mul3A_105 = arith.muli %arg1, %mul3A_104 : i32
    %add3A_106 = arith.constant 144 : i32
    %add3A_107 = arith.addi %mul3A_105, %add3A_106 : i32
    %dma_start3A_108 = arith.constant 0 : i32
    %dma_start3A_109 = arith.constant 1 : i32
    %dma_start3A_110 = arith.constant 0 : i32
    %dma_start3A_111 = arith.constant 0 : i32
    %dma_start3A_112 = tpu.memref_slice %arg8[%dma_start3A_108, %dma_start3A_110, %dma_start3A_111] : memref<2x100x128xf32, #tpu.memory_space<vmem>> -> memref<1x100x128xf32, #tpu.memory_space<vmem>>
    %dma_start3A_113 = tpu.memref_squeeze %dma_start3A_112 : memref<1x100x128xf32, #tpu.memory_space<vmem>> -> memref<100x128xf32, #tpu.memory_space<vmem>>
    %dma_start3A_114 = arith.constant 0 : i32
    %dma_start3A_115 = arith.constant 0 : i32
    %dma_start3A_116 = tpu.memref_slice %dma_start3A_113[%dma_start3A_114, %dma_start3A_115] : memref<100x128xf32, #tpu.memory_space<vmem>> -> memref<48x128xf32, #tpu.memory_space<vmem>>
    %dma_start3A_117 = arith.constant 0 : i32
    %dma_start3A_118 = tpu.memref_slice %arg9[%add3A_107, %dma_start3A_117] : memref<10000x128xf32, #tpu.memory_space<vmem_shared>> -> memref<48x128xf32, #tpu.memory_space<vmem_shared>>
    %dma_start3A_119 = tpu.memref_slice %arg10[%dma_start3A_109] : memref<2x!tpu.dma_semaphore, #tpu.memory_space<semaphore_mem>> -> memref<1x!tpu.dma_semaphore, #tpu.memory_space<semaphore_mem>>
    %dma_start3A_120 = tpu.memref_squeeze %dma_start3A_119 : memref<1x!tpu.dma_semaphore, #tpu.memory_space<semaphore_mem>> -> memref<!tpu.dma_semaphore, #tpu.memory_space<semaphore_mem>>
    %dma_start3A_121 = arith.constant 0 : i32
    %dma_start3A_122 = tpu.memref_slice %arg9[%add3A_107, %dma_start3A_121] : memref<10000x128xf32, #tpu.memory_space<vmem_shared>> -> memref<48x128xf32, #tpu.memory_space<vmem_shared>>
    %dma_start3A_123 = arith.constant 0 : i32
    %dma_start3A_124 = arith.constant 0 : i32
    %dma_start3A_125 = tpu.memref_slice %arg8[%dma_start3A_108, %dma_start3A_123, %dma_start3A_124] : memref<2x100x128xf32, #tpu.memory_space<vmem>> -> memref<1x100x128xf32, #tpu.memory_space<vmem>>
    %dma_start3A_126 = tpu.memref_squeeze %dma_start3A_125 : memref<1x100x128xf32, #tpu.memory_space<vmem>> -> memref<100x128xf32, #tpu.memory_space<vmem>>
    %dma_start3A_127 = arith.constant 0 : i32
    %dma_start3A_128 = arith.constant 0 : i32
    %dma_start3A_129 = tpu.memref_slice %dma_start3A_126[%dma_start3A_127, %dma_start3A_128] : memref<100x128xf32, #tpu.memory_space<vmem>> -> memref<48x128xf32, #tpu.memory_space<vmem>>
    tpu.enqueue_dma source(%dma_start3A_129 : memref<48x128xf32, #tpu.memory_space<vmem>>) target(%dma_start3A_122 : memref<48x128xf32, #tpu.memory_space<vmem_shared>>) target_semaphore(%dma_start3A_120 : memref<!tpu.dma_semaphore, #tpu.memory_space<semaphore_mem>>)
    %mul3A_130 = arith.constant 624 : i32
    %mul3A_131 = arith.muli %arg1, %mul3A_130 : i32
    %add3A_132 = arith.constant 192 : i32
    %add3A_133 = arith.addi %mul3A_131, %add3A_132 : i32
    %dma_start3A_134 = arith.constant 0 : i32
    %dma_start3A_135 = arith.constant 1 : i32
    %dma_start3A_136 = arith.constant 0 : i32
    %dma_start3A_137 = arith.constant 0 : i32
    %dma_start3A_138 = tpu.memref_slice %arg8[%dma_start3A_134, %dma_start3A_136, %dma_start3A_137] : memref<2x100x128xf32, #tpu.memory_space<vmem>> -> memref<1x100x128xf32, #tpu.memory_space<vmem>>
    %dma_start3A_139 = tpu.memref_squeeze %dma_start3A_138 : memref<1x100x128xf32, #tpu.memory_space<vmem>> -> memref<100x128xf32, #tpu.memory_space<vmem>>
    %dma_start3A_140 = arith.constant 0 : i32
    %dma_start3A_141 = arith.constant 0 : i32
    %dma_start3A_142 = tpu.memref_slice %dma_start3A_139[%dma_start3A_140, %dma_start3A_141] : memref<100x128xf32, #tpu.memory_space<vmem>> -> memref<48x128xf32, #tpu.memory_space<vmem>>
    %dma_start3A_143 = arith.constant 0 : i32
    %dma_start3A_144 = tpu.memref_slice %arg9[%add3A_133, %dma_start3A_143] : memref<10000x128xf32, #tpu.memory_space<vmem_shared>> -> memref<48x128xf32, #tpu.memory_space<vmem_shared>>
    %dma_start3A_145 = tpu.memref_slice %arg10[%dma_start3A_135] : memref<2x!tpu.dma_semaphore, #tpu.memory_space<semaphore_mem>> -> memref<1x!tpu.dma_semaphore, #tpu.memory_space<semaphore_mem>>
    %dma_start3A_146 = tpu.memref_squeeze %dma_start3A_145 : memref<1x!tpu.dma_semaphore, #tpu.memory_space<semaphore_mem>> -> memref<!tpu.dma_semaphore, #tpu.memory_space<semaphore_mem>>
    %dma_start3A_147 = arith.constant 0 : i32
    %dma_start3A_148 = tpu.memref_slice %arg9[%add3A_133, %dma_start3A_147] : memref<10000x128xf32, #tpu.memory_space<vmem_shared>> -> memref<48x128xf32, #tpu.memory_space<vmem_shared>>
    %dma_start3A_149 = arith.constant 0 : i32
    %dma_start3A_150 = arith.constant 0 : i32
    %dma_start3A_151 = tpu.memref_slice %arg8[%dma_start3A_134, %dma_start3A_149, %dma_start3A_150] : memref<2x100x128xf32, #tpu.memory_space<vmem>> -> memref<1x100x128xf32, #tpu.memory_space<vmem>>
    %dma_start3A_152 = tpu.memref_squeeze %dma_start3A_151 : memref<1x100x128xf32, #tpu.memory_space<vmem>> -> memref<100x128xf32, #tpu.memory_space<vmem>>
    %dma_start3A_153 = arith.constant 0 : i32
    %dma_start3A_154 = arith.constant 0 : i32
    %dma_start3A_155 = tpu.memref_slice %dma_start3A_152[%dma_start3A_153, %dma_start3A_154] : memref<100x128xf32, #tpu.memory_space<vmem>> -> memref<48x128xf32, #tpu.memory_space<vmem>>
    tpu.enqueue_dma source(%dma_start3A_155 : memref<48x128xf32, #tpu.memory_space<vmem>>) target(%dma_start3A_148 : memref<48x128xf32, #tpu.memory_space<vmem_shared>>) target_semaphore(%dma_start3A_146 : memref<!tpu.dma_semaphore, #tpu.memory_space<semaphore_mem>>)
    %mul3A_156 = arith.constant 624 : i32
    %mul3A_157 = arith.muli %arg1, %mul3A_156 : i32
    %add3A_158 = arith.constant 240 : i32
    %add3A_159 = arith.addi %mul3A_157, %add3A_158 : i32
    %dma_start3A_160 = arith.constant 0 : i32
    %dma_start3A_161 = arith.constant 1 : i32
    %dma_start3A_162 = arith.constant 0 : i32
    %dma_start3A_163 = arith.constant 0 : i32
    %dma_start3A_164 = tpu.memref_slice %arg8[%dma_start3A_160, %dma_start3A_162, %dma_start3A_163] : memref<2x100x128xf32, #tpu.memory_space<vmem>> -> memref<1x100x128xf32, #tpu.memory_space<vmem>>
    %dma_start3A_165 = tpu.memref_squeeze %dma_start3A_164 : memref<1x100x128xf32, #tpu.memory_space<vmem>> -> memref<100x128xf32, #tpu.memory_space<vmem>>
    %dma_start3A_166 = arith.constant 0 : i32
    %dma_start3A_167 = arith.constant 0 : i32
    %dma_start3A_168 = tpu.memref_slice %dma_start3A_165[%dma_start3A_166, %dma_start3A_167] : memref<100x128xf32, #tpu.memory_space<vmem>> -> memref<48x128xf32, #tpu.memory_space<vmem>>
    %dma_start3A_169 = arith.constant 0 : i32
    %dma_start3A_170 = tpu.memref_slice %arg9[%add3A_159, %dma_start3A_169] : memref<10000x128xf32, #tpu.memory_space<vmem_shared>> -> memref<48x128xf32, #tpu.memory_space<vmem_shared>>
    %dma_start3A_171 = tpu.memref_slice %arg10[%dma_start3A_161] : memref<2x!tpu.dma_semaphore, #tpu.memory_space<semaphore_mem>> -> memref<1x!tpu.dma_semaphore, #tpu.memory_space<semaphore_mem>>
    %dma_start3A_172 = tpu.memref_squeeze %dma_start3A_171 : memref<1x!tpu.dma_semaphore, #tpu.memory_space<semaphore_mem>> -> memref<!tpu.dma_semaphore, #tpu.memory_space<semaphore_mem>>
    %dma_start3A_173 = arith.constant 0 : i32
    %dma_start3A_174 = tpu.memref_slice %arg9[%add3A_159, %dma_start3A_173] : memref<10000x128xf32, #tpu.memory_space<vmem_shared>> -> memref<48x128xf32, #tpu.memory_space<vmem_shared>>
    %dma_start3A_175 = arith.constant 0 : i32
    %dma_start3A_176 = arith.constant 0 : i32
    %dma_start3A_177 = tpu.memref_slice %arg8[%dma_start3A_160, %dma_start3A_175, %dma_start3A_176] : memref<2x100x128xf32, #tpu.memory_space<vmem>> -> memref<1x100x128xf32, #tpu.memory_space<vmem>>
    %dma_start3A_178 = tpu.memref_squeeze %dma_start3A_177 : memref<1x100x128xf32, #tpu.memory_space<vmem>> -> memref<100x128xf32, #tpu.memory_space<vmem>>
    %dma_start3A_179 = arith.constant 0 : i32
    %dma_start3A_180 = arith.constant 0 : i32
    %dma_start3A_181 = tpu.memref_slice %dma_start3A_178[%dma_start3A_179, %dma_start3A_180] : memref<100x128xf32, #tpu.memory_space<vmem>> -> memref<48x128xf32, #tpu.memory_space<vmem>>
    tpu.enqueue_dma source(%dma_start3A_181 : memref<48x128xf32, #tpu.memory_space<vmem>>) target(%dma_start3A_174 : memref<48x128xf32, #tpu.memory_space<vmem_shared>>) target_semaphore(%dma_start3A_172 : memref<!tpu.dma_semaphore, #tpu.memory_space<semaphore_mem>>)
    %mul3A_182 = arith.constant 624 : i32
    %mul3A_183 = arith.muli %arg1, %mul3A_182 : i32
    %add3A_184 = arith.constant 288 : i32
    %add3A_185 = arith.addi %mul3A_183, %add3A_184 : i32
    %dma_start3A_186 = arith.constant 0 : i32
    %dma_start3A_187 = arith.constant 1 : i32
    %dma_start3A_188 = arith.constant 0 : i32
    %dma_start3A_189 = arith.constant 0 : i32
    %dma_start3A_190 = tpu.memref_slice %arg8[%dma_start3A_186, %dma_start3A_188, %dma_start3A_189] : memref<2x100x128xf32, #tpu.memory_space<vmem>> -> memref<1x100x128xf32, #tpu.memory_space<vmem>>
    %dma_start3A_191 = tpu.memref_squeeze %dma_start3A_190 : memref<1x100x128xf32, #tpu.memory_space<vmem>> -> memref<100x128xf32, #tpu.memory_space<vmem>>
    %dma_start3A_192 = arith.constant 0 : i32
    %dma_start3A_193 = arith.constant 0 : i32
    %dma_start3A_194 = tpu.memref_slice %dma_start3A_191[%dma_start3A_192, %dma_start3A_193] : memref<100x128xf32, #tpu.memory_space<vmem>> -> memref<48x128xf32, #tpu.memory_space<vmem>>
    %dma_start3A_195 = arith.constant 0 : i32
    %dma_start3A_196 = tpu.memref_slice %arg9[%add3A_185, %dma_start3A_195] : memref<10000x128xf32, #tpu.memory_space<vmem_shared>> -> memref<48x128xf32, #tpu.memory_space<vmem_shared>>
    %dma_start3A_197 = tpu.memref_slice %arg10[%dma_start3A_187] : memref<2x!tpu.dma_semaphore, #tpu.memory_space<semaphore_mem>> -> memref<1x!tpu.dma_semaphore, #tpu.memory_space<semaphore_mem>>
    %dma_start3A_198 = tpu.memref_squeeze %dma_start3A_197 : memref<1x!tpu.dma_semaphore, #tpu.memory_space<semaphore_mem>> -> memref<!tpu.dma_semaphore, #tpu.memory_space<semaphore_mem>>
    %dma_start3A_199 = arith.constant 0 : i32
    %dma_start3A_200 = tpu.memref_slice %arg9[%add3A_185, %dma_start3A_199] : memref<10000x128xf32, #tpu.memory_space<vmem_shared>> -> memref<48x128xf32, #tpu.memory_space<vmem_shared>>
    %dma_start3A_201 = arith.constant 0 : i32
    %dma_start3A_202 = arith.constant 0 : i32
    %dma_start3A_203 = tpu.memref_slice %arg8[%dma_start3A_186, %dma_start3A_201, %dma_start3A_202] : memref<2x100x128xf32, #tpu.memory_space<vmem>> -> memref<1x100x128xf32, #tpu.memory_space<vmem>>
    %dma_start3A_204 = tpu.memref_squeeze %dma_start3A_203 : memref<1x100x128xf32, #tpu.memory_space<vmem>> -> memref<100x128xf32, #tpu.memory_space<vmem>>
    %dma_start3A_205 = arith.constant 0 : i32
    %dma_start3A_206 = arith.constant 0 : i32
    %dma_start3A_207 = tpu.memref_slice %dma_start3A_204[%dma_start3A_205, %dma_start3A_206] : memref<100x128xf32, #tpu.memory_space<vmem>> -> memref<48x128xf32, #tpu.memory_space<vmem>>
    tpu.enqueue_dma source(%dma_start3A_207 : memref<48x128xf32, #tpu.memory_space<vmem>>) target(%dma_start3A_200 : memref<48x128xf32, #tpu.memory_space<vmem_shared>>) target_semaphore(%dma_start3A_198 : memref<!tpu.dma_semaphore, #tpu.memory_space<semaphore_mem>>)
    %mul3A_208 = arith.constant 624 : i32
    %mul3A_209 = arith.muli %arg1, %mul3A_208 : i32
    %add3A_210 = arith.constant 336 : i32
    %add3A_211 = arith.addi %mul3A_209, %add3A_210 : i32
    %dma_start3A_212 = arith.constant 0 : i32
    %dma_start3A_213 = arith.constant 1 : i32
    %dma_start3A_214 = arith.constant 0 : i32
    %dma_start3A_215 = arith.constant 0 : i32
    %dma_start3A_216 = tpu.memref_slice %arg8[%dma_start3A_212, %dma_start3A_214, %dma_start3A_215] : memref<2x100x128xf32, #tpu.memory_space<vmem>> -> memref<1x100x128xf32, #tpu.memory_space<vmem>>
    %dma_start3A_217 = tpu.memref_squeeze %dma_start3A_216 : memref<1x100x128xf32, #tpu.memory_space<vmem>> -> memref<100x128xf32, #tpu.memory_space<vmem>>
    %dma_start3A_218 = arith.constant 0 : i32
    %dma_start3A_219 = arith.constant 0 : i32
    %dma_start3A_220 = tpu.memref_slice %dma_start3A_217[%dma_start3A_218, %dma_start3A_219] : memref<100x128xf32, #tpu.memory_space<vmem>> -> memref<48x128xf32, #tpu.memory_space<vmem>>
    %dma_start3A_221 = arith.constant 0 : i32
    %dma_start3A_222 = tpu.memref_slice %arg9[%add3A_211, %dma_start3A_221] : memref<10000x128xf32, #tpu.memory_space<vmem_shared>> -> memref<48x128xf32, #tpu.memory_space<vmem_shared>>
    %dma_start3A_223 = tpu.memref_slice %arg10[%dma_start3A_213] : memref<2x!tpu.dma_semaphore, #tpu.memory_space<semaphore_mem>> -> memref<1x!tpu.dma_semaphore, #tpu.memory_space<semaphore_mem>>
    %dma_start3A_224 = tpu.memref_squeeze %dma_start3A_223 : memref<1x!tpu.dma_semaphore, #tpu.memory_space<semaphore_mem>> -> memref<!tpu.dma_semaphore, #tpu.memory_space<semaphore_mem>>
    %dma_start3A_225 = arith.constant 0 : i32
    %dma_start3A_226 = tpu.memref_slice %arg9[%add3A_211, %dma_start3A_225] : memref<10000x128xf32, #tpu.memory_space<vmem_shared>> -> memref<48x128xf32, #tpu.memory_space<vmem_shared>>
    %dma_start3A_227 = arith.constant 0 : i32
    %dma_start3A_228 = arith.constant 0 : i32
    %dma_start3A_229 = tpu.memref_slice %arg8[%dma_start3A_212, %dma_start3A_227, %dma_start3A_228] : memref<2x100x128xf32, #tpu.memory_space<vmem>> -> memref<1x100x128xf32, #tpu.memory_space<vmem>>
    %dma_start3A_230 = tpu.memref_squeeze %dma_start3A_229 : memref<1x100x128xf32, #tpu.memory_space<vmem>> -> memref<100x128xf32, #tpu.memory_space<vmem>>
    %dma_start3A_231 = arith.constant 0 : i32
    %dma_start3A_232 = arith.constant 0 : i32
    %dma_start3A_233 = tpu.memref_slice %dma_start3A_230[%dma_start3A_231, %dma_start3A_232] : memref<100x128xf32, #tpu.memory_space<vmem>> -> memref<48x128xf32, #tpu.memory_space<vmem>>
    tpu.enqueue_dma source(%dma_start3A_233 : memref<48x128xf32, #tpu.memory_space<vmem>>) target(%dma_start3A_226 : memref<48x128xf32, #tpu.memory_space<vmem_shared>>) target_semaphore(%dma_start3A_224 : memref<!tpu.dma_semaphore, #tpu.memory_space<semaphore_mem>>)
    %mul3A_234 = arith.constant 624 : i32
    %mul3A_235 = arith.muli %arg1, %mul3A_234 : i32
    %add3A_236 = arith.constant 384 : i32
    %add3A_237 = arith.addi %mul3A_235, %add3A_236 : i32
    %dma_start3A_238 = arith.constant 0 : i32
    %dma_start3A_239 = arith.constant 1 : i32
    %dma_start3A_240 = arith.constant 0 : i32
    %dma_start3A_241 = arith.constant 0 : i32
    %dma_start3A_242 = tpu.memref_slice %arg8[%dma_start3A_238, %dma_start3A_240, %dma_start3A_241] : memref<2x100x128xf32, #tpu.memory_space<vmem>> -> memref<1x100x128xf32, #tpu.memory_space<vmem>>
    %dma_start3A_243 = tpu.memref_squeeze %dma_start3A_242 : memref<1x100x128xf32, #tpu.memory_space<vmem>> -> memref<100x128xf32, #tpu.memory_space<vmem>>
    %dma_start3A_244 = arith.constant 0 : i32
    %dma_start3A_245 = arith.constant 0 : i32
    %dma_start3A_246 = tpu.memref_slice %dma_start3A_243[%dma_start3A_244, %dma_start3A_245] : memref<100x128xf32, #tpu.memory_space<vmem>> -> memref<48x128xf32, #tpu.memory_space<vmem>>
    %dma_start3A_247 = arith.constant 0 : i32
    %dma_start3A_248 = tpu.memref_slice %arg9[%add3A_237, %dma_start3A_247] : memref<10000x128xf32, #tpu.memory_space<vmem_shared>> -> memref<48x128xf32, #tpu.memory_space<vmem_shared>>
    %dma_start3A_249 = tpu.memref_slice %arg10[%dma_start3A_239] : memref<2x!tpu.dma_semaphore, #tpu.memory_space<semaphore_mem>> -> memref<1x!tpu.dma_semaphore, #tpu.memory_space<semaphore_mem>>
    %dma_start3A_250 = tpu.memref_squeeze %dma_start3A_249 : memref<1x!tpu.dma_semaphore, #tpu.memory_space<semaphore_mem>> -> memref<!tpu.dma_semaphore, #tpu.memory_space<semaphore_mem>>
    %dma_start3A_251 = arith.constant 0 : i32
    %dma_start3A_252 = tpu.memref_slice %arg9[%add3A_237, %dma_start3A_251] : memref<10000x128xf32, #tpu.memory_space<vmem_shared>> -> memref<48x128xf32, #tpu.memory_space<vmem_shared>>
    %dma_start3A_253 = arith.constant 0 : i32
    %dma_start3A_254 = arith.constant 0 : i32
    %dma_start3A_255 = tpu.memref_slice %arg8[%dma_start3A_238, %dma_start3A_253, %dma_start3A_254] : memref<2x100x128xf32, #tpu.memory_space<vmem>> -> memref<1x100x128xf32, #tpu.memory_space<vmem>>
    %dma_start3A_256 = tpu.memref_squeeze %dma_start3A_255 : memref<1x100x128xf32, #tpu.memory_space<vmem>> -> memref<100x128xf32, #tpu.memory_space<vmem>>
    %dma_start3A_257 = arith.constant 0 : i32
    %dma_start3A_258 = arith.constant 0 : i32
    %dma_start3A_259 = tpu.memref_slice %dma_start3A_256[%dma_start3A_257, %dma_start3A_258] : memref<100x128xf32, #tpu.memory_space<vmem>> -> memref<48x128xf32, #tpu.memory_space<vmem>>
    tpu.enqueue_dma source(%dma_start3A_259 : memref<48x128xf32, #tpu.memory_space<vmem>>) target(%dma_start3A_252 : memref<48x128xf32, #tpu.memory_space<vmem_shared>>) target_semaphore(%dma_start3A_250 : memref<!tpu.dma_semaphore, #tpu.memory_space<semaphore_mem>>)
    %mul3A_260 = arith.constant 624 : i32
    %mul3A_261 = arith.muli %arg1, %mul3A_260 : i32
    %add3A_262 = arith.constant 432 : i32
    %add3A_263 = arith.addi %mul3A_261, %add3A_262 : i32
    %dma_start3A_264 = arith.constant 0 : i32
    %dma_start3A_265 = arith.constant 1 : i32
    %dma_start3A_266 = arith.constant 0 : i32
    %dma_start3A_267 = arith.constant 0 : i32
    %dma_start3A_268 = tpu.memref_slice %arg8[%dma_start3A_264, %dma_start3A_266, %dma_start3A_267] : memref<2x100x128xf32, #tpu.memory_space<vmem>> -> memref<1x100x128xf32, #tpu.memory_space<vmem>>
    %dma_start3A_269 = tpu.memref_squeeze %dma_start3A_268 : memref<1x100x128xf32, #tpu.memory_space<vmem>> -> memref<100x128xf32, #tpu.memory_space<vmem>>
    %dma_start3A_270 = arith.constant 0 : i32
    %dma_start3A_271 = arith.constant 0 : i32
    %dma_start3A_272 = tpu.memref_slice %dma_start3A_269[%dma_start3A_270, %dma_start3A_271] : memref<100x128xf32, #tpu.memory_space<vmem>> -> memref<48x128xf32, #tpu.memory_space<vmem>>
    %dma_start3A_273 = arith.constant 0 : i32
    %dma_start3A_274 = tpu.memref_slice %arg9[%add3A_263, %dma_start3A_273] : memref<10000x128xf32, #tpu.memory_space<vmem_shared>> -> memref<48x128xf32, #tpu.memory_space<vmem_shared>>
    %dma_start3A_275 = tpu.memref_slice %arg10[%dma_start3A_265] : memref<2x!tpu.dma_semaphore, #tpu.memory_space<semaphore_mem>> -> memref<1x!tpu.dma_semaphore, #tpu.memory_space<semaphore_mem>>
    %dma_start3A_276 = tpu.memref_squeeze %dma_start3A_275 : memref<1x!tpu.dma_semaphore, #tpu.memory_space<semaphore_mem>> -> memref<!tpu.dma_semaphore, #tpu.memory_space<semaphore_mem>>
    %dma_start3A_277 = arith.constant 0 : i32
    %dma_start3A_278 = tpu.memref_slice %arg9[%add3A_263, %dma_start3A_277] : memref<10000x128xf32, #tpu.memory_space<vmem_shared>> -> memref<48x128xf32, #tpu.memory_space<vmem_shared>>
    %dma_start3A_279 = arith.constant 0 : i32
    %dma_start3A_280 = arith.constant 0 : i32
    %dma_start3A_281 = tpu.memref_slice %arg8[%dma_start3A_264, %dma_start3A_279, %dma_start3A_280] : memref<2x100x128xf32, #tpu.memory_space<vmem>> -> memref<1x100x128xf32, #tpu.memory_space<vmem>>
    %dma_start3A_282 = tpu.memref_squeeze %dma_start3A_281 : memref<1x100x128xf32, #tpu.memory_space<vmem>> -> memref<100x128xf32, #tpu.memory_space<vmem>>
    %dma_start3A_283 = arith.constant 0 : i32
    %dma_start3A_284 = arith.constant 0 : i32
    %dma_start3A_285 = tpu.memref_slice %dma_start3A_282[%dma_start3A_283, %dma_start3A_284] : memref<100x128xf32, #tpu.memory_space<vmem>> -> memref<48x128xf32, #tpu.memory_space<vmem>>
    tpu.enqueue_dma source(%dma_start3A_285 : memref<48x128xf32, #tpu.memory_space<vmem>>) target(%dma_start3A_278 : memref<48x128xf32, #tpu.memory_space<vmem_shared>>) target_semaphore(%dma_start3A_276 : memref<!tpu.dma_semaphore, #tpu.memory_space<semaphore_mem>>)
    %mul3A_286 = arith.constant 624 : i32
    %mul3A_287 = arith.muli %arg1, %mul3A_286 : i32
    %add3A_288 = arith.constant 480 : i32
    %add3A_289 = arith.addi %mul3A_287, %add3A_288 : i32
    %dma_start3A_290 = arith.constant 0 : i32
    %dma_start3A_291 = arith.constant 1 : i32
    %dma_start3A_292 = arith.constant 0 : i32
    %dma_start3A_293 = arith.constant 0 : i32
    %dma_start3A_294 = tpu.memref_slice %arg8[%dma_start3A_290, %dma_start3A_292, %dma_start3A_293] : memref<2x100x128xf32, #tpu.memory_space<vmem>> -> memref<1x100x128xf32, #tpu.memory_space<vmem>>
    %dma_start3A_295 = tpu.memref_squeeze %dma_start3A_294 : memref<1x100x128xf32, #tpu.memory_space<vmem>> -> memref<100x128xf32, #tpu.memory_space<vmem>>
    %dma_start3A_296 = arith.constant 0 : i32
    %dma_start3A_297 = arith.constant 0 : i32
    %dma_start3A_298 = tpu.memref_slice %dma_start3A_295[%dma_start3A_296, %dma_start3A_297] : memref<100x128xf32, #tpu.memory_space<vmem>> -> memref<48x128xf32, #tpu.memory_space<vmem>>
    %dma_start3A_299 = arith.constant 0 : i32
    %dma_start3A_300 = tpu.memref_slice %arg9[%add3A_289, %dma_start3A_299] : memref<10000x128xf32, #tpu.memory_space<vmem_shared>> -> memref<48x128xf32, #tpu.memory_space<vmem_shared>>
    %dma_start3A_301 = tpu.memref_slice %arg10[%dma_start3A_291] : memref<2x!tpu.dma_semaphore, #tpu.memory_space<semaphore_mem>> -> memref<1x!tpu.dma_semaphore, #tpu.memory_space<semaphore_mem>>
    %dma_start3A_302 = tpu.memref_squeeze %dma_start3A_301 : memref<1x!tpu.dma_semaphore, #tpu.memory_space<semaphore_mem>> -> memref<!tpu.dma_semaphore, #tpu.memory_space<semaphore_mem>>
    %dma_start3A_303 = arith.constant 0 : i32
    %dma_start3A_304 = tpu.memref_slice %arg9[%add3A_289, %dma_start3A_303] : memref<10000x128xf32, #tpu.memory_space<vmem_shared>> -> memref<48x128xf32, #tpu.memory_space<vmem_shared>>
    %dma_start3A_305 = arith.constant 0 : i32
    %dma_start3A_306 = arith.constant 0 : i32
    %dma_start3A_307 = tpu.memref_slice %arg8[%dma_start3A_290, %dma_start3A_305, %dma_start3A_306] : memref<2x100x128xf32, #tpu.memory_space<vmem>> -> memref<1x100x128xf32, #tpu.memory_space<vmem>>
    %dma_start3A_308 = tpu.memref_squeeze %dma_start3A_307 : memref<1x100x128xf32, #tpu.memory_space<vmem>> -> memref<100x128xf32, #tpu.memory_space<vmem>>
    %dma_start3A_309 = arith.constant 0 : i32
    %dma_start3A_310 = arith.constant 0 : i32
    %dma_start3A_311 = tpu.memref_slice %dma_start3A_308[%dma_start3A_309, %dma_start3A_310] : memref<100x128xf32, #tpu.memory_space<vmem>> -> memref<48x128xf32, #tpu.memory_space<vmem>>
    tpu.enqueue_dma source(%dma_start3A_311 : memref<48x128xf32, #tpu.memory_space<vmem>>) target(%dma_start3A_304 : memref<48x128xf32, #tpu.memory_space<vmem_shared>>) target_semaphore(%dma_start3A_302 : memref<!tpu.dma_semaphore, #tpu.memory_space<semaphore_mem>>)
    %mul3A_312 = arith.constant 624 : i32
    %mul3A_313 = arith.muli %arg1, %mul3A_312 : i32
    %add3A_314 = arith.constant 528 : i32
    %add3A_315 = arith.addi %mul3A_313, %add3A_314 : i32
    %dma_start3A_316 = arith.constant 0 : i32
    %dma_start3A_317 = arith.constant 1 : i32
    %dma_start3A_318 = arith.constant 0 : i32
    %dma_start3A_319 = arith.constant 0 : i32
    %dma_start3A_320 = tpu.memref_slice %arg8[%dma_start3A_316, %dma_start3A_318, %dma_start3A_319] : memref<2x100x128xf32, #tpu.memory_space<vmem>> -> memref<1x100x128xf32, #tpu.memory_space<vmem>>
    %dma_start3A_321 = tpu.memref_squeeze %dma_start3A_320 : memref<1x100x128xf32, #tpu.memory_space<vmem>> -> memref<100x128xf32, #tpu.memory_space<vmem>>
    %dma_start3A_322 = arith.constant 0 : i32
    %dma_start3A_323 = arith.constant 0 : i32
    %dma_start3A_324 = tpu.memref_slice %dma_start3A_321[%dma_start3A_322, %dma_start3A_323] : memref<100x128xf32, #tpu.memory_space<vmem>> -> memref<48x128xf32, #tpu.memory_space<vmem>>
    %dma_start3A_325 = arith.constant 0 : i32
    %dma_start3A_326 = tpu.memref_slice %arg9[%add3A_315, %dma_start3A_325] : memref<10000x128xf32, #tpu.memory_space<vmem_shared>> -> memref<48x128xf32, #tpu.memory_space<vmem_shared>>
    %dma_start3A_327 = tpu.memref_slice %arg10[%dma_start3A_317] : memref<2x!tpu.dma_semaphore, #tpu.memory_space<semaphore_mem>> -> memref<1x!tpu.dma_semaphore, #tpu.memory_space<semaphore_mem>>
    %dma_start3A_328 = tpu.memref_squeeze %dma_start3A_327 : memref<1x!tpu.dma_semaphore, #tpu.memory_space<semaphore_mem>> -> memref<!tpu.dma_semaphore, #tpu.memory_space<semaphore_mem>>
    %dma_start3A_329 = arith.constant 0 : i32
    %dma_start3A_330 = tpu.memref_slice %arg9[%add3A_315, %dma_start3A_329] : memref<10000x128xf32, #tpu.memory_space<vmem_shared>> -> memref<48x128xf32, #tpu.memory_space<vmem_shared>>
    %dma_start3A_331 = arith.constant 0 : i32
    %dma_start3A_332 = arith.constant 0 : i32
    %dma_start3A_333 = tpu.memref_slice %arg8[%dma_start3A_316, %dma_start3A_331, %dma_start3A_332] : memref<2x100x128xf32, #tpu.memory_space<vmem>> -> memref<1x100x128xf32, #tpu.memory_space<vmem>>
    %dma_start3A_334 = tpu.memref_squeeze %dma_start3A_333 : memref<1x100x128xf32, #tpu.memory_space<vmem>> -> memref<100x128xf32, #tpu.memory_space<vmem>>
    %dma_start3A_335 = arith.constant 0 : i32
    %dma_start3A_336 = arith.constant 0 : i32
    %dma_start3A_337 = tpu.memref_slice %dma_start3A_334[%dma_start3A_335, %dma_start3A_336] : memref<100x128xf32, #tpu.memory_space<vmem>> -> memref<48x128xf32, #tpu.memory_space<vmem>>
    tpu.enqueue_dma source(%dma_start3A_337 : memref<48x128xf32, #tpu.memory_space<vmem>>) target(%dma_start3A_330 : memref<48x128xf32, #tpu.memory_space<vmem_shared>>) target_semaphore(%dma_start3A_328 : memref<!tpu.dma_semaphore, #tpu.memory_space<semaphore_mem>>)
    %mul3A_338 = arith.constant 624 : i32
    %mul3A_339 = arith.muli %arg1, %mul3A_338 : i32
    %add3A_340 = arith.constant 576 : i32
    %add3A_341 = arith.addi %mul3A_339, %add3A_340 : i32
    %dma_start3A_342 = arith.constant 0 : i32
    %dma_start3A_343 = arith.constant 1 : i32
    %dma_start3A_344 = arith.constant 0 : i32
    %dma_start3A_345 = arith.constant 0 : i32
    %dma_start3A_346 = tpu.memref_slice %arg8[%dma_start3A_342, %dma_start3A_344, %dma_start3A_345] : memref<2x100x128xf32, #tpu.memory_space<vmem>> -> memref<1x100x128xf32, #tpu.memory_space<vmem>>
    %dma_start3A_347 = tpu.memref_squeeze %dma_start3A_346 : memref<1x100x128xf32, #tpu.memory_space<vmem>> -> memref<100x128xf32, #tpu.memory_space<vmem>>
    %dma_start3A_348 = arith.constant 0 : i32
    %dma_start3A_349 = arith.constant 0 : i32
    %dma_start3A_350 = tpu.memref_slice %dma_start3A_347[%dma_start3A_348, %dma_start3A_349] : memref<100x128xf32, #tpu.memory_space<vmem>> -> memref<48x128xf32, #tpu.memory_space<vmem>>
    %dma_start3A_351 = arith.constant 0 : i32
    %dma_start3A_352 = tpu.memref_slice %arg9[%add3A_341, %dma_start3A_351] : memref<10000x128xf32, #tpu.memory_space<vmem_shared>> -> memref<48x128xf32, #tpu.memory_space<vmem_shared>>
    %dma_start3A_353 = tpu.memref_slice %arg10[%dma_start3A_343] : memref<2x!tpu.dma_semaphore, #tpu.memory_space<semaphore_mem>> -> memref<1x!tpu.dma_semaphore, #tpu.memory_space<semaphore_mem>>
    %dma_start3A_354 = tpu.memref_squeeze %dma_start3A_353 : memref<1x!tpu.dma_semaphore, #tpu.memory_space<semaphore_mem>> -> memref<!tpu.dma_semaphore, #tpu.memory_space<semaphore_mem>>
    %dma_start3A_355 = arith.constant 0 : i32
    %dma_start3A_356 = tpu.memref_slice %arg9[%add3A_341, %dma_start3A_355] : memref<10000x128xf32, #tpu.memory_space<vmem_shared>> -> memref<48x128xf32, #tpu.memory_space<vmem_shared>>
    %dma_start3A_357 = arith.constant 0 : i32
    %dma_start3A_358 = arith.constant 0 : i32
    %dma_start3A_359 = tpu.memref_slice %arg8[%dma_start3A_342, %dma_start3A_357, %dma_start3A_358] : memref<2x100x128xf32, #tpu.memory_space<vmem>> -> memref<1x100x128xf32, #tpu.memory_space<vmem>>
    %dma_start3A_360 = tpu.memref_squeeze %dma_start3A_359 : memref<1x100x128xf32, #tpu.memory_space<vmem>> -> memref<100x128xf32, #tpu.memory_space<vmem>>
    %dma_start3A_361 = arith.constant 0 : i32
    %dma_start3A_362 = arith.constant 0 : i32
    %dma_start3A_363 = tpu.memref_slice %dma_start3A_360[%dma_start3A_361, %dma_start3A_362] : memref<100x128xf32, #tpu.memory_space<vmem>> -> memref<48x128xf32, #tpu.memory_space<vmem>>
    tpu.enqueue_dma source(%dma_start3A_363 : memref<48x128xf32, #tpu.memory_space<vmem>>) target(%dma_start3A_356 : memref<48x128xf32, #tpu.memory_space<vmem_shared>>) target_semaphore(%dma_start3A_354 : memref<!tpu.dma_semaphore, #tpu.memory_space<semaphore_mem>>)
    %eq3A = arith.constant 0 : i32
    %eq3A_364 = arith.cmpi eq, %arg1, %eq3A : i32
    %convert_element_type3A = arith.extui %eq3A_364 : i1 to i32
    %cond3A = arith.constant 0 : i32
    %cond3A_365 = arith.cmpi ne, %convert_element_type3A, %cond3A : i32
    scf.if %cond3A_365 {
      %dma_start3A_777 = arith.constant 0 : i32
      %dma_start3A_778 = arith.constant 1 : i32
      %dma_start3A_779 = arith.constant 0 : i32
      %dma_start3A_780 = arith.constant 0 : i32
      %dma_start3A_781 = tpu.memref_slice %arg8[%dma_start3A_777, %dma_start3A_779, %dma_start3A_780] : memref<2x100x128xf32, #tpu.memory_space<vmem>> -> memref<1x100x128xf32, #tpu.memory_space<vmem>>
      %dma_start3A_782 = tpu.memref_squeeze %dma_start3A_781 : memref<1x100x128xf32, #tpu.memory_space<vmem>> -> memref<100x128xf32, #tpu.memory_space<vmem>>
      %dma_start3A_783 = arith.constant 0 : i32
      %dma_start3A_784 = arith.constant 0 : i32
      %dma_start3A_785 = tpu.memref_slice %dma_start3A_782[%dma_start3A_783, %dma_start3A_784] : memref<100x128xf32, #tpu.memory_space<vmem>> -> memref<16x128xf32, #tpu.memory_space<vmem>>
      %dma_start3A_786 = arith.constant 9984 : i32
      %dma_start3A_787 = arith.constant 0 : i32
      %dma_start3A_788 = tpu.memref_slice %arg9[%dma_start3A_786, %dma_start3A_787] : memref<10000x128xf32, #tpu.memory_space<vmem_shared>> -> memref<16x128xf32, #tpu.memory_space<vmem_shared>>
      %dma_start3A_789 = tpu.memref_slice %arg10[%dma_start3A_778] : memref<2x!tpu.dma_semaphore, #tpu.memory_space<semaphore_mem>> -> memref<1x!tpu.dma_semaphore, #tpu.memory_space<semaphore_mem>>
      %dma_start3A_790 = tpu.memref_squeeze %dma_start3A_789 : memref<1x!tpu.dma_semaphore, #tpu.memory_space<semaphore_mem>> -> memref<!tpu.dma_semaphore, #tpu.memory_space<semaphore_mem>>
      %dma_start3A_791 = arith.constant 9984 : i32
      %dma_start3A_792 = arith.constant 0 : i32
      %dma_start3A_793 = tpu.memref_slice %arg9[%dma_start3A_791, %dma_start3A_792] : memref<10000x128xf32, #tpu.memory_space<vmem_shared>> -> memref<16x128xf32, #tpu.memory_space<vmem_shared>>
      %dma_start3A_794 = arith.constant 0 : i32
      %dma_start3A_795 = arith.constant 0 : i32
      %dma_start3A_796 = tpu.memref_slice %arg8[%dma_start3A_777, %dma_start3A_794, %dma_start3A_795] : memref<2x100x128xf32, #tpu.memory_space<vmem>> -> memref<1x100x128xf32, #tpu.memory_space<vmem>>
      %dma_start3A_797 = tpu.memref_squeeze %dma_start3A_796 : memref<1x100x128xf32, #tpu.memory_space<vmem>> -> memref<100x128xf32, #tpu.memory_space<vmem>>
      %dma_start3A_798 = arith.constant 0 : i32
      %dma_start3A_799 = arith.constant 0 : i32
      %dma_start3A_800 = tpu.memref_slice %dma_start3A_797[%dma_start3A_798, %dma_start3A_799] : memref<100x128xf32, #tpu.memory_space<vmem>> -> memref<16x128xf32, #tpu.memory_space<vmem>>
      tpu.enqueue_dma source(%dma_start3A_800 : memref<16x128xf32, #tpu.memory_space<vmem>>) target(%dma_start3A_793 : memref<16x128xf32, #tpu.memory_space<vmem_shared>>) target_semaphore(%dma_start3A_790 : memref<!tpu.dma_semaphore, #tpu.memory_space<semaphore_mem>>)
    } else {
    }
    %dma_wait3A = arith.constant 0 : i32
    %dma_wait3A_366 = arith.constant 0 : i32
    %dma_wait3A_367 = arith.constant 0 : i32
    %dma_wait3A_368 = tpu.memref_slice %arg3[%arg0, %arg1, %dma_wait3A_366, %dma_wait3A_367] : memref<2x16x100x100xi32, #tpu.memory_space<hbm>> -> memref<1x1x100x100xi32, #tpu.memory_space<hbm>>
    %dma_wait3A_369 = tpu.memref_squeeze %dma_wait3A_368 : memref<1x1x100x100xi32, #tpu.memory_space<hbm>> -> memref<100x100xi32, #tpu.memory_space<hbm>>
    %dma_wait3A_370 = tpu.memref_slice %arg10[%dma_wait3A] : memref<2x!tpu.dma_semaphore, #tpu.memory_space<semaphore_mem>> -> memref<1x!tpu.dma_semaphore, #tpu.memory_space<semaphore_mem>>
    %dma_wait3A_371 = tpu.memref_squeeze %dma_wait3A_370 : memref<1x!tpu.dma_semaphore, #tpu.memory_space<semaphore_mem>> -> memref<!tpu.dma_semaphore, #tpu.memory_space<semaphore_mem>>
    %dma_wait3A_372 = arith.constant 0 : i32
    %dma_wait3A_373 = arith.constant 0 : i32
    %dma_wait3A_374 = tpu.memref_slice %arg3[%arg0, %arg1, %dma_wait3A_372, %dma_wait3A_373] : memref<2x16x100x100xi32, #tpu.memory_space<hbm>> -> memref<1x1x100x100xi32, #tpu.memory_space<hbm>>
    %dma_wait3A_375 = tpu.memref_squeeze %dma_wait3A_374 : memref<1x1x100x100xi32, #tpu.memory_space<hbm>> -> memref<100x100xi32, #tpu.memory_space<hbm>>
    tpu.wait_dma2 semaphore(%dma_wait3A_371 : memref<!tpu.dma_semaphore, #tpu.memory_space<semaphore_mem>>) src(%dma_wait3A_375 : memref<100x100xi32, #tpu.memory_space<hbm>>) dst(%arg6 : memref<100x100xi32, #tpu.memory_space<vmem>>)
    %dma_wait3A_376 = arith.constant 0 : i32
    %dma_wait3A_377 = arith.constant 0 : i32
    %dma_wait3A_378 = arith.constant 0 : i32
    %dma_wait3A_379 = tpu.memref_slice %arg4[%arg0, %arg1, %dma_wait3A_377, %dma_wait3A_378] : memref<2x16x100x100xi32, #tpu.memory_space<hbm>> -> memref<1x1x100x100xi32, #tpu.memory_space<hbm>>
    %dma_wait3A_380 = tpu.memref_squeeze %dma_wait3A_379 : memref<1x1x100x100xi32, #tpu.memory_space<hbm>> -> memref<100x100xi32, #tpu.memory_space<hbm>>
    %dma_wait3A_381 = tpu.memref_slice %arg10[%dma_wait3A_376] : memref<2x!tpu.dma_semaphore, #tpu.memory_space<semaphore_mem>> -> memref<1x!tpu.dma_semaphore, #tpu.memory_space<semaphore_mem>>
    %dma_wait3A_382 = tpu.memref_squeeze %dma_wait3A_381 : memref<1x!tpu.dma_semaphore, #tpu.memory_space<semaphore_mem>> -> memref<!tpu.dma_semaphore, #tpu.memory_space<semaphore_mem>>
    %dma_wait3A_383 = arith.constant 0 : i32
    %dma_wait3A_384 = arith.constant 0 : i32
    %dma_wait3A_385 = tpu.memref_slice %arg4[%arg0, %arg1, %dma_wait3A_383, %dma_wait3A_384] : memref<2x16x100x100xi32, #tpu.memory_space<hbm>> -> memref<1x1x100x100xi32, #tpu.memory_space<hbm>>
    %dma_wait3A_386 = tpu.memref_squeeze %dma_wait3A_385 : memref<1x1x100x100xi32, #tpu.memory_space<hbm>> -> memref<100x100xi32, #tpu.memory_space<hbm>>
    tpu.wait_dma2 semaphore(%dma_wait3A_382 : memref<!tpu.dma_semaphore, #tpu.memory_space<semaphore_mem>>) src(%dma_wait3A_386 : memref<100x100xi32, #tpu.memory_space<hbm>>) dst(%arg7 : memref<100x100xi32, #tpu.memory_space<vmem>>)
    %mul3A_387 = arith.constant 624 : i32
    %mul3A_388 = arith.muli %arg1, %mul3A_387 : i32
    %add3A_389 = arith.constant 0 : i32
    %add3A_390 = arith.addi %mul3A_388, %add3A_389 : i32
    %dma_wait3A_391 = arith.constant 0 : i32
    %dma_wait3A_392 = arith.constant 1 : i32
    %dma_wait3A_393 = arith.constant 0 : i32
    %dma_wait3A_394 = arith.constant 0 : i32
    %dma_wait3A_395 = tpu.memref_slice %arg8[%dma_wait3A_391, %dma_wait3A_393, %dma_wait3A_394] : memref<2x100x128xf32, #tpu.memory_space<vmem>> -> memref<1x100x128xf32, #tpu.memory_space<vmem>>
    %dma_wait3A_396 = tpu.memref_squeeze %dma_wait3A_395 : memref<1x100x128xf32, #tpu.memory_space<vmem>> -> memref<100x128xf32, #tpu.memory_space<vmem>>
    %dma_wait3A_397 = arith.constant 0 : i32
    %dma_wait3A_398 = arith.constant 0 : i32
    %dma_wait3A_399 = tpu.memref_slice %dma_wait3A_396[%dma_wait3A_397, %dma_wait3A_398] : memref<100x128xf32, #tpu.memory_space<vmem>> -> memref<48x128xf32, #tpu.memory_space<vmem>>
    %dma_wait3A_400 = arith.constant 0 : i32
    %dma_wait3A_401 = tpu.memref_slice %arg9[%add3A_390, %dma_wait3A_400] : memref<10000x128xf32, #tpu.memory_space<vmem_shared>> -> memref<48x128xf32, #tpu.memory_space<vmem_shared>>
    %dma_wait3A_402 = tpu.memref_slice %arg10[%dma_wait3A_392] : memref<2x!tpu.dma_semaphore, #tpu.memory_space<semaphore_mem>> -> memref<1x!tpu.dma_semaphore, #tpu.memory_space<semaphore_mem>>
    %dma_wait3A_403 = tpu.memref_squeeze %dma_wait3A_402 : memref<1x!tpu.dma_semaphore, #tpu.memory_space<semaphore_mem>> -> memref<!tpu.dma_semaphore, #tpu.memory_space<semaphore_mem>>
    %dma_wait3A_404 = arith.constant 0 : i32
    %dma_wait3A_405 = tpu.memref_slice %arg9[%add3A_390, %dma_wait3A_404] : memref<10000x128xf32, #tpu.memory_space<vmem_shared>> -> memref<48x128xf32, #tpu.memory_space<vmem_shared>>
    %dma_wait3A_406 = arith.constant 0 : i32
    %dma_wait3A_407 = arith.constant 0 : i32
    %dma_wait3A_408 = tpu.memref_slice %arg8[%dma_wait3A_391, %dma_wait3A_406, %dma_wait3A_407] : memref<2x100x128xf32, #tpu.memory_space<vmem>> -> memref<1x100x128xf32, #tpu.memory_space<vmem>>
    %dma_wait3A_409 = tpu.memref_squeeze %dma_wait3A_408 : memref<1x100x128xf32, #tpu.memory_space<vmem>> -> memref<100x128xf32, #tpu.memory_space<vmem>>
    %dma_wait3A_410 = arith.constant 0 : i32
    %dma_wait3A_411 = arith.constant 0 : i32
    %dma_wait3A_412 = tpu.memref_slice %dma_wait3A_409[%dma_wait3A_410, %dma_wait3A_411] : memref<100x128xf32, #tpu.memory_space<vmem>> -> memref<48x128xf32, #tpu.memory_space<vmem>>
    tpu.wait_dma2 semaphore(%dma_wait3A_403 : memref<!tpu.dma_semaphore, #tpu.memory_space<semaphore_mem>>) src(%dma_wait3A_412 : memref<48x128xf32, #tpu.memory_space<vmem>>) dst(%dma_wait3A_405 : memref<48x128xf32, #tpu.memory_space<vmem_shared>>)
    %mul3A_413 = arith.constant 624 : i32
    %mul3A_414 = arith.muli %arg1, %mul3A_413 : i32
    %add3A_415 = arith.constant 48 : i32
    %add3A_416 = arith.addi %mul3A_414, %add3A_415 : i32
    %dma_wait3A_417 = arith.constant 0 : i32
    %dma_wait3A_418 = arith.constant 1 : i32
    %dma_wait3A_419 = arith.constant 0 : i32
    %dma_wait3A_420 = arith.constant 0 : i32
    %dma_wait3A_421 = tpu.memref_slice %arg8[%dma_wait3A_417, %dma_wait3A_419, %dma_wait3A_420] : memref<2x100x128xf32, #tpu.memory_space<vmem>> -> memref<1x100x128xf32, #tpu.memory_space<vmem>>
    %dma_wait3A_422 = tpu.memref_squeeze %dma_wait3A_421 : memref<1x100x128xf32, #tpu.memory_space<vmem>> -> memref<100x128xf32, #tpu.memory_space<vmem>>
    %dma_wait3A_423 = arith.constant 0 : i32
    %dma_wait3A_424 = arith.constant 0 : i32
    %dma_wait3A_425 = tpu.memref_slice %dma_wait3A_422[%dma_wait3A_423, %dma_wait3A_424] : memref<100x128xf32, #tpu.memory_space<vmem>> -> memref<48x128xf32, #tpu.memory_space<vmem>>
    %dma_wait3A_426 = arith.constant 0 : i32
    %dma_wait3A_427 = tpu.memref_slice %arg9[%add3A_416, %dma_wait3A_426] : memref<10000x128xf32, #tpu.memory_space<vmem_shared>> -> memref<48x128xf32, #tpu.memory_space<vmem_shared>>
    %dma_wait3A_428 = tpu.memref_slice %arg10[%dma_wait3A_418] : memref<2x!tpu.dma_semaphore, #tpu.memory_space<semaphore_mem>> -> memref<1x!tpu.dma_semaphore, #tpu.memory_space<semaphore_mem>>
    %dma_wait3A_429 = tpu.memref_squeeze %dma_wait3A_428 : memref<1x!tpu.dma_semaphore, #tpu.memory_space<semaphore_mem>> -> memref<!tpu.dma_semaphore, #tpu.memory_space<semaphore_mem>>
    %dma_wait3A_430 = arith.constant 0 : i32
    %dma_wait3A_431 = tpu.memref_slice %arg9[%add3A_416, %dma_wait3A_430] : memref<10000x128xf32, #tpu.memory_space<vmem_shared>> -> memref<48x128xf32, #tpu.memory_space<vmem_shared>>
    %dma_wait3A_432 = arith.constant 0 : i32
    %dma_wait3A_433 = arith.constant 0 : i32
    %dma_wait3A_434 = tpu.memref_slice %arg8[%dma_wait3A_417, %dma_wait3A_432, %dma_wait3A_433] : memref<2x100x128xf32, #tpu.memory_space<vmem>> -> memref<1x100x128xf32, #tpu.memory_space<vmem>>
    %dma_wait3A_435 = tpu.memref_squeeze %dma_wait3A_434 : memref<1x100x128xf32, #tpu.memory_space<vmem>> -> memref<100x128xf32, #tpu.memory_space<vmem>>
    %dma_wait3A_436 = arith.constant 0 : i32
    %dma_wait3A_437 = arith.constant 0 : i32
    %dma_wait3A_438 = tpu.memref_slice %dma_wait3A_435[%dma_wait3A_436, %dma_wait3A_437] : memref<100x128xf32, #tpu.memory_space<vmem>> -> memref<48x128xf32, #tpu.memory_space<vmem>>
    tpu.wait_dma2 semaphore(%dma_wait3A_429 : memref<!tpu.dma_semaphore, #tpu.memory_space<semaphore_mem>>) src(%dma_wait3A_438 : memref<48x128xf32, #tpu.memory_space<vmem>>) dst(%dma_wait3A_431 : memref<48x128xf32, #tpu.memory_space<vmem_shared>>)
    %mul3A_439 = arith.constant 624 : i32
    %mul3A_440 = arith.muli %arg1, %mul3A_439 : i32
    %add3A_441 = arith.constant 96 : i32
    %add3A_442 = arith.addi %mul3A_440, %add3A_441 : i32
    %dma_wait3A_443 = arith.constant 0 : i32
    %dma_wait3A_444 = arith.constant 1 : i32
    %dma_wait3A_445 = arith.constant 0 : i32
    %dma_wait3A_446 = arith.constant 0 : i32
    %dma_wait3A_447 = tpu.memref_slice %arg8[%dma_wait3A_443, %dma_wait3A_445, %dma_wait3A_446] : memref<2x100x128xf32, #tpu.memory_space<vmem>> -> memref<1x100x128xf32, #tpu.memory_space<vmem>>
    %dma_wait3A_448 = tpu.memref_squeeze %dma_wait3A_447 : memref<1x100x128xf32, #tpu.memory_space<vmem>> -> memref<100x128xf32, #tpu.memory_space<vmem>>
    %dma_wait3A_449 = arith.constant 0 : i32
    %dma_wait3A_450 = arith.constant 0 : i32
    %dma_wait3A_451 = tpu.memref_slice %dma_wait3A_448[%dma_wait3A_449, %dma_wait3A_450] : memref<100x128xf32, #tpu.memory_space<vmem>> -> memref<48x128xf32, #tpu.memory_space<vmem>>
    %dma_wait3A_452 = arith.constant 0 : i32
    %dma_wait3A_453 = tpu.memref_slice %arg9[%add3A_442, %dma_wait3A_452] : memref<10000x128xf32, #tpu.memory_space<vmem_shared>> -> memref<48x128xf32, #tpu.memory_space<vmem_shared>>
    %dma_wait3A_454 = tpu.memref_slice %arg10[%dma_wait3A_444] : memref<2x!tpu.dma_semaphore, #tpu.memory_space<semaphore_mem>> -> memref<1x!tpu.dma_semaphore, #tpu.memory_space<semaphore_mem>>
    %dma_wait3A_455 = tpu.memref_squeeze %dma_wait3A_454 : memref<1x!tpu.dma_semaphore, #tpu.memory_space<semaphore_mem>> -> memref<!tpu.dma_semaphore, #tpu.memory_space<semaphore_mem>>
    %dma_wait3A_456 = arith.constant 0 : i32
    %dma_wait3A_457 = tpu.memref_slice %arg9[%add3A_442, %dma_wait3A_456] : memref<10000x128xf32, #tpu.memory_space<vmem_shared>> -> memref<48x128xf32, #tpu.memory_space<vmem_shared>>
    %dma_wait3A_458 = arith.constant 0 : i32
    %dma_wait3A_459 = arith.constant 0 : i32
    %dma_wait3A_460 = tpu.memref_slice %arg8[%dma_wait3A_443, %dma_wait3A_458, %dma_wait3A_459] : memref<2x100x128xf32, #tpu.memory_space<vmem>> -> memref<1x100x128xf32, #tpu.memory_space<vmem>>
    %dma_wait3A_461 = tpu.memref_squeeze %dma_wait3A_460 : memref<1x100x128xf32, #tpu.memory_space<vmem>> -> memref<100x128xf32, #tpu.memory_space<vmem>>
    %dma_wait3A_462 = arith.constant 0 : i32
    %dma_wait3A_463 = arith.constant 0 : i32
    %dma_wait3A_464 = tpu.memref_slice %dma_wait3A_461[%dma_wait3A_462, %dma_wait3A_463] : memref<100x128xf32, #tpu.memory_space<vmem>> -> memref<48x128xf32, #tpu.memory_space<vmem>>
    tpu.wait_dma2 semaphore(%dma_wait3A_455 : memref<!tpu.dma_semaphore, #tpu.memory_space<semaphore_mem>>) src(%dma_wait3A_464 : memref<48x128xf32, #tpu.memory_space<vmem>>) dst(%dma_wait3A_457 : memref<48x128xf32, #tpu.memory_space<vmem_shared>>)
    %mul3A_465 = arith.constant 624 : i32
    %mul3A_466 = arith.muli %arg1, %mul3A_465 : i32
    %add3A_467 = arith.constant 144 : i32
    %add3A_468 = arith.addi %mul3A_466, %add3A_467 : i32
    %dma_wait3A_469 = arith.constant 0 : i32
    %dma_wait3A_470 = arith.constant 1 : i32
    %dma_wait3A_471 = arith.constant 0 : i32
    %dma_wait3A_472 = arith.constant 0 : i32
    %dma_wait3A_473 = tpu.memref_slice %arg8[%dma_wait3A_469, %dma_wait3A_471, %dma_wait3A_472] : memref<2x100x128xf32, #tpu.memory_space<vmem>> -> memref<1x100x128xf32, #tpu.memory_space<vmem>>
    %dma_wait3A_474 = tpu.memref_squeeze %dma_wait3A_473 : memref<1x100x128xf32, #tpu.memory_space<vmem>> -> memref<100x128xf32, #tpu.memory_space<vmem>>
    %dma_wait3A_475 = arith.constant 0 : i32
    %dma_wait3A_476 = arith.constant 0 : i32
    %dma_wait3A_477 = tpu.memref_slice %dma_wait3A_474[%dma_wait3A_475, %dma_wait3A_476] : memref<100x128xf32, #tpu.memory_space<vmem>> -> memref<48x128xf32, #tpu.memory_space<vmem>>
    %dma_wait3A_478 = arith.constant 0 : i32
    %dma_wait3A_479 = tpu.memref_slice %arg9[%add3A_468, %dma_wait3A_478] : memref<10000x128xf32, #tpu.memory_space<vmem_shared>> -> memref<48x128xf32, #tpu.memory_space<vmem_shared>>
    %dma_wait3A_480 = tpu.memref_slice %arg10[%dma_wait3A_470] : memref<2x!tpu.dma_semaphore, #tpu.memory_space<semaphore_mem>> -> memref<1x!tpu.dma_semaphore, #tpu.memory_space<semaphore_mem>>
    %dma_wait3A_481 = tpu.memref_squeeze %dma_wait3A_480 : memref<1x!tpu.dma_semaphore, #tpu.memory_space<semaphore_mem>> -> memref<!tpu.dma_semaphore, #tpu.memory_space<semaphore_mem>>
    %dma_wait3A_482 = arith.constant 0 : i32
    %dma_wait3A_483 = tpu.memref_slice %arg9[%add3A_468, %dma_wait3A_482] : memref<10000x128xf32, #tpu.memory_space<vmem_shared>> -> memref<48x128xf32, #tpu.memory_space<vmem_shared>>
    %dma_wait3A_484 = arith.constant 0 : i32
    %dma_wait3A_485 = arith.constant 0 : i32
    %dma_wait3A_486 = tpu.memref_slice %arg8[%dma_wait3A_469, %dma_wait3A_484, %dma_wait3A_485] : memref<2x100x128xf32, #tpu.memory_space<vmem>> -> memref<1x100x128xf32, #tpu.memory_space<vmem>>
    %dma_wait3A_487 = tpu.memref_squeeze %dma_wait3A_486 : memref<1x100x128xf32, #tpu.memory_space<vmem>> -> memref<100x128xf32, #tpu.memory_space<vmem>>
    %dma_wait3A_488 = arith.constant 0 : i32
    %dma_wait3A_489 = arith.constant 0 : i32
    %dma_wait3A_490 = tpu.memref_slice %dma_wait3A_487[%dma_wait3A_488, %dma_wait3A_489] : memref<100x128xf32, #tpu.memory_space<vmem>> -> memref<48x128xf32, #tpu.memory_space<vmem>>
    tpu.wait_dma2 semaphore(%dma_wait3A_481 : memref<!tpu.dma_semaphore, #tpu.memory_space<semaphore_mem>>) src(%dma_wait3A_490 : memref<48x128xf32, #tpu.memory_space<vmem>>) dst(%dma_wait3A_483 : memref<48x128xf32, #tpu.memory_space<vmem_shared>>)
    %mul3A_491 = arith.constant 624 : i32
    %mul3A_492 = arith.muli %arg1, %mul3A_491 : i32
    %add3A_493 = arith.constant 192 : i32
    %add3A_494 = arith.addi %mul3A_492, %add3A_493 : i32
    %dma_wait3A_495 = arith.constant 0 : i32
    %dma_wait3A_496 = arith.constant 1 : i32
    %dma_wait3A_497 = arith.constant 0 : i32
    %dma_wait3A_498 = arith.constant 0 : i32
    %dma_wait3A_499 = tpu.memref_slice %arg8[%dma_wait3A_495, %dma_wait3A_497, %dma_wait3A_498] : memref<2x100x128xf32, #tpu.memory_space<vmem>> -> memref<1x100x128xf32, #tpu.memory_space<vmem>>
    %dma_wait3A_500 = tpu.memref_squeeze %dma_wait3A_499 : memref<1x100x128xf32, #tpu.memory_space<vmem>> -> memref<100x128xf32, #tpu.memory_space<vmem>>
    %dma_wait3A_501 = arith.constant 0 : i32
    %dma_wait3A_502 = arith.constant 0 : i32
    %dma_wait3A_503 = tpu.memref_slice %dma_wait3A_500[%dma_wait3A_501, %dma_wait3A_502] : memref<100x128xf32, #tpu.memory_space<vmem>> -> memref<48x128xf32, #tpu.memory_space<vmem>>
    %dma_wait3A_504 = arith.constant 0 : i32
    %dma_wait3A_505 = tpu.memref_slice %arg9[%add3A_494, %dma_wait3A_504] : memref<10000x128xf32, #tpu.memory_space<vmem_shared>> -> memref<48x128xf32, #tpu.memory_space<vmem_shared>>
    %dma_wait3A_506 = tpu.memref_slice %arg10[%dma_wait3A_496] : memref<2x!tpu.dma_semaphore, #tpu.memory_space<semaphore_mem>> -> memref<1x!tpu.dma_semaphore, #tpu.memory_space<semaphore_mem>>
    %dma_wait3A_507 = tpu.memref_squeeze %dma_wait3A_506 : memref<1x!tpu.dma_semaphore, #tpu.memory_space<semaphore_mem>> -> memref<!tpu.dma_semaphore, #tpu.memory_space<semaphore_mem>>
    %dma_wait3A_508 = arith.constant 0 : i32
    %dma_wait3A_509 = tpu.memref_slice %arg9[%add3A_494, %dma_wait3A_508] : memref<10000x128xf32, #tpu.memory_space<vmem_shared>> -> memref<48x128xf32, #tpu.memory_space<vmem_shared>>
    %dma_wait3A_510 = arith.constant 0 : i32
    %dma_wait3A_511 = arith.constant 0 : i32
    %dma_wait3A_512 = tpu.memref_slice %arg8[%dma_wait3A_495, %dma_wait3A_510, %dma_wait3A_511] : memref<2x100x128xf32, #tpu.memory_space<vmem>> -> memref<1x100x128xf32, #tpu.memory_space<vmem>>
    %dma_wait3A_513 = tpu.memref_squeeze %dma_wait3A_512 : memref<1x100x128xf32, #tpu.memory_space<vmem>> -> memref<100x128xf32, #tpu.memory_space<vmem>>
    %dma_wait3A_514 = arith.constant 0 : i32
    %dma_wait3A_515 = arith.constant 0 : i32
    %dma_wait3A_516 = tpu.memref_slice %dma_wait3A_513[%dma_wait3A_514, %dma_wait3A_515] : memref<100x128xf32, #tpu.memory_space<vmem>> -> memref<48x128xf32, #tpu.memory_space<vmem>>
    tpu.wait_dma2 semaphore(%dma_wait3A_507 : memref<!tpu.dma_semaphore, #tpu.memory_space<semaphore_mem>>) src(%dma_wait3A_516 : memref<48x128xf32, #tpu.memory_space<vmem>>) dst(%dma_wait3A_509 : memref<48x128xf32, #tpu.memory_space<vmem_shared>>)
    %mul3A_517 = arith.constant 624 : i32
    %mul3A_518 = arith.muli %arg1, %mul3A_517 : i32
    %add3A_519 = arith.constant 240 : i32
    %add3A_520 = arith.addi %mul3A_518, %add3A_519 : i32
    %dma_wait3A_521 = arith.constant 0 : i32
    %dma_wait3A_522 = arith.constant 1 : i32
    %dma_wait3A_523 = arith.constant 0 : i32
    %dma_wait3A_524 = arith.constant 0 : i32
    %dma_wait3A_525 = tpu.memref_slice %arg8[%dma_wait3A_521, %dma_wait3A_523, %dma_wait3A_524] : memref<2x100x128xf32, #tpu.memory_space<vmem>> -> memref<1x100x128xf32, #tpu.memory_space<vmem>>
    %dma_wait3A_526 = tpu.memref_squeeze %dma_wait3A_525 : memref<1x100x128xf32, #tpu.memory_space<vmem>> -> memref<100x128xf32, #tpu.memory_space<vmem>>
    %dma_wait3A_527 = arith.constant 0 : i32
    %dma_wait3A_528 = arith.constant 0 : i32
    %dma_wait3A_529 = tpu.memref_slice %dma_wait3A_526[%dma_wait3A_527, %dma_wait3A_528] : memref<100x128xf32, #tpu.memory_space<vmem>> -> memref<48x128xf32, #tpu.memory_space<vmem>>
    %dma_wait3A_530 = arith.constant 0 : i32
    %dma_wait3A_531 = tpu.memref_slice %arg9[%add3A_520, %dma_wait3A_530] : memref<10000x128xf32, #tpu.memory_space<vmem_shared>> -> memref<48x128xf32, #tpu.memory_space<vmem_shared>>
    %dma_wait3A_532 = tpu.memref_slice %arg10[%dma_wait3A_522] : memref<2x!tpu.dma_semaphore, #tpu.memory_space<semaphore_mem>> -> memref<1x!tpu.dma_semaphore, #tpu.memory_space<semaphore_mem>>
    %dma_wait3A_533 = tpu.memref_squeeze %dma_wait3A_532 : memref<1x!tpu.dma_semaphore, #tpu.memory_space<semaphore_mem>> -> memref<!tpu.dma_semaphore, #tpu.memory_space<semaphore_mem>>
    %dma_wait3A_534 = arith.constant 0 : i32
    %dma_wait3A_535 = tpu.memref_slice %arg9[%add3A_520, %dma_wait3A_534] : memref<10000x128xf32, #tpu.memory_space<vmem_shared>> -> memref<48x128xf32, #tpu.memory_space<vmem_shared>>
    %dma_wait3A_536 = arith.constant 0 : i32
    %dma_wait3A_537 = arith.constant 0 : i32
    %dma_wait3A_538 = tpu.memref_slice %arg8[%dma_wait3A_521, %dma_wait3A_536, %dma_wait3A_537] : memref<2x100x128xf32, #tpu.memory_space<vmem>> -> memref<1x100x128xf32, #tpu.memory_space<vmem>>
    %dma_wait3A_539 = tpu.memref_squeeze %dma_wait3A_538 : memref<1x100x128xf32, #tpu.memory_space<vmem>> -> memref<100x128xf32, #tpu.memory_space<vmem>>
    %dma_wait3A_540 = arith.constant 0 : i32
    %dma_wait3A_541 = arith.constant 0 : i32
    %dma_wait3A_542 = tpu.memref_slice %dma_wait3A_539[%dma_wait3A_540, %dma_wait3A_541] : memref<100x128xf32, #tpu.memory_space<vmem>> -> memref<48x128xf32, #tpu.memory_space<vmem>>
    tpu.wait_dma2 semaphore(%dma_wait3A_533 : memref<!tpu.dma_semaphore, #tpu.memory_space<semaphore_mem>>) src(%dma_wait3A_542 : memref<48x128xf32, #tpu.memory_space<vmem>>) dst(%dma_wait3A_535 : memref<48x128xf32, #tpu.memory_space<vmem_shared>>)
    %mul3A_543 = arith.constant 624 : i32
    %mul3A_544 = arith.muli %arg1, %mul3A_543 : i32
    %add3A_545 = arith.constant 288 : i32
    %add3A_546 = arith.addi %mul3A_544, %add3A_545 : i32
    %dma_wait3A_547 = arith.constant 0 : i32
    %dma_wait3A_548 = arith.constant 1 : i32
    %dma_wait3A_549 = arith.constant 0 : i32
    %dma_wait3A_550 = arith.constant 0 : i32
    %dma_wait3A_551 = tpu.memref_slice %arg8[%dma_wait3A_547, %dma_wait3A_549, %dma_wait3A_550] : memref<2x100x128xf32, #tpu.memory_space<vmem>> -> memref<1x100x128xf32, #tpu.memory_space<vmem>>
    %dma_wait3A_552 = tpu.memref_squeeze %dma_wait3A_551 : memref<1x100x128xf32, #tpu.memory_space<vmem>> -> memref<100x128xf32, #tpu.memory_space<vmem>>
    %dma_wait3A_553 = arith.constant 0 : i32
    %dma_wait3A_554 = arith.constant 0 : i32
    %dma_wait3A_555 = tpu.memref_slice %dma_wait3A_552[%dma_wait3A_553, %dma_wait3A_554] : memref<100x128xf32, #tpu.memory_space<vmem>> -> memref<48x128xf32, #tpu.memory_space<vmem>>
    %dma_wait3A_556 = arith.constant 0 : i32
    %dma_wait3A_557 = tpu.memref_slice %arg9[%add3A_546, %dma_wait3A_556] : memref<10000x128xf32, #tpu.memory_space<vmem_shared>> -> memref<48x128xf32, #tpu.memory_space<vmem_shared>>
    %dma_wait3A_558 = tpu.memref_slice %arg10[%dma_wait3A_548] : memref<2x!tpu.dma_semaphore, #tpu.memory_space<semaphore_mem>> -> memref<1x!tpu.dma_semaphore, #tpu.memory_space<semaphore_mem>>
    %dma_wait3A_559 = tpu.memref_squeeze %dma_wait3A_558 : memref<1x!tpu.dma_semaphore, #tpu.memory_space<semaphore_mem>> -> memref<!tpu.dma_semaphore, #tpu.memory_space<semaphore_mem>>
    %dma_wait3A_560 = arith.constant 0 : i32
    %dma_wait3A_561 = tpu.memref_slice %arg9[%add3A_546, %dma_wait3A_560] : memref<10000x128xf32, #tpu.memory_space<vmem_shared>> -> memref<48x128xf32, #tpu.memory_space<vmem_shared>>
    %dma_wait3A_562 = arith.constant 0 : i32
    %dma_wait3A_563 = arith.constant 0 : i32
    %dma_wait3A_564 = tpu.memref_slice %arg8[%dma_wait3A_547, %dma_wait3A_562, %dma_wait3A_563] : memref<2x100x128xf32, #tpu.memory_space<vmem>> -> memref<1x100x128xf32, #tpu.memory_space<vmem>>
    %dma_wait3A_565 = tpu.memref_squeeze %dma_wait3A_564 : memref<1x100x128xf32, #tpu.memory_space<vmem>> -> memref<100x128xf32, #tpu.memory_space<vmem>>
    %dma_wait3A_566 = arith.constant 0 : i32
    %dma_wait3A_567 = arith.constant 0 : i32
    %dma_wait3A_568 = tpu.memref_slice %dma_wait3A_565[%dma_wait3A_566, %dma_wait3A_567] : memref<100x128xf32, #tpu.memory_space<vmem>> -> memref<48x128xf32, #tpu.memory_space<vmem>>
    tpu.wait_dma2 semaphore(%dma_wait3A_559 : memref<!tpu.dma_semaphore, #tpu.memory_space<semaphore_mem>>) src(%dma_wait3A_568 : memref<48x128xf32, #tpu.memory_space<vmem>>) dst(%dma_wait3A_561 : memref<48x128xf32, #tpu.memory_space<vmem_shared>>)
    %mul3A_569 = arith.constant 624 : i32
    %mul3A_570 = arith.muli %arg1, %mul3A_569 : i32
    %add3A_571 = arith.constant 336 : i32
    %add3A_572 = arith.addi %mul3A_570, %add3A_571 : i32
    %dma_wait3A_573 = arith.constant 0 : i32
    %dma_wait3A_574 = arith.constant 1 : i32
    %dma_wait3A_575 = arith.constant 0 : i32
    %dma_wait3A_576 = arith.constant 0 : i32
    %dma_wait3A_577 = tpu.memref_slice %arg8[%dma_wait3A_573, %dma_wait3A_575, %dma_wait3A_576] : memref<2x100x128xf32, #tpu.memory_space<vmem>> -> memref<1x100x128xf32, #tpu.memory_space<vmem>>
    %dma_wait3A_578 = tpu.memref_squeeze %dma_wait3A_577 : memref<1x100x128xf32, #tpu.memory_space<vmem>> -> memref<100x128xf32, #tpu.memory_space<vmem>>
    %dma_wait3A_579 = arith.constant 0 : i32
    %dma_wait3A_580 = arith.constant 0 : i32
    %dma_wait3A_581 = tpu.memref_slice %dma_wait3A_578[%dma_wait3A_579, %dma_wait3A_580] : memref<100x128xf32, #tpu.memory_space<vmem>> -> memref<48x128xf32, #tpu.memory_space<vmem>>
    %dma_wait3A_582 = arith.constant 0 : i32
    %dma_wait3A_583 = tpu.memref_slice %arg9[%add3A_572, %dma_wait3A_582] : memref<10000x128xf32, #tpu.memory_space<vmem_shared>> -> memref<48x128xf32, #tpu.memory_space<vmem_shared>>
    %dma_wait3A_584 = tpu.memref_slice %arg10[%dma_wait3A_574] : memref<2x!tpu.dma_semaphore, #tpu.memory_space<semaphore_mem>> -> memref<1x!tpu.dma_semaphore, #tpu.memory_space<semaphore_mem>>
    %dma_wait3A_585 = tpu.memref_squeeze %dma_wait3A_584 : memref<1x!tpu.dma_semaphore, #tpu.memory_space<semaphore_mem>> -> memref<!tpu.dma_semaphore, #tpu.memory_space<semaphore_mem>>
    %dma_wait3A_586 = arith.constant 0 : i32
    %dma_wait3A_587 = tpu.memref_slice %arg9[%add3A_572, %dma_wait3A_586] : memref<10000x128xf32, #tpu.memory_space<vmem_shared>> -> memref<48x128xf32, #tpu.memory_space<vmem_shared>>
    %dma_wait3A_588 = arith.constant 0 : i32
    %dma_wait3A_589 = arith.constant 0 : i32
    %dma_wait3A_590 = tpu.memref_slice %arg8[%dma_wait3A_573, %dma_wait3A_588, %dma_wait3A_589] : memref<2x100x128xf32, #tpu.memory_space<vmem>> -> memref<1x100x128xf32, #tpu.memory_space<vmem>>
    %dma_wait3A_591 = tpu.memref_squeeze %dma_wait3A_590 : memref<1x100x128xf32, #tpu.memory_space<vmem>> -> memref<100x128xf32, #tpu.memory_space<vmem>>
    %dma_wait3A_592 = arith.constant 0 : i32
    %dma_wait3A_593 = arith.constant 0 : i32
    %dma_wait3A_594 = tpu.memref_slice %dma_wait3A_591[%dma_wait3A_592, %dma_wait3A_593] : memref<100x128xf32, #tpu.memory_space<vmem>> -> memref<48x128xf32, #tpu.memory_space<vmem>>
    tpu.wait_dma2 semaphore(%dma_wait3A_585 : memref<!tpu.dma_semaphore, #tpu.memory_space<semaphore_mem>>) src(%dma_wait3A_594 : memref<48x128xf32, #tpu.memory_space<vmem>>) dst(%dma_wait3A_587 : memref<48x128xf32, #tpu.memory_space<vmem_shared>>)
    %mul3A_595 = arith.constant 624 : i32
    %mul3A_596 = arith.muli %arg1, %mul3A_595 : i32
    %add3A_597 = arith.constant 384 : i32
    %add3A_598 = arith.addi %mul3A_596, %add3A_597 : i32
    %dma_wait3A_599 = arith.constant 0 : i32
    %dma_wait3A_600 = arith.constant 1 : i32
    %dma_wait3A_601 = arith.constant 0 : i32
    %dma_wait3A_602 = arith.constant 0 : i32
    %dma_wait3A_603 = tpu.memref_slice %arg8[%dma_wait3A_599, %dma_wait3A_601, %dma_wait3A_602] : memref<2x100x128xf32, #tpu.memory_space<vmem>> -> memref<1x100x128xf32, #tpu.memory_space<vmem>>
    %dma_wait3A_604 = tpu.memref_squeeze %dma_wait3A_603 : memref<1x100x128xf32, #tpu.memory_space<vmem>> -> memref<100x128xf32, #tpu.memory_space<vmem>>
    %dma_wait3A_605 = arith.constant 0 : i32
    %dma_wait3A_606 = arith.constant 0 : i32
    %dma_wait3A_607 = tpu.memref_slice %dma_wait3A_604[%dma_wait3A_605, %dma_wait3A_606] : memref<100x128xf32, #tpu.memory_space<vmem>> -> memref<48x128xf32, #tpu.memory_space<vmem>>
    %dma_wait3A_608 = arith.constant 0 : i32
    %dma_wait3A_609 = tpu.memref_slice %arg9[%add3A_598, %dma_wait3A_608] : memref<10000x128xf32, #tpu.memory_space<vmem_shared>> -> memref<48x128xf32, #tpu.memory_space<vmem_shared>>
    %dma_wait3A_610 = tpu.memref_slice %arg10[%dma_wait3A_600] : memref<2x!tpu.dma_semaphore, #tpu.memory_space<semaphore_mem>> -> memref<1x!tpu.dma_semaphore, #tpu.memory_space<semaphore_mem>>
    %dma_wait3A_611 = tpu.memref_squeeze %dma_wait3A_610 : memref<1x!tpu.dma_semaphore, #tpu.memory_space<semaphore_mem>> -> memref<!tpu.dma_semaphore, #tpu.memory_space<semaphore_mem>>
    %dma_wait3A_612 = arith.constant 0 : i32
    %dma_wait3A_613 = tpu.memref_slice %arg9[%add3A_598, %dma_wait3A_612] : memref<10000x128xf32, #tpu.memory_space<vmem_shared>> -> memref<48x128xf32, #tpu.memory_space<vmem_shared>>
    %dma_wait3A_614 = arith.constant 0 : i32
    %dma_wait3A_615 = arith.constant 0 : i32
    %dma_wait3A_616 = tpu.memref_slice %arg8[%dma_wait3A_599, %dma_wait3A_614, %dma_wait3A_615] : memref<2x100x128xf32, #tpu.memory_space<vmem>> -> memref<1x100x128xf32, #tpu.memory_space<vmem>>
    %dma_wait3A_617 = tpu.memref_squeeze %dma_wait3A_616 : memref<1x100x128xf32, #tpu.memory_space<vmem>> -> memref<100x128xf32, #tpu.memory_space<vmem>>
    %dma_wait3A_618 = arith.constant 0 : i32
    %dma_wait3A_619 = arith.constant 0 : i32
    %dma_wait3A_620 = tpu.memref_slice %dma_wait3A_617[%dma_wait3A_618, %dma_wait3A_619] : memref<100x128xf32, #tpu.memory_space<vmem>> -> memref<48x128xf32, #tpu.memory_space<vmem>>
    tpu.wait_dma2 semaphore(%dma_wait3A_611 : memref<!tpu.dma_semaphore, #tpu.memory_space<semaphore_mem>>) src(%dma_wait3A_620 : memref<48x128xf32, #tpu.memory_space<vmem>>) dst(%dma_wait3A_613 : memref<48x128xf32, #tpu.memory_space<vmem_shared>>)
    %mul3A_621 = arith.constant 624 : i32
    %mul3A_622 = arith.muli %arg1, %mul3A_621 : i32
    %add3A_623 = arith.constant 432 : i32
    %add3A_624 = arith.addi %mul3A_622, %add3A_623 : i32
    %dma_wait3A_625 = arith.constant 0 : i32
    %dma_wait3A_626 = arith.constant 1 : i32
    %dma_wait3A_627 = arith.constant 0 : i32
    %dma_wait3A_628 = arith.constant 0 : i32
    %dma_wait3A_629 = tpu.memref_slice %arg8[%dma_wait3A_625, %dma_wait3A_627, %dma_wait3A_628] : memref<2x100x128xf32, #tpu.memory_space<vmem>> -> memref<1x100x128xf32, #tpu.memory_space<vmem>>
    %dma_wait3A_630 = tpu.memref_squeeze %dma_wait3A_629 : memref<1x100x128xf32, #tpu.memory_space<vmem>> -> memref<100x128xf32, #tpu.memory_space<vmem>>
    %dma_wait3A_631 = arith.constant 0 : i32
    %dma_wait3A_632 = arith.constant 0 : i32
    %dma_wait3A_633 = tpu.memref_slice %dma_wait3A_630[%dma_wait3A_631, %dma_wait3A_632] : memref<100x128xf32, #tpu.memory_space<vmem>> -> memref<48x128xf32, #tpu.memory_space<vmem>>
    %dma_wait3A_634 = arith.constant 0 : i32
    %dma_wait3A_635 = tpu.memref_slice %arg9[%add3A_624, %dma_wait3A_634] : memref<10000x128xf32, #tpu.memory_space<vmem_shared>> -> memref<48x128xf32, #tpu.memory_space<vmem_shared>>
    %dma_wait3A_636 = tpu.memref_slice %arg10[%dma_wait3A_626] : memref<2x!tpu.dma_semaphore, #tpu.memory_space<semaphore_mem>> -> memref<1x!tpu.dma_semaphore, #tpu.memory_space<semaphore_mem>>
    %dma_wait3A_637 = tpu.memref_squeeze %dma_wait3A_636 : memref<1x!tpu.dma_semaphore, #tpu.memory_space<semaphore_mem>> -> memref<!tpu.dma_semaphore, #tpu.memory_space<semaphore_mem>>
    %dma_wait3A_638 = arith.constant 0 : i32
    %dma_wait3A_639 = tpu.memref_slice %arg9[%add3A_624, %dma_wait3A_638] : memref<10000x128xf32, #tpu.memory_space<vmem_shared>> -> memref<48x128xf32, #tpu.memory_space<vmem_shared>>
    %dma_wait3A_640 = arith.constant 0 : i32
    %dma_wait3A_641 = arith.constant 0 : i32
    %dma_wait3A_642 = tpu.memref_slice %arg8[%dma_wait3A_625, %dma_wait3A_640, %dma_wait3A_641] : memref<2x100x128xf32, #tpu.memory_space<vmem>> -> memref<1x100x128xf32, #tpu.memory_space<vmem>>
    %dma_wait3A_643 = tpu.memref_squeeze %dma_wait3A_642 : memref<1x100x128xf32, #tpu.memory_space<vmem>> -> memref<100x128xf32, #tpu.memory_space<vmem>>
    %dma_wait3A_644 = arith.constant 0 : i32
    %dma_wait3A_645 = arith.constant 0 : i32
    %dma_wait3A_646 = tpu.memref_slice %dma_wait3A_643[%dma_wait3A_644, %dma_wait3A_645] : memref<100x128xf32, #tpu.memory_space<vmem>> -> memref<48x128xf32, #tpu.memory_space<vmem>>
    tpu.wait_dma2 semaphore(%dma_wait3A_637 : memref<!tpu.dma_semaphore, #tpu.memory_space<semaphore_mem>>) src(%dma_wait3A_646 : memref<48x128xf32, #tpu.memory_space<vmem>>) dst(%dma_wait3A_639 : memref<48x128xf32, #tpu.memory_space<vmem_shared>>)
    %mul3A_647 = arith.constant 624 : i32
    %mul3A_648 = arith.muli %arg1, %mul3A_647 : i32
    %add3A_649 = arith.constant 480 : i32
    %add3A_650 = arith.addi %mul3A_648, %add3A_649 : i32
    %dma_wait3A_651 = arith.constant 0 : i32
    %dma_wait3A_652 = arith.constant 1 : i32
    %dma_wait3A_653 = arith.constant 0 : i32
    %dma_wait3A_654 = arith.constant 0 : i32
    %dma_wait3A_655 = tpu.memref_slice %arg8[%dma_wait3A_651, %dma_wait3A_653, %dma_wait3A_654] : memref<2x100x128xf32, #tpu.memory_space<vmem>> -> memref<1x100x128xf32, #tpu.memory_space<vmem>>
    %dma_wait3A_656 = tpu.memref_squeeze %dma_wait3A_655 : memref<1x100x128xf32, #tpu.memory_space<vmem>> -> memref<100x128xf32, #tpu.memory_space<vmem>>
    %dma_wait3A_657 = arith.constant 0 : i32
    %dma_wait3A_658 = arith.constant 0 : i32
    %dma_wait3A_659 = tpu.memref_slice %dma_wait3A_656[%dma_wait3A_657, %dma_wait3A_658] : memref<100x128xf32, #tpu.memory_space<vmem>> -> memref<48x128xf32, #tpu.memory_space<vmem>>
    %dma_wait3A_660 = arith.constant 0 : i32
    %dma_wait3A_661 = tpu.memref_slice %arg9[%add3A_650, %dma_wait3A_660] : memref<10000x128xf32, #tpu.memory_space<vmem_shared>> -> memref<48x128xf32, #tpu.memory_space<vmem_shared>>
    %dma_wait3A_662 = tpu.memref_slice %arg10[%dma_wait3A_652] : memref<2x!tpu.dma_semaphore, #tpu.memory_space<semaphore_mem>> -> memref<1x!tpu.dma_semaphore, #tpu.memory_space<semaphore_mem>>
    %dma_wait3A_663 = tpu.memref_squeeze %dma_wait3A_662 : memref<1x!tpu.dma_semaphore, #tpu.memory_space<semaphore_mem>> -> memref<!tpu.dma_semaphore, #tpu.memory_space<semaphore_mem>>
    %dma_wait3A_664 = arith.constant 0 : i32
    %dma_wait3A_665 = tpu.memref_slice %arg9[%add3A_650, %dma_wait3A_664] : memref<10000x128xf32, #tpu.memory_space<vmem_shared>> -> memref<48x128xf32, #tpu.memory_space<vmem_shared>>
    %dma_wait3A_666 = arith.constant 0 : i32
    %dma_wait3A_667 = arith.constant 0 : i32
    %dma_wait3A_668 = tpu.memref_slice %arg8[%dma_wait3A_651, %dma_wait3A_666, %dma_wait3A_667] : memref<2x100x128xf32, #tpu.memory_space<vmem>> -> memref<1x100x128xf32, #tpu.memory_space<vmem>>
    %dma_wait3A_669 = tpu.memref_squeeze %dma_wait3A_668 : memref<1x100x128xf32, #tpu.memory_space<vmem>> -> memref<100x128xf32, #tpu.memory_space<vmem>>
    %dma_wait3A_670 = arith.constant 0 : i32
    %dma_wait3A_671 = arith.constant 0 : i32
    %dma_wait3A_672 = tpu.memref_slice %dma_wait3A_669[%dma_wait3A_670, %dma_wait3A_671] : memref<100x128xf32, #tpu.memory_space<vmem>> -> memref<48x128xf32, #tpu.memory_space<vmem>>
    tpu.wait_dma2 semaphore(%dma_wait3A_663 : memref<!tpu.dma_semaphore, #tpu.memory_space<semaphore_mem>>) src(%dma_wait3A_672 : memref<48x128xf32, #tpu.memory_space<vmem>>) dst(%dma_wait3A_665 : memref<48x128xf32, #tpu.memory_space<vmem_shared>>)
    %mul3A_673 = arith.constant 624 : i32
    %mul3A_674 = arith.muli %arg1, %mul3A_673 : i32
    %add3A_675 = arith.constant 528 : i32
    %add3A_676 = arith.addi %mul3A_674, %add3A_675 : i32
    %dma_wait3A_677 = arith.constant 0 : i32
    %dma_wait3A_678 = arith.constant 1 : i32
    %dma_wait3A_679 = arith.constant 0 : i32
    %dma_wait3A_680 = arith.constant 0 : i32
    %dma_wait3A_681 = tpu.memref_slice %arg8[%dma_wait3A_677, %dma_wait3A_679, %dma_wait3A_680] : memref<2x100x128xf32, #tpu.memory_space<vmem>> -> memref<1x100x128xf32, #tpu.memory_space<vmem>>
    %dma_wait3A_682 = tpu.memref_squeeze %dma_wait3A_681 : memref<1x100x128xf32, #tpu.memory_space<vmem>> -> memref<100x128xf32, #tpu.memory_space<vmem>>
    %dma_wait3A_683 = arith.constant 0 : i32
    %dma_wait3A_684 = arith.constant 0 : i32
    %dma_wait3A_685 = tpu.memref_slice %dma_wait3A_682[%dma_wait3A_683, %dma_wait3A_684] : memref<100x128xf32, #tpu.memory_space<vmem>> -> memref<48x128xf32, #tpu.memory_space<vmem>>
    %dma_wait3A_686 = arith.constant 0 : i32
    %dma_wait3A_687 = tpu.memref_slice %arg9[%add3A_676, %dma_wait3A_686] : memref<10000x128xf32, #tpu.memory_space<vmem_shared>> -> memref<48x128xf32, #tpu.memory_space<vmem_shared>>
    %dma_wait3A_688 = tpu.memref_slice %arg10[%dma_wait3A_678] : memref<2x!tpu.dma_semaphore, #tpu.memory_space<semaphore_mem>> -> memref<1x!tpu.dma_semaphore, #tpu.memory_space<semaphore_mem>>
    %dma_wait3A_689 = tpu.memref_squeeze %dma_wait3A_688 : memref<1x!tpu.dma_semaphore, #tpu.memory_space<semaphore_mem>> -> memref<!tpu.dma_semaphore, #tpu.memory_space<semaphore_mem>>
    %dma_wait3A_690 = arith.constant 0 : i32
    %dma_wait3A_691 = tpu.memref_slice %arg9[%add3A_676, %dma_wait3A_690] : memref<10000x128xf32, #tpu.memory_space<vmem_shared>> -> memref<48x128xf32, #tpu.memory_space<vmem_shared>>
    %dma_wait3A_692 = arith.constant 0 : i32
    %dma_wait3A_693 = arith.constant 0 : i32
    %dma_wait3A_694 = tpu.memref_slice %arg8[%dma_wait3A_677, %dma_wait3A_692, %dma_wait3A_693] : memref<2x100x128xf32, #tpu.memory_space<vmem>> -> memref<1x100x128xf32, #tpu.memory_space<vmem>>
    %dma_wait3A_695 = tpu.memref_squeeze %dma_wait3A_694 : memref<1x100x128xf32, #tpu.memory_space<vmem>> -> memref<100x128xf32, #tpu.memory_space<vmem>>
    %dma_wait3A_696 = arith.constant 0 : i32
    %dma_wait3A_697 = arith.constant 0 : i32
    %dma_wait3A_698 = tpu.memref_slice %dma_wait3A_695[%dma_wait3A_696, %dma_wait3A_697] : memref<100x128xf32, #tpu.memory_space<vmem>> -> memref<48x128xf32, #tpu.memory_space<vmem>>
    tpu.wait_dma2 semaphore(%dma_wait3A_689 : memref<!tpu.dma_semaphore, #tpu.memory_space<semaphore_mem>>) src(%dma_wait3A_698 : memref<48x128xf32, #tpu.memory_space<vmem>>) dst(%dma_wait3A_691 : memref<48x128xf32, #tpu.memory_space<vmem_shared>>)
    %mul3A_699 = arith.constant 624 : i32
    %mul3A_700 = arith.muli %arg1, %mul3A_699 : i32
    %add3A_701 = arith.constant 576 : i32
    %add3A_702 = arith.addi %mul3A_700, %add3A_701 : i32
    %dma_wait3A_703 = arith.constant 0 : i32
    %dma_wait3A_704 = arith.constant 1 : i32
    %dma_wait3A_705 = arith.constant 0 : i32
    %dma_wait3A_706 = arith.constant 0 : i32
    %dma_wait3A_707 = tpu.memref_slice %arg8[%dma_wait3A_703, %dma_wait3A_705, %dma_wait3A_706] : memref<2x100x128xf32, #tpu.memory_space<vmem>> -> memref<1x100x128xf32, #tpu.memory_space<vmem>>
    %dma_wait3A_708 = tpu.memref_squeeze %dma_wait3A_707 : memref<1x100x128xf32, #tpu.memory_space<vmem>> -> memref<100x128xf32, #tpu.memory_space<vmem>>
    %dma_wait3A_709 = arith.constant 0 : i32
    %dma_wait3A_710 = arith.constant 0 : i32
    %dma_wait3A_711 = tpu.memref_slice %dma_wait3A_708[%dma_wait3A_709, %dma_wait3A_710] : memref<100x128xf32, #tpu.memory_space<vmem>> -> memref<48x128xf32, #tpu.memory_space<vmem>>
    %dma_wait3A_712 = arith.constant 0 : i32
    %dma_wait3A_713 = tpu.memref_slice %arg9[%add3A_702, %dma_wait3A_712] : memref<10000x128xf32, #tpu.memory_space<vmem_shared>> -> memref<48x128xf32, #tpu.memory_space<vmem_shared>>
    %dma_wait3A_714 = tpu.memref_slice %arg10[%dma_wait3A_704] : memref<2x!tpu.dma_semaphore, #tpu.memory_space<semaphore_mem>> -> memref<1x!tpu.dma_semaphore, #tpu.memory_space<semaphore_mem>>
    %dma_wait3A_715 = tpu.memref_squeeze %dma_wait3A_714 : memref<1x!tpu.dma_semaphore, #tpu.memory_space<semaphore_mem>> -> memref<!tpu.dma_semaphore, #tpu.memory_space<semaphore_mem>>
    %dma_wait3A_716 = arith.constant 0 : i32
    %dma_wait3A_717 = tpu.memref_slice %arg9[%add3A_702, %dma_wait3A_716] : memref<10000x128xf32, #tpu.memory_space<vmem_shared>> -> memref<48x128xf32, #tpu.memory_space<vmem_shared>>
    %dma_wait3A_718 = arith.constant 0 : i32
    %dma_wait3A_719 = arith.constant 0 : i32
    %dma_wait3A_720 = tpu.memref_slice %arg8[%dma_wait3A_703, %dma_wait3A_718, %dma_wait3A_719] : memref<2x100x128xf32, #tpu.memory_space<vmem>> -> memref<1x100x128xf32, #tpu.memory_space<vmem>>
    %dma_wait3A_721 = tpu.memref_squeeze %dma_wait3A_720 : memref<1x100x128xf32, #tpu.memory_space<vmem>> -> memref<100x128xf32, #tpu.memory_space<vmem>>
    %dma_wait3A_722 = arith.constant 0 : i32
    %dma_wait3A_723 = arith.constant 0 : i32
    %dma_wait3A_724 = tpu.memref_slice %dma_wait3A_721[%dma_wait3A_722, %dma_wait3A_723] : memref<100x128xf32, #tpu.memory_space<vmem>> -> memref<48x128xf32, #tpu.memory_space<vmem>>
    tpu.wait_dma2 semaphore(%dma_wait3A_715 : memref<!tpu.dma_semaphore, #tpu.memory_space<semaphore_mem>>) src(%dma_wait3A_724 : memref<48x128xf32, #tpu.memory_space<vmem>>) dst(%dma_wait3A_717 : memref<48x128xf32, #tpu.memory_space<vmem_shared>>)
    %eq3A_725 = arith.constant 0 : i32
    %eq3A_726 = arith.cmpi eq, %arg1, %eq3A_725 : i32
    %convert_element_type3A_727 = arith.extui %eq3A_726 : i1 to i32
    %cond3A_728 = arith.constant 0 : i32
    %cond3A_729 = arith.cmpi ne, %convert_element_type3A_727, %cond3A_728 : i32
    scf.if %cond3A_729 {
      %dma_wait3A_777 = arith.constant 0 : i32
      %dma_wait3A_778 = arith.constant 1 : i32
      %dma_wait3A_779 = arith.constant 0 : i32
      %dma_wait3A_780 = arith.constant 0 : i32
      %dma_wait3A_781 = tpu.memref_slice %arg8[%dma_wait3A_777, %dma_wait3A_779, %dma_wait3A_780] : memref<2x100x128xf32, #tpu.memory_space<vmem>> -> memref<1x100x128xf32, #tpu.memory_space<vmem>>
      %dma_wait3A_782 = tpu.memref_squeeze %dma_wait3A_781 : memref<1x100x128xf32, #tpu.memory_space<vmem>> -> memref<100x128xf32, #tpu.memory_space<vmem>>
      %dma_wait3A_783 = arith.constant 0 : i32
      %dma_wait3A_784 = arith.constant 0 : i32
      %dma_wait3A_785 = tpu.memref_slice %dma_wait3A_782[%dma_wait3A_783, %dma_wait3A_784] : memref<100x128xf32, #tpu.memory_space<vmem>> -> memref<16x128xf32, #tpu.memory_space<vmem>>
      %dma_wait3A_786 = arith.constant 9984 : i32
      %dma_wait3A_787 = arith.constant 0 : i32
      %dma_wait3A_788 = tpu.memref_slice %arg9[%dma_wait3A_786, %dma_wait3A_787] : memref<10000x128xf32, #tpu.memory_space<vmem_shared>> -> memref<16x128xf32, #tpu.memory_space<vmem_shared>>
      %dma_wait3A_789 = tpu.memref_slice %arg10[%dma_wait3A_778] : memref<2x!tpu.dma_semaphore, #tpu.memory_space<semaphore_mem>> -> memref<1x!tpu.dma_semaphore, #tpu.memory_space<semaphore_mem>>
      %dma_wait3A_790 = tpu.memref_squeeze %dma_wait3A_789 : memref<1x!tpu.dma_semaphore, #tpu.memory_space<semaphore_mem>> -> memref<!tpu.dma_semaphore, #tpu.memory_space<semaphore_mem>>
      %dma_wait3A_791 = arith.constant 9984 : i32
      %dma_wait3A_792 = arith.constant 0 : i32
      %dma_wait3A_793 = tpu.memref_slice %arg9[%dma_wait3A_791, %dma_wait3A_792] : memref<10000x128xf32, #tpu.memory_space<vmem_shared>> -> memref<16x128xf32, #tpu.memory_space<vmem_shared>>
      %dma_wait3A_794 = arith.constant 0 : i32
      %dma_wait3A_795 = arith.constant 0 : i32
      %dma_wait3A_796 = tpu.memref_slice %arg8[%dma_wait3A_777, %dma_wait3A_794, %dma_wait3A_795] : memref<2x100x128xf32, #tpu.memory_space<vmem>> -> memref<1x100x128xf32, #tpu.memory_space<vmem>>
      %dma_wait3A_797 = tpu.memref_squeeze %dma_wait3A_796 : memref<1x100x128xf32, #tpu.memory_space<vmem>> -> memref<100x128xf32, #tpu.memory_space<vmem>>
      %dma_wait3A_798 = arith.constant 0 : i32
      %dma_wait3A_799 = arith.constant 0 : i32
      %dma_wait3A_800 = tpu.memref_slice %dma_wait3A_797[%dma_wait3A_798, %dma_wait3A_799] : memref<100x128xf32, #tpu.memory_space<vmem>> -> memref<16x128xf32, #tpu.memory_space<vmem>>
      tpu.wait_dma2 semaphore(%dma_wait3A_790 : memref<!tpu.dma_semaphore, #tpu.memory_space<semaphore_mem>>) src(%dma_wait3A_800 : memref<16x128xf32, #tpu.memory_space<vmem>>) dst(%dma_wait3A_793 : memref<16x128xf32, #tpu.memory_space<vmem_shared>>)
    } else {
    }
    %barrier3A = arith.constant 0 : index
    tpu.barrier barrier_id(%barrier3A)
    %dma_start3A_730 = arith.constant 0 : i32
    %dma_start3A_731 = arith.constant 0 : i32
    %dma_start3A_732 = arith.constant 0 : i32
    %dma_start3A_733 = arith.constant 0 : i32
    %dma_start3A_734 = arith.constant 0 : i32
    %dma_start3A_735 = tpu.memref_slice %arg8[%dma_start3A_731, %dma_start3A_733, %dma_start3A_734] : memref<2x100x128xf32, #tpu.memory_space<vmem>> -> memref<1x100x128xf32, #tpu.memory_space<vmem>>
    %dma_start3A_736 = tpu.memref_squeeze %dma_start3A_735 : memref<1x100x128xf32, #tpu.memory_space<vmem>> -> memref<100x128xf32, #tpu.memory_space<vmem>>
    %dma_start3A_737 = arith.constant 0 : i32
    %dma_start3A_738 = tpu.memref_slice %arg6[%dma_start3A_730, %dma_start3A_737] : memref<100x100xi32, #tpu.memory_space<vmem>> -> memref<1x100xi32, #tpu.memory_space<vmem>>
    %dma_start3A_739 = tpu.memref_squeeze %dma_start3A_738 : memref<1x100xi32, #tpu.memory_space<vmem>> -> memref<100xi32, #tpu.memory_space<vmem>>
    %dma_start3A_740 = arith.constant 0 : i32
    %dma_start3A_741 = arith.constant 0 : i32
    %dma_start3A_742 = tpu.memref_slice %arg2[%dma_start3A_740, %dma_start3A_741] : memref<10000x128xf32, #tpu.memory_space<hbm>> -> memref<10000x128xf32, #tpu.memory_space<hbm>>
    %dma_start3A_743 = tpu.memref_slice %arg10[%dma_start3A_732] : memref<2x!tpu.dma_semaphore, #tpu.memory_space<semaphore_mem>> -> memref<1x!tpu.dma_semaphore, #tpu.memory_space<semaphore_mem>>
    %dma_start3A_744 = tpu.memref_squeeze %dma_start3A_743 : memref<1x!tpu.dma_semaphore, #tpu.memory_space<semaphore_mem>> -> memref<!tpu.dma_semaphore, #tpu.memory_space<semaphore_mem>>
    tpu.enqueue_indirect_dma source(%dma_start3A_742 : memref<10000x128xf32, #tpu.memory_space<hbm>>) target(%dma_start3A_736 : memref<100x128xf32, #tpu.memory_space<vmem>>) offsets(%dma_start3A_739 : memref<100xi32, #tpu.memory_space<vmem>>) semaphore(%dma_start3A_744 : memref<!tpu.dma_semaphore, #tpu.memory_space<semaphore_mem>>)
    %scan3A_745 = arith.constant 0 : i32
    %scan3A_746 = arith.constant 0 : i32
    %scan3A_747 = arith.constant 100 : i32
    %scan3A_748 = arith.addi %scan3A_746, %scan3A_747 : i32
    %scan3A_749 = arith.constant 1 : i32
    %scan3A_750 = scf.for %scan3A_777 = %scan3A_746 to %scan3A_748 step %scan3A_749 iter_args(%scan3A_778 = %scan3A_745) -> (i32)  : i32 {
      %add3A_779 = arith.constant 1 : i32
      %add3A_780 = arith.addi %scan3A_777, %add3A_779 : i32
      %min3A = arith.constant 99 : i32
      %min3A_781 = arith.minsi %add3A_780, %min3A : i32
      %add3A_782 = arith.constant 1 : i32
      %add3A_783 = arith.addi %scan3A_777, %add3A_782 : i32
      %rem3A = arith.constant 2 : i32
      %rem3A_784 = arith.remsi %add3A_783, %rem3A : i32
      %rem3A_785 = arith.constant 2 : i32
      %rem3A_786 = arith.remsi %scan3A_777, %rem3A_785 : i32
      %dma_start3A_787 = arith.constant 0 : i32
      %dma_start3A_788 = arith.constant 0 : i32
      %dma_start3A_789 = tpu.memref_slice %arg8[%rem3A_784, %dma_start3A_787, %dma_start3A_788] : memref<2x100x128xf32, #tpu.memory_space<vmem>> -> memref<1x100x128xf32, #tpu.memory_space<vmem>>
      %dma_start3A_790 = tpu.memref_squeeze %dma_start3A_789 : memref<1x100x128xf32, #tpu.memory_space<vmem>> -> memref<100x128xf32, #tpu.memory_space<vmem>>
      %dma_start3A_791 = arith.constant 0 : i32
      %dma_start3A_792 = tpu.memref_slice %arg6[%min3A_781, %dma_start3A_791] : memref<100x100xi32, #tpu.memory_space<vmem>> -> memref<1x100xi32, #tpu.memory_space<vmem>>
      %dma_start3A_793 = tpu.memref_squeeze %dma_start3A_792 : memref<1x100xi32, #tpu.memory_space<vmem>> -> memref<100xi32, #tpu.memory_space<vmem>>
      %dma_start3A_794 = arith.constant 0 : i32
      %dma_start3A_795 = arith.constant 0 : i32
      %dma_start3A_796 = tpu.memref_slice %arg2[%dma_start3A_794, %dma_start3A_795] : memref<10000x128xf32, #tpu.memory_space<hbm>> -> memref<10000x128xf32, #tpu.memory_space<hbm>>
      %dma_start3A_797 = tpu.memref_slice %arg10[%rem3A_784] : memref<2x!tpu.dma_semaphore, #tpu.memory_space<semaphore_mem>> -> memref<1x!tpu.dma_semaphore, #tpu.memory_space<semaphore_mem>>
      %dma_start3A_798 = tpu.memref_squeeze %dma_start3A_797 : memref<1x!tpu.dma_semaphore, #tpu.memory_space<semaphore_mem>> -> memref<!tpu.dma_semaphore, #tpu.memory_space<semaphore_mem>>
      tpu.enqueue_indirect_dma source(%dma_start3A_796 : memref<10000x128xf32, #tpu.memory_space<hbm>>) target(%dma_start3A_790 : memref<100x128xf32, #tpu.memory_space<vmem>>) offsets(%dma_start3A_793 : memref<100xi32, #tpu.memory_space<vmem>>) semaphore(%dma_start3A_798 : memref<!tpu.dma_semaphore, #tpu.memory_space<semaphore_mem>>)
      %dma_wait3A_799 = arith.constant 0 : i32
      %dma_wait3A_800 = arith.constant 0 : i32
      %dma_wait3A_801 = tpu.memref_slice %arg8[%rem3A_786, %dma_wait3A_799, %dma_wait3A_800] : memref<2x100x128xf32, #tpu.memory_space<vmem>> -> memref<1x100x128xf32, #tpu.memory_space<vmem>>
      %dma_wait3A_802 = tpu.memref_squeeze %dma_wait3A_801 : memref<1x100x128xf32, #tpu.memory_space<vmem>> -> memref<100x128xf32, #tpu.memory_space<vmem>>
      %dma_wait3A_803 = arith.constant 0 : i32
      %dma_wait3A_804 = tpu.memref_slice %arg6[%scan3A_777, %dma_wait3A_803] : memref<100x100xi32, #tpu.memory_space<vmem>> -> memref<1x100xi32, #tpu.memory_space<vmem>>
      %dma_wait3A_805 = tpu.memref_squeeze %dma_wait3A_804 : memref<1x100xi32, #tpu.memory_space<vmem>> -> memref<100xi32, #tpu.memory_space<vmem>>
      %dma_wait3A_806 = arith.constant 0 : i32
      %dma_wait3A_807 = arith.constant 0 : i32
      %dma_wait3A_808 = tpu.memref_slice %arg2[%dma_wait3A_806, %dma_wait3A_807] : memref<10000x128xf32, #tpu.memory_space<hbm>> -> memref<10000x128xf32, #tpu.memory_space<hbm>>
      %dma_wait3A_809 = tpu.memref_slice %arg10[%rem3A_786] : memref<2x!tpu.dma_semaphore, #tpu.memory_space<semaphore_mem>> -> memref<1x!tpu.dma_semaphore, #tpu.memory_space<semaphore_mem>>
      %dma_wait3A_810 = tpu.memref_squeeze %dma_wait3A_809 : memref<1x!tpu.dma_semaphore, #tpu.memory_space<semaphore_mem>> -> memref<!tpu.dma_semaphore, #tpu.memory_space<semaphore_mem>>
      tpu.wait_indirect_dma semaphore(%dma_wait3A_810 : memref<!tpu.dma_semaphore, #tpu.memory_space<semaphore_mem>>) src(%dma_wait3A_808 : memref<10000x128xf32, #tpu.memory_space<hbm>>) dst(%dma_wait3A_802 : memref<100x128xf32, #tpu.memory_space<vmem>>)
      "tpu.region"() ({
        %run_scoped3A = tpu.sem_alloc : memref<!tpu.dma_semaphore, #tpu.memory_space<semaphore_mem>>
        %dma_start3A_812 = arith.constant 0 : i32
        %dma_start3A_813 = arith.constant 0 : i32
        %dma_start3A_814 = tpu.memref_slice %arg8[%rem3A_786, %dma_start3A_812, %dma_start3A_813] : memref<2x100x128xf32, #tpu.memory_space<vmem>> -> memref<1x100x128xf32, #tpu.memory_space<vmem>>
        %dma_start3A_815 = tpu.memref_squeeze %dma_start3A_814 : memref<1x100x128xf32, #tpu.memory_space<vmem>> -> memref<100x128xf32, #tpu.memory_space<vmem>>
        %dma_start3A_816 = arith.constant 0 : i32
        %dma_start3A_817 = tpu.memref_slice %arg7[%scan3A_777, %dma_start3A_816] : memref<100x100xi32, #tpu.memory_space<vmem>> -> memref<1x100xi32, #tpu.memory_space<vmem>>
        %dma_start3A_818 = tpu.memref_squeeze %dma_start3A_817 : memref<1x100xi32, #tpu.memory_space<vmem>> -> memref<100xi32, #tpu.memory_space<vmem>>
        %dma_start3A_819 = arith.constant 0 : i32
        %dma_start3A_820 = arith.constant 0 : i32
        %dma_start3A_821 = tpu.memref_slice %arg9[%dma_start3A_819, %dma_start3A_820] : memref<10000x128xf32, #tpu.memory_space<vmem_shared>> -> memref<10000x128xf32, #tpu.memory_space<vmem_shared>>
        tpu.enqueue_indirect_dma source(%dma_start3A_815 : memref<100x128xf32, #tpu.memory_space<vmem>>) target(%dma_start3A_821 : memref<10000x128xf32, #tpu.memory_space<vmem_shared>>) offsets(%dma_start3A_818 : memref<100xi32, #tpu.memory_space<vmem>>) semaphore(%run_scoped3A : memref<!tpu.dma_semaphore, #tpu.memory_space<semaphore_mem>>) {add = true}
        %dma_wait3A_822 = arith.constant 0 : i32
        %dma_wait3A_823 = arith.constant 0 : i32
        %dma_wait3A_824 = tpu.memref_slice %arg8[%rem3A_786, %dma_wait3A_822, %dma_wait3A_823] : memref<2x100x128xf32, #tpu.memory_space<vmem>> -> memref<1x100x128xf32, #tpu.memory_space<vmem>>
        %dma_wait3A_825 = tpu.memref_squeeze %dma_wait3A_824 : memref<1x100x128xf32, #tpu.memory_space<vmem>> -> memref<100x128xf32, #tpu.memory_space<vmem>>
        %dma_wait3A_826 = arith.constant 0 : i32
        %dma_wait3A_827 = tpu.memref_slice %arg7[%scan3A_777, %dma_wait3A_826] : memref<100x100xi32, #tpu.memory_space<vmem>> -> memref<1x100xi32, #tpu.memory_space<vmem>>
        %dma_wait3A_828 = tpu.memref_squeeze %dma_wait3A_827 : memref<1x100xi32, #tpu.memory_space<vmem>> -> memref<100xi32, #tpu.memory_space<vmem>>
        %dma_wait3A_829 = arith.constant 0 : i32
        %dma_wait3A_830 = arith.constant 0 : i32
        %dma_wait3A_831 = tpu.memref_slice %arg9[%dma_wait3A_829, %dma_wait3A_830] : memref<10000x128xf32, #tpu.memory_space<vmem_shared>> -> memref<10000x128xf32, #tpu.memory_space<vmem_shared>>
        tpu.wait_indirect_dma semaphore(%run_scoped3A : memref<!tpu.dma_semaphore, #tpu.memory_space<semaphore_mem>>) src(%dma_wait3A_825 : memref<100x128xf32, #tpu.memory_space<vmem>>) dst(%dma_wait3A_831 : memref<10000x128xf32, #tpu.memory_space<vmem_shared>>)
        tpu.yield
      }) : () -> ()
      %scan3A_811 = arith.constant 0 : i32
      scf.yield %scan3A_811 : i32
    }
    %scan3A_751 = arith.constant 100 : i32
    %dma_wait3A_752 = arith.constant 99 : i32
    %dma_wait3A_753 = arith.constant 0 : i32
    %dma_wait3A_754 = arith.constant 0 : i32
    %dma_wait3A_755 = arith.constant 0 : i32
    %dma_wait3A_756 = arith.constant 0 : i32
    %dma_wait3A_757 = tpu.memref_slice %arg8[%dma_wait3A_753, %dma_wait3A_755, %dma_wait3A_756] : memref<2x100x128xf32, #tpu.memory_space<vmem>> -> memref<1x100x128xf32, #tpu.memory_space<vmem>>
    %dma_wait3A_758 = tpu.memref_squeeze %dma_wait3A_757 : memref<1x100x128xf32, #tpu.memory_space<vmem>> -> memref<100x128xf32, #tpu.memory_space<vmem>>
    %dma_wait3A_759 = arith.constant 0 : i32
    %dma_wait3A_760 = tpu.memref_slice %arg6[%dma_wait3A_752, %dma_wait3A_759] : memref<100x100xi32, #tpu.memory_space<vmem>> -> memref<1x100xi32, #tpu.memory_space<vmem>>
    %dma_wait3A_761 = tpu.memref_squeeze %dma_wait3A_760 : memref<1x100xi32, #tpu.memory_space<vmem>> -> memref<100xi32, #tpu.memory_space<vmem>>
    %dma_wait3A_762 = arith.constant 0 : i32
    %dma_wait3A_763 = arith.constant 0 : i32
    %dma_wait3A_764 = tpu.memref_slice %arg2[%dma_wait3A_762, %dma_wait3A_763] : memref<10000x128xf32, #tpu.memory_space<hbm>> -> memref<10000x128xf32, #tpu.memory_space<hbm>>
    %dma_wait3A_765 = tpu.memref_slice %arg10[%dma_wait3A_754] : memref<2x!tpu.dma_semaphore, #tpu.memory_space<semaphore_mem>> -> memref<1x!tpu.dma_semaphore, #tpu.memory_space<semaphore_mem>>
    %dma_wait3A_766 = tpu.memref_squeeze %dma_wait3A_765 : memref<1x!tpu.dma_semaphore, #tpu.memory_space<semaphore_mem>> -> memref<!tpu.dma_semaphore, #tpu.memory_space<semaphore_mem>>
    tpu.wait_indirect_dma semaphore(%dma_wait3A_766 : memref<!tpu.dma_semaphore, #tpu.memory_space<semaphore_mem>>) src(%dma_wait3A_764 : memref<10000x128xf32, #tpu.memory_space<hbm>>) dst(%dma_wait3A_758 : memref<100x128xf32, #tpu.memory_space<vmem>>)
    %barrier3A_767 = arith.constant 0 : index
    tpu.barrier barrier_id(%barrier3A_767)
    %mul3A_768 = arith.constant 624 : i32
    %mul3A_769 = arith.muli %arg1, %mul3A_768 : i32
    %mul3A_770 = arith.constant 624 : i32
    %mul3A_771 = arith.muli %arg1, %mul3A_770 : i32
    "tpu.region"() ({
      %run_scoped3A = tpu.sem_alloc : memref<!tpu.dma_semaphore, #tpu.memory_space<semaphore_mem>>
      %dma_start3A_777 = arith.constant 0 : i32
      %dma_start3A_778 = tpu.memref_slice %arg5[%arg0, %mul3A_771, %dma_start3A_777] : memref<2x10000x128xf32, #tpu.memory_space<hbm>> -> memref<1x624x128xf32, #tpu.memory_space<hbm>>
      %dma_start3A_779 = tpu.memref_squeeze %dma_start3A_778 : memref<1x624x128xf32, #tpu.memory_space<hbm>> -> memref<624x128xf32, #tpu.memory_space<hbm>>
      %dma_start3A_780 = arith.constant 0 : i32
      %dma_start3A_781 = tpu.memref_slice %arg9[%mul3A_769, %dma_start3A_780] : memref<10000x128xf32, #tpu.memory_space<vmem_shared>> -> memref<624x128xf32, #tpu.memory_space<vmem_shared>>
      tpu.enqueue_dma source(%dma_start3A_781 : memref<624x128xf32, #tpu.memory_space<vmem_shared>>) target(%dma_start3A_779 : memref<624x128xf32, #tpu.memory_space<hbm>>) target_semaphore(%run_scoped3A : memref<!tpu.dma_semaphore, #tpu.memory_space<semaphore_mem>>)
      %dma_wait3A_782 = arith.constant 0 : i32
      %dma_wait3A_783 = tpu.memref_slice %arg5[%arg0, %mul3A_771, %dma_wait3A_782] : memref<2x10000x128xf32, #tpu.memory_space<hbm>> -> memref<1x624x128xf32, #tpu.memory_space<hbm>>
      %dma_wait3A_784 = tpu.memref_squeeze %dma_wait3A_783 : memref<1x624x128xf32, #tpu.memory_space<hbm>> -> memref<624x128xf32, #tpu.memory_space<hbm>>
      %dma_wait3A_785 = arith.constant 0 : i32
      %dma_wait3A_786 = tpu.memref_slice %arg9[%mul3A_769, %dma_wait3A_785] : memref<10000x128xf32, #tpu.memory_space<vmem_shared>> -> memref<624x128xf32, #tpu.memory_space<vmem_shared>>
      tpu.wait_dma2 semaphore(%run_scoped3A : memref<!tpu.dma_semaphore, #tpu.memory_space<semaphore_mem>>) src(%dma_wait3A_786 : memref<624x128xf32, #tpu.memory_space<vmem_shared>>) dst(%dma_wait3A_784 : memref<624x128xf32, #tpu.memory_space<hbm>>)
      tpu.yield
    }) : () -> ()
    %eq3A_772 = arith.constant 0 : i32
    %eq3A_773 = arith.cmpi eq, %arg1, %eq3A_772 : i32
    %convert_element_type3A_774 = arith.extui %eq3A_773 : i1 to i32
    %cond3A_775 = arith.constant 0 : i32
    %cond3A_776 = arith.cmpi ne, %convert_element_type3A_774, %cond3A_775 : i32
    scf.if %cond3A_776 {
      "tpu.region"() ({
        %run_scoped3A = tpu.sem_alloc : memref<!tpu.dma_semaphore, #tpu.memory_space<semaphore_mem>>
        %dma_start3A_777 = arith.constant 9984 : i32
        %dma_start3A_778 = arith.constant 0 : i32
        %dma_start3A_779 = tpu.memref_slice %arg5[%arg0, %dma_start3A_777, %dma_start3A_778] : memref<2x10000x128xf32, #tpu.memory_space<hbm>> -> memref<1x16x128xf32, #tpu.memory_space<hbm>>
        %dma_start3A_780 = tpu.memref_squeeze %dma_start3A_779 : memref<1x16x128xf32, #tpu.memory_space<hbm>> -> memref<16x128xf32, #tpu.memory_space<hbm>>
        %dma_start3A_781 = arith.constant 9984 : i32
        %dma_start3A_782 = arith.constant 0 : i32
        %dma_start3A_783 = tpu.memref_slice %arg9[%dma_start3A_781, %dma_start3A_782] : memref<10000x128xf32, #tpu.memory_space<vmem_shared>> -> memref<16x128xf32, #tpu.memory_space<vmem_shared>>
        tpu.enqueue_dma source(%dma_start3A_783 : memref<16x128xf32, #tpu.memory_space<vmem_shared>>) target(%dma_start3A_780 : memref<16x128xf32, #tpu.memory_space<hbm>>) target_semaphore(%run_scoped3A : memref<!tpu.dma_semaphore, #tpu.memory_space<semaphore_mem>>)
        %dma_wait3A_784 = arith.constant 9984 : i32
        %dma_wait3A_785 = arith.constant 0 : i32
        %dma_wait3A_786 = tpu.memref_slice %arg5[%arg0, %dma_wait3A_784, %dma_wait3A_785] : memref<2x10000x128xf32, #tpu.memory_space<hbm>> -> memref<1x16x128xf32, #tpu.memory_space<hbm>>
        %dma_wait3A_787 = tpu.memref_squeeze %dma_wait3A_786 : memref<1x16x128xf32, #tpu.memory_space<hbm>> -> memref<16x128xf32, #tpu.memory_space<hbm>>
        %dma_wait3A_788 = arith.constant 9984 : i32
        %dma_wait3A_789 = arith.constant 0 : i32
        %dma_wait3A_790 = tpu.memref_slice %arg9[%dma_wait3A_788, %dma_wait3A_789] : memref<10000x128xf32, #tpu.memory_space<vmem_shared>> -> memref<16x128xf32, #tpu.memory_space<vmem_shared>>
        tpu.wait_dma2 semaphore(%run_scoped3A : memref<!tpu.dma_semaphore, #tpu.memory_space<semaphore_mem>>) src(%dma_wait3A_790 : memref<16x128xf32, #tpu.memory_space<vmem_shared>>) dst(%dma_wait3A_787 : memref<16x128xf32, #tpu.memory_space<hbm>>)
        tpu.yield
      }) : () -> ()
    } else {
    }
    return
  }
}

#map = affine_map<(d0, d1) -> (0, 0)>
#map1 = affine_map<(d0, d1) -> (0, 0, 0, 0)>
#map2 = affine_map<(d0, d1) -> (0, 0, 0)>
module attributes {stable_mosaic.version = 14 : i64} {
  func.func @_sc_propagate(%arg0: i32, %arg1: i32, %arg2: memref<10000x128xf32, #tpu.memory_space<hbm>>, %arg3: memref<2x16x100x100xi32, #tpu.memory_space<hbm>>, %arg4: memref<2x16x100x100xi32, #tpu.memory_space<hbm>>, %arg5: memref<2x10000x128xf32, #tpu.memory_space<hbm>>, %arg6: memref<100x100xi32, #tpu.memory_space<vmem>>, %arg7: memref<100x100xi32, #tpu.memory_space<vmem>>, %arg8: memref<2x100x128xf32, #tpu.memory_space<vmem>>, %arg9: memref<10000x128xf32, #tpu.memory_space<vmem_shared>>, %arg10: memref<2x!tpu.dma_semaphore, #tpu.memory_space<semaphore_mem>>) attributes {dimension_semantics = [#tpu.dimension_semantics<core_parallel>, #tpu.dimension_semantics<subcore_parallel>], iteration_bounds = array<i64: 2, 16>, scalar_prefetch = 0 : i64, scratch_operands = 5 : i64, tpu.core_type = #tpu.core_type<sc_vector_subcore>, window_params = [{transform_indices = #map}, {transform_indices = #map1}, {transform_indices = #map1}, {transform_indices = #map2}]} {
    %dma_start3A = arith.constant 0 : i32
    %dma_start3A_0 = arith.constant 0 : i32
    %dma_start3A_1 = arith.constant 0 : i32
    %dma_start3A_2 = tpu.memref_slice %arg3[%arg0, %arg1, %dma_start3A_0, %dma_start3A_1] : memref<2x16x100x100xi32, #tpu.memory_space<hbm>> -> memref<1x1x100x100xi32, #tpu.memory_space<hbm>>
    %dma_start3A_3 = tpu.memref_squeeze %dma_start3A_2 : memref<1x1x100x100xi32, #tpu.memory_space<hbm>> -> memref<100x100xi32, #tpu.memory_space<hbm>>
    %dma_start3A_4 = tpu.memref_slice %arg10[%dma_start3A] : memref<2x!tpu.dma_semaphore, #tpu.memory_space<semaphore_mem>> -> memref<1x!tpu.dma_semaphore, #tpu.memory_space<semaphore_mem>>
    %dma_start3A_5 = tpu.memref_squeeze %dma_start3A_4 : memref<1x!tpu.dma_semaphore, #tpu.memory_space<semaphore_mem>> -> memref<!tpu.dma_semaphore, #tpu.memory_space<semaphore_mem>>
    %dma_start3A_6 = arith.constant 0 : i32
    %dma_start3A_7 = arith.constant 0 : i32
    %dma_start3A_8 = tpu.memref_slice %arg3[%arg0, %arg1, %dma_start3A_6, %dma_start3A_7] : memref<2x16x100x100xi32, #tpu.memory_space<hbm>> -> memref<1x1x100x100xi32, #tpu.memory_space<hbm>>
    %dma_start3A_9 = tpu.memref_squeeze %dma_start3A_8 : memref<1x1x100x100xi32, #tpu.memory_space<hbm>> -> memref<100x100xi32, #tpu.memory_space<hbm>>
    tpu.enqueue_dma source(%dma_start3A_9 : memref<100x100xi32, #tpu.memory_space<hbm>>) target(%arg6 : memref<100x100xi32, #tpu.memory_space<vmem>>) target_semaphore(%dma_start3A_5 : memref<!tpu.dma_semaphore, #tpu.memory_space<semaphore_mem>>)
    %dma_start3A_10 = arith.constant 0 : i32
    %dma_start3A_11 = arith.constant 0 : i32
    %dma_start3A_12 = arith.constant 0 : i32
    %dma_start3A_13 = tpu.memref_slice %arg4[%arg0, %arg1, %dma_start3A_11, %dma_start3A_12] : memref<2x16x100x100xi32, #tpu.memory_space<hbm>> -> memref<1x1x100x100xi32, #tpu.memory_space<hbm>>
    %dma_start3A_14 = tpu.memref_squeeze %dma_start3A_13 : memref<1x1x100x100xi32, #tpu.memory_space<hbm>> -> memref<100x100xi32, #tpu.memory_space<hbm>>
    %dma_start3A_15 = tpu.memref_slice %arg10[%dma_start3A_10] : memref<2x!tpu.dma_semaphore, #tpu.memory_space<semaphore_mem>> -> memref<1x!tpu.dma_semaphore, #tpu.memory_space<semaphore_mem>>
    %dma_start3A_16 = tpu.memref_squeeze %dma_start3A_15 : memref<1x!tpu.dma_semaphore, #tpu.memory_space<semaphore_mem>> -> memref<!tpu.dma_semaphore, #tpu.memory_space<semaphore_mem>>
    %dma_start3A_17 = arith.constant 0 : i32
    %dma_start3A_18 = arith.constant 0 : i32
    %dma_start3A_19 = tpu.memref_slice %arg4[%arg0, %arg1, %dma_start3A_17, %dma_start3A_18] : memref<2x16x100x100xi32, #tpu.memory_space<hbm>> -> memref<1x1x100x100xi32, #tpu.memory_space<hbm>>
    %dma_start3A_20 = tpu.memref_squeeze %dma_start3A_19 : memref<1x1x100x100xi32, #tpu.memory_space<hbm>> -> memref<100x100xi32, #tpu.memory_space<hbm>>
    tpu.enqueue_dma source(%dma_start3A_20 : memref<100x100xi32, #tpu.memory_space<hbm>>) target(%arg7 : memref<100x100xi32, #tpu.memory_space<vmem>>) target_semaphore(%dma_start3A_16 : memref<!tpu.dma_semaphore, #tpu.memory_space<semaphore_mem>>)
    %scan3A = arith.constant 0 : i32
    %scan3A_21 = arith.constant 0 : i32
    %scan3A_22 = arith.constant 0 : i32
    %scan3A_23 = arith.constant 48 : i32
    %scan3A_24 = arith.addi %scan3A_22, %scan3A_23 : i32
    %scan3A_25 = arith.constant 1 : i32
    %scan3A_26 = scf.for %scan3A_777 = %scan3A_22 to %scan3A_24 step %scan3A_25 iter_args(%scan3A_778 = %scan3A_21) -> (i32)  : i32 {
      %broadcast_in_dim3A = arith.constant 0.000000e+00 : f32
      %broadcast_in_dim3A_779 = vector.broadcast %broadcast_in_dim3A : f32 to vector<16xf32>
      %swap3A = arith.constant 0 : i32
      %swap3A_780 = arith.constant 0 : i32
      %swap3A_781 = tpu.memref_slice %arg8[%scan3A, %swap3A, %swap3A_780] : memref<2x100x128xf32, #tpu.memory_space<vmem>> -> memref<1x100x128xf32, #tpu.memory_space<vmem>>
      %swap3A_782 = tpu.memref_squeeze %swap3A_781 : memref<1x100x128xf32, #tpu.memory_space<vmem>> -> memref<100x128xf32, #tpu.memory_space<vmem>>
      %swap3A_783 = arith.index_cast %scan3A_777 : i32 to index
      %swap3A_784 = arith.constant 0 : index
      %swap3A_785 = tpu.vector_load %swap3A_782[%swap3A_783, %swap3A_784] {strides = array<i32>} : memref<100x128xf32, #tpu.memory_space<vmem>>, vector<1x16xf32>,
      %swap3A_786 = vector.shape_cast %swap3A_785 : vector<1x16xf32> to vector<16xf32>
      %swap3A_787 = vector.shape_cast %broadcast_in_dim3A_779 : vector<16xf32> to vector<1x16xf32>
      tpu.vector_store %swap3A_782[%swap3A_783, %swap3A_784], %swap3A_787 {strides = array<i32>} : memref<100x128xf32, #tpu.memory_space<vmem>>, vector<1x16xf32>,
      %broadcast_in_dim3A_788 = arith.constant 0.000000e+00 : f32
      %broadcast_in_dim3A_789 = vector.broadcast %broadcast_in_dim3A_788 : f32 to vector<16xf32>
      %swap3A_790 = arith.constant 0 : i32
      %swap3A_791 = arith.constant 0 : i32
      %swap3A_792 = tpu.memref_slice %arg8[%scan3A, %swap3A_790, %swap3A_791] : memref<2x100x128xf32, #tpu.memory_space<vmem>> -> memref<1x100x128xf32, #tpu.memory_space<vmem>>
      %swap3A_793 = tpu.memref_squeeze %swap3A_792 : memref<1x100x128xf32, #tpu.memory_space<vmem>> -> memref<100x128xf32, #tpu.memory_space<vmem>>
      %swap3A_794 = arith.index_cast %scan3A_777 : i32 to index
      %swap3A_795 = arith.constant 16 : index
      %swap3A_796 = tpu.vector_load %swap3A_793[%swap3A_794, %swap3A_795] {strides = array<i32>} : memref<100x128xf32, #tpu.memory_space<vmem>>, vector<1x16xf32>,
      %swap3A_797 = vector.shape_cast %swap3A_796 : vector<1x16xf32> to vector<16xf32>
      %swap3A_798 = vector.shape_cast %broadcast_in_dim3A_789 : vector<16xf32> to vector<1x16xf32>
      tpu.vector_store %swap3A_793[%swap3A_794, %swap3A_795], %swap3A_798 {strides = array<i32>} : memref<100x128xf32, #tpu.memory_space<vmem>>, vector<1x16xf32>,
      %broadcast_in_dim3A_799 = arith.constant 0.000000e+00 : f32
      %broadcast_in_dim3A_800 = vector.broadcast %broadcast_in_dim3A_799 : f32 to vector<16xf32>
      %swap3A_801 = arith.constant 0 : i32
      %swap3A_802 = arith.constant 0 : i32
      %swap3A_803 = tpu.memref_slice %arg8[%scan3A, %swap3A_801, %swap3A_802] : memref<2x100x128xf32, #tpu.memory_space<vmem>> -> memref<1x100x128xf32, #tpu.memory_space<vmem>>
      %swap3A_804 = tpu.memref_squeeze %swap3A_803 : memref<1x100x128xf32, #tpu.memory_space<vmem>> -> memref<100x128xf32, #tpu.memory_space<vmem>>
      %swap3A_805 = arith.index_cast %scan3A_777 : i32 to index
      %swap3A_806 = arith.constant 32 : index
      %swap3A_807 = tpu.vector_load %swap3A_804[%swap3A_805, %swap3A_806] {strides = array<i32>} : memref<100x128xf32, #tpu.memory_space<vmem>>, vector<1x16xf32>,
      %swap3A_808 = vector.shape_cast %swap3A_807 : vector<1x16xf32> to vector<16xf32>
      %swap3A_809 = vector.shape_cast %broadcast_in_dim3A_800 : vector<16xf32> to vector<1x16xf32>
      tpu.vector_store %swap3A_804[%swap3A_805, %swap3A_806], %swap3A_809 {strides = array<i32>} : memref<100x128xf32, #tpu.memory_space<vmem>>, vector<1x16xf32>,
      %broadcast_in_dim3A_810 = arith.constant 0.000000e+00 : f32
      %broadcast_in_dim3A_811 = vector.broadcast %broadcast_in_dim3A_810 : f32 to vector<16xf32>
      %swap3A_812 = arith.constant 0 : i32
      %swap3A_813 = arith.constant 0 : i32
      %swap3A_814 = tpu.memref_slice %arg8[%scan3A, %swap3A_812, %swap3A_813] : memref<2x100x128xf32, #tpu.memory_space<vmem>> -> memref<1x100x128xf32, #tpu.memory_space<vmem>>
      %swap3A_815 = tpu.memref_squeeze %swap3A_814 : memref<1x100x128xf32, #tpu.memory_space<vmem>> -> memref<100x128xf32, #tpu.memory_space<vmem>>
      %swap3A_816 = arith.index_cast %scan3A_777 : i32 to index
      %swap3A_817 = arith.constant 48 : index
      %swap3A_818 = tpu.vector_load %swap3A_815[%swap3A_816, %swap3A_817] {strides = array<i32>} : memref<100x128xf32, #tpu.memory_space<vmem>>, vector<1x16xf32>,
      %swap3A_819 = vector.shape_cast %swap3A_818 : vector<1x16xf32> to vector<16xf32>
      %swap3A_820 = vector.shape_cast %broadcast_in_dim3A_811 : vector<16xf32> to vector<1x16xf32>
      tpu.vector_store %swap3A_815[%swap3A_816, %swap3A_817], %swap3A_820 {strides = array<i32>} : memref<100x128xf32, #tpu.memory_space<vmem>>, vector<1x16xf32>,
      %broadcast_in_dim3A_821 = arith.constant 0.000000e+00 : f32
      %broadcast_in_dim3A_822 = vector.broadcast %broadcast_in_dim3A_821 : f32 to vector<16xf32>
      %swap3A_823 = arith.constant 0 : i32
      %swap3A_824 = arith.constant 0 : i32
      %swap3A_825 = tpu.memref_slice %arg8[%scan3A, %swap3A_823, %swap3A_824] : memref<2x100x128xf32, #tpu.memory_space<vmem>> -> memref<1x100x128xf32, #tpu.memory_space<vmem>>
      %swap3A_826 = tpu.memref_squeeze %swap3A_825 : memref<1x100x128xf32, #tpu.memory_space<vmem>> -> memref<100x128xf32, #tpu.memory_space<vmem>>
      %swap3A_827 = arith.index_cast %scan3A_777 : i32 to index
      %swap3A_828 = arith.constant 64 : index
      %swap3A_829 = tpu.vector_load %swap3A_826[%swap3A_827, %swap3A_828] {strides = array<i32>} : memref<100x128xf32, #tpu.memory_space<vmem>>, vector<1x16xf32>,
      %swap3A_830 = vector.shape_cast %swap3A_829 : vector<1x16xf32> to vector<16xf32>
      %swap3A_831 = vector.shape_cast %broadcast_in_dim3A_822 : vector<16xf32> to vector<1x16xf32>
      tpu.vector_store %swap3A_826[%swap3A_827, %swap3A_828], %swap3A_831 {strides = array<i32>} : memref<100x128xf32, #tpu.memory_space<vmem>>, vector<1x16xf32>,
      %broadcast_in_dim3A_832 = arith.constant 0.000000e+00 : f32
      %broadcast_in_dim3A_833 = vector.broadcast %broadcast_in_dim3A_832 : f32 to vector<16xf32>
      %swap3A_834 = arith.constant 0 : i32
      %swap3A_835 = arith.constant 0 : i32
      %swap3A_836 = tpu.memref_slice %arg8[%scan3A, %swap3A_834, %swap3A_835] : memref<2x100x128xf32, #tpu.memory_space<vmem>> -> memref<1x100x128xf32, #tpu.memory_space<vmem>>
      %swap3A_837 = tpu.memref_squeeze %swap3A_836 : memref<1x100x128xf32, #tpu.memory_space<vmem>> -> memref<100x128xf32, #tpu.memory_space<vmem>>
      %swap3A_838 = arith.index_cast %scan3A_777 : i32 to index
      %swap3A_839 = arith.constant 80 : index
      %swap3A_840 = tpu.vector_load %swap3A_837[%swap3A_838, %swap3A_839] {strides = array<i32>} : memref<100x128xf32, #tpu.memory_space<vmem>>, vector<1x16xf32>,
      %swap3A_841 = vector.shape_cast %swap3A_840 : vector<1x16xf32> to vector<16xf32>
      %swap3A_842 = vector.shape_cast %broadcast_in_dim3A_833 : vector<16xf32> to vector<1x16xf32>
      tpu.vector_store %swap3A_837[%swap3A_838, %swap3A_839], %swap3A_842 {strides = array<i32>} : memref<100x128xf32, #tpu.memory_space<vmem>>, vector<1x16xf32>,
      %broadcast_in_dim3A_843 = arith.constant 0.000000e+00 : f32
      %broadcast_in_dim3A_844 = vector.broadcast %broadcast_in_dim3A_843 : f32 to vector<16xf32>
      %swap3A_845 = arith.constant 0 : i32
      %swap3A_846 = arith.constant 0 : i32
      %swap3A_847 = tpu.memref_slice %arg8[%scan3A, %swap3A_845, %swap3A_846] : memref<2x100x128xf32, #tpu.memory_space<vmem>> -> memref<1x100x128xf32, #tpu.memory_space<vmem>>
      %swap3A_848 = tpu.memref_squeeze %swap3A_847 : memref<1x100x128xf32, #tpu.memory_space<vmem>> -> memref<100x128xf32, #tpu.memory_space<vmem>>
      %swap3A_849 = arith.index_cast %scan3A_777 : i32 to index
      %swap3A_850 = arith.constant 96 : index
      %swap3A_851 = tpu.vector_load %swap3A_848[%swap3A_849, %swap3A_850] {strides = array<i32>} : memref<100x128xf32, #tpu.memory_space<vmem>>, vector<1x16xf32>,
      %swap3A_852 = vector.shape_cast %swap3A_851 : vector<1x16xf32> to vector<16xf32>
      %swap3A_853 = vector.shape_cast %broadcast_in_dim3A_844 : vector<16xf32> to vector<1x16xf32>
      tpu.vector_store %swap3A_848[%swap3A_849, %swap3A_850], %swap3A_853 {strides = array<i32>} : memref<100x128xf32, #tpu.memory_space<vmem>>, vector<1x16xf32>,
      %broadcast_in_dim3A_854 = arith.constant 0.000000e+00 : f32
      %broadcast_in_dim3A_855 = vector.broadcast %broadcast_in_dim3A_854 : f32 to vector<16xf32>
      %swap3A_856 = arith.constant 0 : i32
      %swap3A_857 = arith.constant 0 : i32
      %swap3A_858 = tpu.memref_slice %arg8[%scan3A, %swap3A_856, %swap3A_857] : memref<2x100x128xf32, #tpu.memory_space<vmem>> -> memref<1x100x128xf32, #tpu.memory_space<vmem>>
      %swap3A_859 = tpu.memref_squeeze %swap3A_858 : memref<1x100x128xf32, #tpu.memory_space<vmem>> -> memref<100x128xf32, #tpu.memory_space<vmem>>
      %swap3A_860 = arith.index_cast %scan3A_777 : i32 to index
      %swap3A_861 = arith.constant 112 : index
      %swap3A_862 = tpu.vector_load %swap3A_859[%swap3A_860, %swap3A_861] {strides = array<i32>} : memref<100x128xf32, #tpu.memory_space<vmem>>, vector<1x16xf32>,
      %swap3A_863 = vector.shape_cast %swap3A_862 : vector<1x16xf32> to vector<16xf32>
      %swap3A_864 = vector.shape_cast %broadcast_in_dim3A_855 : vector<16xf32> to vector<1x16xf32>
      tpu.vector_store %swap3A_859[%swap3A_860, %swap3A_861], %swap3A_864 {strides = array<i32>} : memref<100x128xf32, #tpu.memory_space<vmem>>, vector<1x16xf32>,
      %scan3A_865 = arith.constant 0 : i32
      scf.yield %scan3A_865 : i32
    }
    %scan3A_27 = arith.constant 48 : i32
    %mul3A = arith.constant 624 : i32
    %mul3A_28 = arith.muli %arg1, %mul3A : i32
    %add3A = arith.constant 0 : i32
    %add3A_29 = arith.addi %mul3A_28, %add3A : i32
    %dma_start3A_30 = arith.constant 0 : i32
    %dma_start3A_31 = arith.constant 1 : i32
    %dma_start3A_32 = arith.constant 0 : i32
    %dma_start3A_33 = arith.constant 0 : i32
    %dma_start3A_34 = tpu.memref_slice %arg8[%dma_start3A_30, %dma_start3A_32, %dma_start3A_33] : memref<2x100x128xf32, #tpu.memory_space<vmem>> -> memref<1x100x128xf32, #tpu.memory_space<vmem>>
    %dma_start3A_35 = tpu.memref_squeeze %dma_start3A_34 : memref<1x100x128xf32, #tpu.memory_space<vmem>> -> memref<100x128xf32, #tpu.memory_space<vmem>>
    %dma_start3A_36 = arith.constant 0 : i32
    %dma_start3A_37 = arith.constant 0 : i32
    %dma_start3A_38 = tpu.memref_slice %dma_start3A_35[%dma_start3A_36, %dma_start3A_37] : memref<100x128xf32, #tpu.memory_space<vmem>> -> memref<48x128xf32, #tpu.memory_space<vmem>>
    %dma_start3A_39 = arith.constant 0 : i32
    %dma_start3A_40 = tpu.memref_slice %arg9[%add3A_29, %dma_start3A_39] : memref<10000x128xf32, #tpu.memory_space<vmem_shared>> -> memref<48x128xf32, #tpu.memory_space<vmem_shared>>
    %dma_start3A_41 = tpu.memref_slice %arg10[%dma_start3A_31] : memref<2x!tpu.dma_semaphore, #tpu.memory_space<semaphore_mem>> -> memref<1x!tpu.dma_semaphore, #tpu.memory_space<semaphore_mem>>
    %dma_start3A_42 = tpu.memref_squeeze %dma_start3A_41 : memref<1x!tpu.dma_semaphore, #tpu.memory_space<semaphore_mem>> -> memref<!tpu.dma_semaphore, #tpu.memory_space<semaphore_mem>>
    %dma_start3A_43 = arith.constant 0 : i32
    %dma_start3A_44 = tpu.memref_slice %arg9[%add3A_29, %dma_start3A_43] : memref<10000x128xf32, #tpu.memory_space<vmem_shared>> -> memref<48x128xf32, #tpu.memory_space<vmem_shared>>
    %dma_start3A_45 = arith.constant 0 : i32
    %dma_start3A_46 = arith.constant 0 : i32
    %dma_start3A_47 = tpu.memref_slice %arg8[%dma_start3A_30, %dma_start3A_45, %dma_start3A_46] : memref<2x100x128xf32, #tpu.memory_space<vmem>> -> memref<1x100x128xf32, #tpu.memory_space<vmem>>
    %dma_start3A_48 = tpu.memref_squeeze %dma_start3A_47 : memref<1x100x128xf32, #tpu.memory_space<vmem>> -> memref<100x128xf32, #tpu.memory_space<vmem>>
    %dma_start3A_49 = arith.constant 0 : i32
    %dma_start3A_50 = arith.constant 0 : i32
    %dma_start3A_51 = tpu.memref_slice %dma_start3A_48[%dma_start3A_49, %dma_start3A_50] : memref<100x128xf32, #tpu.memory_space<vmem>> -> memref<48x128xf32, #tpu.memory_space<vmem>>
    tpu.enqueue_dma source(%dma_start3A_51 : memref<48x128xf32, #tpu.memory_space<vmem>>) target(%dma_start3A_44 : memref<48x128xf32, #tpu.memory_space<vmem_shared>>) target_semaphore(%dma_start3A_42 : memref<!tpu.dma_semaphore, #tpu.memory_space<semaphore_mem>>)
    %mul3A_52 = arith.constant 624 : i32
    %mul3A_53 = arith.muli %arg1, %mul3A_52 : i32
    %add3A_54 = arith.constant 48 : i32
    %add3A_55 = arith.addi %mul3A_53, %add3A_54 : i32
    %dma_start3A_56 = arith.constant 0 : i32
    %dma_start3A_57 = arith.constant 1 : i32
    %dma_start3A_58 = arith.constant 0 : i32
    %dma_start3A_59 = arith.constant 0 : i32
    %dma_start3A_60 = tpu.memref_slice %arg8[%dma_start3A_56, %dma_start3A_58, %dma_start3A_59] : memref<2x100x128xf32, #tpu.memory_space<vmem>> -> memref<1x100x128xf32, #tpu.memory_space<vmem>>
    %dma_start3A_61 = tpu.memref_squeeze %dma_start3A_60 : memref<1x100x128xf32, #tpu.memory_space<vmem>> -> memref<100x128xf32, #tpu.memory_space<vmem>>
    %dma_start3A_62 = arith.constant 0 : i32
    %dma_start3A_63 = arith.constant 0 : i32
    %dma_start3A_64 = tpu.memref_slice %dma_start3A_61[%dma_start3A_62, %dma_start3A_63] : memref<100x128xf32, #tpu.memory_space<vmem>> -> memref<48x128xf32, #tpu.memory_space<vmem>>
    %dma_start3A_65 = arith.constant 0 : i32
    %dma_start3A_66 = tpu.memref_slice %arg9[%add3A_55, %dma_start3A_65] : memref<10000x128xf32, #tpu.memory_space<vmem_shared>> -> memref<48x128xf32, #tpu.memory_space<vmem_shared>>
    %dma_start3A_67 = tpu.memref_slice %arg10[%dma_start3A_57] : memref<2x!tpu.dma_semaphore, #tpu.memory_space<semaphore_mem>> -> memref<1x!tpu.dma_semaphore, #tpu.memory_space<semaphore_mem>>
    %dma_start3A_68 = tpu.memref_squeeze %dma_start3A_67 : memref<1x!tpu.dma_semaphore, #tpu.memory_space<semaphore_mem>> -> memref<!tpu.dma_semaphore, #tpu.memory_space<semaphore_mem>>
    %dma_start3A_69 = arith.constant 0 : i32
    %dma_start3A_70 = tpu.memref_slice %arg9[%add3A_55, %dma_start3A_69] : memref<10000x128xf32, #tpu.memory_space<vmem_shared>> -> memref<48x128xf32, #tpu.memory_space<vmem_shared>>
    %dma_start3A_71 = arith.constant 0 : i32
    %dma_start3A_72 = arith.constant 0 : i32
    %dma_start3A_73 = tpu.memref_slice %arg8[%dma_start3A_56, %dma_start3A_71, %dma_start3A_72] : memref<2x100x128xf32, #tpu.memory_space<vmem>> -> memref<1x100x128xf32, #tpu.memory_space<vmem>>
    %dma_start3A_74 = tpu.memref_squeeze %dma_start3A_73 : memref<1x100x128xf32, #tpu.memory_space<vmem>> -> memref<100x128xf32, #tpu.memory_space<vmem>>
    %dma_start3A_75 = arith.constant 0 : i32
    %dma_start3A_76 = arith.constant 0 : i32
    %dma_start3A_77 = tpu.memref_slice %dma_start3A_74[%dma_start3A_75, %dma_start3A_76] : memref<100x128xf32, #tpu.memory_space<vmem>> -> memref<48x128xf32, #tpu.memory_space<vmem>>
    tpu.enqueue_dma source(%dma_start3A_77 : memref<48x128xf32, #tpu.memory_space<vmem>>) target(%dma_start3A_70 : memref<48x128xf32, #tpu.memory_space<vmem_shared>>) target_semaphore(%dma_start3A_68 : memref<!tpu.dma_semaphore, #tpu.memory_space<semaphore_mem>>)
    %mul3A_78 = arith.constant 624 : i32
    %mul3A_79 = arith.muli %arg1, %mul3A_78 : i32
    %add3A_80 = arith.constant 96 : i32
    %add3A_81 = arith.addi %mul3A_79, %add3A_80 : i32
    %dma_start3A_82 = arith.constant 0 : i32
    %dma_start3A_83 = arith.constant 1 : i32
    %dma_start3A_84 = arith.constant 0 : i32
    %dma_start3A_85 = arith.constant 0 : i32
    %dma_start3A_86 = tpu.memref_slice %arg8[%dma_start3A_82, %dma_start3A_84, %dma_start3A_85] : memref<2x100x128xf32, #tpu.memory_space<vmem>> -> memref<1x100x128xf32, #tpu.memory_space<vmem>>
    %dma_start3A_87 = tpu.memref_squeeze %dma_start3A_86 : memref<1x100x128xf32, #tpu.memory_space<vmem>> -> memref<100x128xf32, #tpu.memory_space<vmem>>
    %dma_start3A_88 = arith.constant 0 : i32
    %dma_start3A_89 = arith.constant 0 : i32
    %dma_start3A_90 = tpu.memref_slice %dma_start3A_87[%dma_start3A_88, %dma_start3A_89] : memref<100x128xf32, #tpu.memory_space<vmem>> -> memref<48x128xf32, #tpu.memory_space<vmem>>
    %dma_start3A_91 = arith.constant 0 : i32
    %dma_start3A_92 = tpu.memref_slice %arg9[%add3A_81, %dma_start3A_91] : memref<10000x128xf32, #tpu.memory_space<vmem_shared>> -> memref<48x128xf32, #tpu.memory_space<vmem_shared>>
    %dma_start3A_93 = tpu.memref_slice %arg10[%dma_start3A_83] : memref<2x!tpu.dma_semaphore, #tpu.memory_space<semaphore_mem>> -> memref<1x!tpu.dma_semaphore, #tpu.memory_space<semaphore_mem>>
    %dma_start3A_94 = tpu.memref_squeeze %dma_start3A_93 : memref<1x!tpu.dma_semaphore, #tpu.memory_space<semaphore_mem>> -> memref<!tpu.dma_semaphore, #tpu.memory_space<semaphore_mem>>
    %dma_start3A_95 = arith.constant 0 : i32
    %dma_start3A_96 = tpu.memref_slice %arg9[%add3A_81, %dma_start3A_95] : memref<10000x128xf32, #tpu.memory_space<vmem_shared>> -> memref<48x128xf32, #tpu.memory_space<vmem_shared>>
    %dma_start3A_97 = arith.constant 0 : i32
    %dma_start3A_98 = arith.constant 0 : i32
    %dma_start3A_99 = tpu.memref_slice %arg8[%dma_start3A_82, %dma_start3A_97, %dma_start3A_98] : memref<2x100x128xf32, #tpu.memory_space<vmem>> -> memref<1x100x128xf32, #tpu.memory_space<vmem>>
    %dma_start3A_100 = tpu.memref_squeeze %dma_start3A_99 : memref<1x100x128xf32, #tpu.memory_space<vmem>> -> memref<100x128xf32, #tpu.memory_space<vmem>>
    %dma_start3A_101 = arith.constant 0 : i32
    %dma_start3A_102 = arith.constant 0 : i32
    %dma_start3A_103 = tpu.memref_slice %dma_start3A_100[%dma_start3A_101, %dma_start3A_102] : memref<100x128xf32, #tpu.memory_space<vmem>> -> memref<48x128xf32, #tpu.memory_space<vmem>>
    tpu.enqueue_dma source(%dma_start3A_103 : memref<48x128xf32, #tpu.memory_space<vmem>>) target(%dma_start3A_96 : memref<48x128xf32, #tpu.memory_space<vmem_shared>>) target_semaphore(%dma_start3A_94 : memref<!tpu.dma_semaphore, #tpu.memory_space<semaphore_mem>>)
    %mul3A_104 = arith.constant 624 : i32
    %mul3A_105 = arith.muli %arg1, %mul3A_104 : i32
    %add3A_106 = arith.constant 144 : i32
    %add3A_107 = arith.addi %mul3A_105, %add3A_106 : i32
    %dma_start3A_108 = arith.constant 0 : i32
    %dma_start3A_109 = arith.constant 1 : i32
    %dma_start3A_110 = arith.constant 0 : i32
    %dma_start3A_111 = arith.constant 0 : i32
    %dma_start3A_112 = tpu.memref_slice %arg8[%dma_start3A_108, %dma_start3A_110, %dma_start3A_111] : memref<2x100x128xf32, #tpu.memory_space<vmem>> -> memref<1x100x128xf32, #tpu.memory_space<vmem>>
    %dma_start3A_113 = tpu.memref_squeeze %dma_start3A_112 : memref<1x100x128xf32, #tpu.memory_space<vmem>> -> memref<100x128xf32, #tpu.memory_space<vmem>>
    %dma_start3A_114 = arith.constant 0 : i32
    %dma_start3A_115 = arith.constant 0 : i32
    %dma_start3A_116 = tpu.memref_slice %dma_start3A_113[%dma_start3A_114, %dma_start3A_115] : memref<100x128xf32, #tpu.memory_space<vmem>> -> memref<48x128xf32, #tpu.memory_space<vmem>>
    %dma_start3A_117 = arith.constant 0 : i32
    %dma_start3A_118 = tpu.memref_slice %arg9[%add3A_107, %dma_start3A_117] : memref<10000x128xf32, #tpu.memory_space<vmem_shared>> -> memref<48x128xf32, #tpu.memory_space<vmem_shared>>
    %dma_start3A_119 = tpu.memref_slice %arg10[%dma_start3A_109] : memref<2x!tpu.dma_semaphore, #tpu.memory_space<semaphore_mem>> -> memref<1x!tpu.dma_semaphore, #tpu.memory_space<semaphore_mem>>
    %dma_start3A_120 = tpu.memref_squeeze %dma_start3A_119 : memref<1x!tpu.dma_semaphore, #tpu.memory_space<semaphore_mem>> -> memref<!tpu.dma_semaphore, #tpu.memory_space<semaphore_mem>>
    %dma_start3A_121 = arith.constant 0 : i32
    %dma_start3A_122 = tpu.memref_slice %arg9[%add3A_107, %dma_start3A_121] : memref<10000x128xf32, #tpu.memory_space<vmem_shared>> -> memref<48x128xf32, #tpu.memory_space<vmem_shared>>
    %dma_start3A_123 = arith.constant 0 : i32
    %dma_start3A_124 = arith.constant 0 : i32
    %dma_start3A_125 = tpu.memref_slice %arg8[%dma_start3A_108, %dma_start3A_123, %dma_start3A_124] : memref<2x100x128xf32, #tpu.memory_space<vmem>> -> memref<1x100x128xf32, #tpu.memory_space<vmem>>
    %dma_start3A_126 = tpu.memref_squeeze %dma_start3A_125 : memref<1x100x128xf32, #tpu.memory_space<vmem>> -> memref<100x128xf32, #tpu.memory_space<vmem>>
    %dma_start3A_127 = arith.constant 0 : i32
    %dma_start3A_128 = arith.constant 0 : i32
    %dma_start3A_129 = tpu.memref_slice %dma_start3A_126[%dma_start3A_127, %dma_start3A_128] : memref<100x128xf32, #tpu.memory_space<vmem>> -> memref<48x128xf32, #tpu.memory_space<vmem>>
    tpu.enqueue_dma source(%dma_start3A_129 : memref<48x128xf32, #tpu.memory_space<vmem>>) target(%dma_start3A_122 : memref<48x128xf32, #tpu.memory_space<vmem_shared>>) target_semaphore(%dma_start3A_120 : memref<!tpu.dma_semaphore, #tpu.memory_space<semaphore_mem>>)
    %mul3A_130 = arith.constant 624 : i32
    %mul3A_131 = arith.muli %arg1, %mul3A_130 : i32
    %add3A_132 = arith.constant 192 : i32
    %add3A_133 = arith.addi %mul3A_131, %add3A_132 : i32
    %dma_start3A_134 = arith.constant 0 : i32
    %dma_start3A_135 = arith.constant 1 : i32
    %dma_start3A_136 = arith.constant 0 : i32
    %dma_start3A_137 = arith.constant 0 : i32
    %dma_start3A_138 = tpu.memref_slice %arg8[%dma_start3A_134, %dma_start3A_136, %dma_start3A_137] : memref<2x100x128xf32, #tpu.memory_space<vmem>> -> memref<1x100x128xf32, #tpu.memory_space<vmem>>
    %dma_start3A_139 = tpu.memref_squeeze %dma_start3A_138 : memref<1x100x128xf32, #tpu.memory_space<vmem>> -> memref<100x128xf32, #tpu.memory_space<vmem>>
    %dma_start3A_140 = arith.constant 0 : i32
    %dma_start3A_141 = arith.constant 0 : i32
    %dma_start3A_142 = tpu.memref_slice %dma_start3A_139[%dma_start3A_140, %dma_start3A_141] : memref<100x128xf32, #tpu.memory_space<vmem>> -> memref<48x128xf32, #tpu.memory_space<vmem>>
    %dma_start3A_143 = arith.constant 0 : i32
    %dma_start3A_144 = tpu.memref_slice %arg9[%add3A_133, %dma_start3A_143] : memref<10000x128xf32, #tpu.memory_space<vmem_shared>> -> memref<48x128xf32, #tpu.memory_space<vmem_shared>>
    %dma_start3A_145 = tpu.memref_slice %arg10[%dma_start3A_135] : memref<2x!tpu.dma_semaphore, #tpu.memory_space<semaphore_mem>> -> memref<1x!tpu.dma_semaphore, #tpu.memory_space<semaphore_mem>>
    %dma_start3A_146 = tpu.memref_squeeze %dma_start3A_145 : memref<1x!tpu.dma_semaphore, #tpu.memory_space<semaphore_mem>> -> memref<!tpu.dma_semaphore, #tpu.memory_space<semaphore_mem>>
    %dma_start3A_147 = arith.constant 0 : i32
    %dma_start3A_148 = tpu.memref_slice %arg9[%add3A_133, %dma_start3A_147] : memref<10000x128xf32, #tpu.memory_space<vmem_shared>> -> memref<48x128xf32, #tpu.memory_space<vmem_shared>>
    %dma_start3A_149 = arith.constant 0 : i32
    %dma_start3A_150 = arith.constant 0 : i32
    %dma_start3A_151 = tpu.memref_slice %arg8[%dma_start3A_134, %dma_start3A_149, %dma_start3A_150] : memref<2x100x128xf32, #tpu.memory_space<vmem>> -> memref<1x100x128xf32, #tpu.memory_space<vmem>>
    %dma_start3A_152 = tpu.memref_squeeze %dma_start3A_151 : memref<1x100x128xf32, #tpu.memory_space<vmem>> -> memref<100x128xf32, #tpu.memory_space<vmem>>
    %dma_start3A_153 = arith.constant 0 : i32
    %dma_start3A_154 = arith.constant 0 : i32
    %dma_start3A_155 = tpu.memref_slice %dma_start3A_152[%dma_start3A_153, %dma_start3A_154] : memref<100x128xf32, #tpu.memory_space<vmem>> -> memref<48x128xf32, #tpu.memory_space<vmem>>
    tpu.enqueue_dma source(%dma_start3A_155 : memref<48x128xf32, #tpu.memory_space<vmem>>) target(%dma_start3A_148 : memref<48x128xf32, #tpu.memory_space<vmem_shared>>) target_semaphore(%dma_start3A_146 : memref<!tpu.dma_semaphore, #tpu.memory_space<semaphore_mem>>)
    %mul3A_156 = arith.constant 624 : i32
    %mul3A_157 = arith.muli %arg1, %mul3A_156 : i32
    %add3A_158 = arith.constant 240 : i32
    %add3A_159 = arith.addi %mul3A_157, %add3A_158 : i32
    %dma_start3A_160 = arith.constant 0 : i32
    %dma_start3A_161 = arith.constant 1 : i32
    %dma_start3A_162 = arith.constant 0 : i32
    %dma_start3A_163 = arith.constant 0 : i32
    %dma_start3A_164 = tpu.memref_slice %arg8[%dma_start3A_160, %dma_start3A_162, %dma_start3A_163] : memref<2x100x128xf32, #tpu.memory_space<vmem>> -> memref<1x100x128xf32, #tpu.memory_space<vmem>>
    %dma_start3A_165 = tpu.memref_squeeze %dma_start3A_164 : memref<1x100x128xf32, #tpu.memory_space<vmem>> -> memref<100x128xf32, #tpu.memory_space<vmem>>
    %dma_start3A_166 = arith.constant 0 : i32
    %dma_start3A_167 = arith.constant 0 : i32
    %dma_start3A_168 = tpu.memref_slice %dma_start3A_165[%dma_start3A_166, %dma_start3A_167] : memref<100x128xf32, #tpu.memory_space<vmem>> -> memref<48x128xf32, #tpu.memory_space<vmem>>
    %dma_start3A_169 = arith.constant 0 : i32
    %dma_start3A_170 = tpu.memref_slice %arg9[%add3A_159, %dma_start3A_169] : memref<10000x128xf32, #tpu.memory_space<vmem_shared>> -> memref<48x128xf32, #tpu.memory_space<vmem_shared>>
    %dma_start3A_171 = tpu.memref_slice %arg10[%dma_start3A_161] : memref<2x!tpu.dma_semaphore, #tpu.memory_space<semaphore_mem>> -> memref<1x!tpu.dma_semaphore, #tpu.memory_space<semaphore_mem>>
    %dma_start3A_172 = tpu.memref_squeeze %dma_start3A_171 : memref<1x!tpu.dma_semaphore, #tpu.memory_space<semaphore_mem>> -> memref<!tpu.dma_semaphore, #tpu.memory_space<semaphore_mem>>
    %dma_start3A_173 = arith.constant 0 : i32
    %dma_start3A_174 = tpu.memref_slice %arg9[%add3A_159, %dma_start3A_173] : memref<10000x128xf32, #tpu.memory_space<vmem_shared>> -> memref<48x128xf32, #tpu.memory_space<vmem_shared>>
    %dma_start3A_175 = arith.constant 0 : i32
    %dma_start3A_176 = arith.constant 0 : i32
    %dma_start3A_177 = tpu.memref_slice %arg8[%dma_start3A_160, %dma_start3A_175, %dma_start3A_176] : memref<2x100x128xf32, #tpu.memory_space<vmem>> -> memref<1x100x128xf32, #tpu.memory_space<vmem>>
    %dma_start3A_178 = tpu.memref_squeeze %dma_start3A_177 : memref<1x100x128xf32, #tpu.memory_space<vmem>> -> memref<100x128xf32, #tpu.memory_space<vmem>>
    %dma_start3A_179 = arith.constant 0 : i32
    %dma_start3A_180 = arith.constant 0 : i32
    %dma_start3A_181 = tpu.memref_slice %dma_start3A_178[%dma_start3A_179, %dma_start3A_180] : memref<100x128xf32, #tpu.memory_space<vmem>> -> memref<48x128xf32, #tpu.memory_space<vmem>>
    tpu.enqueue_dma source(%dma_start3A_181 : memref<48x128xf32, #tpu.memory_space<vmem>>) target(%dma_start3A_174 : memref<48x128xf32, #tpu.memory_space<vmem_shared>>) target_semaphore(%dma_start3A_172 : memref<!tpu.dma_semaphore, #tpu.memory_space<semaphore_mem>>)
    %mul3A_182 = arith.constant 624 : i32
    %mul3A_183 = arith.muli %arg1, %mul3A_182 : i32
    %add3A_184 = arith.constant 288 : i32
    %add3A_185 = arith.addi %mul3A_183, %add3A_184 : i32
    %dma_start3A_186 = arith.constant 0 : i32
    %dma_start3A_187 = arith.constant 1 : i32
    %dma_start3A_188 = arith.constant 0 : i32
    %dma_start3A_189 = arith.constant 0 : i32
    %dma_start3A_190 = tpu.memref_slice %arg8[%dma_start3A_186, %dma_start3A_188, %dma_start3A_189] : memref<2x100x128xf32, #tpu.memory_space<vmem>> -> memref<1x100x128xf32, #tpu.memory_space<vmem>>
    %dma_start3A_191 = tpu.memref_squeeze %dma_start3A_190 : memref<1x100x128xf32, #tpu.memory_space<vmem>> -> memref<100x128xf32, #tpu.memory_space<vmem>>
    %dma_start3A_192 = arith.constant 0 : i32
    %dma_start3A_193 = arith.constant 0 : i32
    %dma_start3A_194 = tpu.memref_slice %dma_start3A_191[%dma_start3A_192, %dma_start3A_193] : memref<100x128xf32, #tpu.memory_space<vmem>> -> memref<48x128xf32, #tpu.memory_space<vmem>>
    %dma_start3A_195 = arith.constant 0 : i32
    %dma_start3A_196 = tpu.memref_slice %arg9[%add3A_185, %dma_start3A_195] : memref<10000x128xf32, #tpu.memory_space<vmem_shared>> -> memref<48x128xf32, #tpu.memory_space<vmem_shared>>
    %dma_start3A_197 = tpu.memref_slice %arg10[%dma_start3A_187] : memref<2x!tpu.dma_semaphore, #tpu.memory_space<semaphore_mem>> -> memref<1x!tpu.dma_semaphore, #tpu.memory_space<semaphore_mem>>
    %dma_start3A_198 = tpu.memref_squeeze %dma_start3A_197 : memref<1x!tpu.dma_semaphore, #tpu.memory_space<semaphore_mem>> -> memref<!tpu.dma_semaphore, #tpu.memory_space<semaphore_mem>>
    %dma_start3A_199 = arith.constant 0 : i32
    %dma_start3A_200 = tpu.memref_slice %arg9[%add3A_185, %dma_start3A_199] : memref<10000x128xf32, #tpu.memory_space<vmem_shared>> -> memref<48x128xf32, #tpu.memory_space<vmem_shared>>
    %dma_start3A_201 = arith.constant 0 : i32
    %dma_start3A_202 = arith.constant 0 : i32
    %dma_start3A_203 = tpu.memref_slice %arg8[%dma_start3A_186, %dma_start3A_201, %dma_start3A_202] : memref<2x100x128xf32, #tpu.memory_space<vmem>> -> memref<1x100x128xf32, #tpu.memory_space<vmem>>
    %dma_start3A_204 = tpu.memref_squeeze %dma_start3A_203 : memref<1x100x128xf32, #tpu.memory_space<vmem>> -> memref<100x128xf32, #tpu.memory_space<vmem>>
    %dma_start3A_205 = arith.constant 0 : i32
    %dma_start3A_206 = arith.constant 0 : i32
    %dma_start3A_207 = tpu.memref_slice %dma_start3A_204[%dma_start3A_205, %dma_start3A_206] : memref<100x128xf32, #tpu.memory_space<vmem>> -> memref<48x128xf32, #tpu.memory_space<vmem>>
    tpu.enqueue_dma source(%dma_start3A_207 : memref<48x128xf32, #tpu.memory_space<vmem>>) target(%dma_start3A_200 : memref<48x128xf32, #tpu.memory_space<vmem_shared>>) target_semaphore(%dma_start3A_198 : memref<!tpu.dma_semaphore, #tpu.memory_space<semaphore_mem>>)
    %mul3A_208 = arith.constant 624 : i32
    %mul3A_209 = arith.muli %arg1, %mul3A_208 : i32
    %add3A_210 = arith.constant 336 : i32
    %add3A_211 = arith.addi %mul3A_209, %add3A_210 : i32
    %dma_start3A_212 = arith.constant 0 : i32
    %dma_start3A_213 = arith.constant 1 : i32
    %dma_start3A_214 = arith.constant 0 : i32
    %dma_start3A_215 = arith.constant 0 : i32
    %dma_start3A_216 = tpu.memref_slice %arg8[%dma_start3A_212, %dma_start3A_214, %dma_start3A_215] : memref<2x100x128xf32, #tpu.memory_space<vmem>> -> memref<1x100x128xf32, #tpu.memory_space<vmem>>
    %dma_start3A_217 = tpu.memref_squeeze %dma_start3A_216 : memref<1x100x128xf32, #tpu.memory_space<vmem>> -> memref<100x128xf32, #tpu.memory_space<vmem>>
    %dma_start3A_218 = arith.constant 0 : i32
    %dma_start3A_219 = arith.constant 0 : i32
    %dma_start3A_220 = tpu.memref_slice %dma_start3A_217[%dma_start3A_218, %dma_start3A_219] : memref<100x128xf32, #tpu.memory_space<vmem>> -> memref<48x128xf32, #tpu.memory_space<vmem>>
    %dma_start3A_221 = arith.constant 0 : i32
    %dma_start3A_222 = tpu.memref_slice %arg9[%add3A_211, %dma_start3A_221] : memref<10000x128xf32, #tpu.memory_space<vmem_shared>> -> memref<48x128xf32, #tpu.memory_space<vmem_shared>>
    %dma_start3A_223 = tpu.memref_slice %arg10[%dma_start3A_213] : memref<2x!tpu.dma_semaphore, #tpu.memory_space<semaphore_mem>> -> memref<1x!tpu.dma_semaphore, #tpu.memory_space<semaphore_mem>>
    %dma_start3A_224 = tpu.memref_squeeze %dma_start3A_223 : memref<1x!tpu.dma_semaphore, #tpu.memory_space<semaphore_mem>> -> memref<!tpu.dma_semaphore, #tpu.memory_space<semaphore_mem>>
    %dma_start3A_225 = arith.constant 0 : i32
    %dma_start3A_226 = tpu.memref_slice %arg9[%add3A_211, %dma_start3A_225] : memref<10000x128xf32, #tpu.memory_space<vmem_shared>> -> memref<48x128xf32, #tpu.memory_space<vmem_shared>>
    %dma_start3A_227 = arith.constant 0 : i32
    %dma_start3A_228 = arith.constant 0 : i32
    %dma_start3A_229 = tpu.memref_slice %arg8[%dma_start3A_212, %dma_start3A_227, %dma_start3A_228] : memref<2x100x128xf32, #tpu.memory_space<vmem>> -> memref<1x100x128xf32, #tpu.memory_space<vmem>>
    %dma_start3A_230 = tpu.memref_squeeze %dma_start3A_229 : memref<1x100x128xf32, #tpu.memory_space<vmem>> -> memref<100x128xf32, #tpu.memory_space<vmem>>
    %dma_start3A_231 = arith.constant 0 : i32
    %dma_start3A_232 = arith.constant 0 : i32
    %dma_start3A_233 = tpu.memref_slice %dma_start3A_230[%dma_start3A_231, %dma_start3A_232] : memref<100x128xf32, #tpu.memory_space<vmem>> -> memref<48x128xf32, #tpu.memory_space<vmem>>
    tpu.enqueue_dma source(%dma_start3A_233 : memref<48x128xf32, #tpu.memory_space<vmem>>) target(%dma_start3A_226 : memref<48x128xf32, #tpu.memory_space<vmem_shared>>) target_semaphore(%dma_start3A_224 : memref<!tpu.dma_semaphore, #tpu.memory_space<semaphore_mem>>)
    %mul3A_234 = arith.constant 624 : i32
    %mul3A_235 = arith.muli %arg1, %mul3A_234 : i32
    %add3A_236 = arith.constant 384 : i32
    %add3A_237 = arith.addi %mul3A_235, %add3A_236 : i32
    %dma_start3A_238 = arith.constant 0 : i32
    %dma_start3A_239 = arith.constant 1 : i32
    %dma_start3A_240 = arith.constant 0 : i32
    %dma_start3A_241 = arith.constant 0 : i32
    %dma_start3A_242 = tpu.memref_slice %arg8[%dma_start3A_238, %dma_start3A_240, %dma_start3A_241] : memref<2x100x128xf32, #tpu.memory_space<vmem>> -> memref<1x100x128xf32, #tpu.memory_space<vmem>>
    %dma_start3A_243 = tpu.memref_squeeze %dma_start3A_242 : memref<1x100x128xf32, #tpu.memory_space<vmem>> -> memref<100x128xf32, #tpu.memory_space<vmem>>
    %dma_start3A_244 = arith.constant 0 : i32
    %dma_start3A_245 = arith.constant 0 : i32
    %dma_start3A_246 = tpu.memref_slice %dma_start3A_243[%dma_start3A_244, %dma_start3A_245] : memref<100x128xf32, #tpu.memory_space<vmem>> -> memref<48x128xf32, #tpu.memory_space<vmem>>
    %dma_start3A_247 = arith.constant 0 : i32
    %dma_start3A_248 = tpu.memref_slice %arg9[%add3A_237, %dma_start3A_247] : memref<10000x128xf32, #tpu.memory_space<vmem_shared>> -> memref<48x128xf32, #tpu.memory_space<vmem_shared>>
    %dma_start3A_249 = tpu.memref_slice %arg10[%dma_start3A_239] : memref<2x!tpu.dma_semaphore, #tpu.memory_space<semaphore_mem>> -> memref<1x!tpu.dma_semaphore, #tpu.memory_space<semaphore_mem>>
    %dma_start3A_250 = tpu.memref_squeeze %dma_start3A_249 : memref<1x!tpu.dma_semaphore, #tpu.memory_space<semaphore_mem>> -> memref<!tpu.dma_semaphore, #tpu.memory_space<semaphore_mem>>
    %dma_start3A_251 = arith.constant 0 : i32
    %dma_start3A_252 = tpu.memref_slice %arg9[%add3A_237, %dma_start3A_251] : memref<10000x128xf32, #tpu.memory_space<vmem_shared>> -> memref<48x128xf32, #tpu.memory_space<vmem_shared>>
    %dma_start3A_253 = arith.constant 0 : i32
    %dma_start3A_254 = arith.constant 0 : i32
    %dma_start3A_255 = tpu.memref_slice %arg8[%dma_start3A_238, %dma_start3A_253, %dma_start3A_254] : memref<2x100x128xf32, #tpu.memory_space<vmem>> -> memref<1x100x128xf32, #tpu.memory_space<vmem>>
    %dma_start3A_256 = tpu.memref_squeeze %dma_start3A_255 : memref<1x100x128xf32, #tpu.memory_space<vmem>> -> memref<100x128xf32, #tpu.memory_space<vmem>>
    %dma_start3A_257 = arith.constant 0 : i32
    %dma_start3A_258 = arith.constant 0 : i32
    %dma_start3A_259 = tpu.memref_slice %dma_start3A_256[%dma_start3A_257, %dma_start3A_258] : memref<100x128xf32, #tpu.memory_space<vmem>> -> memref<48x128xf32, #tpu.memory_space<vmem>>
    tpu.enqueue_dma source(%dma_start3A_259 : memref<48x128xf32, #tpu.memory_space<vmem>>) target(%dma_start3A_252 : memref<48x128xf32, #tpu.memory_space<vmem_shared>>) target_semaphore(%dma_start3A_250 : memref<!tpu.dma_semaphore, #tpu.memory_space<semaphore_mem>>)
    %mul3A_260 = arith.constant 624 : i32
    %mul3A_261 = arith.muli %arg1, %mul3A_260 : i32
    %add3A_262 = arith.constant 432 : i32
    %add3A_263 = arith.addi %mul3A_261, %add3A_262 : i32
    %dma_start3A_264 = arith.constant 0 : i32
    %dma_start3A_265 = arith.constant 1 : i32
    %dma_start3A_266 = arith.constant 0 : i32
    %dma_start3A_267 = arith.constant 0 : i32
    %dma_start3A_268 = tpu.memref_slice %arg8[%dma_start3A_264, %dma_start3A_266, %dma_start3A_267] : memref<2x100x128xf32, #tpu.memory_space<vmem>> -> memref<1x100x128xf32, #tpu.memory_space<vmem>>
    %dma_start3A_269 = tpu.memref_squeeze %dma_start3A_268 : memref<1x100x128xf32, #tpu.memory_space<vmem>> -> memref<100x128xf32, #tpu.memory_space<vmem>>
    %dma_start3A_270 = arith.constant 0 : i32
    %dma_start3A_271 = arith.constant 0 : i32
    %dma_start3A_272 = tpu.memref_slice %dma_start3A_269[%dma_start3A_270, %dma_start3A_271] : memref<100x128xf32, #tpu.memory_space<vmem>> -> memref<48x128xf32, #tpu.memory_space<vmem>>
    %dma_start3A_273 = arith.constant 0 : i32
    %dma_start3A_274 = tpu.memref_slice %arg9[%add3A_263, %dma_start3A_273] : memref<10000x128xf32, #tpu.memory_space<vmem_shared>> -> memref<48x128xf32, #tpu.memory_space<vmem_shared>>
    %dma_start3A_275 = tpu.memref_slice %arg10[%dma_start3A_265] : memref<2x!tpu.dma_semaphore, #tpu.memory_space<semaphore_mem>> -> memref<1x!tpu.dma_semaphore, #tpu.memory_space<semaphore_mem>>
    %dma_start3A_276 = tpu.memref_squeeze %dma_start3A_275 : memref<1x!tpu.dma_semaphore, #tpu.memory_space<semaphore_mem>> -> memref<!tpu.dma_semaphore, #tpu.memory_space<semaphore_mem>>
    %dma_start3A_277 = arith.constant 0 : i32
    %dma_start3A_278 = tpu.memref_slice %arg9[%add3A_263, %dma_start3A_277] : memref<10000x128xf32, #tpu.memory_space<vmem_shared>> -> memref<48x128xf32, #tpu.memory_space<vmem_shared>>
    %dma_start3A_279 = arith.constant 0 : i32
    %dma_start3A_280 = arith.constant 0 : i32
    %dma_start3A_281 = tpu.memref_slice %arg8[%dma_start3A_264, %dma_start3A_279, %dma_start3A_280] : memref<2x100x128xf32, #tpu.memory_space<vmem>> -> memref<1x100x128xf32, #tpu.memory_space<vmem>>
    %dma_start3A_282 = tpu.memref_squeeze %dma_start3A_281 : memref<1x100x128xf32, #tpu.memory_space<vmem>> -> memref<100x128xf32, #tpu.memory_space<vmem>>
    %dma_start3A_283 = arith.constant 0 : i32
    %dma_start3A_284 = arith.constant 0 : i32
    %dma_start3A_285 = tpu.memref_slice %dma_start3A_282[%dma_start3A_283, %dma_start3A_284] : memref<100x128xf32, #tpu.memory_space<vmem>> -> memref<48x128xf32, #tpu.memory_space<vmem>>
    tpu.enqueue_dma source(%dma_start3A_285 : memref<48x128xf32, #tpu.memory_space<vmem>>) target(%dma_start3A_278 : memref<48x128xf32, #tpu.memory_space<vmem_shared>>) target_semaphore(%dma_start3A_276 : memref<!tpu.dma_semaphore, #tpu.memory_space<semaphore_mem>>)
    %mul3A_286 = arith.constant 624 : i32
    %mul3A_287 = arith.muli %arg1, %mul3A_286 : i32
    %add3A_288 = arith.constant 480 : i32
    %add3A_289 = arith.addi %mul3A_287, %add3A_288 : i32
    %dma_start3A_290 = arith.constant 0 : i32
    %dma_start3A_291 = arith.constant 1 : i32
    %dma_start3A_292 = arith.constant 0 : i32
    %dma_start3A_293 = arith.constant 0 : i32
    %dma_start3A_294 = tpu.memref_slice %arg8[%dma_start3A_290, %dma_start3A_292, %dma_start3A_293] : memref<2x100x128xf32, #tpu.memory_space<vmem>> -> memref<1x100x128xf32, #tpu.memory_space<vmem>>
    %dma_start3A_295 = tpu.memref_squeeze %dma_start3A_294 : memref<1x100x128xf32, #tpu.memory_space<vmem>> -> memref<100x128xf32, #tpu.memory_space<vmem>>
    %dma_start3A_296 = arith.constant 0 : i32
    %dma_start3A_297 = arith.constant 0 : i32
    %dma_start3A_298 = tpu.memref_slice %dma_start3A_295[%dma_start3A_296, %dma_start3A_297] : memref<100x128xf32, #tpu.memory_space<vmem>> -> memref<48x128xf32, #tpu.memory_space<vmem>>
    %dma_start3A_299 = arith.constant 0 : i32
    %dma_start3A_300 = tpu.memref_slice %arg9[%add3A_289, %dma_start3A_299] : memref<10000x128xf32, #tpu.memory_space<vmem_shared>> -> memref<48x128xf32, #tpu.memory_space<vmem_shared>>
    %dma_start3A_301 = tpu.memref_slice %arg10[%dma_start3A_291] : memref<2x!tpu.dma_semaphore, #tpu.memory_space<semaphore_mem>> -> memref<1x!tpu.dma_semaphore, #tpu.memory_space<semaphore_mem>>
    %dma_start3A_302 = tpu.memref_squeeze %dma_start3A_301 : memref<1x!tpu.dma_semaphore, #tpu.memory_space<semaphore_mem>> -> memref<!tpu.dma_semaphore, #tpu.memory_space<semaphore_mem>>
    %dma_start3A_303 = arith.constant 0 : i32
    %dma_start3A_304 = tpu.memref_slice %arg9[%add3A_289, %dma_start3A_303] : memref<10000x128xf32, #tpu.memory_space<vmem_shared>> -> memref<48x128xf32, #tpu.memory_space<vmem_shared>>
    %dma_start3A_305 = arith.constant 0 : i32
    %dma_start3A_306 = arith.constant 0 : i32
    %dma_start3A_307 = tpu.memref_slice %arg8[%dma_start3A_290, %dma_start3A_305, %dma_start3A_306] : memref<2x100x128xf32, #tpu.memory_space<vmem>> -> memref<1x100x128xf32, #tpu.memory_space<vmem>>
    %dma_start3A_308 = tpu.memref_squeeze %dma_start3A_307 : memref<1x100x128xf32, #tpu.memory_space<vmem>> -> memref<100x128xf32, #tpu.memory_space<vmem>>
    %dma_start3A_309 = arith.constant 0 : i32
    %dma_start3A_310 = arith.constant 0 : i32
    %dma_start3A_311 = tpu.memref_slice %dma_start3A_308[%dma_start3A_309, %dma_start3A_310] : memref<100x128xf32, #tpu.memory_space<vmem>> -> memref<48x128xf32, #tpu.memory_space<vmem>>
    tpu.enqueue_dma source(%dma_start3A_311 : memref<48x128xf32, #tpu.memory_space<vmem>>) target(%dma_start3A_304 : memref<48x128xf32, #tpu.memory_space<vmem_shared>>) target_semaphore(%dma_start3A_302 : memref<!tpu.dma_semaphore, #tpu.memory_space<semaphore_mem>>)
    %mul3A_312 = arith.constant 624 : i32
    %mul3A_313 = arith.muli %arg1, %mul3A_312 : i32
    %add3A_314 = arith.constant 528 : i32
    %add3A_315 = arith.addi %mul3A_313, %add3A_314 : i32
    %dma_start3A_316 = arith.constant 0 : i32
    %dma_start3A_317 = arith.constant 1 : i32
    %dma_start3A_318 = arith.constant 0 : i32
    %dma_start3A_319 = arith.constant 0 : i32
    %dma_start3A_320 = tpu.memref_slice %arg8[%dma_start3A_316, %dma_start3A_318, %dma_start3A_319] : memref<2x100x128xf32, #tpu.memory_space<vmem>> -> memref<1x100x128xf32, #tpu.memory_space<vmem>>
    %dma_start3A_321 = tpu.memref_squeeze %dma_start3A_320 : memref<1x100x128xf32, #tpu.memory_space<vmem>> -> memref<100x128xf32, #tpu.memory_space<vmem>>
    %dma_start3A_322 = arith.constant 0 : i32
    %dma_start3A_323 = arith.constant 0 : i32
    %dma_start3A_324 = tpu.memref_slice %dma_start3A_321[%dma_start3A_322, %dma_start3A_323] : memref<100x128xf32, #tpu.memory_space<vmem>> -> memref<48x128xf32, #tpu.memory_space<vmem>>
    %dma_start3A_325 = arith.constant 0 : i32
    %dma_start3A_326 = tpu.memref_slice %arg9[%add3A_315, %dma_start3A_325] : memref<10000x128xf32, #tpu.memory_space<vmem_shared>> -> memref<48x128xf32, #tpu.memory_space<vmem_shared>>
    %dma_start3A_327 = tpu.memref_slice %arg10[%dma_start3A_317] : memref<2x!tpu.dma_semaphore, #tpu.memory_space<semaphore_mem>> -> memref<1x!tpu.dma_semaphore, #tpu.memory_space<semaphore_mem>>
    %dma_start3A_328 = tpu.memref_squeeze %dma_start3A_327 : memref<1x!tpu.dma_semaphore, #tpu.memory_space<semaphore_mem>> -> memref<!tpu.dma_semaphore, #tpu.memory_space<semaphore_mem>>
    %dma_start3A_329 = arith.constant 0 : i32
    %dma_start3A_330 = tpu.memref_slice %arg9[%add3A_315, %dma_start3A_329] : memref<10000x128xf32, #tpu.memory_space<vmem_shared>> -> memref<48x128xf32, #tpu.memory_space<vmem_shared>>
    %dma_start3A_331 = arith.constant 0 : i32
    %dma_start3A_332 = arith.constant 0 : i32
    %dma_start3A_333 = tpu.memref_slice %arg8[%dma_start3A_316, %dma_start3A_331, %dma_start3A_332] : memref<2x100x128xf32, #tpu.memory_space<vmem>> -> memref<1x100x128xf32, #tpu.memory_space<vmem>>
    %dma_start3A_334 = tpu.memref_squeeze %dma_start3A_333 : memref<1x100x128xf32, #tpu.memory_space<vmem>> -> memref<100x128xf32, #tpu.memory_space<vmem>>
    %dma_start3A_335 = arith.constant 0 : i32
    %dma_start3A_336 = arith.constant 0 : i32
    %dma_start3A_337 = tpu.memref_slice %dma_start3A_334[%dma_start3A_335, %dma_start3A_336] : memref<100x128xf32, #tpu.memory_space<vmem>> -> memref<48x128xf32, #tpu.memory_space<vmem>>
    tpu.enqueue_dma source(%dma_start3A_337 : memref<48x128xf32, #tpu.memory_space<vmem>>) target(%dma_start3A_330 : memref<48x128xf32, #tpu.memory_space<vmem_shared>>) target_semaphore(%dma_start3A_328 : memref<!tpu.dma_semaphore, #tpu.memory_space<semaphore_mem>>)
    %mul3A_338 = arith.constant 624 : i32
    %mul3A_339 = arith.muli %arg1, %mul3A_338 : i32
    %add3A_340 = arith.constant 576 : i32
    %add3A_341 = arith.addi %mul3A_339, %add3A_340 : i32
    %dma_start3A_342 = arith.constant 0 : i32
    %dma_start3A_343 = arith.constant 1 : i32
    %dma_start3A_344 = arith.constant 0 : i32
    %dma_start3A_345 = arith.constant 0 : i32
    %dma_start3A_346 = tpu.memref_slice %arg8[%dma_start3A_342, %dma_start3A_344, %dma_start3A_345] : memref<2x100x128xf32, #tpu.memory_space<vmem>> -> memref<1x100x128xf32, #tpu.memory_space<vmem>>
    %dma_start3A_347 = tpu.memref_squeeze %dma_start3A_346 : memref<1x100x128xf32, #tpu.memory_space<vmem>> -> memref<100x128xf32, #tpu.memory_space<vmem>>
    %dma_start3A_348 = arith.constant 0 : i32
    %dma_start3A_349 = arith.constant 0 : i32
    %dma_start3A_350 = tpu.memref_slice %dma_start3A_347[%dma_start3A_348, %dma_start3A_349] : memref<100x128xf32, #tpu.memory_space<vmem>> -> memref<48x128xf32, #tpu.memory_space<vmem>>
    %dma_start3A_351 = arith.constant 0 : i32
    %dma_start3A_352 = tpu.memref_slice %arg9[%add3A_341, %dma_start3A_351] : memref<10000x128xf32, #tpu.memory_space<vmem_shared>> -> memref<48x128xf32, #tpu.memory_space<vmem_shared>>
    %dma_start3A_353 = tpu.memref_slice %arg10[%dma_start3A_343] : memref<2x!tpu.dma_semaphore, #tpu.memory_space<semaphore_mem>> -> memref<1x!tpu.dma_semaphore, #tpu.memory_space<semaphore_mem>>
    %dma_start3A_354 = tpu.memref_squeeze %dma_start3A_353 : memref<1x!tpu.dma_semaphore, #tpu.memory_space<semaphore_mem>> -> memref<!tpu.dma_semaphore, #tpu.memory_space<semaphore_mem>>
    %dma_start3A_355 = arith.constant 0 : i32
    %dma_start3A_356 = tpu.memref_slice %arg9[%add3A_341, %dma_start3A_355] : memref<10000x128xf32, #tpu.memory_space<vmem_shared>> -> memref<48x128xf32, #tpu.memory_space<vmem_shared>>
    %dma_start3A_357 = arith.constant 0 : i32
    %dma_start3A_358 = arith.constant 0 : i32
    %dma_start3A_359 = tpu.memref_slice %arg8[%dma_start3A_342, %dma_start3A_357, %dma_start3A_358] : memref<2x100x128xf32, #tpu.memory_space<vmem>> -> memref<1x100x128xf32, #tpu.memory_space<vmem>>
    %dma_start3A_360 = tpu.memref_squeeze %dma_start3A_359 : memref<1x100x128xf32, #tpu.memory_space<vmem>> -> memref<100x128xf32, #tpu.memory_space<vmem>>
    %dma_start3A_361 = arith.constant 0 : i32
    %dma_start3A_362 = arith.constant 0 : i32
    %dma_start3A_363 = tpu.memref_slice %dma_start3A_360[%dma_start3A_361, %dma_start3A_362] : memref<100x128xf32, #tpu.memory_space<vmem>> -> memref<48x128xf32, #tpu.memory_space<vmem>>
    tpu.enqueue_dma source(%dma_start3A_363 : memref<48x128xf32, #tpu.memory_space<vmem>>) target(%dma_start3A_356 : memref<48x128xf32, #tpu.memory_space<vmem_shared>>) target_semaphore(%dma_start3A_354 : memref<!tpu.dma_semaphore, #tpu.memory_space<semaphore_mem>>)
    %eq3A = arith.constant 0 : i32
    %eq3A_364 = arith.cmpi eq, %arg1, %eq3A : i32
    %convert_element_type3A = arith.extui %eq3A_364 : i1 to i32
    %cond3A = arith.constant 0 : i32
    %cond3A_365 = arith.cmpi ne, %convert_element_type3A, %cond3A : i32
    scf.if %cond3A_365 {
      %dma_start3A_777 = arith.constant 0 : i32
      %dma_start3A_778 = arith.constant 1 : i32
      %dma_start3A_779 = arith.constant 0 : i32
      %dma_start3A_780 = arith.constant 0 : i32
      %dma_start3A_781 = tpu.memref_slice %arg8[%dma_start3A_777, %dma_start3A_779, %dma_start3A_780] : memref<2x100x128xf32, #tpu.memory_space<vmem>> -> memref<1x100x128xf32, #tpu.memory_space<vmem>>
      %dma_start3A_782 = tpu.memref_squeeze %dma_start3A_781 : memref<1x100x128xf32, #tpu.memory_space<vmem>> -> memref<100x128xf32, #tpu.memory_space<vmem>>
      %dma_start3A_783 = arith.constant 0 : i32
      %dma_start3A_784 = arith.constant 0 : i32
      %dma_start3A_785 = tpu.memref_slice %dma_start3A_782[%dma_start3A_783, %dma_start3A_784] : memref<100x128xf32, #tpu.memory_space<vmem>> -> memref<16x128xf32, #tpu.memory_space<vmem>>
      %dma_start3A_786 = arith.constant 9984 : i32
      %dma_start3A_787 = arith.constant 0 : i32
      %dma_start3A_788 = tpu.memref_slice %arg9[%dma_start3A_786, %dma_start3A_787] : memref<10000x128xf32, #tpu.memory_space<vmem_shared>> -> memref<16x128xf32, #tpu.memory_space<vmem_shared>>
      %dma_start3A_789 = tpu.memref_slice %arg10[%dma_start3A_778] : memref<2x!tpu.dma_semaphore, #tpu.memory_space<semaphore_mem>> -> memref<1x!tpu.dma_semaphore, #tpu.memory_space<semaphore_mem>>
      %dma_start3A_790 = tpu.memref_squeeze %dma_start3A_789 : memref<1x!tpu.dma_semaphore, #tpu.memory_space<semaphore_mem>> -> memref<!tpu.dma_semaphore, #tpu.memory_space<semaphore_mem>>
      %dma_start3A_791 = arith.constant 9984 : i32
      %dma_start3A_792 = arith.constant 0 : i32
      %dma_start3A_793 = tpu.memref_slice %arg9[%dma_start3A_791, %dma_start3A_792] : memref<10000x128xf32, #tpu.memory_space<vmem_shared>> -> memref<16x128xf32, #tpu.memory_space<vmem_shared>>
      %dma_start3A_794 = arith.constant 0 : i32
      %dma_start3A_795 = arith.constant 0 : i32
      %dma_start3A_796 = tpu.memref_slice %arg8[%dma_start3A_777, %dma_start3A_794, %dma_start3A_795] : memref<2x100x128xf32, #tpu.memory_space<vmem>> -> memref<1x100x128xf32, #tpu.memory_space<vmem>>
      %dma_start3A_797 = tpu.memref_squeeze %dma_start3A_796 : memref<1x100x128xf32, #tpu.memory_space<vmem>> -> memref<100x128xf32, #tpu.memory_space<vmem>>
      %dma_start3A_798 = arith.constant 0 : i32
      %dma_start3A_799 = arith.constant 0 : i32
      %dma_start3A_800 = tpu.memref_slice %dma_start3A_797[%dma_start3A_798, %dma_start3A_799] : memref<100x128xf32, #tpu.memory_space<vmem>> -> memref<16x128xf32, #tpu.memory_space<vmem>>
      tpu.enqueue_dma source(%dma_start3A_800 : memref<16x128xf32, #tpu.memory_space<vmem>>) target(%dma_start3A_793 : memref<16x128xf32, #tpu.memory_space<vmem_shared>>) target_semaphore(%dma_start3A_790 : memref<!tpu.dma_semaphore, #tpu.memory_space<semaphore_mem>>)
    } else {
    }
    %dma_wait3A = arith.constant 0 : i32
    %dma_wait3A_366 = arith.constant 0 : i32
    %dma_wait3A_367 = arith.constant 0 : i32
    %dma_wait3A_368 = tpu.memref_slice %arg3[%arg0, %arg1, %dma_wait3A_366, %dma_wait3A_367] : memref<2x16x100x100xi32, #tpu.memory_space<hbm>> -> memref<1x1x100x100xi32, #tpu.memory_space<hbm>>
    %dma_wait3A_369 = tpu.memref_squeeze %dma_wait3A_368 : memref<1x1x100x100xi32, #tpu.memory_space<hbm>> -> memref<100x100xi32, #tpu.memory_space<hbm>>
    %dma_wait3A_370 = tpu.memref_slice %arg10[%dma_wait3A] : memref<2x!tpu.dma_semaphore, #tpu.memory_space<semaphore_mem>> -> memref<1x!tpu.dma_semaphore, #tpu.memory_space<semaphore_mem>>
    %dma_wait3A_371 = tpu.memref_squeeze %dma_wait3A_370 : memref<1x!tpu.dma_semaphore, #tpu.memory_space<semaphore_mem>> -> memref<!tpu.dma_semaphore, #tpu.memory_space<semaphore_mem>>
    %dma_wait3A_372 = arith.constant 0 : i32
    %dma_wait3A_373 = arith.constant 0 : i32
    %dma_wait3A_374 = tpu.memref_slice %arg3[%arg0, %arg1, %dma_wait3A_372, %dma_wait3A_373] : memref<2x16x100x100xi32, #tpu.memory_space<hbm>> -> memref<1x1x100x100xi32, #tpu.memory_space<hbm>>
    %dma_wait3A_375 = tpu.memref_squeeze %dma_wait3A_374 : memref<1x1x100x100xi32, #tpu.memory_space<hbm>> -> memref<100x100xi32, #tpu.memory_space<hbm>>
    tpu.wait_dma2 semaphore(%dma_wait3A_371 : memref<!tpu.dma_semaphore, #tpu.memory_space<semaphore_mem>>) src(%dma_wait3A_375 : memref<100x100xi32, #tpu.memory_space<hbm>>) dst(%arg6 : memref<100x100xi32, #tpu.memory_space<vmem>>)
    %dma_wait3A_376 = arith.constant 0 : i32
    %dma_wait3A_377 = arith.constant 0 : i32
    %dma_wait3A_378 = arith.constant 0 : i32
    %dma_wait3A_379 = tpu.memref_slice %arg4[%arg0, %arg1, %dma_wait3A_377, %dma_wait3A_378] : memref<2x16x100x100xi32, #tpu.memory_space<hbm>> -> memref<1x1x100x100xi32, #tpu.memory_space<hbm>>
    %dma_wait3A_380 = tpu.memref_squeeze %dma_wait3A_379 : memref<1x1x100x100xi32, #tpu.memory_space<hbm>> -> memref<100x100xi32, #tpu.memory_space<hbm>>
    %dma_wait3A_381 = tpu.memref_slice %arg10[%dma_wait3A_376] : memref<2x!tpu.dma_semaphore, #tpu.memory_space<semaphore_mem>> -> memref<1x!tpu.dma_semaphore, #tpu.memory_space<semaphore_mem>>
    %dma_wait3A_382 = tpu.memref_squeeze %dma_wait3A_381 : memref<1x!tpu.dma_semaphore, #tpu.memory_space<semaphore_mem>> -> memref<!tpu.dma_semaphore, #tpu.memory_space<semaphore_mem>>
    %dma_wait3A_383 = arith.constant 0 : i32
    %dma_wait3A_384 = arith.constant 0 : i32
    %dma_wait3A_385 = tpu.memref_slice %arg4[%arg0, %arg1, %dma_wait3A_383, %dma_wait3A_384] : memref<2x16x100x100xi32, #tpu.memory_space<hbm>> -> memref<1x1x100x100xi32, #tpu.memory_space<hbm>>
    %dma_wait3A_386 = tpu.memref_squeeze %dma_wait3A_385 : memref<1x1x100x100xi32, #tpu.memory_space<hbm>> -> memref<100x100xi32, #tpu.memory_space<hbm>>
    tpu.wait_dma2 semaphore(%dma_wait3A_382 : memref<!tpu.dma_semaphore, #tpu.memory_space<semaphore_mem>>) src(%dma_wait3A_386 : memref<100x100xi32, #tpu.memory_space<hbm>>) dst(%arg7 : memref<100x100xi32, #tpu.memory_space<vmem>>)
    %mul3A_387 = arith.constant 624 : i32
    %mul3A_388 = arith.muli %arg1, %mul3A_387 : i32
    %add3A_389 = arith.constant 0 : i32
    %add3A_390 = arith.addi %mul3A_388, %add3A_389 : i32
    %dma_wait3A_391 = arith.constant 0 : i32
    %dma_wait3A_392 = arith.constant 1 : i32
    %dma_wait3A_393 = arith.constant 0 : i32
    %dma_wait3A_394 = arith.constant 0 : i32
    %dma_wait3A_395 = tpu.memref_slice %arg8[%dma_wait3A_391, %dma_wait3A_393, %dma_wait3A_394] : memref<2x100x128xf32, #tpu.memory_space<vmem>> -> memref<1x100x128xf32, #tpu.memory_space<vmem>>
    %dma_wait3A_396 = tpu.memref_squeeze %dma_wait3A_395 : memref<1x100x128xf32, #tpu.memory_space<vmem>> -> memref<100x128xf32, #tpu.memory_space<vmem>>
    %dma_wait3A_397 = arith.constant 0 : i32
    %dma_wait3A_398 = arith.constant 0 : i32
    %dma_wait3A_399 = tpu.memref_slice %dma_wait3A_396[%dma_wait3A_397, %dma_wait3A_398] : memref<100x128xf32, #tpu.memory_space<vmem>> -> memref<48x128xf32, #tpu.memory_space<vmem>>
    %dma_wait3A_400 = arith.constant 0 : i32
    %dma_wait3A_401 = tpu.memref_slice %arg9[%add3A_390, %dma_wait3A_400] : memref<10000x128xf32, #tpu.memory_space<vmem_shared>> -> memref<48x128xf32, #tpu.memory_space<vmem_shared>>
    %dma_wait3A_402 = tpu.memref_slice %arg10[%dma_wait3A_392] : memref<2x!tpu.dma_semaphore, #tpu.memory_space<semaphore_mem>> -> memref<1x!tpu.dma_semaphore, #tpu.memory_space<semaphore_mem>>
    %dma_wait3A_403 = tpu.memref_squeeze %dma_wait3A_402 : memref<1x!tpu.dma_semaphore, #tpu.memory_space<semaphore_mem>> -> memref<!tpu.dma_semaphore, #tpu.memory_space<semaphore_mem>>
    %dma_wait3A_404 = arith.constant 0 : i32
    %dma_wait3A_405 = tpu.memref_slice %arg9[%add3A_390, %dma_wait3A_404] : memref<10000x128xf32, #tpu.memory_space<vmem_shared>> -> memref<48x128xf32, #tpu.memory_space<vmem_shared>>
    %dma_wait3A_406 = arith.constant 0 : i32
    %dma_wait3A_407 = arith.constant 0 : i32
    %dma_wait3A_408 = tpu.memref_slice %arg8[%dma_wait3A_391, %dma_wait3A_406, %dma_wait3A_407] : memref<2x100x128xf32, #tpu.memory_space<vmem>> -> memref<1x100x128xf32, #tpu.memory_space<vmem>>
    %dma_wait3A_409 = tpu.memref_squeeze %dma_wait3A_408 : memref<1x100x128xf32, #tpu.memory_space<vmem>> -> memref<100x128xf32, #tpu.memory_space<vmem>>
    %dma_wait3A_410 = arith.constant 0 : i32
    %dma_wait3A_411 = arith.constant 0 : i32
    %dma_wait3A_412 = tpu.memref_slice %dma_wait3A_409[%dma_wait3A_410, %dma_wait3A_411] : memref<100x128xf32, #tpu.memory_space<vmem>> -> memref<48x128xf32, #tpu.memory_space<vmem>>
    tpu.wait_dma2 semaphore(%dma_wait3A_403 : memref<!tpu.dma_semaphore, #tpu.memory_space<semaphore_mem>>) src(%dma_wait3A_412 : memref<48x128xf32, #tpu.memory_space<vmem>>) dst(%dma_wait3A_405 : memref<48x128xf32, #tpu.memory_space<vmem_shared>>)
    %mul3A_413 = arith.constant 624 : i32
    %mul3A_414 = arith.muli %arg1, %mul3A_413 : i32
    %add3A_415 = arith.constant 48 : i32
    %add3A_416 = arith.addi %mul3A_414, %add3A_415 : i32
    %dma_wait3A_417 = arith.constant 0 : i32
    %dma_wait3A_418 = arith.constant 1 : i32
    %dma_wait3A_419 = arith.constant 0 : i32
    %dma_wait3A_420 = arith.constant 0 : i32
    %dma_wait3A_421 = tpu.memref_slice %arg8[%dma_wait3A_417, %dma_wait3A_419, %dma_wait3A_420] : memref<2x100x128xf32, #tpu.memory_space<vmem>> -> memref<1x100x128xf32, #tpu.memory_space<vmem>>
    %dma_wait3A_422 = tpu.memref_squeeze %dma_wait3A_421 : memref<1x100x128xf32, #tpu.memory_space<vmem>> -> memref<100x128xf32, #tpu.memory_space<vmem>>
    %dma_wait3A_423 = arith.constant 0 : i32
    %dma_wait3A_424 = arith.constant 0 : i32
    %dma_wait3A_425 = tpu.memref_slice %dma_wait3A_422[%dma_wait3A_423, %dma_wait3A_424] : memref<100x128xf32, #tpu.memory_space<vmem>> -> memref<48x128xf32, #tpu.memory_space<vmem>>
    %dma_wait3A_426 = arith.constant 0 : i32
    %dma_wait3A_427 = tpu.memref_slice %arg9[%add3A_416, %dma_wait3A_426] : memref<10000x128xf32, #tpu.memory_space<vmem_shared>> -> memref<48x128xf32, #tpu.memory_space<vmem_shared>>
    %dma_wait3A_428 = tpu.memref_slice %arg10[%dma_wait3A_418] : memref<2x!tpu.dma_semaphore, #tpu.memory_space<semaphore_mem>> -> memref<1x!tpu.dma_semaphore, #tpu.memory_space<semaphore_mem>>
    %dma_wait3A_429 = tpu.memref_squeeze %dma_wait3A_428 : memref<1x!tpu.dma_semaphore, #tpu.memory_space<semaphore_mem>> -> memref<!tpu.dma_semaphore, #tpu.memory_space<semaphore_mem>>
    %dma_wait3A_430 = arith.constant 0 : i32
    %dma_wait3A_431 = tpu.memref_slice %arg9[%add3A_416, %dma_wait3A_430] : memref<10000x128xf32, #tpu.memory_space<vmem_shared>> -> memref<48x128xf32, #tpu.memory_space<vmem_shared>>
    %dma_wait3A_432 = arith.constant 0 : i32
    %dma_wait3A_433 = arith.constant 0 : i32
    %dma_wait3A_434 = tpu.memref_slice %arg8[%dma_wait3A_417, %dma_wait3A_432, %dma_wait3A_433] : memref<2x100x128xf32, #tpu.memory_space<vmem>> -> memref<1x100x128xf32, #tpu.memory_space<vmem>>
    %dma_wait3A_435 = tpu.memref_squeeze %dma_wait3A_434 : memref<1x100x128xf32, #tpu.memory_space<vmem>> -> memref<100x128xf32, #tpu.memory_space<vmem>>
    %dma_wait3A_436 = arith.constant 0 : i32
    %dma_wait3A_437 = arith.constant 0 : i32
    %dma_wait3A_438 = tpu.memref_slice %dma_wait3A_435[%dma_wait3A_436, %dma_wait3A_437] : memref<100x128xf32, #tpu.memory_space<vmem>> -> memref<48x128xf32, #tpu.memory_space<vmem>>
    tpu.wait_dma2 semaphore(%dma_wait3A_429 : memref<!tpu.dma_semaphore, #tpu.memory_space<semaphore_mem>>) src(%dma_wait3A_438 : memref<48x128xf32, #tpu.memory_space<vmem>>) dst(%dma_wait3A_431 : memref<48x128xf32, #tpu.memory_space<vmem_shared>>)
    %mul3A_439 = arith.constant 624 : i32
    %mul3A_440 = arith.muli %arg1, %mul3A_439 : i32
    %add3A_441 = arith.constant 96 : i32
    %add3A_442 = arith.addi %mul3A_440, %add3A_441 : i32
    %dma_wait3A_443 = arith.constant 0 : i32
    %dma_wait3A_444 = arith.constant 1 : i32
    %dma_wait3A_445 = arith.constant 0 : i32
    %dma_wait3A_446 = arith.constant 0 : i32
    %dma_wait3A_447 = tpu.memref_slice %arg8[%dma_wait3A_443, %dma_wait3A_445, %dma_wait3A_446] : memref<2x100x128xf32, #tpu.memory_space<vmem>> -> memref<1x100x128xf32, #tpu.memory_space<vmem>>
    %dma_wait3A_448 = tpu.memref_squeeze %dma_wait3A_447 : memref<1x100x128xf32, #tpu.memory_space<vmem>> -> memref<100x128xf32, #tpu.memory_space<vmem>>
    %dma_wait3A_449 = arith.constant 0 : i32
    %dma_wait3A_450 = arith.constant 0 : i32
    %dma_wait3A_451 = tpu.memref_slice %dma_wait3A_448[%dma_wait3A_449, %dma_wait3A_450] : memref<100x128xf32, #tpu.memory_space<vmem>> -> memref<48x128xf32, #tpu.memory_space<vmem>>
    %dma_wait3A_452 = arith.constant 0 : i32
    %dma_wait3A_453 = tpu.memref_slice %arg9[%add3A_442, %dma_wait3A_452] : memref<10000x128xf32, #tpu.memory_space<vmem_shared>> -> memref<48x128xf32, #tpu.memory_space<vmem_shared>>
    %dma_wait3A_454 = tpu.memref_slice %arg10[%dma_wait3A_444] : memref<2x!tpu.dma_semaphore, #tpu.memory_space<semaphore_mem>> -> memref<1x!tpu.dma_semaphore, #tpu.memory_space<semaphore_mem>>
    %dma_wait3A_455 = tpu.memref_squeeze %dma_wait3A_454 : memref<1x!tpu.dma_semaphore, #tpu.memory_space<semaphore_mem>> -> memref<!tpu.dma_semaphore, #tpu.memory_space<semaphore_mem>>
    %dma_wait3A_456 = arith.constant 0 : i32
    %dma_wait3A_457 = tpu.memref_slice %arg9[%add3A_442, %dma_wait3A_456] : memref<10000x128xf32, #tpu.memory_space<vmem_shared>> -> memref<48x128xf32, #tpu.memory_space<vmem_shared>>
    %dma_wait3A_458 = arith.constant 0 : i32
    %dma_wait3A_459 = arith.constant 0 : i32
    %dma_wait3A_460 = tpu.memref_slice %arg8[%dma_wait3A_443, %dma_wait3A_458, %dma_wait3A_459] : memref<2x100x128xf32, #tpu.memory_space<vmem>> -> memref<1x100x128xf32, #tpu.memory_space<vmem>>
    %dma_wait3A_461 = tpu.memref_squeeze %dma_wait3A_460 : memref<1x100x128xf32, #tpu.memory_space<vmem>> -> memref<100x128xf32, #tpu.memory_space<vmem>>
    %dma_wait3A_462 = arith.constant 0 : i32
    %dma_wait3A_463 = arith.constant 0 : i32
    %dma_wait3A_464 = tpu.memref_slice %dma_wait3A_461[%dma_wait3A_462, %dma_wait3A_463] : memref<100x128xf32, #tpu.memory_space<vmem>> -> memref<48x128xf32, #tpu.memory_space<vmem>>
    tpu.wait_dma2 semaphore(%dma_wait3A_455 : memref<!tpu.dma_semaphore, #tpu.memory_space<semaphore_mem>>) src(%dma_wait3A_464 : memref<48x128xf32, #tpu.memory_space<vmem>>) dst(%dma_wait3A_457 : memref<48x128xf32, #tpu.memory_space<vmem_shared>>)
    %mul3A_465 = arith.constant 624 : i32
    %mul3A_466 = arith.muli %arg1, %mul3A_465 : i32
    %add3A_467 = arith.constant 144 : i32
    %add3A_468 = arith.addi %mul3A_466, %add3A_467 : i32
    %dma_wait3A_469 = arith.constant 0 : i32
    %dma_wait3A_470 = arith.constant 1 : i32
    %dma_wait3A_471 = arith.constant 0 : i32
    %dma_wait3A_472 = arith.constant 0 : i32
    %dma_wait3A_473 = tpu.memref_slice %arg8[%dma_wait3A_469, %dma_wait3A_471, %dma_wait3A_472] : memref<2x100x128xf32, #tpu.memory_space<vmem>> -> memref<1x100x128xf32, #tpu.memory_space<vmem>>
    %dma_wait3A_474 = tpu.memref_squeeze %dma_wait3A_473 : memref<1x100x128xf32, #tpu.memory_space<vmem>> -> memref<100x128xf32, #tpu.memory_space<vmem>>
    %dma_wait3A_475 = arith.constant 0 : i32
    %dma_wait3A_476 = arith.constant 0 : i32
    %dma_wait3A_477 = tpu.memref_slice %dma_wait3A_474[%dma_wait3A_475, %dma_wait3A_476] : memref<100x128xf32, #tpu.memory_space<vmem>> -> memref<48x128xf32, #tpu.memory_space<vmem>>
    %dma_wait3A_478 = arith.constant 0 : i32
    %dma_wait3A_479 = tpu.memref_slice %arg9[%add3A_468, %dma_wait3A_478] : memref<10000x128xf32, #tpu.memory_space<vmem_shared>> -> memref<48x128xf32, #tpu.memory_space<vmem_shared>>
    %dma_wait3A_480 = tpu.memref_slice %arg10[%dma_wait3A_470] : memref<2x!tpu.dma_semaphore, #tpu.memory_space<semaphore_mem>> -> memref<1x!tpu.dma_semaphore, #tpu.memory_space<semaphore_mem>>
    %dma_wait3A_481 = tpu.memref_squeeze %dma_wait3A_480 : memref<1x!tpu.dma_semaphore, #tpu.memory_space<semaphore_mem>> -> memref<!tpu.dma_semaphore, #tpu.memory_space<semaphore_mem>>
    %dma_wait3A_482 = arith.constant 0 : i32
    %dma_wait3A_483 = tpu.memref_slice %arg9[%add3A_468, %dma_wait3A_482] : memref<10000x128xf32, #tpu.memory_space<vmem_shared>> -> memref<48x128xf32, #tpu.memory_space<vmem_shared>>
    %dma_wait3A_484 = arith.constant 0 : i32
    %dma_wait3A_485 = arith.constant 0 : i32
    %dma_wait3A_486 = tpu.memref_slice %arg8[%dma_wait3A_469, %dma_wait3A_484, %dma_wait3A_485] : memref<2x100x128xf32, #tpu.memory_space<vmem>> -> memref<1x100x128xf32, #tpu.memory_space<vmem>>
    %dma_wait3A_487 = tpu.memref_squeeze %dma_wait3A_486 : memref<1x100x128xf32, #tpu.memory_space<vmem>> -> memref<100x128xf32, #tpu.memory_space<vmem>>
    %dma_wait3A_488 = arith.constant 0 : i32
    %dma_wait3A_489 = arith.constant 0 : i32
    %dma_wait3A_490 = tpu.memref_slice %dma_wait3A_487[%dma_wait3A_488, %dma_wait3A_489] : memref<100x128xf32, #tpu.memory_space<vmem>> -> memref<48x128xf32, #tpu.memory_space<vmem>>
    tpu.wait_dma2 semaphore(%dma_wait3A_481 : memref<!tpu.dma_semaphore, #tpu.memory_space<semaphore_mem>>) src(%dma_wait3A_490 : memref<48x128xf32, #tpu.memory_space<vmem>>) dst(%dma_wait3A_483 : memref<48x128xf32, #tpu.memory_space<vmem_shared>>)
    %mul3A_491 = arith.constant 624 : i32
    %mul3A_492 = arith.muli %arg1, %mul3A_491 : i32
    %add3A_493 = arith.constant 192 : i32
    %add3A_494 = arith.addi %mul3A_492, %add3A_493 : i32
    %dma_wait3A_495 = arith.constant 0 : i32
    %dma_wait3A_496 = arith.constant 1 : i32
    %dma_wait3A_497 = arith.constant 0 : i32
    %dma_wait3A_498 = arith.constant 0 : i32
    %dma_wait3A_499 = tpu.memref_slice %arg8[%dma_wait3A_495, %dma_wait3A_497, %dma_wait3A_498] : memref<2x100x128xf32, #tpu.memory_space<vmem>> -> memref<1x100x128xf32, #tpu.memory_space<vmem>>
    %dma_wait3A_500 = tpu.memref_squeeze %dma_wait3A_499 : memref<1x100x128xf32, #tpu.memory_space<vmem>> -> memref<100x128xf32, #tpu.memory_space<vmem>>
    %dma_wait3A_501 = arith.constant 0 : i32
    %dma_wait3A_502 = arith.constant 0 : i32
    %dma_wait3A_503 = tpu.memref_slice %dma_wait3A_500[%dma_wait3A_501, %dma_wait3A_502] : memref<100x128xf32, #tpu.memory_space<vmem>> -> memref<48x128xf32, #tpu.memory_space<vmem>>
    %dma_wait3A_504 = arith.constant 0 : i32
    %dma_wait3A_505 = tpu.memref_slice %arg9[%add3A_494, %dma_wait3A_504] : memref<10000x128xf32, #tpu.memory_space<vmem_shared>> -> memref<48x128xf32, #tpu.memory_space<vmem_shared>>
    %dma_wait3A_506 = tpu.memref_slice %arg10[%dma_wait3A_496] : memref<2x!tpu.dma_semaphore, #tpu.memory_space<semaphore_mem>> -> memref<1x!tpu.dma_semaphore, #tpu.memory_space<semaphore_mem>>
    %dma_wait3A_507 = tpu.memref_squeeze %dma_wait3A_506 : memref<1x!tpu.dma_semaphore, #tpu.memory_space<semaphore_mem>> -> memref<!tpu.dma_semaphore, #tpu.memory_space<semaphore_mem>>
    %dma_wait3A_508 = arith.constant 0 : i32
    %dma_wait3A_509 = tpu.memref_slice %arg9[%add3A_494, %dma_wait3A_508] : memref<10000x128xf32, #tpu.memory_space<vmem_shared>> -> memref<48x128xf32, #tpu.memory_space<vmem_shared>>
    %dma_wait3A_510 = arith.constant 0 : i32
    %dma_wait3A_511 = arith.constant 0 : i32
    %dma_wait3A_512 = tpu.memref_slice %arg8[%dma_wait3A_495, %dma_wait3A_510, %dma_wait3A_511] : memref<2x100x128xf32, #tpu.memory_space<vmem>> -> memref<1x100x128xf32, #tpu.memory_space<vmem>>
    %dma_wait3A_513 = tpu.memref_squeeze %dma_wait3A_512 : memref<1x100x128xf32, #tpu.memory_space<vmem>> -> memref<100x128xf32, #tpu.memory_space<vmem>>
    %dma_wait3A_514 = arith.constant 0 : i32
    %dma_wait3A_515 = arith.constant 0 : i32
    %dma_wait3A_516 = tpu.memref_slice %dma_wait3A_513[%dma_wait3A_514, %dma_wait3A_515] : memref<100x128xf32, #tpu.memory_space<vmem>> -> memref<48x128xf32, #tpu.memory_space<vmem>>
    tpu.wait_dma2 semaphore(%dma_wait3A_507 : memref<!tpu.dma_semaphore, #tpu.memory_space<semaphore_mem>>) src(%dma_wait3A_516 : memref<48x128xf32, #tpu.memory_space<vmem>>) dst(%dma_wait3A_509 : memref<48x128xf32, #tpu.memory_space<vmem_shared>>)
    %mul3A_517 = arith.constant 624 : i32
    %mul3A_518 = arith.muli %arg1, %mul3A_517 : i32
    %add3A_519 = arith.constant 240 : i32
    %add3A_520 = arith.addi %mul3A_518, %add3A_519 : i32
    %dma_wait3A_521 = arith.constant 0 : i32
    %dma_wait3A_522 = arith.constant 1 : i32
    %dma_wait3A_523 = arith.constant 0 : i32
    %dma_wait3A_524 = arith.constant 0 : i32
    %dma_wait3A_525 = tpu.memref_slice %arg8[%dma_wait3A_521, %dma_wait3A_523, %dma_wait3A_524] : memref<2x100x128xf32, #tpu.memory_space<vmem>> -> memref<1x100x128xf32, #tpu.memory_space<vmem>>
    %dma_wait3A_526 = tpu.memref_squeeze %dma_wait3A_525 : memref<1x100x128xf32, #tpu.memory_space<vmem>> -> memref<100x128xf32, #tpu.memory_space<vmem>>
    %dma_wait3A_527 = arith.constant 0 : i32
    %dma_wait3A_528 = arith.constant 0 : i32
    %dma_wait3A_529 = tpu.memref_slice %dma_wait3A_526[%dma_wait3A_527, %dma_wait3A_528] : memref<100x128xf32, #tpu.memory_space<vmem>> -> memref<48x128xf32, #tpu.memory_space<vmem>>
    %dma_wait3A_530 = arith.constant 0 : i32
    %dma_wait3A_531 = tpu.memref_slice %arg9[%add3A_520, %dma_wait3A_530] : memref<10000x128xf32, #tpu.memory_space<vmem_shared>> -> memref<48x128xf32, #tpu.memory_space<vmem_shared>>
    %dma_wait3A_532 = tpu.memref_slice %arg10[%dma_wait3A_522] : memref<2x!tpu.dma_semaphore, #tpu.memory_space<semaphore_mem>> -> memref<1x!tpu.dma_semaphore, #tpu.memory_space<semaphore_mem>>
    %dma_wait3A_533 = tpu.memref_squeeze %dma_wait3A_532 : memref<1x!tpu.dma_semaphore, #tpu.memory_space<semaphore_mem>> -> memref<!tpu.dma_semaphore, #tpu.memory_space<semaphore_mem>>
    %dma_wait3A_534 = arith.constant 0 : i32
    %dma_wait3A_535 = tpu.memref_slice %arg9[%add3A_520, %dma_wait3A_534] : memref<10000x128xf32, #tpu.memory_space<vmem_shared>> -> memref<48x128xf32, #tpu.memory_space<vmem_shared>>
    %dma_wait3A_536 = arith.constant 0 : i32
    %dma_wait3A_537 = arith.constant 0 : i32
    %dma_wait3A_538 = tpu.memref_slice %arg8[%dma_wait3A_521, %dma_wait3A_536, %dma_wait3A_537] : memref<2x100x128xf32, #tpu.memory_space<vmem>> -> memref<1x100x128xf32, #tpu.memory_space<vmem>>
    %dma_wait3A_539 = tpu.memref_squeeze %dma_wait3A_538 : memref<1x100x128xf32, #tpu.memory_space<vmem>> -> memref<100x128xf32, #tpu.memory_space<vmem>>
    %dma_wait3A_540 = arith.constant 0 : i32
    %dma_wait3A_541 = arith.constant 0 : i32
    %dma_wait3A_542 = tpu.memref_slice %dma_wait3A_539[%dma_wait3A_540, %dma_wait3A_541] : memref<100x128xf32, #tpu.memory_space<vmem>> -> memref<48x128xf32, #tpu.memory_space<vmem>>
    tpu.wait_dma2 semaphore(%dma_wait3A_533 : memref<!tpu.dma_semaphore, #tpu.memory_space<semaphore_mem>>) src(%dma_wait3A_542 : memref<48x128xf32, #tpu.memory_space<vmem>>) dst(%dma_wait3A_535 : memref<48x128xf32, #tpu.memory_space<vmem_shared>>)
    %mul3A_543 = arith.constant 624 : i32
    %mul3A_544 = arith.muli %arg1, %mul3A_543 : i32
    %add3A_545 = arith.constant 288 : i32
    %add3A_546 = arith.addi %mul3A_544, %add3A_545 : i32
    %dma_wait3A_547 = arith.constant 0 : i32
    %dma_wait3A_548 = arith.constant 1 : i32
    %dma_wait3A_549 = arith.constant 0 : i32
    %dma_wait3A_550 = arith.constant 0 : i32
    %dma_wait3A_551 = tpu.memref_slice %arg8[%dma_wait3A_547, %dma_wait3A_549, %dma_wait3A_550] : memref<2x100x128xf32, #tpu.memory_space<vmem>> -> memref<1x100x128xf32, #tpu.memory_space<vmem>>
    %dma_wait3A_552 = tpu.memref_squeeze %dma_wait3A_551 : memref<1x100x128xf32, #tpu.memory_space<vmem>> -> memref<100x128xf32, #tpu.memory_space<vmem>>
    %dma_wait3A_553 = arith.constant 0 : i32
    %dma_wait3A_554 = arith.constant 0 : i32
    %dma_wait3A_555 = tpu.memref_slice %dma_wait3A_552[%dma_wait3A_553, %dma_wait3A_554] : memref<100x128xf32, #tpu.memory_space<vmem>> -> memref<48x128xf32, #tpu.memory_space<vmem>>
    %dma_wait3A_556 = arith.constant 0 : i32
    %dma_wait3A_557 = tpu.memref_slice %arg9[%add3A_546, %dma_wait3A_556] : memref<10000x128xf32, #tpu.memory_space<vmem_shared>> -> memref<48x128xf32, #tpu.memory_space<vmem_shared>>
    %dma_wait3A_558 = tpu.memref_slice %arg10[%dma_wait3A_548] : memref<2x!tpu.dma_semaphore, #tpu.memory_space<semaphore_mem>> -> memref<1x!tpu.dma_semaphore, #tpu.memory_space<semaphore_mem>>
    %dma_wait3A_559 = tpu.memref_squeeze %dma_wait3A_558 : memref<1x!tpu.dma_semaphore, #tpu.memory_space<semaphore_mem>> -> memref<!tpu.dma_semaphore, #tpu.memory_space<semaphore_mem>>
    %dma_wait3A_560 = arith.constant 0 : i32
    %dma_wait3A_561 = tpu.memref_slice %arg9[%add3A_546, %dma_wait3A_560] : memref<10000x128xf32, #tpu.memory_space<vmem_shared>> -> memref<48x128xf32, #tpu.memory_space<vmem_shared>>
    %dma_wait3A_562 = arith.constant 0 : i32
    %dma_wait3A_563 = arith.constant 0 : i32
    %dma_wait3A_564 = tpu.memref_slice %arg8[%dma_wait3A_547, %dma_wait3A_562, %dma_wait3A_563] : memref<2x100x128xf32, #tpu.memory_space<vmem>> -> memref<1x100x128xf32, #tpu.memory_space<vmem>>
    %dma_wait3A_565 = tpu.memref_squeeze %dma_wait3A_564 : memref<1x100x128xf32, #tpu.memory_space<vmem>> -> memref<100x128xf32, #tpu.memory_space<vmem>>
    %dma_wait3A_566 = arith.constant 0 : i32
    %dma_wait3A_567 = arith.constant 0 : i32
    %dma_wait3A_568 = tpu.memref_slice %dma_wait3A_565[%dma_wait3A_566, %dma_wait3A_567] : memref<100x128xf32, #tpu.memory_space<vmem>> -> memref<48x128xf32, #tpu.memory_space<vmem>>
    tpu.wait_dma2 semaphore(%dma_wait3A_559 : memref<!tpu.dma_semaphore, #tpu.memory_space<semaphore_mem>>) src(%dma_wait3A_568 : memref<48x128xf32, #tpu.memory_space<vmem>>) dst(%dma_wait3A_561 : memref<48x128xf32, #tpu.memory_space<vmem_shared>>)
    %mul3A_569 = arith.constant 624 : i32
    %mul3A_570 = arith.muli %arg1, %mul3A_569 : i32
    %add3A_571 = arith.constant 336 : i32
    %add3A_572 = arith.addi %mul3A_570, %add3A_571 : i32
    %dma_wait3A_573 = arith.constant 0 : i32
    %dma_wait3A_574 = arith.constant 1 : i32
    %dma_wait3A_575 = arith.constant 0 : i32
    %dma_wait3A_576 = arith.constant 0 : i32
    %dma_wait3A_577 = tpu.memref_slice %arg8[%dma_wait3A_573, %dma_wait3A_575, %dma_wait3A_576] : memref<2x100x128xf32, #tpu.memory_space<vmem>> -> memref<1x100x128xf32, #tpu.memory_space<vmem>>
    %dma_wait3A_578 = tpu.memref_squeeze %dma_wait3A_577 : memref<1x100x128xf32, #tpu.memory_space<vmem>> -> memref<100x128xf32, #tpu.memory_space<vmem>>
    %dma_wait3A_579 = arith.constant 0 : i32
    %dma_wait3A_580 = arith.constant 0 : i32
    %dma_wait3A_581 = tpu.memref_slice %dma_wait3A_578[%dma_wait3A_579, %dma_wait3A_580] : memref<100x128xf32, #tpu.memory_space<vmem>> -> memref<48x128xf32, #tpu.memory_space<vmem>>
    %dma_wait3A_582 = arith.constant 0 : i32
    %dma_wait3A_583 = tpu.memref_slice %arg9[%add3A_572, %dma_wait3A_582] : memref<10000x128xf32, #tpu.memory_space<vmem_shared>> -> memref<48x128xf32, #tpu.memory_space<vmem_shared>>
    %dma_wait3A_584 = tpu.memref_slice %arg10[%dma_wait3A_574] : memref<2x!tpu.dma_semaphore, #tpu.memory_space<semaphore_mem>> -> memref<1x!tpu.dma_semaphore, #tpu.memory_space<semaphore_mem>>
    %dma_wait3A_585 = tpu.memref_squeeze %dma_wait3A_584 : memref<1x!tpu.dma_semaphore, #tpu.memory_space<semaphore_mem>> -> memref<!tpu.dma_semaphore, #tpu.memory_space<semaphore_mem>>
    %dma_wait3A_586 = arith.constant 0 : i32
    %dma_wait3A_587 = tpu.memref_slice %arg9[%add3A_572, %dma_wait3A_586] : memref<10000x128xf32, #tpu.memory_space<vmem_shared>> -> memref<48x128xf32, #tpu.memory_space<vmem_shared>>
    %dma_wait3A_588 = arith.constant 0 : i32
    %dma_wait3A_589 = arith.constant 0 : i32
    %dma_wait3A_590 = tpu.memref_slice %arg8[%dma_wait3A_573, %dma_wait3A_588, %dma_wait3A_589] : memref<2x100x128xf32, #tpu.memory_space<vmem>> -> memref<1x100x128xf32, #tpu.memory_space<vmem>>
    %dma_wait3A_591 = tpu.memref_squeeze %dma_wait3A_590 : memref<1x100x128xf32, #tpu.memory_space<vmem>> -> memref<100x128xf32, #tpu.memory_space<vmem>>
    %dma_wait3A_592 = arith.constant 0 : i32
    %dma_wait3A_593 = arith.constant 0 : i32
    %dma_wait3A_594 = tpu.memref_slice %dma_wait3A_591[%dma_wait3A_592, %dma_wait3A_593] : memref<100x128xf32, #tpu.memory_space<vmem>> -> memref<48x128xf32, #tpu.memory_space<vmem>>
    tpu.wait_dma2 semaphore(%dma_wait3A_585 : memref<!tpu.dma_semaphore, #tpu.memory_space<semaphore_mem>>) src(%dma_wait3A_594 : memref<48x128xf32, #tpu.memory_space<vmem>>) dst(%dma_wait3A_587 : memref<48x128xf32, #tpu.memory_space<vmem_shared>>)
    %mul3A_595 = arith.constant 624 : i32
    %mul3A_596 = arith.muli %arg1, %mul3A_595 : i32
    %add3A_597 = arith.constant 384 : i32
    %add3A_598 = arith.addi %mul3A_596, %add3A_597 : i32
    %dma_wait3A_599 = arith.constant 0 : i32
    %dma_wait3A_600 = arith.constant 1 : i32
    %dma_wait3A_601 = arith.constant 0 : i32
    %dma_wait3A_602 = arith.constant 0 : i32
    %dma_wait3A_603 = tpu.memref_slice %arg8[%dma_wait3A_599, %dma_wait3A_601, %dma_wait3A_602] : memref<2x100x128xf32, #tpu.memory_space<vmem>> -> memref<1x100x128xf32, #tpu.memory_space<vmem>>
    %dma_wait3A_604 = tpu.memref_squeeze %dma_wait3A_603 : memref<1x100x128xf32, #tpu.memory_space<vmem>> -> memref<100x128xf32, #tpu.memory_space<vmem>>
    %dma_wait3A_605 = arith.constant 0 : i32
    %dma_wait3A_606 = arith.constant 0 : i32
    %dma_wait3A_607 = tpu.memref_slice %dma_wait3A_604[%dma_wait3A_605, %dma_wait3A_606] : memref<100x128xf32, #tpu.memory_space<vmem>> -> memref<48x128xf32, #tpu.memory_space<vmem>>
    %dma_wait3A_608 = arith.constant 0 : i32
    %dma_wait3A_609 = tpu.memref_slice %arg9[%add3A_598, %dma_wait3A_608] : memref<10000x128xf32, #tpu.memory_space<vmem_shared>> -> memref<48x128xf32, #tpu.memory_space<vmem_shared>>
    %dma_wait3A_610 = tpu.memref_slice %arg10[%dma_wait3A_600] : memref<2x!tpu.dma_semaphore, #tpu.memory_space<semaphore_mem>> -> memref<1x!tpu.dma_semaphore, #tpu.memory_space<semaphore_mem>>
    %dma_wait3A_611 = tpu.memref_squeeze %dma_wait3A_610 : memref<1x!tpu.dma_semaphore, #tpu.memory_space<semaphore_mem>> -> memref<!tpu.dma_semaphore, #tpu.memory_space<semaphore_mem>>
    %dma_wait3A_612 = arith.constant 0 : i32
    %dma_wait3A_613 = tpu.memref_slice %arg9[%add3A_598, %dma_wait3A_612] : memref<10000x128xf32, #tpu.memory_space<vmem_shared>> -> memref<48x128xf32, #tpu.memory_space<vmem_shared>>
    %dma_wait3A_614 = arith.constant 0 : i32
    %dma_wait3A_615 = arith.constant 0 : i32
    %dma_wait3A_616 = tpu.memref_slice %arg8[%dma_wait3A_599, %dma_wait3A_614, %dma_wait3A_615] : memref<2x100x128xf32, #tpu.memory_space<vmem>> -> memref<1x100x128xf32, #tpu.memory_space<vmem>>
    %dma_wait3A_617 = tpu.memref_squeeze %dma_wait3A_616 : memref<1x100x128xf32, #tpu.memory_space<vmem>> -> memref<100x128xf32, #tpu.memory_space<vmem>>
    %dma_wait3A_618 = arith.constant 0 : i32
    %dma_wait3A_619 = arith.constant 0 : i32
    %dma_wait3A_620 = tpu.memref_slice %dma_wait3A_617[%dma_wait3A_618, %dma_wait3A_619] : memref<100x128xf32, #tpu.memory_space<vmem>> -> memref<48x128xf32, #tpu.memory_space<vmem>>
    tpu.wait_dma2 semaphore(%dma_wait3A_611 : memref<!tpu.dma_semaphore, #tpu.memory_space<semaphore_mem>>) src(%dma_wait3A_620 : memref<48x128xf32, #tpu.memory_space<vmem>>) dst(%dma_wait3A_613 : memref<48x128xf32, #tpu.memory_space<vmem_shared>>)
    %mul3A_621 = arith.constant 624 : i32
    %mul3A_622 = arith.muli %arg1, %mul3A_621 : i32
    %add3A_623 = arith.constant 432 : i32
    %add3A_624 = arith.addi %mul3A_622, %add3A_623 : i32
    %dma_wait3A_625 = arith.constant 0 : i32
    %dma_wait3A_626 = arith.constant 1 : i32
    %dma_wait3A_627 = arith.constant 0 : i32
    %dma_wait3A_628 = arith.constant 0 : i32
    %dma_wait3A_629 = tpu.memref_slice %arg8[%dma_wait3A_625, %dma_wait3A_627, %dma_wait3A_628] : memref<2x100x128xf32, #tpu.memory_space<vmem>> -> memref<1x100x128xf32, #tpu.memory_space<vmem>>
    %dma_wait3A_630 = tpu.memref_squeeze %dma_wait3A_629 : memref<1x100x128xf32, #tpu.memory_space<vmem>> -> memref<100x128xf32, #tpu.memory_space<vmem>>
    %dma_wait3A_631 = arith.constant 0 : i32
    %dma_wait3A_632 = arith.constant 0 : i32
    %dma_wait3A_633 = tpu.memref_slice %dma_wait3A_630[%dma_wait3A_631, %dma_wait3A_632] : memref<100x128xf32, #tpu.memory_space<vmem>> -> memref<48x128xf32, #tpu.memory_space<vmem>>
    %dma_wait3A_634 = arith.constant 0 : i32
    %dma_wait3A_635 = tpu.memref_slice %arg9[%add3A_624, %dma_wait3A_634] : memref<10000x128xf32, #tpu.memory_space<vmem_shared>> -> memref<48x128xf32, #tpu.memory_space<vmem_shared>>
    %dma_wait3A_636 = tpu.memref_slice %arg10[%dma_wait3A_626] : memref<2x!tpu.dma_semaphore, #tpu.memory_space<semaphore_mem>> -> memref<1x!tpu.dma_semaphore, #tpu.memory_space<semaphore_mem>>
    %dma_wait3A_637 = tpu.memref_squeeze %dma_wait3A_636 : memref<1x!tpu.dma_semaphore, #tpu.memory_space<semaphore_mem>> -> memref<!tpu.dma_semaphore, #tpu.memory_space<semaphore_mem>>
    %dma_wait3A_638 = arith.constant 0 : i32
    %dma_wait3A_639 = tpu.memref_slice %arg9[%add3A_624, %dma_wait3A_638] : memref<10000x128xf32, #tpu.memory_space<vmem_shared>> -> memref<48x128xf32, #tpu.memory_space<vmem_shared>>
    %dma_wait3A_640 = arith.constant 0 : i32
    %dma_wait3A_641 = arith.constant 0 : i32
    %dma_wait3A_642 = tpu.memref_slice %arg8[%dma_wait3A_625, %dma_wait3A_640, %dma_wait3A_641] : memref<2x100x128xf32, #tpu.memory_space<vmem>> -> memref<1x100x128xf32, #tpu.memory_space<vmem>>
    %dma_wait3A_643 = tpu.memref_squeeze %dma_wait3A_642 : memref<1x100x128xf32, #tpu.memory_space<vmem>> -> memref<100x128xf32, #tpu.memory_space<vmem>>
    %dma_wait3A_644 = arith.constant 0 : i32
    %dma_wait3A_645 = arith.constant 0 : i32
    %dma_wait3A_646 = tpu.memref_slice %dma_wait3A_643[%dma_wait3A_644, %dma_wait3A_645] : memref<100x128xf32, #tpu.memory_space<vmem>> -> memref<48x128xf32, #tpu.memory_space<vmem>>
    tpu.wait_dma2 semaphore(%dma_wait3A_637 : memref<!tpu.dma_semaphore, #tpu.memory_space<semaphore_mem>>) src(%dma_wait3A_646 : memref<48x128xf32, #tpu.memory_space<vmem>>) dst(%dma_wait3A_639 : memref<48x128xf32, #tpu.memory_space<vmem_shared>>)
    %mul3A_647 = arith.constant 624 : i32
    %mul3A_648 = arith.muli %arg1, %mul3A_647 : i32
    %add3A_649 = arith.constant 480 : i32
    %add3A_650 = arith.addi %mul3A_648, %add3A_649 : i32
    %dma_wait3A_651 = arith.constant 0 : i32
    %dma_wait3A_652 = arith.constant 1 : i32
    %dma_wait3A_653 = arith.constant 0 : i32
    %dma_wait3A_654 = arith.constant 0 : i32
    %dma_wait3A_655 = tpu.memref_slice %arg8[%dma_wait3A_651, %dma_wait3A_653, %dma_wait3A_654] : memref<2x100x128xf32, #tpu.memory_space<vmem>> -> memref<1x100x128xf32, #tpu.memory_space<vmem>>
    %dma_wait3A_656 = tpu.memref_squeeze %dma_wait3A_655 : memref<1x100x128xf32, #tpu.memory_space<vmem>> -> memref<100x128xf32, #tpu.memory_space<vmem>>
    %dma_wait3A_657 = arith.constant 0 : i32
    %dma_wait3A_658 = arith.constant 0 : i32
    %dma_wait3A_659 = tpu.memref_slice %dma_wait3A_656[%dma_wait3A_657, %dma_wait3A_658] : memref<100x128xf32, #tpu.memory_space<vmem>> -> memref<48x128xf32, #tpu.memory_space<vmem>>
    %dma_wait3A_660 = arith.constant 0 : i32
    %dma_wait3A_661 = tpu.memref_slice %arg9[%add3A_650, %dma_wait3A_660] : memref<10000x128xf32, #tpu.memory_space<vmem_shared>> -> memref<48x128xf32, #tpu.memory_space<vmem_shared>>
    %dma_wait3A_662 = tpu.memref_slice %arg10[%dma_wait3A_652] : memref<2x!tpu.dma_semaphore, #tpu.memory_space<semaphore_mem>> -> memref<1x!tpu.dma_semaphore, #tpu.memory_space<semaphore_mem>>
    %dma_wait3A_663 = tpu.memref_squeeze %dma_wait3A_662 : memref<1x!tpu.dma_semaphore, #tpu.memory_space<semaphore_mem>> -> memref<!tpu.dma_semaphore, #tpu.memory_space<semaphore_mem>>
    %dma_wait3A_664 = arith.constant 0 : i32
    %dma_wait3A_665 = tpu.memref_slice %arg9[%add3A_650, %dma_wait3A_664] : memref<10000x128xf32, #tpu.memory_space<vmem_shared>> -> memref<48x128xf32, #tpu.memory_space<vmem_shared>>
    %dma_wait3A_666 = arith.constant 0 : i32
    %dma_wait3A_667 = arith.constant 0 : i32
    %dma_wait3A_668 = tpu.memref_slice %arg8[%dma_wait3A_651, %dma_wait3A_666, %dma_wait3A_667] : memref<2x100x128xf32, #tpu.memory_space<vmem>> -> memref<1x100x128xf32, #tpu.memory_space<vmem>>
    %dma_wait3A_669 = tpu.memref_squeeze %dma_wait3A_668 : memref<1x100x128xf32, #tpu.memory_space<vmem>> -> memref<100x128xf32, #tpu.memory_space<vmem>>
    %dma_wait3A_670 = arith.constant 0 : i32
    %dma_wait3A_671 = arith.constant 0 : i32
    %dma_wait3A_672 = tpu.memref_slice %dma_wait3A_669[%dma_wait3A_670, %dma_wait3A_671] : memref<100x128xf32, #tpu.memory_space<vmem>> -> memref<48x128xf32, #tpu.memory_space<vmem>>
    tpu.wait_dma2 semaphore(%dma_wait3A_663 : memref<!tpu.dma_semaphore, #tpu.memory_space<semaphore_mem>>) src(%dma_wait3A_672 : memref<48x128xf32, #tpu.memory_space<vmem>>) dst(%dma_wait3A_665 : memref<48x128xf32, #tpu.memory_space<vmem_shared>>)
    %mul3A_673 = arith.constant 624 : i32
    %mul3A_674 = arith.muli %arg1, %mul3A_673 : i32
    %add3A_675 = arith.constant 528 : i32
    %add3A_676 = arith.addi %mul3A_674, %add3A_675 : i32
    %dma_wait3A_677 = arith.constant 0 : i32
    %dma_wait3A_678 = arith.constant 1 : i32
    %dma_wait3A_679 = arith.constant 0 : i32
    %dma_wait3A_680 = arith.constant 0 : i32
    %dma_wait3A_681 = tpu.memref_slice %arg8[%dma_wait3A_677, %dma_wait3A_679, %dma_wait3A_680] : memref<2x100x128xf32, #tpu.memory_space<vmem>> -> memref<1x100x128xf32, #tpu.memory_space<vmem>>
    %dma_wait3A_682 = tpu.memref_squeeze %dma_wait3A_681 : memref<1x100x128xf32, #tpu.memory_space<vmem>> -> memref<100x128xf32, #tpu.memory_space<vmem>>
    %dma_wait3A_683 = arith.constant 0 : i32
    %dma_wait3A_684 = arith.constant 0 : i32
    %dma_wait3A_685 = tpu.memref_slice %dma_wait3A_682[%dma_wait3A_683, %dma_wait3A_684] : memref<100x128xf32, #tpu.memory_space<vmem>> -> memref<48x128xf32, #tpu.memory_space<vmem>>
    %dma_wait3A_686 = arith.constant 0 : i32
    %dma_wait3A_687 = tpu.memref_slice %arg9[%add3A_676, %dma_wait3A_686] : memref<10000x128xf32, #tpu.memory_space<vmem_shared>> -> memref<48x128xf32, #tpu.memory_space<vmem_shared>>
    %dma_wait3A_688 = tpu.memref_slice %arg10[%dma_wait3A_678] : memref<2x!tpu.dma_semaphore, #tpu.memory_space<semaphore_mem>> -> memref<1x!tpu.dma_semaphore, #tpu.memory_space<semaphore_mem>>
    %dma_wait3A_689 = tpu.memref_squeeze %dma_wait3A_688 : memref<1x!tpu.dma_semaphore, #tpu.memory_space<semaphore_mem>> -> memref<!tpu.dma_semaphore, #tpu.memory_space<semaphore_mem>>
    %dma_wait3A_690 = arith.constant 0 : i32
    %dma_wait3A_691 = tpu.memref_slice %arg9[%add3A_676, %dma_wait3A_690] : memref<10000x128xf32, #tpu.memory_space<vmem_shared>> -> memref<48x128xf32, #tpu.memory_space<vmem_shared>>
    %dma_wait3A_692 = arith.constant 0 : i32
    %dma_wait3A_693 = arith.constant 0 : i32
    %dma_wait3A_694 = tpu.memref_slice %arg8[%dma_wait3A_677, %dma_wait3A_692, %dma_wait3A_693] : memref<2x100x128xf32, #tpu.memory_space<vmem>> -> memref<1x100x128xf32, #tpu.memory_space<vmem>>
    %dma_wait3A_695 = tpu.memref_squeeze %dma_wait3A_694 : memref<1x100x128xf32, #tpu.memory_space<vmem>> -> memref<100x128xf32, #tpu.memory_space<vmem>>
    %dma_wait3A_696 = arith.constant 0 : i32
    %dma_wait3A_697 = arith.constant 0 : i32
    %dma_wait3A_698 = tpu.memref_slice %dma_wait3A_695[%dma_wait3A_696, %dma_wait3A_697] : memref<100x128xf32, #tpu.memory_space<vmem>> -> memref<48x128xf32, #tpu.memory_space<vmem>>
    tpu.wait_dma2 semaphore(%dma_wait3A_689 : memref<!tpu.dma_semaphore, #tpu.memory_space<semaphore_mem>>) src(%dma_wait3A_698 : memref<48x128xf32, #tpu.memory_space<vmem>>) dst(%dma_wait3A_691 : memref<48x128xf32, #tpu.memory_space<vmem_shared>>)
    %mul3A_699 = arith.constant 624 : i32
    %mul3A_700 = arith.muli %arg1, %mul3A_699 : i32
    %add3A_701 = arith.constant 576 : i32
    %add3A_702 = arith.addi %mul3A_700, %add3A_701 : i32
    %dma_wait3A_703 = arith.constant 0 : i32
    %dma_wait3A_704 = arith.constant 1 : i32
    %dma_wait3A_705 = arith.constant 0 : i32
    %dma_wait3A_706 = arith.constant 0 : i32
    %dma_wait3A_707 = tpu.memref_slice %arg8[%dma_wait3A_703, %dma_wait3A_705, %dma_wait3A_706] : memref<2x100x128xf32, #tpu.memory_space<vmem>> -> memref<1x100x128xf32, #tpu.memory_space<vmem>>
    %dma_wait3A_708 = tpu.memref_squeeze %dma_wait3A_707 : memref<1x100x128xf32, #tpu.memory_space<vmem>> -> memref<100x128xf32, #tpu.memory_space<vmem>>
    %dma_wait3A_709 = arith.constant 0 : i32
    %dma_wait3A_710 = arith.constant 0 : i32
    %dma_wait3A_711 = tpu.memref_slice %dma_wait3A_708[%dma_wait3A_709, %dma_wait3A_710] : memref<100x128xf32, #tpu.memory_space<vmem>> -> memref<48x128xf32, #tpu.memory_space<vmem>>
    %dma_wait3A_712 = arith.constant 0 : i32
    %dma_wait3A_713 = tpu.memref_slice %arg9[%add3A_702, %dma_wait3A_712] : memref<10000x128xf32, #tpu.memory_space<vmem_shared>> -> memref<48x128xf32, #tpu.memory_space<vmem_shared>>
    %dma_wait3A_714 = tpu.memref_slice %arg10[%dma_wait3A_704] : memref<2x!tpu.dma_semaphore, #tpu.memory_space<semaphore_mem>> -> memref<1x!tpu.dma_semaphore, #tpu.memory_space<semaphore_mem>>
    %dma_wait3A_715 = tpu.memref_squeeze %dma_wait3A_714 : memref<1x!tpu.dma_semaphore, #tpu.memory_space<semaphore_mem>> -> memref<!tpu.dma_semaphore, #tpu.memory_space<semaphore_mem>>
    %dma_wait3A_716 = arith.constant 0 : i32
    %dma_wait3A_717 = tpu.memref_slice %arg9[%add3A_702, %dma_wait3A_716] : memref<10000x128xf32, #tpu.memory_space<vmem_shared>> -> memref<48x128xf32, #tpu.memory_space<vmem_shared>>
    %dma_wait3A_718 = arith.constant 0 : i32
    %dma_wait3A_719 = arith.constant 0 : i32
    %dma_wait3A_720 = tpu.memref_slice %arg8[%dma_wait3A_703, %dma_wait3A_718, %dma_wait3A_719] : memref<2x100x128xf32, #tpu.memory_space<vmem>> -> memref<1x100x128xf32, #tpu.memory_space<vmem>>
    %dma_wait3A_721 = tpu.memref_squeeze %dma_wait3A_720 : memref<1x100x128xf32, #tpu.memory_space<vmem>> -> memref<100x128xf32, #tpu.memory_space<vmem>>
    %dma_wait3A_722 = arith.constant 0 : i32
    %dma_wait3A_723 = arith.constant 0 : i32
    %dma_wait3A_724 = tpu.memref_slice %dma_wait3A_721[%dma_wait3A_722, %dma_wait3A_723] : memref<100x128xf32, #tpu.memory_space<vmem>> -> memref<48x128xf32, #tpu.memory_space<vmem>>
    tpu.wait_dma2 semaphore(%dma_wait3A_715 : memref<!tpu.dma_semaphore, #tpu.memory_space<semaphore_mem>>) src(%dma_wait3A_724 : memref<48x128xf32, #tpu.memory_space<vmem>>) dst(%dma_wait3A_717 : memref<48x128xf32, #tpu.memory_space<vmem_shared>>)
    %eq3A_725 = arith.constant 0 : i32
    %eq3A_726 = arith.cmpi eq, %arg1, %eq3A_725 : i32
    %convert_element_type3A_727 = arith.extui %eq3A_726 : i1 to i32
    %cond3A_728 = arith.constant 0 : i32
    %cond3A_729 = arith.cmpi ne, %convert_element_type3A_727, %cond3A_728 : i32
    scf.if %cond3A_729 {
      %dma_wait3A_777 = arith.constant 0 : i32
      %dma_wait3A_778 = arith.constant 1 : i32
      %dma_wait3A_779 = arith.constant 0 : i32
      %dma_wait3A_780 = arith.constant 0 : i32
      %dma_wait3A_781 = tpu.memref_slice %arg8[%dma_wait3A_777, %dma_wait3A_779, %dma_wait3A_780] : memref<2x100x128xf32, #tpu.memory_space<vmem>> -> memref<1x100x128xf32, #tpu.memory_space<vmem>>
      %dma_wait3A_782 = tpu.memref_squeeze %dma_wait3A_781 : memref<1x100x128xf32, #tpu.memory_space<vmem>> -> memref<100x128xf32, #tpu.memory_space<vmem>>
      %dma_wait3A_783 = arith.constant 0 : i32
      %dma_wait3A_784 = arith.constant 0 : i32
      %dma_wait3A_785 = tpu.memref_slice %dma_wait3A_782[%dma_wait3A_783, %dma_wait3A_784] : memref<100x128xf32, #tpu.memory_space<vmem>> -> memref<16x128xf32, #tpu.memory_space<vmem>>
      %dma_wait3A_786 = arith.constant 9984 : i32
      %dma_wait3A_787 = arith.constant 0 : i32
      %dma_wait3A_788 = tpu.memref_slice %arg9[%dma_wait3A_786, %dma_wait3A_787] : memref<10000x128xf32, #tpu.memory_space<vmem_shared>> -> memref<16x128xf32, #tpu.memory_space<vmem_shared>>
      %dma_wait3A_789 = tpu.memref_slice %arg10[%dma_wait3A_778] : memref<2x!tpu.dma_semaphore, #tpu.memory_space<semaphore_mem>> -> memref<1x!tpu.dma_semaphore, #tpu.memory_space<semaphore_mem>>
      %dma_wait3A_790 = tpu.memref_squeeze %dma_wait3A_789 : memref<1x!tpu.dma_semaphore, #tpu.memory_space<semaphore_mem>> -> memref<!tpu.dma_semaphore, #tpu.memory_space<semaphore_mem>>
      %dma_wait3A_791 = arith.constant 9984 : i32
      %dma_wait3A_792 = arith.constant 0 : i32
      %dma_wait3A_793 = tpu.memref_slice %arg9[%dma_wait3A_791, %dma_wait3A_792] : memref<10000x128xf32, #tpu.memory_space<vmem_shared>> -> memref<16x128xf32, #tpu.memory_space<vmem_shared>>
      %dma_wait3A_794 = arith.constant 0 : i32
      %dma_wait3A_795 = arith.constant 0 : i32
      %dma_wait3A_796 = tpu.memref_slice %arg8[%dma_wait3A_777, %dma_wait3A_794, %dma_wait3A_795] : memref<2x100x128xf32, #tpu.memory_space<vmem>> -> memref<1x100x128xf32, #tpu.memory_space<vmem>>
      %dma_wait3A_797 = tpu.memref_squeeze %dma_wait3A_796 : memref<1x100x128xf32, #tpu.memory_space<vmem>> -> memref<100x128xf32, #tpu.memory_space<vmem>>
      %dma_wait3A_798 = arith.constant 0 : i32
      %dma_wait3A_799 = arith.constant 0 : i32
      %dma_wait3A_800 = tpu.memref_slice %dma_wait3A_797[%dma_wait3A_798, %dma_wait3A_799] : memref<100x128xf32, #tpu.memory_space<vmem>> -> memref<16x128xf32, #tpu.memory_space<vmem>>
      tpu.wait_dma2 semaphore(%dma_wait3A_790 : memref<!tpu.dma_semaphore, #tpu.memory_space<semaphore_mem>>) src(%dma_wait3A_800 : memref<16x128xf32, #tpu.memory_space<vmem>>) dst(%dma_wait3A_793 : memref<16x128xf32, #tpu.memory_space<vmem_shared>>)
    } else {
    }
    %barrier3A = arith.constant 0 : index
    tpu.barrier barrier_id(%barrier3A)
    %dma_start3A_730 = arith.constant 0 : i32
    %dma_start3A_731 = arith.constant 0 : i32
    %dma_start3A_732 = arith.constant 0 : i32
    %dma_start3A_733 = arith.constant 0 : i32
    %dma_start3A_734 = arith.constant 0 : i32
    %dma_start3A_735 = tpu.memref_slice %arg8[%dma_start3A_731, %dma_start3A_733, %dma_start3A_734] : memref<2x100x128xf32, #tpu.memory_space<vmem>> -> memref<1x100x128xf32, #tpu.memory_space<vmem>>
    %dma_start3A_736 = tpu.memref_squeeze %dma_start3A_735 : memref<1x100x128xf32, #tpu.memory_space<vmem>> -> memref<100x128xf32, #tpu.memory_space<vmem>>
    %dma_start3A_737 = arith.constant 0 : i32
    %dma_start3A_738 = tpu.memref_slice %arg6[%dma_start3A_730, %dma_start3A_737] : memref<100x100xi32, #tpu.memory_space<vmem>> -> memref<1x100xi32, #tpu.memory_space<vmem>>
    %dma_start3A_739 = tpu.memref_squeeze %dma_start3A_738 : memref<1x100xi32, #tpu.memory_space<vmem>> -> memref<100xi32, #tpu.memory_space<vmem>>
    %dma_start3A_740 = arith.constant 0 : i32
    %dma_start3A_741 = arith.constant 0 : i32
    %dma_start3A_742 = tpu.memref_slice %arg2[%dma_start3A_740, %dma_start3A_741] : memref<10000x128xf32, #tpu.memory_space<hbm>> -> memref<10000x128xf32, #tpu.memory_space<hbm>>
    %dma_start3A_743 = tpu.memref_slice %arg10[%dma_start3A_732] : memref<2x!tpu.dma_semaphore, #tpu.memory_space<semaphore_mem>> -> memref<1x!tpu.dma_semaphore, #tpu.memory_space<semaphore_mem>>
    %dma_start3A_744 = tpu.memref_squeeze %dma_start3A_743 : memref<1x!tpu.dma_semaphore, #tpu.memory_space<semaphore_mem>> -> memref<!tpu.dma_semaphore, #tpu.memory_space<semaphore_mem>>
    tpu.enqueue_indirect_dma source(%dma_start3A_742 : memref<10000x128xf32, #tpu.memory_space<hbm>>) target(%dma_start3A_736 : memref<100x128xf32, #tpu.memory_space<vmem>>) offsets(%dma_start3A_739 : memref<100xi32, #tpu.memory_space<vmem>>) semaphore(%dma_start3A_744 : memref<!tpu.dma_semaphore, #tpu.memory_space<semaphore_mem>>)
    %scan3A_745 = arith.constant 0 : i32
    %scan3A_746 = arith.constant 0 : i32
    %scan3A_747 = arith.constant 100 : i32
    %scan3A_748 = arith.addi %scan3A_746, %scan3A_747 : i32
    %scan3A_749 = arith.constant 1 : i32
    %scan3A_750 = scf.for %scan3A_777 = %scan3A_746 to %scan3A_748 step %scan3A_749 iter_args(%scan3A_778 = %scan3A_745) -> (i32)  : i32 {
      %add3A_779 = arith.constant 1 : i32
      %add3A_780 = arith.addi %scan3A_777, %add3A_779 : i32
      %min3A = arith.constant 99 : i32
      %min3A_781 = arith.minsi %add3A_780, %min3A : i32
      %add3A_782 = arith.constant 1 : i32
      %add3A_783 = arith.addi %scan3A_777, %add3A_782 : i32
      %rem3A = arith.constant 2 : i32
      %rem3A_784 = arith.remsi %add3A_783, %rem3A : i32
      %rem3A_785 = arith.constant 2 : i32
      %rem3A_786 = arith.remsi %scan3A_777, %rem3A_785 : i32
      %dma_start3A_787 = arith.constant 0 : i32
      %dma_start3A_788 = arith.constant 0 : i32
      %dma_start3A_789 = tpu.memref_slice %arg8[%rem3A_784, %dma_start3A_787, %dma_start3A_788] : memref<2x100x128xf32, #tpu.memory_space<vmem>> -> memref<1x100x128xf32, #tpu.memory_space<vmem>>
      %dma_start3A_790 = tpu.memref_squeeze %dma_start3A_789 : memref<1x100x128xf32, #tpu.memory_space<vmem>> -> memref<100x128xf32, #tpu.memory_space<vmem>>
      %dma_start3A_791 = arith.constant 0 : i32
      %dma_start3A_792 = tpu.memref_slice %arg6[%min3A_781, %dma_start3A_791] : memref<100x100xi32, #tpu.memory_space<vmem>> -> memref<1x100xi32, #tpu.memory_space<vmem>>
      %dma_start3A_793 = tpu.memref_squeeze %dma_start3A_792 : memref<1x100xi32, #tpu.memory_space<vmem>> -> memref<100xi32, #tpu.memory_space<vmem>>
      %dma_start3A_794 = arith.constant 0 : i32
      %dma_start3A_795 = arith.constant 0 : i32
      %dma_start3A_796 = tpu.memref_slice %arg2[%dma_start3A_794, %dma_start3A_795] : memref<10000x128xf32, #tpu.memory_space<hbm>> -> memref<10000x128xf32, #tpu.memory_space<hbm>>
      %dma_start3A_797 = tpu.memref_slice %arg10[%rem3A_784] : memref<2x!tpu.dma_semaphore, #tpu.memory_space<semaphore_mem>> -> memref<1x!tpu.dma_semaphore, #tpu.memory_space<semaphore_mem>>
      %dma_start3A_798 = tpu.memref_squeeze %dma_start3A_797 : memref<1x!tpu.dma_semaphore, #tpu.memory_space<semaphore_mem>> -> memref<!tpu.dma_semaphore, #tpu.memory_space<semaphore_mem>>
      tpu.enqueue_indirect_dma source(%dma_start3A_796 : memref<10000x128xf32, #tpu.memory_space<hbm>>) target(%dma_start3A_790 : memref<100x128xf32, #tpu.memory_space<vmem>>) offsets(%dma_start3A_793 : memref<100xi32, #tpu.memory_space<vmem>>) semaphore(%dma_start3A_798 : memref<!tpu.dma_semaphore, #tpu.memory_space<semaphore_mem>>)
      %dma_wait3A_799 = arith.constant 0 : i32
      %dma_wait3A_800 = arith.constant 0 : i32
      %dma_wait3A_801 = tpu.memref_slice %arg8[%rem3A_786, %dma_wait3A_799, %dma_wait3A_800] : memref<2x100x128xf32, #tpu.memory_space<vmem>> -> memref<1x100x128xf32, #tpu.memory_space<vmem>>
      %dma_wait3A_802 = tpu.memref_squeeze %dma_wait3A_801 : memref<1x100x128xf32, #tpu.memory_space<vmem>> -> memref<100x128xf32, #tpu.memory_space<vmem>>
      %dma_wait3A_803 = arith.constant 0 : i32
      %dma_wait3A_804 = tpu.memref_slice %arg6[%scan3A_777, %dma_wait3A_803] : memref<100x100xi32, #tpu.memory_space<vmem>> -> memref<1x100xi32, #tpu.memory_space<vmem>>
      %dma_wait3A_805 = tpu.memref_squeeze %dma_wait3A_804 : memref<1x100xi32, #tpu.memory_space<vmem>> -> memref<100xi32, #tpu.memory_space<vmem>>
      %dma_wait3A_806 = arith.constant 0 : i32
      %dma_wait3A_807 = arith.constant 0 : i32
      %dma_wait3A_808 = tpu.memref_slice %arg2[%dma_wait3A_806, %dma_wait3A_807] : memref<10000x128xf32, #tpu.memory_space<hbm>> -> memref<10000x128xf32, #tpu.memory_space<hbm>>
      %dma_wait3A_809 = tpu.memref_slice %arg10[%rem3A_786] : memref<2x!tpu.dma_semaphore, #tpu.memory_space<semaphore_mem>> -> memref<1x!tpu.dma_semaphore, #tpu.memory_space<semaphore_mem>>
      %dma_wait3A_810 = tpu.memref_squeeze %dma_wait3A_809 : memref<1x!tpu.dma_semaphore, #tpu.memory_space<semaphore_mem>> -> memref<!tpu.dma_semaphore, #tpu.memory_space<semaphore_mem>>
      tpu.wait_indirect_dma semaphore(%dma_wait3A_810 : memref<!tpu.dma_semaphore, #tpu.memory_space<semaphore_mem>>) src(%dma_wait3A_808 : memref<10000x128xf32, #tpu.memory_space<hbm>>) dst(%dma_wait3A_802 : memref<100x128xf32, #tpu.memory_space<vmem>>)
      "tpu.region"() ({
        %run_scoped3A = tpu.sem_alloc : memref<!tpu.dma_semaphore, #tpu.memory_space<semaphore_mem>>
        %dma_start3A_812 = arith.constant 0 : i32
        %dma_start3A_813 = arith.constant 0 : i32
        %dma_start3A_814 = tpu.memref_slice %arg8[%rem3A_786, %dma_start3A_812, %dma_start3A_813] : memref<2x100x128xf32, #tpu.memory_space<vmem>> -> memref<1x100x128xf32, #tpu.memory_space<vmem>>
        %dma_start3A_815 = tpu.memref_squeeze %dma_start3A_814 : memref<1x100x128xf32, #tpu.memory_space<vmem>> -> memref<100x128xf32, #tpu.memory_space<vmem>>
        %dma_start3A_816 = arith.constant 0 : i32
        %dma_start3A_817 = tpu.memref_slice %arg7[%scan3A_777, %dma_start3A_816] : memref<100x100xi32, #tpu.memory_space<vmem>> -> memref<1x100xi32, #tpu.memory_space<vmem>>
        %dma_start3A_818 = tpu.memref_squeeze %dma_start3A_817 : memref<1x100xi32, #tpu.memory_space<vmem>> -> memref<100xi32, #tpu.memory_space<vmem>>
        %dma_start3A_819 = arith.constant 0 : i32
        %dma_start3A_820 = arith.constant 0 : i32
        %dma_start3A_821 = tpu.memref_slice %arg9[%dma_start3A_819, %dma_start3A_820] : memref<10000x128xf32, #tpu.memory_space<vmem_shared>> -> memref<10000x128xf32, #tpu.memory_space<vmem_shared>>
        tpu.enqueue_indirect_dma source(%dma_start3A_815 : memref<100x128xf32, #tpu.memory_space<vmem>>) target(%dma_start3A_821 : memref<10000x128xf32, #tpu.memory_space<vmem_shared>>) offsets(%dma_start3A_818 : memref<100xi32, #tpu.memory_space<vmem>>) semaphore(%run_scoped3A : memref<!tpu.dma_semaphore, #tpu.memory_space<semaphore_mem>>) {add = true}
        %dma_wait3A_822 = arith.constant 0 : i32
        %dma_wait3A_823 = arith.constant 0 : i32
        %dma_wait3A_824 = tpu.memref_slice %arg8[%rem3A_786, %dma_wait3A_822, %dma_wait3A_823] : memref<2x100x128xf32, #tpu.memory_space<vmem>> -> memref<1x100x128xf32, #tpu.memory_space<vmem>>
        %dma_wait3A_825 = tpu.memref_squeeze %dma_wait3A_824 : memref<1x100x128xf32, #tpu.memory_space<vmem>> -> memref<100x128xf32, #tpu.memory_space<vmem>>
        %dma_wait3A_826 = arith.constant 0 : i32
        %dma_wait3A_827 = tpu.memref_slice %arg7[%scan3A_777, %dma_wait3A_826] : memref<100x100xi32, #tpu.memory_space<vmem>> -> memref<1x100xi32, #tpu.memory_space<vmem>>
        %dma_wait3A_828 = tpu.memref_squeeze %dma_wait3A_827 : memref<1x100xi32, #tpu.memory_space<vmem>> -> memref<100xi32, #tpu.memory_space<vmem>>
        %dma_wait3A_829 = arith.constant 0 : i32
        %dma_wait3A_830 = arith.constant 0 : i32
        %dma_wait3A_831 = tpu.memref_slice %arg9[%dma_wait3A_829, %dma_wait3A_830] : memref<10000x128xf32, #tpu.memory_space<vmem_shared>> -> memref<10000x128xf32, #tpu.memory_space<vmem_shared>>
        tpu.wait_indirect_dma semaphore(%run_scoped3A : memref<!tpu.dma_semaphore, #tpu.memory_space<semaphore_mem>>) src(%dma_wait3A_825 : memref<100x128xf32, #tpu.memory_space<vmem>>) dst(%dma_wait3A_831 : memref<10000x128xf32, #tpu.memory_space<vmem_shared>>)
        tpu.yield
      }) : () -> ()
      %scan3A_811 = arith.constant 0 : i32
      scf.yield %scan3A_811 : i32
    }
    %scan3A_751 = arith.constant 100 : i32
    %dma_wait3A_752 = arith.constant 99 : i32
    %dma_wait3A_753 = arith.constant 0 : i32
    %dma_wait3A_754 = arith.constant 0 : i32
    %dma_wait3A_755 = arith.constant 0 : i32
    %dma_wait3A_756 = arith.constant 0 : i32
    %dma_wait3A_757 = tpu.memref_slice %arg8[%dma_wait3A_753, %dma_wait3A_755, %dma_wait3A_756] : memref<2x100x128xf32, #tpu.memory_space<vmem>> -> memref<1x100x128xf32, #tpu.memory_space<vmem>>
    %dma_wait3A_758 = tpu.memref_squeeze %dma_wait3A_757 : memref<1x100x128xf32, #tpu.memory_space<vmem>> -> memref<100x128xf32, #tpu.memory_space<vmem>>
    %dma_wait3A_759 = arith.constant 0 : i32
    %dma_wait3A_760 = tpu.memref_slice %arg6[%dma_wait3A_752, %dma_wait3A_759] : memref<100x100xi32, #tpu.memory_space<vmem>> -> memref<1x100xi32, #tpu.memory_space<vmem>>
    %dma_wait3A_761 = tpu.memref_squeeze %dma_wait3A_760 : memref<1x100xi32, #tpu.memory_space<vmem>> -> memref<100xi32, #tpu.memory_space<vmem>>
    %dma_wait3A_762 = arith.constant 0 : i32
    %dma_wait3A_763 = arith.constant 0 : i32
    %dma_wait3A_764 = tpu.memref_slice %arg2[%dma_wait3A_762, %dma_wait3A_763] : memref<10000x128xf32, #tpu.memory_space<hbm>> -> memref<10000x128xf32, #tpu.memory_space<hbm>>
    %dma_wait3A_765 = tpu.memref_slice %arg10[%dma_wait3A_754] : memref<2x!tpu.dma_semaphore, #tpu.memory_space<semaphore_mem>> -> memref<1x!tpu.dma_semaphore, #tpu.memory_space<semaphore_mem>>
    %dma_wait3A_766 = tpu.memref_squeeze %dma_wait3A_765 : memref<1x!tpu.dma_semaphore, #tpu.memory_space<semaphore_mem>> -> memref<!tpu.dma_semaphore, #tpu.memory_space<semaphore_mem>>
    tpu.wait_indirect_dma semaphore(%dma_wait3A_766 : memref<!tpu.dma_semaphore, #tpu.memory_space<semaphore_mem>>) src(%dma_wait3A_764 : memref<10000x128xf32, #tpu.memory_space<hbm>>) dst(%dma_wait3A_758 : memref<100x128xf32, #tpu.memory_space<vmem>>)
    %barrier3A_767 = arith.constant 0 : index
    tpu.barrier barrier_id(%barrier3A_767)
    %mul3A_768 = arith.constant 624 : i32
    %mul3A_769 = arith.muli %arg1, %mul3A_768 : i32
    %mul3A_770 = arith.constant 624 : i32
    %mul3A_771 = arith.muli %arg1, %mul3A_770 : i32
    "tpu.region"() ({
      %run_scoped3A = tpu.sem_alloc : memref<!tpu.dma_semaphore, #tpu.memory_space<semaphore_mem>>
      %dma_start3A_777 = arith.constant 0 : i32
      %dma_start3A_778 = tpu.memref_slice %arg5[%arg0, %mul3A_771, %dma_start3A_777] : memref<2x10000x128xf32, #tpu.memory_space<hbm>> -> memref<1x624x128xf32, #tpu.memory_space<hbm>>
      %dma_start3A_779 = tpu.memref_squeeze %dma_start3A_778 : memref<1x624x128xf32, #tpu.memory_space<hbm>> -> memref<624x128xf32, #tpu.memory_space<hbm>>
      %dma_start3A_780 = arith.constant 0 : i32
      %dma_start3A_781 = tpu.memref_slice %arg9[%mul3A_769, %dma_start3A_780] : memref<10000x128xf32, #tpu.memory_space<vmem_shared>> -> memref<624x128xf32, #tpu.memory_space<vmem_shared>>
      tpu.enqueue_dma source(%dma_start3A_781 : memref<624x128xf32, #tpu.memory_space<vmem_shared>>) target(%dma_start3A_779 : memref<624x128xf32, #tpu.memory_space<hbm>>) target_semaphore(%run_scoped3A : memref<!tpu.dma_semaphore, #tpu.memory_space<semaphore_mem>>)
      %dma_wait3A_782 = arith.constant 0 : i32
      %dma_wait3A_783 = tpu.memref_slice %arg5[%arg0, %mul3A_771, %dma_wait3A_782] : memref<2x10000x128xf32, #tpu.memory_space<hbm>> -> memref<1x624x128xf32, #tpu.memory_space<hbm>>
      %dma_wait3A_784 = tpu.memref_squeeze %dma_wait3A_783 : memref<1x624x128xf32, #tpu.memory_space<hbm>> -> memref<624x128xf32, #tpu.memory_space<hbm>>
      %dma_wait3A_785 = arith.constant 0 : i32
      %dma_wait3A_786 = tpu.memref_slice %arg9[%mul3A_769, %dma_wait3A_785] : memref<10000x128xf32, #tpu.memory_space<vmem_shared>> -> memref<624x128xf32, #tpu.memory_space<vmem_shared>>
      tpu.wait_dma2 semaphore(%run_scoped3A : memref<!tpu.dma_semaphore, #tpu.memory_space<semaphore_mem>>) src(%dma_wait3A_786 : memref<624x128xf32, #tpu.memory_space<vmem_shared>>) dst(%dma_wait3A_784 : memref<624x128xf32, #tpu.memory_space<hbm>>)
      tpu.yield
    }) : () -> ()
    %eq3A_772 = arith.constant 0 : i32
    %eq3A_773 = arith.cmpi eq, %arg1, %eq3A_772 : i32
    %convert_element_type3A_774 = arith.extui %eq3A_773 : i1 to i32
    %cond3A_775 = arith.constant 0 : i32
    %cond3A_776 = arith.cmpi ne, %convert_element_type3A_774, %cond3A_775 : i32
    scf.if %cond3A_776 {
      "tpu.region"() ({
        %run_scoped3A = tpu.sem_alloc : memref<!tpu.dma_semaphore, #tpu.memory_space<semaphore_mem>>
        %dma_start3A_777 = arith.constant 9984 : i32
        %dma_start3A_778 = arith.constant 0 : i32
        %dma_start3A_779 = tpu.memref_slice %arg5[%arg0, %dma_start3A_777, %dma_start3A_778] : memref<2x10000x128xf32, #tpu.memory_space<hbm>> -> memref<1x16x128xf32, #tpu.memory_space<hbm>>
        %dma_start3A_780 = tpu.memref_squeeze %dma_start3A_779 : memref<1x16x128xf32, #tpu.memory_space<hbm>> -> memref<16x128xf32, #tpu.memory_space<hbm>>
        %dma_start3A_781 = arith.constant 9984 : i32
        %dma_start3A_782 = arith.constant 0 : i32
        %dma_start3A_783 = tpu.memref_slice %arg9[%dma_start3A_781, %dma_start3A_782] : memref<10000x128xf32, #tpu.memory_space<vmem_shared>> -> memref<16x128xf32, #tpu.memory_space<vmem_shared>>
        tpu.enqueue_dma source(%dma_start3A_783 : memref<16x128xf32, #tpu.memory_space<vmem_shared>>) target(%dma_start3A_780 : memref<16x128xf32, #tpu.memory_space<hbm>>) target_semaphore(%run_scoped3A : memref<!tpu.dma_semaphore, #tpu.memory_space<semaphore_mem>>)
        %dma_wait3A_784 = arith.constant 9984 : i32
        %dma_wait3A_785 = arith.constant 0 : i32
        %dma_wait3A_786 = tpu.memref_slice %arg5[%arg0, %dma_wait3A_784, %dma_wait3A_785] : memref<2x10000x128xf32, #tpu.memory_space<hbm>> -> memref<1x16x128xf32, #tpu.memory_space<hbm>>
        %dma_wait3A_787 = tpu.memref_squeeze %dma_wait3A_786 : memref<1x16x128xf32, #tpu.memory_space<hbm>> -> memref<16x128xf32, #tpu.memory_space<hbm>>
        %dma_wait3A_788 = arith.constant 9984 : i32
        %dma_wait3A_789 = arith.constant 0 : i32
        %dma_wait3A_790 = tpu.memref_slice %arg9[%dma_wait3A_788, %dma_wait3A_789] : memref<10000x128xf32, #tpu.memory_space<vmem_shared>> -> memref<16x128xf32, #tpu.memory_space<vmem_shared>>
        tpu.wait_dma2 semaphore(%run_scoped3A : memref<!tpu.dma_semaphore, #tpu.memory_space<semaphore_mem>>) src(%dma_wait3A_790 : memref<16x128xf32, #tpu.memory_space<vmem_shared>>) dst(%dma_wait3A_787 : memref<16x128xf32, #tpu.memory_space<hbm>>)
        tpu.yield
      }) : () -> ()
    } else {
    }
    return
  }
}

module attributes {stable_mosaic.version = 14 : i64} {
  func.func @_tc_pre(%arg0: memref<10000x128xf32, #tpu.memory_space<vmem>>, %arg1: memref<128x128xf32, #tpu.memory_space<vmem>>, %arg2: memref<2x10000x16xf32, #tpu.memory_space<vmem>>, %arg3: memref<10000x128xf32, #tpu.memory_space<vmem>>, %arg4: memref<10000x1xf32, #tpu.memory_space<vmem>>) attributes {dimension_semantics = [], scalar_prefetch = 0 : i64, scratch_operands = 0 : i64, tpu.core_type = #tpu.core_type<tc>} {
    %get3A = arith.constant 0 : index
    %get3A_0 = arith.constant 0 : index
    %get3A_1 = arith.constant 0 : index
    %get3A_2 = vector.load %arg2[%get3A, %get3A_0, %get3A_1] : memref<2x10000x16xf32, #tpu.memory_space<vmem>>, vector<1x10000x1xf32>
    %get3A_3 = vector.shape_cast %get3A_2 : vector<1x10000x1xf32> to vector<10000x1xf32>
    %add3A = arith.constant 1.000000e+00 : f32
    %add3A_4 = vector.broadcast %add3A : f32 to vector<10000x1xf32>
    %add3A_5 = arith.addf %add3A_4, %get3A_3 : vector<10000x1xf32>
    %get3A_6 = arith.constant 1 : index
    %get3A_7 = arith.constant 0 : index
    %get3A_8 = arith.constant 0 : index
    %get3A_9 = vector.load %arg2[%get3A_6, %get3A_7, %get3A_8] : memref<2x10000x16xf32, #tpu.memory_space<vmem>>, vector<1x10000x1xf32>
    %get3A_10 = vector.shape_cast %get3A_9 : vector<1x10000x1xf32> to vector<10000x1xf32>
    %add3A_11 = arith.addf %add3A_5, %get3A_10 : vector<10000x1xf32>
    %rsqrt3A = math.rsqrt %add3A_11 : vector<10000x1xf32>
    %get3A_12 = arith.constant 0 : index
    %get3A_13 = arith.constant 0 : index
    %get3A_14 = vector.load %arg0[%get3A_12, %get3A_13] : memref<10000x128xf32, #tpu.memory_space<vmem>>, vector<10000x128xf32>
    %get3A_15 = arith.constant 0 : index
    %get3A_16 = arith.constant 0 : index
    %get3A_17 = vector.load %arg1[%get3A_15, %get3A_16] : memref<128x128xf32, #tpu.memory_space<vmem>>, vector<128x128xf32>
    %dot_general3A = arith.constant dense<0.000000e+00> : vector<10000x128xf32>
    %dot_general3A_18 = tpu.matmul %get3A_14, %get3A_17, %dot_general3A {dimension_numbers = #tpu.dot_dimension_numbers<[1], [0], [0], [1], [0, 0, 1, 1], [], []>, transpose_lhs_hint = false} : vector<10000x128xf32>, vector<128x128xf32>, vector<10000x128xf32> -> vector<10000x128xf32>
    %mul3A = vector.broadcast %rsqrt3A : vector<10000x1xf32> to vector<10000x128xf32>
    %mul3A_19 = arith.mulf %dot_general3A_18, %mul3A : vector<10000x128xf32>
    %swap3A = arith.constant 0 : index
    %swap3A_20 = arith.constant 0 : index
    %swap3A_21 = vector.load %arg3[%swap3A, %swap3A_20] : memref<10000x128xf32, #tpu.memory_space<vmem>>, vector<10000x128xf32>
    tpu.vector_store %arg3[%swap3A, %swap3A_20], %mul3A_19 {strides = array<i32>} : memref<10000x128xf32, #tpu.memory_space<vmem>>, vector<10000x128xf32>,
    %swap3A_22 = arith.constant 0 : index
    %swap3A_23 = arith.constant 0 : index
    %swap3A_24 = vector.load %arg4[%swap3A_22, %swap3A_23] : memref<10000x1xf32, #tpu.memory_space<vmem>>, vector<10000x1xf32>
    tpu.vector_store %arg4[%swap3A_22, %swap3A_23], %rsqrt3A {strides = array<i32>} : memref<10000x1xf32, #tpu.memory_space<vmem>>, vector<10000x1xf32>,
    return
  }
}

module attributes {stable_mosaic.version = 14 : i64} {
  func.func @_tc_mid(%arg0: memref<2x10000x128xf32, #tpu.memory_space<vmem>>, %arg1: memref<10000x128xf32, #tpu.memory_space<vmem>>, %arg2: memref<10000x1xf32, #tpu.memory_space<vmem>>, %arg3: memref<1x128xf32, #tpu.memory_space<vmem>>, %arg4: memref<1x128xf32, #tpu.memory_space<vmem>>, %arg5: memref<1x128xf32, #tpu.memory_space<vmem>>, %arg6: memref<128x128xf32, #tpu.memory_space<vmem>>, %arg7: memref<10000x128xf32, #tpu.memory_space<vmem>>) attributes {dimension_semantics = [], scalar_prefetch = 0 : i64, scratch_operands = 0 : i64, tpu.core_type = #tpu.core_type<tc>} {
    %get3A = arith.constant 0 : index
    %get3A_0 = arith.constant 0 : index
    %get3A_1 = arith.constant 0 : index
    %get3A_2 = vector.load %arg0[%get3A, %get3A_0, %get3A_1] : memref<2x10000x128xf32, #tpu.memory_space<vmem>>, vector<1x10000x128xf32>
    %get3A_3 = vector.shape_cast %get3A_2 : vector<1x10000x128xf32> to vector<10000x128xf32>
    %get3A_4 = arith.constant 1 : index
    %get3A_5 = arith.constant 0 : index
    %get3A_6 = arith.constant 0 : index
    %get3A_7 = vector.load %arg0[%get3A_4, %get3A_5, %get3A_6] : memref<2x10000x128xf32, #tpu.memory_space<vmem>>, vector<1x10000x128xf32>
    %get3A_8 = vector.shape_cast %get3A_7 : vector<1x10000x128xf32> to vector<10000x128xf32>
    %add3A = arith.addf %get3A_3, %get3A_8 : vector<10000x128xf32>
    %get3A_9 = arith.constant 0 : index
    %get3A_10 = arith.constant 0 : index
    %get3A_11 = vector.load %arg1[%get3A_9, %get3A_10] : memref<10000x128xf32, #tpu.memory_space<vmem>>, vector<10000x128xf32>
    %add3A_12 = arith.addf %add3A, %get3A_11 : vector<10000x128xf32>
    %get3A_13 = arith.constant 0 : index
    %get3A_14 = arith.constant 0 : index
    %get3A_15 = vector.load %arg2[%get3A_13, %get3A_14] : memref<10000x1xf32, #tpu.memory_space<vmem>>, vector<10000x1xf32>
    %mul3A = vector.broadcast %get3A_15 : vector<10000x1xf32> to vector<10000x128xf32>
    %mul3A_16 = arith.mulf %add3A_12, %mul3A : vector<10000x128xf32>
    %get3A_17 = arith.constant 0 : index
    %get3A_18 = arith.constant 0 : index
    %get3A_19 = vector.load %arg3[%get3A_17, %get3A_18] : memref<1x128xf32, #tpu.memory_space<vmem>>, vector<1x128xf32>
    %add3A_20 = vector.broadcast %get3A_19 : vector<1x128xf32> to vector<10000x128xf32>
    %add3A_21 = arith.addf %mul3A_16, %add3A_20 : vector<10000x128xf32>
    %reduce_sum3A = arith.constant dense<0.000000e+00> : vector<128xf32>
    %reduce_sum3A_22 = vector.multi_reduction <add>, %add3A_21, %reduce_sum3A [0] : vector<10000x128xf32> to vector<128xf32>
    %broadcast_in_dim3A = vector.shape_cast %reduce_sum3A_22 : vector<128xf32> to vector<1x128xf32>
    %div3A = arith.constant 1.000000e+04 : f32
    %div3A_23 = vector.broadcast %div3A : f32 to vector<1x128xf32>
    %div3A_24 = arith.divf %broadcast_in_dim3A, %div3A_23 : vector<1x128xf32>
    %sub3A = vector.broadcast %div3A_24 : vector<1x128xf32> to vector<10000x128xf32>
    %sub3A_25 = arith.subf %add3A_21, %sub3A : vector<10000x128xf32>
    %integer_pow3A = arith.mulf %sub3A_25, %sub3A_25 : vector<10000x128xf32>
    %reduce_sum3A_26 = arith.constant dense<0.000000e+00> : vector<128xf32>
    %reduce_sum3A_27 = vector.multi_reduction <add>, %integer_pow3A, %reduce_sum3A_26 [0] : vector<10000x128xf32> to vector<128xf32>
    %broadcast_in_dim3A_28 = vector.shape_cast %reduce_sum3A_27 : vector<128xf32> to vector<1x128xf32>
    %div3A_29 = arith.constant 1.000000e+04 : f32
    %div3A_30 = vector.broadcast %div3A_29 : f32 to vector<1x128xf32>
    %div3A_31 = arith.divf %broadcast_in_dim3A_28, %div3A_30 : vector<1x128xf32>
    %sub3A_32 = vector.broadcast %div3A_24 : vector<1x128xf32> to vector<10000x128xf32>
    %sub3A_33 = arith.subf %add3A_21, %sub3A_32 : vector<10000x128xf32>
    %add3A_34 = arith.constant 9.99999974E-6 : f32
    %add3A_35 = vector.broadcast %add3A_34 : f32 to vector<1x128xf32>
    %add3A_36 = arith.addf %div3A_31, %add3A_35 : vector<1x128xf32>
    %rsqrt3A = math.rsqrt %add3A_36 : vector<1x128xf32>
    %mul3A_37 = vector.broadcast %rsqrt3A : vector<1x128xf32> to vector<10000x128xf32>
    %mul3A_38 = arith.mulf %sub3A_33, %mul3A_37 : vector<10000x128xf32>
    %get3A_39 = arith.constant 0 : index
    %get3A_40 = arith.constant 0 : index
    %get3A_41 = vector.load %arg4[%get3A_39, %get3A_40] : memref<1x128xf32, #tpu.memory_space<vmem>>, vector<1x128xf32>
    %mul3A_42 = vector.broadcast %get3A_41 : vector<1x128xf32> to vector<10000x128xf32>
    %mul3A_43 = arith.mulf %mul3A_38, %mul3A_42 : vector<10000x128xf32>
    %get3A_44 = arith.constant 0 : index
    %get3A_45 = arith.constant 0 : index
    %get3A_46 = vector.load %arg5[%get3A_44, %get3A_45] : memref<1x128xf32, #tpu.memory_space<vmem>>, vector<1x128xf32>
    %add3A_47 = vector.broadcast %get3A_46 : vector<1x128xf32> to vector<10000x128xf32>
    %add3A_48 = arith.addf %mul3A_43, %add3A_47 : vector<10000x128xf32>
    %max3A = arith.constant 0.000000e+00 : f32
    %max3A_49 = vector.broadcast %max3A : f32 to vector<10000x128xf32>
    %max3A_50 = arith.maximumf %add3A_48, %max3A_49 : vector<10000x128xf32>
    %get3A_51 = arith.constant 0 : index
    %get3A_52 = arith.constant 0 : index
    %get3A_53 = vector.load %arg6[%get3A_51, %get3A_52] : memref<128x128xf32, #tpu.memory_space<vmem>>, vector<128x128xf32>
    %dot_general3A = arith.constant dense<0.000000e+00> : vector<10000x128xf32>
    %dot_general3A_54 = tpu.matmul %max3A_50, %get3A_53, %dot_general3A {dimension_numbers = #tpu.dot_dimension_numbers<[1], [0], [0], [1], [0, 0, 1, 1], [], []>, transpose_lhs_hint = false} : vector<10000x128xf32>, vector<128x128xf32>, vector<10000x128xf32> -> vector<10000x128xf32>
    %get3A_55 = arith.constant 0 : index
    %get3A_56 = arith.constant 0 : index
    %get3A_57 = vector.load %arg2[%get3A_55, %get3A_56] : memref<10000x1xf32, #tpu.memory_space<vmem>>, vector<10000x1xf32>
    %mul3A_58 = vector.broadcast %get3A_57 : vector<10000x1xf32> to vector<10000x128xf32>
    %mul3A_59 = arith.mulf %dot_general3A_54, %mul3A_58 : vector<10000x128xf32>
    %swap3A = arith.constant 0 : index
    %swap3A_60 = arith.constant 0 : index
    %swap3A_61 = vector.load %arg7[%swap3A, %swap3A_60] : memref<10000x128xf32, #tpu.memory_space<vmem>>, vector<10000x128xf32>
    tpu.vector_store %arg7[%swap3A, %swap3A_60], %mul3A_59 {strides = array<i32>} : memref<10000x128xf32, #tpu.memory_space<vmem>>, vector<10000x128xf32>,
    return
  }
}

module attributes {stable_mosaic.version = 14 : i64} {
  func.func @_tc_post(%arg0: memref<2x10000x128xf32, #tpu.memory_space<vmem>>, %arg1: memref<10000x128xf32, #tpu.memory_space<vmem>>, %arg2: memref<10000x1xf32, #tpu.memory_space<vmem>>, %arg3: memref<1x128xf32, #tpu.memory_space<vmem>>, %arg4: memref<1x128xf32, #tpu.memory_space<vmem>>, %arg5: memref<1x128xf32, #tpu.memory_space<vmem>>, %arg6: memref<1x10000xi32, #tpu.memory_space<vmem>>, %arg7: memref<64x128xf32, #tpu.memory_space<vmem>>) attributes {dimension_semantics = [], scalar_prefetch = 0 : i64, scratch_operands = 0 : i64, tpu.core_type = #tpu.core_type<tc>} {
    %get3A = arith.constant 0 : index
    %get3A_0 = arith.constant 0 : index
    %get3A_1 = arith.constant 0 : index
    %get3A_2 = vector.load %arg0[%get3A, %get3A_0, %get3A_1] : memref<2x10000x128xf32, #tpu.memory_space<vmem>>, vector<1x10000x128xf32>
    %get3A_3 = vector.shape_cast %get3A_2 : vector<1x10000x128xf32> to vector<10000x128xf32>
    %get3A_4 = arith.constant 1 : index
    %get3A_5 = arith.constant 0 : index
    %get3A_6 = arith.constant 0 : index
    %get3A_7 = vector.load %arg0[%get3A_4, %get3A_5, %get3A_6] : memref<2x10000x128xf32, #tpu.memory_space<vmem>>, vector<1x10000x128xf32>
    %get3A_8 = vector.shape_cast %get3A_7 : vector<1x10000x128xf32> to vector<10000x128xf32>
    %add3A = arith.addf %get3A_3, %get3A_8 : vector<10000x128xf32>
    %get3A_9 = arith.constant 0 : index
    %get3A_10 = arith.constant 0 : index
    %get3A_11 = vector.load %arg1[%get3A_9, %get3A_10] : memref<10000x128xf32, #tpu.memory_space<vmem>>, vector<10000x128xf32>
    %add3A_12 = arith.addf %add3A, %get3A_11 : vector<10000x128xf32>
    %get3A_13 = arith.constant 0 : index
    %get3A_14 = arith.constant 0 : index
    %get3A_15 = vector.load %arg2[%get3A_13, %get3A_14] : memref<10000x1xf32, #tpu.memory_space<vmem>>, vector<10000x1xf32>
    %mul3A = vector.broadcast %get3A_15 : vector<10000x1xf32> to vector<10000x128xf32>
    %mul3A_16 = arith.mulf %add3A_12, %mul3A : vector<10000x128xf32>
    %get3A_17 = arith.constant 0 : index
    %get3A_18 = arith.constant 0 : index
    %get3A_19 = vector.load %arg3[%get3A_17, %get3A_18] : memref<1x128xf32, #tpu.memory_space<vmem>>, vector<1x128xf32>
    %add3A_20 = vector.broadcast %get3A_19 : vector<1x128xf32> to vector<10000x128xf32>
    %add3A_21 = arith.addf %mul3A_16, %add3A_20 : vector<10000x128xf32>
    %reduce_sum3A = arith.constant dense<0.000000e+00> : vector<128xf32>
    %reduce_sum3A_22 = vector.multi_reduction <add>, %add3A_21, %reduce_sum3A [0] : vector<10000x128xf32> to vector<128xf32>
    %broadcast_in_dim3A = vector.shape_cast %reduce_sum3A_22 : vector<128xf32> to vector<1x128xf32>
    %div3A = arith.constant 1.000000e+04 : f32
    %div3A_23 = vector.broadcast %div3A : f32 to vector<1x128xf32>
    %div3A_24 = arith.divf %broadcast_in_dim3A, %div3A_23 : vector<1x128xf32>
    %sub3A = vector.broadcast %div3A_24 : vector<1x128xf32> to vector<10000x128xf32>
    %sub3A_25 = arith.subf %add3A_21, %sub3A : vector<10000x128xf32>
    %integer_pow3A = arith.mulf %sub3A_25, %sub3A_25 : vector<10000x128xf32>
    %reduce_sum3A_26 = arith.constant dense<0.000000e+00> : vector<128xf32>
    %reduce_sum3A_27 = vector.multi_reduction <add>, %integer_pow3A, %reduce_sum3A_26 [0] : vector<10000x128xf32> to vector<128xf32>
    %broadcast_in_dim3A_28 = vector.shape_cast %reduce_sum3A_27 : vector<128xf32> to vector<1x128xf32>
    %div3A_29 = arith.constant 1.000000e+04 : f32
    %div3A_30 = vector.broadcast %div3A_29 : f32 to vector<1x128xf32>
    %div3A_31 = arith.divf %broadcast_in_dim3A_28, %div3A_30 : vector<1x128xf32>
    %sub3A_32 = vector.broadcast %div3A_24 : vector<1x128xf32> to vector<10000x128xf32>
    %sub3A_33 = arith.subf %add3A_21, %sub3A_32 : vector<10000x128xf32>
    %add3A_34 = arith.constant 9.99999974E-6 : f32
    %add3A_35 = vector.broadcast %add3A_34 : f32 to vector<1x128xf32>
    %add3A_36 = arith.addf %div3A_31, %add3A_35 : vector<1x128xf32>
    %rsqrt3A = math.rsqrt %add3A_36 : vector<1x128xf32>
    %mul3A_37 = vector.broadcast %rsqrt3A : vector<1x128xf32> to vector<10000x128xf32>
    %mul3A_38 = arith.mulf %sub3A_33, %mul3A_37 : vector<10000x128xf32>
    %get3A_39 = arith.constant 0 : index
    %get3A_40 = arith.constant 0 : index
    %get3A_41 = vector.load %arg4[%get3A_39, %get3A_40] : memref<1x128xf32, #tpu.memory_space<vmem>>, vector<1x128xf32>
    %mul3A_42 = vector.broadcast %get3A_41 : vector<1x128xf32> to vector<10000x128xf32>
    %mul3A_43 = arith.mulf %mul3A_38, %mul3A_42 : vector<10000x128xf32>
    %get3A_44 = arith.constant 0 : index
    %get3A_45 = arith.constant 0 : index
    %get3A_46 = vector.load %arg5[%get3A_44, %get3A_45] : memref<1x128xf32, #tpu.memory_space<vmem>>, vector<1x128xf32>
    %add3A_47 = vector.broadcast %get3A_46 : vector<1x128xf32> to vector<10000x128xf32>
    %add3A_48 = arith.addf %mul3A_43, %add3A_47 : vector<10000x128xf32>
    %iota3A = tpu.iota {dimensions = array<i32: 0>} : vector<64x10000xi32>
    %get3A_49 = arith.constant 0 : index
    %get3A_50 = arith.constant 0 : index
    %get3A_51 = vector.load %arg6[%get3A_49, %get3A_50] : memref<1x10000xi32, #tpu.memory_space<vmem>>, vector<1x10000xi32>
    %eq3A = vector.broadcast %get3A_51 : vector<1x10000xi32> to vector<64x10000xi32>
    %eq3A_52 = arith.cmpi eq, %iota3A, %eq3A : vector<64x10000xi32>
    %convert_element_type3A = arith.extui %eq3A_52 : vector<64x10000xi1> to vector<64x10000xi32>
    %convert_element_type3A_53 = arith.sitofp %convert_element_type3A : vector<64x10000xi32> to vector<64x10000xf32>
    %reduce_sum3A_54 = arith.constant dense<0.000000e+00> : vector<64xf32>
    %reduce_sum3A_55 = vector.multi_reduction <add>, %convert_element_type3A_53, %reduce_sum3A_54 [1] : vector<64x10000xf32> to vector<64xf32>
    %broadcast_in_dim3A_56 = vector.shape_cast %reduce_sum3A_55 : vector<64xf32> to vector<64x1xf32>
    %dot_general3A = arith.constant dense<0.000000e+00> : vector<64x128xf32>
    %dot_general3A_57 = tpu.matmul %convert_element_type3A_53, %add3A_48, %dot_general3A {dimension_numbers = #tpu.dot_dimension_numbers<[1], [0], [0], [1], [0, 0, 1, 1], [], []>, transpose_lhs_hint = false} : vector<64x10000xf32>, vector<10000x128xf32>, vector<64x128xf32> -> vector<64x128xf32>
    %max3A = arith.constant 1.000000e+00 : f32
    %max3A_58 = vector.broadcast %max3A : f32 to vector<64x1xf32>
    %max3A_59 = arith.maximumf %broadcast_in_dim3A_56, %max3A_58 : vector<64x1xf32>
    %div3A_60 = vector.broadcast %max3A_59 : vector<64x1xf32> to vector<64x128xf32>
    %div3A_61 = arith.divf %dot_general3A_57, %div3A_60 : vector<64x128xf32>
    %swap3A = arith.constant 0 : index
    %swap3A_62 = arith.constant 0 : index
    %swap3A_63 = vector.load %arg7[%swap3A, %swap3A_62] : memref<64x128xf32, #tpu.memory_space<vmem>>, vector<64x128xf32>
    tpu.vector_store %arg7[%swap3A, %swap3A_62], %div3A_61 {strides = array<i32>} : memref<64x128xf32, #tpu.memory_space<vmem>>, vector<64x128xf32>,
    return
  }
}

</mosaic_0001>

<sc_bundles>
// kernel: kernel.10.cloned.1.call-start
scs
__scs_entry_jumppad:
0x0: {  	(pc) =	sbr.rel $0x88, $3  }
0x1: {  	(tag) =	ssettag $0x0;
	lr =	simm.s32 $0x1  }
0x2: {  	[smem:$0x3F92] =	sst lr;
	_ =	strace $0xD0000000  }
0x3: {  	_ = 	snop  }
0x4: {  	_ = 	snop  }
0x5: {  	_ = 	snop  }
0x6: {  	_ = 	snop  }
0x7: {  	_ = 	snop  }
__scs_overlays_trampoline_lowered:
0x8: {  	[smem:$0x3FA1] =	sst s0  }
0x9: {  	[smem:$0x3FA2] =	sst s1  }
0xa: {  	[smem:$0x3FA3] =	sst s2  }
0xb: {  	[smem:$0x3FA4] =	sst s3  }
0xc: {  	[smem:$0x3FA5] =	sst s4  }
0xd: {  	[smem:$0x3FA6] =	sst s5  }
0xe: {  	[smem:$0x3FA7] =	sst s6  }
0xf: {  	[smem:$0x3FA8] =	sst s7  }
0x10: {  	[smem:$0x3FA9] =	sst s8  }
0x11: {  	[smem:$0x3FAA] =	sst s9;
	s0 =	simm.s32 @!p0 $0x0  }
0x12: {  	s1 =	sld [smem:$0x3F90];
	s0 =	simm.s32 @p0 $0x1  }
0x13: {  	[smem:$0x3FAB] =	sst s0;
	s0 =	simm.s32 @!p1 $0x0  }
0x14: {  	s2 =	sld [smem:$0x3F8F];
	s0 =	simm.s32 @p1 $0x1  }
0x15: {  	[smem:$0x3FAC] =	sst s0;
	s0 =	simm.s32 @!p2 $0x0  }
0x16: {  	s3 =	sld [smem:$0x3FDB];
	s0 =	simm.s32 @p2 $0x1  }
0x17: {  	s4 =	simm.s32 $0x1BF5;
	[smem:$0x3FAE] =	sst s0  }
0x18: {  	s0 =	sld [smem:$0x3F91];
	_ =	swait.ge [sflag:s4], $0x0  }
0x19: {  	s7 =	sld [smem:$0x3F92]  }
0x1a: {  	s8 =	sadd.s32 $0xFFFFE003, lr  }
0x1b: {  	s9 =	sadd.s32 $0xFFFFFEF7, lr;
	s5 =	simm.s32 $0xFFFFFFFF;
	p2 =	slt.u32 s8, $0xFFFFF086  }
0x1c: {  	p1 =	slt.u32 s9, $0xF7A;
	s5 =	simm.s32 @!p2 $0x0  }
0x1d: {  	s5 =	simm.s32 @p1 $0x1;
	p0 =	seq.s32 s7, s2  }
0x1e: {  	s7 =	smul.u32 @!p0 $0xF7A, s2;
	p2 =	seq.s32 @!p0 s5, $0x0  }
0x1f: {  	s9 =	smul.u32 $0xF7A, s1;
	s8 =	simm.s32 @!p0 $0x1BF5;
	p2 =	por !p2, p0  }
0x20: {  	[sflag:s8] =	ssyncset.s32 @!p0 $0xFFFFF086;
	s6 =	sadd.s32 @!p0 s3, s7;
	s7 =	simm.s32 @!p0 $0x108  }
0x21: {  	s3 =	sadd.s32 s3, s9;
	s6 =	sadd.s32 @!p0 $0x88, s6;
	s7 =	simm.s32 @p2 $0x1082  }
0x22: {  	[simem:s7], [sflag:s8] =	dma.local @!p0 [hbm:s6], $0xF7A  }
0x23: {  	s9 =	sor.u32 $0xD0000000, s2;
	s6 =	simm.s32 $0x108;
	_ =	swait.ge @!p0 [sflag:s8], $0x0  }
0x24: {  	s3 =	sadd.s32 $0x88, s3;
	s6 =	simm.s32 @!p1 $0x1082;
	[sflag:s4] =	ssyncset.s32 $0xFFFFF086  }
0x25: {  	[simem:s6], [sflag:s4] =	dma.local [hbm:s3], $0xF7A  }
0x26: {  	[smem:$0x3F92] =	sst s1;
	(tag) =	ssettag s2;
	_ =	strace s9  }
0x27: {  	s1 =	sld [smem:$0x3FA2]  }
0x28: {  	s2 =	sld [smem:$0x3FA3]  }
0x29: {  	s4 =	sld [smem:$0x3FA5]  }
0x2a: {  	p0 =	seq.s32 s5, $0x0;
	s5 =	sld [smem:$0x3FA6]  }
0x2b: {  	s6 =	sld [smem:$0x3FA7]  }
0x2c: {  	s7 =	sld [smem:$0x3FA8]  }
0x2d: {  	s3 =	simm.s32 $0x108;
	s8 =	sld [smem:$0x3FA9]  }
0x2e: {  	s3 =	simm.s32 @!p0 $0x1082;
	s9 =	sld [smem:$0x3FAA]  }
0x2f: {  	lr =	sadd.s32 s0, s3;
	s0 =	sld [smem:$0x3FA1]  }
0x30: {  	s3 =	sld [smem:$0x3FA4]  }
0x31: {  	[smem:$0x3FAD] =	sst s10  }
0x32: {  	s10 =	sld [smem:$0x3FAB];
	_ =	sdelay $0x3  }
0x33: {  	p0 =	seq.s32 s10, $0x1;
	s10 =	sld [smem:$0x3FAD];
	_ =	sdelay $0x3  }
0x34: {  	[smem:$0x3FAD] =	sst s10  }
0x35: {  	s10 =	sld [smem:$0x3FAC];
	_ =	sdelay $0x3  }
0x36: {  	p1 =	seq.s32 s10, $0x1;
	s10 =	sld [smem:$0x3FAD];
	_ =	sdelay $0x3  }
0x37: {  	[smem:$0x3FAD] =	sst s10  }
0x38: {  	s10 =	sld [smem:$0x3FAE]  }
0x39: {  	_ = 	snop;
	(pc) =	sbr.ind lr, $3  }
0x3a: {  	_ = 	snop  }
0x3b: {  	_ = 	snop  }
0x3c: {  	p2 =	seq.s32 s10, $0x1;
	s10 =	sld [smem:$0x3FAD]  }
0x3d: {  	_ =	shalt  }
0x3e: {  	_ =	shalt  }
0x3f: {  	_ =	shalt  }
0x40: {  	_ =	shalt  }
0x41: {  	_ =	shalt  }
0x42: {  	_ =	shalt  }
0x43: {  	_ =	shalt  }
0x44: {  	_ =	shalt  }
0x45: {  	_ =	shalt  }
0x46: {  	_ =	shalt  }
0x47: {  	_ =	shalt  }
0x48: {  	_ =	shalt  }
0x49: {  	_ =	shalt  }
0x4a: {  	_ =	shalt  }
0x4b: {  	_ =	shalt  }
0x4c: {  	_ =	shalt  }
0x4d: {  	_ =	shalt  }
0x4e: {  	_ =	shalt  }
0x4f: {  	_ =	shalt  }
0x50: {  	_ =	shalt  }
0x51: {  	_ =	shalt  }
0x52: {  	_ =	shalt  }
0x53: {  	_ =	shalt  }
0x54: {  	_ =	shalt  }
0x55: {  	_ =	shalt  }
0x56: {  	_ =	shalt  }
0x57: {  	_ =	shalt  }
0x58: {  	_ =	shalt  }
0x59: {  	_ =	shalt  }
0x5a: {  	_ =	shalt  }
0x5b: {  	_ =	shalt  }
0x5c: {  	_ =	shalt  }
0x5d: {  	_ =	shalt  }
0x5e: {  	_ =	shalt  }
0x5f: {  	_ =	shalt  }
0x60: {  	_ =	shalt  }
0x61: {  	_ =	shalt  }
0x62: {  	_ =	shalt  }
0x63: {  	_ =	shalt  }
0x64: {  	_ =	shalt  }
0x65: {  	_ =	shalt  }
0x66: {  	_ =	shalt  }
0x67: {  	_ =	shalt  }
0x68: {  	_ =	shalt  }
0x69: {  	_ =	shalt  }
0x6a: {  	_ =	shalt  }
0x6b: {  	_ =	shalt  }
0x6c: {  	_ =	shalt  }
0x6d: {  	_ =	shalt  }
0x6e: {  	_ =	shalt  }
0x6f: {  	_ =	shalt  }
0x70: {  	_ =	shalt  }
0x71: {  	_ =	shalt  }
0x72: {  	_ =	shalt  }
0x73: {  	_ =	shalt  }
0x74: {  	_ =	shalt  }
0x75: {  	_ =	shalt  }
0x76: {  	_ =	shalt  }
0x77: {  	_ =	shalt  }
0x78: {  	_ =	shalt  }
0x79: {  	_ =	shalt  }
0x7a: {  	_ =	shalt  }
0x7b: {  	_ =	shalt  }
0x7c: {  	_ =	shalt  }
0x7d: {  	_ =	shalt  }
0x7e: {  	_ =	shalt  }
0x7f: {  	_ =	shalt  }
0x80: {  	_ =	shalt  }
0x81: {  	_ =	shalt  }
0x82: {  	_ =	shalt  }
0x83: {  	_ =	shalt  }
0x84: {  	_ =	shalt  }
0x85: {  	_ =	shalt  }
0x86: {  	_ =	shalt  }
0x87: {  	_ =	shalt  }
.Lfunc_end0:
.L_simem_size_0:
called_computation_lowered:
.L_overlay_start_0:
0x88: {  	s2 =	sld [smem:$0x3FD9]  }
0x89: {  	s3 =	sld [smem:$0x3FFE];
	_ =	sdelay $0x1  }
0x8a: {  	s1 =	srdreg.scid  }
0x8b: {  	s0 =	sand.u32 $0x1, s1  }
0x8c: {  	s16 =	sshll.u32 s0, $0xA;
	s2 =	sadd.s32 s3, s2  }
0x8d: {  	s2 =	sadd.s32 s2, s16  }
0x8e: {  	[smem:$0x3FB9] =	sst s2  }
0x8f: {  	_ = 	snop  }
0x90: {  	(tm) =	ssettm $0x1  }
0x91: {  	s17 =	sld [smem:$0x3FFB];
	_ =	sdelay $0x3  }
0x92: {  	_ =	strace s17  }
0x93: {  	s2 =	sld [smem:$0x3FFC];
	_ =	sdelay $0x3  }
0x94: {  	_ =	strace s2  }
0x95: {  	s2 =	sld [smem:$0x3FFD];
	_ =	sdelay $0x3  }
0x96: {  	_ =	strace s2  }
0x97: {  	_ =	strace $0x8FFFFFFF  }
0x98: {  	s18 =	sld [smem:$0x3FDB];
	_ =	sdelay $0x1  }
0x99: {  	s19 =	simm.s32 $_scs_section_size  }
0x9a: {  	s4 =	simm.s32 $_size__tile_overlayer_lowered;
	s5 =	simm.s32 $_tile_overlayer_lowered  }
0x9b: {  	s22 =	simm.s32 $0x1BFF;
	s21 =	sshll.u32 s5, $0x1;
	s2 =	sadd.s32 s19, s18  }
0x9c: {  	s6 =	simm.s32 $0x0;
	s20 =	sshll.u32 s4, $0x1;
	s4 =	sadd.s32 s21, s2  }
0x9d: {  	[timem:s6], [sflag:s22] =	dma.local [hbm:s4], s20  }
0x9e: {  	_ =	swait.ge [sflag:s22], s20  }
0x9f: {  	s3 =	ssub.s32 $0x0, s20;
	[sflag:s22] =	ssyncset.done $0x0  }
0xa0: {  	[sflag:s22] =	ssyncadd.s32 s3;
	_ =	sdelay $0x1  }
0xa1: {  	s23 =	simm.s32 $0x1B8B  }
0xa2: {  	_ =	swait.ge [sflag:s23], $0x1  }
0xa3: {  	[sflag:s23] =	ssyncset.done $0x0  }
0xa4: {  	s25 =	simm.s32 $0x1B8E;
	s24 =	sld [smem:$0x3FFE];
	[sflag:s23] =	ssyncadd.s32 $0xFFFFFFFF  }
0xa5: {  	s26 =	simm.s32 $execute0_lowered;
	[smem:$0x3FD2] =	sst s25  }
0xa6: {  	s4 =	sshll.u32 s26, $0x1;
	_ =	strace $0x80000046;
	[dreg:$0x1] =	wrdreg $0xFFFFFFFF  }
0xa7: {  	s28 =	simm.s32 $_size_execute0_lowered;
	s2 =	sadd.s32 s2, s4;
	[dreg:$0x0] =	wrdreg $0x0  }
0xa8: {  	s4 =	sshll.u32 s28, $0x1;
	[dreg:$0x2] =	wrdreg s2  }
0xa9: {  	[dreg:$0x3] =	wrdreg s4  }
0xaa: {  	[dreg:$0x4] =	wrdreg $0xC0  }
0xab: {  	_ =	task [dreg:s6], $0x5FFFF  }
0xac: {  	[dreg:$0x1] =	wrdreg $0xFFFFFFFF  }
0xad: {  	[dreg:$0x0] =	wrdreg $0x60  }
0xae: {  	[dreg:$0x2] =	wrdreg s24  }
0xaf: {  	[dreg:$0x3] =	wrdreg $0x5FA00  }
0xb0: {  	[dreg:$0x4] =	wrdreg $0x9  }
0xb1: {  	_ =	task.clear_ibuf [dreg:s6], $0x5FFFF;
	_ =	strace $0x90000046  }
0xb2: {  	s29 =	simm.s32 $0x9;
	_ =	strace $0x80000048  }
0xb3: {  	_ =	swait.ge [sflag:s29], $0x1  }
0xb4: {  	[sflag:s29] =	ssyncadd.s32 $0xFFFFFFFF  }
0xb5: {  	_ =	strace $0x90000048  }
0xb6: {  	_ =	sfence  }
0xb7: {  	s30 =	sld [smem:$0x0];
	_ =	sdelay $0x2  }
0xb8: {  	s31 =	sshll.u32 s1, $0xD;
	s1 =	sshrl.u32 s1, $0x2  }
0xb9: {  	s3 =	sand.u32 $0x4000, s31;
	s1 =	sadd.s32 s1, s30  }
0xba: {  	s0 =	sor.u32 s3, s0;
	s1 =	sshll.u32 s1, $0x11  }
0xbb: {  	s0 =	sor.u32 s1, s0  }
0xbc: {  	s0 =	sadd.s32 $0x8F2B, s0  }
0xbd: {  	[sflag:s0] =	ssyncadd.remote.s32 $0x1  }
0xbe: {  	_ =	sfence.sel $0xFFFF  }
0xbf: {  	[dreg:$0x0] =	wrdreg $0xFFFFFFFF;
	(pc) =	sbr.abs _section_cstart, $3  }
0xc0: {  	[dreg:$0x1] =	wrdreg $0xFFFFFFFF  }
0xc1: {  	_ =	task.clear_ibuf [dreg:s6], $0x2FFFF;
	_ =	strace $0x9FFFFFFF  }
0xc2: {  	(tm) =	ssettm $0x7FFFFFFF  }
0xc3: {  	_ =	shalt  }
tec
execute0_lowered:
.L_overlay_start_1:
0x0: {  	(tag) =	ssettag $0x1  }
0x1: {  	s4 =	rddreg [dreg:$0x0]  }
0x2: {  	s1 =	rddreg [dreg:$0x1]  }
0x3: {  	s0 =	rddreg [dreg:$0x2];
	s2 =	simm.s32 $0x0;
	s3 =	stileid.u32  }
0x4: {  	s6 =	srdreg.scid;
	s24 =	simm.s32 $0x57D0;
	s25 =	simm.s32 $0x7D  }
0x5: {  	s26 =	simm.s32 $0x5000;
	s28 =	simm.s32 $0x0;
	s5 =	smul.u32 $0xA00, s3  }
0x6: {  	[smem:$0x7FF] =	sst s2;
	s18 =	sand.u32 $0x1, s6;
	s30 =	smul.u32 $0x9C00, s3  }
0x7: {  	s20 =	sadd.s32 $0xEC00, s4;
	s19 =	smul.u32 $0x2700, s3;
	p0 =	sne.s32 s3, $0x0  }
0x8: {  	_ =	strace $0x80000047;
	s31 =	ssub.s32 $0x2, s18;
	s22 =	smul.u32 $0x27100, s18  }
0x9: {  	s23 =	smul.u32 $0xA000, s18;
	s18 =	sadd.s32 $0x27000, s1;
	s7 =	sshrl.u32 s31, $0x1  }
0xa: {  	s5 =	sadd.s32 s5, s4;
	s6 =	sshrl.u32 s30, $0x2;
	s21 =	ssub.s32 s31, s7  }
0xb: {  	s4 =	sadd.s32 $0x4C00, s5;
	s17 =	sadd.s32 s6, s1;
	s5 =	sadd.s32 s19, s1  }
0xc: {  	s19 =	sadd.s32 s19, s22;
	s22 =	sshrl.u32 s22, $0x3;
	s6 =	sadd.s32 $0x300, s17  }
0xd: {  	s7 =	sadd.s32 $0x600, s17;
	s8 =	sadd.s32 $0x900, s17;
	s9 =	sadd.s32 $0xC00, s17  }
0xe: {  	s10 =	sadd.s32 $0xF00, s17;
	s11 =	sadd.s32 $0x1200, s17;
	s12 =	sadd.s32 $0x1500, s17  }
0xf: {  	s13 =	sadd.s32 $0x1800, s17;
	s14 =	sadd.s32 $0x1B00, s17;
	s15 =	sadd.s32 $0x1E00, s17  }
0x10: {  	s16 =	sadd.s32 $0x2100, s17;
	s17 =	sadd.s32 $0x2400, s17;
	s19 =	sshrl.u32 s19, $0x3  }
0x11: {  	s21 =	smax.u32 s21, $0x1;
	s19 =	sadd.s32 s20, s19;
	s20 =	sadd.s32 s20, s22  }
0x12: {  	v0 =	vimm.f32 $1.000000000e+00;
	v1 =	vimm.f32 $0.0e+00;
	s22 =	sshrl.u32 s23, $0x2;
	s23 =	simm.s32 $0x1;
	s20 =	sadd.s32 $0x4E00, s20  }
.LBB2_1:
0x13: {  	[tilespmem:s2], [sflag:$0x1] =	stream.linear.gather [hbm4b:s4+s2], $0x5000, $0x38;
	[tilespmem:$0x86B0] =	vst v63  }
0x14: {  	_ =	swait.ge [sflag:s23], $0x5000  }
0x15: {  	[sflag:s23] =	ssyncset.done $0x0  }
0x16: {  	s29 =	simm.s32 $0x40;
	s30 =	simm.s32 $0x0;
	[sflag:s23] =	ssyncadd.s32 $0xFFFFB000  }
.LBB2_2:
0x17: {  	p1 =	sne.s32 s29, $0x1F00;
	[tilespmem:s30+$0x5000] =	vst v0;
	s31 =	smov.u32 s29;
	s29 =	sadd.s32 $0x40, s29  }
.Ltmp0:
0x18: {  	[tilespmem:s30+$0x57D0] =	vst v1;
	(pc) =	sbr.rel @p1 .LBB2_2-.Ltmp0, $2  }
0x19: {  	_ =	sdelay $0x2  }
0x1a: {  	s30 =	sshra.s32 s31, $0x2  }
0x1b: {  	[tilespmem:s30+$0x5000] =	vst v0  }
0x1c: {  	[tilespmem:s30+$0x57D0] =	vst v1  }
0x1d: {  	[spmem:s5] =	stream.linear.scatter [tilespmem:s24], [sflag:$0x1], $0x300, $0x38;
	[tilespmem:$0x86B0] =	vst v63  }
0x1e: {  	_ =	swait.ge [sflag:s23], $0x300  }
0x1f: {  	[sflag:s23] =	ssyncset.done $0x0  }
0x20: {  	[sflag:s23] =	ssyncadd.s32 $0xFFFFFD00  }
0x21: {  	[spmem:s6] =	stream.linear.scatter [tilespmem:s24], [sflag:$0x1], $0x300, $0x38;
	[tilespmem:$0x86B0] =	vst v63  }
0x22: {  	_ =	swait.ge [sflag:s23], $0x300  }
0x23: {  	[sflag:s23] =	ssyncset.done $0x0  }
0x24: {  	[sflag:s23] =	ssyncadd.s32 $0xFFFFFD00  }
0x25: {  	[spmem:s7] =	stream.linear.scatter [tilespmem:s24], [sflag:$0x1], $0x300, $0x38;
	[tilespmem:$0x86B0] =	vst v63  }
0x26: {  	_ =	swait.ge [sflag:s23], $0x300  }
0x27: {  	[sflag:s23] =	ssyncset.done $0x0  }
0x28: {  	[sflag:s23] =	ssyncadd.s32 $0xFFFFFD00  }
0x29: {  	[spmem:s8] =	stream.linear.scatter [tilespmem:s24], [sflag:$0x1], $0x300, $0x38;
	[tilespmem:$0x86B0] =	vst v63  }
0x2a: {  	_ =	swait.ge [sflag:s23], $0x300  }
0x2b: {  	[sflag:s23] =	ssyncset.done $0x0  }
0x2c: {  	[sflag:s23] =	ssyncadd.s32 $0xFFFFFD00  }
0x2d: {  	[spmem:s9] =	stream.linear.scatter [tilespmem:s24], [sflag:$0x1], $0x300, $0x38;
	[tilespmem:$0x86B0] =	vst v63  }
0x2e: {  	_ =	swait.ge [sflag:s23], $0x300  }
0x2f: {  	[sflag:s23] =	ssyncset.done $0x0  }
0x30: {  	[sflag:s23] =	ssyncadd.s32 $0xFFFFFD00  }
0x31: {  	[spmem:s10] =	stream.linear.scatter [tilespmem:s24], [sflag:$0x1], $0x300, $0x38;
	[tilespmem:$0x86B0] =	vst v63  }
0x32: {  	_ =	swait.ge [sflag:s23], $0x300  }
0x33: {  	[sflag:s23] =	ssyncset.done $0x0  }
0x34: {  	[sflag:s23] =	ssyncadd.s32 $0xFFFFFD00  }
0x35: {  	[spmem:s11] =	stream.linear.scatter [tilespmem:s24], [sflag:$0x1], $0x300, $0x38;
	[tilespmem:$0x86B0] =	vst v63  }
0x36: {  	_ =	swait.ge [sflag:s23], $0x300  }
0x37: {  	[sflag:s23] =	ssyncset.done $0x0  }
0x38: {  	[sflag:s23] =	ssyncadd.s32 $0xFFFFFD00  }
0x39: {  	[spmem:s12] =	stream.linear.scatter [tilespmem:s24], [sflag:$0x1], $0x300, $0x38;
	[tilespmem:$0x86B0] =	vst v63  }
0x3a: {  	_ =	swait.ge [sflag:s23], $0x300  }
0x3b: {  	[sflag:s23] =	ssyncset.done $0x0  }
0x3c: {  	[sflag:s23] =	ssyncadd.s32 $0xFFFFFD00  }
0x3d: {  	[spmem:s13] =	stream.linear.scatter [tilespmem:s24], [sflag:$0x1], $0x300, $0x38;
	[tilespmem:$0x86B0] =	vst v63  }
0x3e: {  	_ =	swait.ge [sflag:s23], $0x300  }
0x3f: {  	[sflag:s23] =	ssyncset.done $0x0  }
0x40: {  	[sflag:s23] =	ssyncadd.s32 $0xFFFFFD00  }
0x41: {  	[spmem:s14] =	stream.linear.scatter [tilespmem:s24], [sflag:$0x1], $0x300, $0x38;
	[tilespmem:$0x86B0] =	vst v63  }
0x42: {  	_ =	swait.ge [sflag:s23], $0x300  }
0x43: {  	[sflag:s23] =	ssyncset.done $0x0  }
0x44: {  	[sflag:s23] =	ssyncadd.s32 $0xFFFFFD00  }
0x45: {  	[spmem:s15] =	stream.linear.scatter [tilespmem:s24], [sflag:$0x1], $0x300, $0x38;
	[tilespmem:$0x86B0] =	vst v63  }
0x46: {  	_ =	swait.ge [sflag:s23], $0x300  }
0x47: {  	[sflag:s23] =	ssyncset.done $0x0  }
0x48: {  	[sflag:s23] =	ssyncadd.s32 $0xFFFFFD00  }
0x49: {  	[spmem:s16] =	stream.linear.scatter [tilespmem:s24], [sflag:$0x1], $0x300, $0x38;
	[tilespmem:$0x86B0] =	vst v63  }
0x4a: {  	_ =	swait.ge [sflag:s23], $0x300  }
0x4b: {  	[sflag:s23] =	ssyncset.done $0x0  }
0x4c: {  	[sflag:s23] =	ssyncadd.s32 $0xFFFFFD00  }
0x4d: {  	[spmem:s17] =	stream.linear.scatter [tilespmem:s24], [sflag:$0x1], $0x300, $0x38;
	[tilespmem:$0x86B0] =	vst v63  }
0x4e: {  	_ =	swait.ge [sflag:s23], $0x300  }
0x4f: {  	[sflag:s23] =	ssyncset.done $0x0  }
0x50: {  	s29 =	simm.s32 @!p0 $0x57D0;
	[sflag:s23] =	ssyncadd.s32 $0xFFFFFD00  }
0x51: {  	[spmem:s18] =	stream.linear.scatter @!p0 [tilespmem:s29], [sflag:$0x1], $0x100, $0x38;
	[tilespmem:$0x86B0] =	vst v63  }
0x52: {  	s29 =	simm.s32 @!p0 $0x1  }
0x53: {  	_ =	swait.ge @!p0 [sflag:s29], $0x100  }
0x54: {  	[sflag:s29] =	ssyncset.done @!p0 $0x0  }
0x55: {  	[sflag:s29] =	ssyncadd.s32 @!p0 $0xFFFFFF00  }
0x56: {  	s29 =	sadd.s32 $0x0, s22;
	[bflag:$0x0] =	sbarrier.arrive $0xFFFF  }
0x57: {  	[spmem:s1] =	stream.indirect.scatter.add.f32 [tilespmem:s26], [sflag:$0x1], $0x10, s29, s25, $0xb8;
	[tilespmem:$0x86B0] =	vst v63  }
0x58: {  	s29 =	simm.s32 $0x200;
	_ =	swait.ge [sflag:s23], $0x7D0  }
.LBB2_4:
0x59: {  	s30 =	sshra.s32 s29, $0x2;
	[sflag:s23] =	ssyncset.done $0x0;
	p1 =	sne.s32 s29, $0x9E00  }
.Ltmp1:
0x5a: {  	s30 =	sadd.s32 s30, s22;
	[sflag:s23] =	ssyncadd.s32 $0xFFFFF830;
	(pc) =	sbr.rel @p1 .LBB2_4-.Ltmp1, $3  }
0x5b: {  	[spmem:s1] =	stream.indirect.scatter.add.f32 [tilespmem:s26], [sflag:$0x1], $0x10, s30, s25, $0xb8;
	[tilespmem:$0x86B0] =	vst v63  }
0x5c: {  	s29 =	sadd.s32 $0x200, s29;
	_ =	sdelay $0x1  }
0x5d: {  	_ =	swait.ge [sflag:s23], $0x7D0  }
0x5e: {  	[sflag:s23] =	ssyncset.done $0x0  }
0x5f: {  	s29 =	sshll.u32 s3, $0x6;
	[sflag:s23] =	ssyncadd.s32 $0xFFFFF830  }
0x60: {  	s30 =	sshrl.u32 s5, $0x3;
	s29 =	sor.u32 $0x1C01, s29;
	[bflag:$0x0] =	sbarrier.arrive $0xFFFF  }
0x61: {  	[hbm:s19], [sflag:s29] =	dma.local [spmem:s30], $0x4E0  }
0x62: {  	_ =	swait.ge [sflag:s23], $0x4E0  }
0x63: {  	s28 =	sadd.s32 $0x1, s28;
	[sflag:s23] =	ssyncset.done $0x0  }
0x64: {  	p1 =	sne.s32 s28, s21;
	s30 =	sshrl.u32 @!p0 s18, $0x3;
	[sflag:s23] =	ssyncadd.s32 $0xFFFFFB20  }
0x65: {  	[hbm:s20], [sflag:s29] =	dma.local @!p0 [spmem:s30], $0x20  }
.Ltmp2:
0x66: {  	_ = 	snop;
	(pc) =	sbr.rel @p1 .LBB2_1-.Ltmp2, $4  }
0x67: {  	s29 =	simm.s32 @!p0 $0x1  }
0x68: {  	_ =	swait.ge @!p0 [sflag:s29], $0x20  }
0x69: {  	[sflag:s29] =	ssyncset.done @!p0 $0x0  }
0x6a: {  	[sflag:s29] =	ssyncadd.s32 @!p0 $0xFFFFFFE0  }
0x6b: {  	_ =	sfence.sel $0x180000  }
0x6c: {  	[bflag:$0x0] =	sbarrier.arrive $0xFFFF  }
0x6d: {  	_ =	strace $0x90000047  }
0x6e: {  	s0 =	sadd.s32 @!p0 $0x100000, s0;
	[bflag:$0x2] =	sbarrier.arrive $0xFFFF  }
0x6f: {  	[sflag:s0] =	ssyncadd.tile.s32 @!p0 $0x1;
	_ =	shalt  }
.Lfunc_end2:
_tile_overlayer_lowered:
.L_overlay_start_2:
0x70: {  	(tag) =	ssettag $0x2  }
0x71: {  	s0 =	rddreg [dreg:$0x0];
	s2 =	stileid.u32  }
0x72: {  	s1 =	rddreg [dreg:$0x1];
	p0 =	sne.s32 s2, $0x0  }
0x73: {  	s3 =	rddreg [dreg:$0x2];
	[bflag:$0x3] =	sbarrier.arrive $0xFFFF;
	s2 =	simm.s32 @!p0 $0x1C01  }
0x74: {  	[timem:s3], [sflag:s2] =	dma.local @!p0 [hbm:s0], s1  }
0x75: {  	s0 =	simm.s32 @!p0 $0x1  }
0x76: {  	_ =	swait.ge @!p0 [sflag:s0], s1  }
0x77: {  	s1 =	ssub.s32 @!p0 $0x0, s1;
	[sflag:s0] =	ssyncset.done @!p0 $0x0  }
0x78: {  	[sflag:s0] =	ssyncadd.s32 @!p0 s1  }
0x79: {  	[bflag:$0x3] =	sbarrier.arrive $0xFFFF  }
0x7a: {  	_ =	shalt  }

// kernel: kernel.13.cloned.1.call-start
scs
__scs_entry_jumppad:
0x0: {  	(pc) =	sbr.rel $0x88, $3  }
0x1: {  	(tag) =	ssettag $0x0;
	lr =	simm.s32 $0x1  }
0x2: {  	[smem:$0x3F92] =	sst lr;
	_ =	strace $0xD0000000  }
0x3: {  	_ = 	snop  }
0x4: {  	_ = 	snop  }
0x5: {  	_ = 	snop  }
0x6: {  	_ = 	snop  }
0x7: {  	_ = 	snop  }
__scs_overlays_trampoline_lowered:
0x8: {  	[smem:$0x3FA1] =	sst s0  }
0x9: {  	[smem:$0x3FA2] =	sst s1  }
0xa: {  	[smem:$0x3FA3] =	sst s2  }
0xb: {  	[smem:$0x3FA4] =	sst s3  }
0xc: {  	[smem:$0x3FA5] =	sst s4  }
0xd: {  	[smem:$0x3FA6] =	sst s5  }
0xe: {  	[smem:$0x3FA7] =	sst s6  }
0xf: {  	[smem:$0x3FA8] =	sst s7  }
0x10: {  	[smem:$0x3FA9] =	sst s8  }
0x11: {  	[smem:$0x3FAA] =	sst s9;
	s0 =	simm.s32 @!p0 $0x0  }
0x12: {  	s1 =	sld [smem:$0x3F90];
	s0 =	simm.s32 @p0 $0x1  }
0x13: {  	[smem:$0x3FAB] =	sst s0;
	s0 =	simm.s32 @!p1 $0x0  }
0x14: {  	s2 =	sld [smem:$0x3F8F];
	s0 =	simm.s32 @p1 $0x1  }
0x15: {  	[smem:$0x3FAC] =	sst s0;
	s0 =	simm.s32 @!p2 $0x0  }
0x16: {  	s3 =	sld [smem:$0x3FDB];
	s0 =	simm.s32 @p2 $0x1  }
0x17: {  	s4 =	simm.s32 $0x1BF5;
	[smem:$0x3FAE] =	sst s0  }
0x18: {  	s0 =	sld [smem:$0x3F91];
	_ =	swait.ge [sflag:s4], $0x0  }
0x19: {  	s7 =	sld [smem:$0x3F92]  }
0x1a: {  	s8 =	sadd.s32 $0xFFFFE003, lr  }
0x1b: {  	s9 =	sadd.s32 $0xFFFFFEF7, lr;
	s5 =	simm.s32 $0xFFFFFFFF;
	p2 =	slt.u32 s8, $0xFFFFF086  }
0x1c: {  	p1 =	slt.u32 s9, $0xF7A;
	s5 =	simm.s32 @!p2 $0x0  }
0x1d: {  	s5 =	simm.s32 @p1 $0x1;
	p0 =	seq.s32 s7, s2  }
0x1e: {  	s7 =	smul.u32 @!p0 $0xF7A, s2;
	p2 =	seq.s32 @!p0 s5, $0x0  }
0x1f: {  	s9 =	smul.u32 $0xF7A, s1;
	s8 =	simm.s32 @!p0 $0x1BF5;
	p2 =	por !p2, p0  }
0x20: {  	[sflag:s8] =	ssyncset.s32 @!p0 $0xFFFFF086;
	s6 =	sadd.s32 @!p0 s3, s7;
	s7 =	simm.s32 @!p0 $0x108  }
0x21: {  	s3 =	sadd.s32 s3, s9;
	s6 =	sadd.s32 @!p0 $0x88, s6;
	s7 =	simm.s32 @p2 $0x1082  }
0x22: {  	[simem:s7], [sflag:s8] =	dma.local @!p0 [hbm:s6], $0xF7A  }
0x23: {  	s9 =	sor.u32 $0xD0000000, s2;
	s6 =	simm.s32 $0x108;
	_ =	swait.ge @!p0 [sflag:s8], $0x0  }
0x24: {  	s3 =	sadd.s32 $0x88, s3;
	s6 =	simm.s32 @!p1 $0x1082;
	[sflag:s4] =	ssyncset.s32 $0xFFFFF086  }
0x25: {  	[simem:s6], [sflag:s4] =	dma.local [hbm:s3], $0xF7A  }
0x26: {  	[smem:$0x3F92] =	sst s1;
	(tag) =	ssettag s2;
	_ =	strace s9  }
0x27: {  	s1 =	sld [smem:$0x3FA2]  }
0x28: {  	s2 =	sld [smem:$0x3FA3]  }
0x29: {  	s4 =	sld [smem:$0x3FA5]  }
0x2a: {  	p0 =	seq.s32 s5, $0x0;
	s5 =	sld [smem:$0x3FA6]  }
0x2b: {  	s6 =	sld [smem:$0x3FA7]  }
0x2c: {  	s7 =	sld [smem:$0x3FA8]  }
0x2d: {  	s3 =	simm.s32 $0x108;
	s8 =	sld [smem:$0x3FA9]  }
0x2e: {  	s3 =	simm.s32 @!p0 $0x1082;
	s9 =	sld [smem:$0x3FAA]  }
0x2f: {  	lr =	sadd.s32 s0, s3;
	s0 =	sld [smem:$0x3FA1]  }
0x30: {  	s3 =	sld [smem:$0x3FA4]  }
0x31: {  	[smem:$0x3FAD] =	sst s10  }
0x32: {  	s10 =	sld [smem:$0x3FAB];
	_ =	sdelay $0x3  }
0x33: {  	p0 =	seq.s32 s10, $0x1;
	s10 =	sld [smem:$0x3FAD];
	_ =	sdelay $0x3  }
0x34: {  	[smem:$0x3FAD] =	sst s10  }
0x35: {  	s10 =	sld [smem:$0x3FAC];
	_ =	sdelay $0x3  }
0x36: {  	p1 =	seq.s32 s10, $0x1;
	s10 =	sld [smem:$0x3FAD];
	_ =	sdelay $0x3  }
0x37: {  	[smem:$0x3FAD] =	sst s10  }
0x38: {  	s10 =	sld [smem:$0x3FAE]  }
0x39: {  	_ = 	snop;
	(pc) =	sbr.ind lr, $3  }
0x3a: {  	_ = 	snop  }
0x3b: {  	_ = 	snop  }
0x3c: {  	p2 =	seq.s32 s10, $0x1;
	s10 =	sld [smem:$0x3FAD]  }
0x3d: {  	_ =	shalt  }
0x3e: {  	_ =	shalt  }
0x3f: {  	_ =	shalt  }
0x40: {  	_ =	shalt  }
0x41: {  	_ =	shalt  }
0x42: {  	_ =	shalt  }
0x43: {  	_ =	shalt  }
0x44: {  	_ =	shalt  }
0x45: {  	_ =	shalt  }
0x46: {  	_ =	shalt  }
0x47: {  	_ =	shalt  }
0x48: {  	_ =	shalt  }
0x49: {  	_ =	shalt  }
0x4a: {  	_ =	shalt  }
0x4b: {  	_ =	shalt  }
0x4c: {  	_ =	shalt  }
0x4d: {  	_ =	shalt  }
0x4e: {  	_ =	shalt  }
0x4f: {  	_ =	shalt  }
0x50: {  	_ =	shalt  }
0x51: {  	_ =	shalt  }
0x52: {  	_ =	shalt  }
0x53: {  	_ =	shalt  }
0x54: {  	_ =	shalt  }
0x55: {  	_ =	shalt  }
0x56: {  	_ =	shalt  }
0x57: {  	_ =	shalt  }
0x58: {  	_ =	shalt  }
0x59: {  	_ =	shalt  }
0x5a: {  	_ =	shalt  }
0x5b: {  	_ =	shalt  }
0x5c: {  	_ =	shalt  }
0x5d: {  	_ =	shalt  }
0x5e: {  	_ =	shalt  }
0x5f: {  	_ =	shalt  }
0x60: {  	_ =	shalt  }
0x61: {  	_ =	shalt  }
0x62: {  	_ =	shalt  }
0x63: {  	_ =	shalt  }
0x64: {  	_ =	shalt  }
0x65: {  	_ =	shalt  }
0x66: {  	_ =	shalt  }
0x67: {  	_ =	shalt  }
0x68: {  	_ =	shalt  }
0x69: {  	_ =	shalt  }
0x6a: {  	_ =	shalt  }
0x6b: {  	_ =	shalt  }
0x6c: {  	_ =	shalt  }
0x6d: {  	_ =	shalt  }
0x6e: {  	_ =	shalt  }
0x6f: {  	_ =	shalt  }
0x70: {  	_ =	shalt  }
0x71: {  	_ =	shalt  }
0x72: {  	_ =	shalt  }
0x73: {  	_ =	shalt  }
0x74: {  	_ =	shalt  }
0x75: {  	_ =	shalt  }
0x76: {  	_ =	shalt  }
0x77: {  	_ =	shalt  }
0x78: {  	_ =	shalt  }
0x79: {  	_ =	shalt  }
0x7a: {  	_ =	shalt  }
0x7b: {  	_ =	shalt  }
0x7c: {  	_ =	shalt  }
0x7d: {  	_ =	shalt  }
0x7e: {  	_ =	shalt  }
0x7f: {  	_ =	shalt  }
0x80: {  	_ =	shalt  }
0x81: {  	_ =	shalt  }
0x82: {  	_ =	shalt  }
0x83: {  	_ =	shalt  }
0x84: {  	_ =	shalt  }
0x85: {  	_ =	shalt  }
0x86: {  	_ =	shalt  }
0x87: {  	_ =	shalt  }
.Lfunc_end0:
.L_simem_size_0:
called_computation.1_lowered:
.L_overlay_start_0:
0x88: {  	s2 =	sld [smem:$0x3FD9]  }
0x89: {  	s3 =	sld [smem:$0x3FFE];
	_ =	sdelay $0x1  }
0x8a: {  	s1 =	srdreg.scid  }
0x8b: {  	s0 =	sand.u32 $0x1, s1  }
0x8c: {  	s16 =	sshll.u32 s0, $0xA;
	s2 =	sadd.s32 s3, s2  }
0x8d: {  	s2 =	sadd.s32 s2, s16  }
0x8e: {  	[smem:$0x3FB9] =	sst s2  }
0x8f: {  	_ = 	snop  }
0x90: {  	(tm) =	ssettm $0x1  }
0x91: {  	s17 =	sld [smem:$0x3FFB];
	_ =	sdelay $0x3  }
0x92: {  	_ =	strace s17  }
0x93: {  	s2 =	sld [smem:$0x3FFC];
	_ =	sdelay $0x3  }
0x94: {  	_ =	strace s2  }
0x95: {  	s2 =	sld [smem:$0x3FFD];
	_ =	sdelay $0x3  }
0x96: {  	_ =	strace s2  }
0x97: {  	_ =	strace $0x8FFFFFFF  }
0x98: {  	s18 =	sld [smem:$0x3FDB];
	_ =	sdelay $0x1  }
0x99: {  	s19 =	simm.s32 $_scs_section_size  }
0x9a: {  	s4 =	simm.s32 $_size__tile_overlayer_lowered;
	s5 =	simm.s32 $_tile_overlayer_lowered  }
0x9b: {  	s22 =	simm.s32 $0x1BFF;
	s21 =	sshll.u32 s5, $0x1;
	s2 =	sadd.s32 s19, s18  }
0x9c: {  	s6 =	simm.s32 $0x0;
	s20 =	sshll.u32 s4, $0x1;
	s4 =	sadd.s32 s21, s2  }
0x9d: {  	[timem:s6], [sflag:s22] =	dma.local [hbm:s4], s20  }
0x9e: {  	_ =	swait.ge [sflag:s22], s20  }
0x9f: {  	s3 =	ssub.s32 $0x0, s20;
	[sflag:s22] =	ssyncset.done $0x0  }
0xa0: {  	[sflag:s22] =	ssyncadd.s32 s3;
	_ =	sdelay $0x1  }
0xa1: {  	s23 =	simm.s32 $0x1B8B  }
0xa2: {  	_ =	swait.ge [sflag:s23], $0x1  }
0xa3: {  	[sflag:s23] =	ssyncset.done $0x0  }
0xa4: {  	s25 =	simm.s32 $0x1B8E;
	s24 =	sld [smem:$0x3FFE];
	[sflag:s23] =	ssyncadd.s32 $0xFFFFFFFF  }
0xa5: {  	s26 =	simm.s32 $execute0_lowered;
	[smem:$0x3FD2] =	sst s25  }
0xa6: {  	s4 =	sshll.u32 s26, $0x1;
	_ =	strace $0x80000049;
	[dreg:$0x1] =	wrdreg $0xFFFFFFFF  }
0xa7: {  	s28 =	simm.s32 $_size_execute0_lowered;
	s2 =	sadd.s32 s2, s4;
	[dreg:$0x0] =	wrdreg $0x0  }
0xa8: {  	s4 =	sshll.u32 s28, $0x1;
	[dreg:$0x2] =	wrdreg s2  }
0xa9: {  	[dreg:$0x3] =	wrdreg s4  }
0xaa: {  	[dreg:$0x4] =	wrdreg $0xC0  }
0xab: {  	_ =	task [dreg:s6], $0x5FFFF  }
0xac: {  	[dreg:$0x1] =	wrdreg $0xFFFFFFFF  }
0xad: {  	[dreg:$0x0] =	wrdreg $0x60  }
0xae: {  	[dreg:$0x2] =	wrdreg s24  }
0xaf: {  	[dreg:$0x3] =	wrdreg $0xB5400  }
0xb0: {  	[dreg:$0x4] =	wrdreg $0x9  }
0xb1: {  	_ =	task.clear_ibuf [dreg:s6], $0x5FFFF;
	_ =	strace $0x90000049  }
0xb2: {  	s29 =	simm.s32 $0x9;
	_ =	strace $0x8000004B  }
0xb3: {  	_ =	swait.ge [sflag:s29], $0x1  }
0xb4: {  	[sflag:s29] =	ssyncadd.s32 $0xFFFFFFFF  }
0xb5: {  	_ =	strace $0x9000004B  }
0xb6: {  	_ =	sfence  }
0xb7: {  	s30 =	sld [smem:$0x0];
	_ =	sdelay $0x2  }
0xb8: {  	s31 =	sshll.u32 s1, $0xD;
	s1 =	sshrl.u32 s1, $0x2  }
0xb9: {  	s3 =	sand.u32 $0x4000, s31;
	s1 =	sadd.s32 s1, s30  }
0xba: {  	s0 =	sor.u32 s3, s0;
	s1 =	sshll.u32 s1, $0x11  }
0xbb: {  	s0 =	sor.u32 s1, s0  }
0xbc: {  	s0 =	sadd.s32 $0x8F2B, s0  }
0xbd: {  	[sflag:s0] =	ssyncadd.remote.s32 $0x1  }
0xbe: {  	_ =	sfence.sel $0xFFFF  }
0xbf: {  	[dreg:$0x0] =	wrdreg $0xFFFFFFFF;
	(pc) =	sbr.abs _section_cstart, $3  }
0xc0: {  	[dreg:$0x1] =	wrdreg $0xFFFFFFFF  }
0xc1: {  	_ =	task.clear_ibuf [dreg:s6], $0x2FFFF;
	_ =	strace $0x9FFFFFFF  }
0xc2: {  	(tm) =	ssettm $0x7FFFFFFF  }
0xc3: {  	_ =	shalt  }
tec
execute0_lowered:
.L_overlay_start_1:
0x0: {  	(tag) =	ssettag $0x1  }
0x1: {  	s0 =	rddreg [dreg:$0x0];
	s2 =	srdreg.scid  }
0x2: {  	s1 =	rddreg [dreg:$0x1];
	s9 =	stileid.u32;
	s3 =	simm.s32 $0x0  }
0x3: {  	s28 =	simm.s32 $0x2;
	s29 =	simm.s32 $0x64;
	s6 =	smul.u32 $0x28A0, s9  }
0x4: {  	s30 =	simm.s32 $0x3;
	s31 =	simm.s32 $0x0;
	s7 =	smul.u32 $0x4E000, s9  }
0x5: {  	s2 =	sand.u32 $0x1, s2;
	[smem:$0x7FF] =	sst s3;
	s19 =	smul.u32 $0x13800, s9  }
0x6: {  	s4 =	sadd.s32 $0x2D200, s0;
	p0 =	sne.s32 s9, $0x0;
	s5 =	smul.u32 $0x28A00, s2  }
0x7: {  	_ =	strace $0x8000004A;
	s26 =	ssub.s32 $0x2, s2;
	s2 =	smul.u32 $0x138800, s2  }
0x8: {  	s8 =	sshrl.u32 s26, $0x1;
	s7 =	sshrl.u32 s7, $0x2;
	s5 =	sadd.s32 s6, s5  }
0x9: {  	s23 =	ssub.s32 s26, s8;
	s11 =	sadd.s32 s7, s1;
	s7 =	sadd.s32 s19, s1  }
0xa: {  	s20 =	sadd.s32 s19, s2;
	s2 =	sshrl.u32 s2, $0x3;
	s5 =	sshrl.u32 s5, $0x3  }
0xb: {  	s21 =	sadd.s32 $0x1800, s11;
	s22 =	sadd.s32 $0x3000, s11;
	s24 =	sadd.s32 $0x4800, s11  }
0xc: {  	s25 =	sadd.s32 $0x6000, s11;
	s12 =	sadd.s32 $0x7800, s11;
	s13 =	sadd.s32 $0x9000, s11  }
0xd: {  	s14 =	sadd.s32 $0xA800, s11;
	s15 =	sadd.s32 $0xC000, s11;
	s16 =	sadd.s32 $0xD800, s11  }
0xe: {  	s17 =	sadd.s32 $0xF000, s11;
	s18 =	sadd.s32 $0x10800, s11;
	[dreg:$0x5] =	wrdreg s21  }
0xf: {  	s19 =	sadd.s32 $0x12000, s11;
	s26 =	sshrl.u32 s20, $0x3;
	[dreg:$0x6] =	wrdreg s22  }
0x10: {  	s20 =	sadd.s32 $0x138000, s1;
	s23 =	smax.u32 s23, $0x1;
	[dreg:$0x7] =	wrdreg s24  }
0x11: {  	s5 =	sadd.s32 s5, s0;
	s0 =	sadd.s32 $0x54400, s0;
	[dreg:$0x8] =	wrdreg s25  }
0x12: {  	s25 =	simm.s32 $0x5140;
	s10 =	sadd.s32 $0x22E00, s5;
	s5 =	sadd.s32 $0x18A00, s5  }
0x13: {  	s2 =	sadd.s32 s0, s2;
	s21 =	sadd.s32 s0, s26;
	[dreg:$0x3] =	wrdreg s10  }
0x14: {  	v0 =	vimm.f32 $0.0e+00;
	s26 =	simm.s32 $0x1;
	[dreg:$0x4] =	wrdreg s5;
	s22 =	sadd.s32 $0x27000, s2  }
.LBB2_1:
0x15: {  	s0 =	rddreg [dreg:$0x3]  }
0x16: {  	[tilespmem:s3], [sflag:$0x1] =	stream.linear.gather [hbm4b:s0+s3], $0x28A0, $0x38;
	[tilespmem:$0x1EDC0] =	vst v63  }
0x17: {  	s24 =	rddreg [dreg:$0x4];
	s2 =	simm.s32 $0x28A0  }
0x18: {  	[tilespmem:s2], [sflag:$0x1] =	stream.linear.gather [hbm4b:s24+s3], $0x28A0, $0x38;
	[tilespmem:$0x1EDC0] =	vst v63  }
0x19: {  	s0 =	simm.s32 $0x0;
	s2 =	simm.s32 $0x200  }
.LBB2_2:
0x1a: {  	p1 =	sne.s32 s2, $0x5E00;
	[tilespmem:s0+$0x51B0] =	vst v0  }
0x1b: {  	[tilespmem:s0+$0x5140] =	vst v0  }
0x1c: {  	[tilespmem:s0+$0x5150] =	vst v0  }
.Ltmp0:
0x1d: {  	[tilespmem:s0+$0x5160] =	vst v0;
	(pc) =	sbr.rel @p1 .LBB2_2-.Ltmp0, $4  }
0x1e: {  	[tilespmem:s0+$0x5170] =	vst v0  }
0x1f: {  	[tilespmem:s0+$0x5180] =	vst v0  }
0x20: {  	[tilespmem:s0+$0x5190] =	vst v0  }
0x21: {  	[tilespmem:s0+$0x51A0] =	vst v0;
	s0 =	sshra.s32 s2, $0x2;
	s2 =	sadd.s32 $0x200, s2  }
0x22: {  	[tilespmem:s0+$0x51B0] =	vst v0  }
0x23: {  	[tilespmem:s0+$0x5140] =	vst v0  }
0x24: {  	[tilespmem:s0+$0x5150] =	vst v0  }
0x25: {  	[tilespmem:s0+$0x5160] =	vst v0  }
0x26: {  	[tilespmem:s0+$0x5170] =	vst v0  }
0x27: {  	[tilespmem:s0+$0x5180] =	vst v0  }
0x28: {  	[tilespmem:s0+$0x5190] =	vst v0  }
0x29: {  	[tilespmem:s0+$0x51A0] =	vst v0  }
0x2a: {  	[spmem:s7] =	stream.linear.scatter [tilespmem:s25], [sflag:$0x2], $0x1800, $0x38;
	[tilespmem:$0x1EDC0] =	vst v63  }
0x2b: {  	s2 =	rddreg [dreg:$0x5]  }
0x2c: {  	[spmem:s2] =	stream.linear.scatter [tilespmem:s25], [sflag:$0x2], $0x1800, $0x38;
	[tilespmem:$0x1EDC0] =	vst v63  }
0x2d: {  	s5 =	rddreg [dreg:$0x6]  }
0x2e: {  	[spmem:s5] =	stream.linear.scatter [tilespmem:s25], [sflag:$0x2], $0x1800, $0x38;
	[tilespmem:$0x1EDC0] =	vst v63  }
0x2f: {  	s6 =	rddreg [dreg:$0x7]  }
0x30: {  	[spmem:s6] =	stream.linear.scatter [tilespmem:s25], [sflag:$0x2], $0x1800, $0x38;
	[tilespmem:$0x1EDC0] =	vst v63  }
0x31: {  	s8 =	rddreg [dreg:$0x8]  }
0x32: {  	[spmem:s8] =	stream.linear.scatter [tilespmem:s25], [sflag:$0x2], $0x1800, $0x38;
	[tilespmem:$0x1EDC0] =	vst v63  }
0x33: {  	_ = 	snop  }
0x34: {  	[spmem:s12] =	stream.linear.scatter [tilespmem:s25], [sflag:$0x2], $0x1800, $0x38;
	[tilespmem:$0x1EDC0] =	vst v63  }
0x35: {  	_ = 	snop  }
0x36: {  	[spmem:s13] =	stream.linear.scatter [tilespmem:s25], [sflag:$0x2], $0x1800, $0x38;
	[tilespmem:$0x1EDC0] =	vst v63  }
0x37: {  	_ = 	snop  }
0x38: {  	[spmem:s14] =	stream.linear.scatter [tilespmem:s25], [sflag:$0x2], $0x1800, $0x38;
	[tilespmem:$0x1EDC0] =	vst v63  }
0x39: {  	_ = 	snop  }
0x3a: {  	[spmem:s15] =	stream.linear.scatter [tilespmem:s25], [sflag:$0x2], $0x1800, $0x38;
	[tilespmem:$0x1EDC0] =	vst v63  }
0x3b: {  	_ = 	snop  }
0x3c: {  	[spmem:s16] =	stream.linear.scatter [tilespmem:s25], [sflag:$0x2], $0x1800, $0x38;
	[tilespmem:$0x1EDC0] =	vst v63  }
0x3d: {  	_ = 	snop  }
0x3e: {  	[spmem:s17] =	stream.linear.scatter [tilespmem:s25], [sflag:$0x2], $0x1800, $0x38;
	[tilespmem:$0x1EDC0] =	vst v63  }
0x3f: {  	_ = 	snop  }
0x40: {  	[spmem:s18] =	stream.linear.scatter [tilespmem:s25], [sflag:$0x2], $0x1800, $0x38;
	[tilespmem:$0x1EDC0] =	vst v63  }
0x41: {  	_ = 	snop  }
0x42: {  	[spmem:s19] =	stream.linear.scatter [tilespmem:s25], [sflag:$0x2], $0x1800, $0x38;
	[tilespmem:$0x1EDC0] =	vst v63  }
0x43: {  	s0 =	simm.s32 @!p0 $0x5140  }
0x44: {  	[spmem:s20] =	stream.linear.scatter @!p0 [tilespmem:s0], [sflag:$0x2], $0x800, $0x38;
	[tilespmem:$0x1EDC0] =	vst v63  }
0x45: {  	_ =	swait.ge [sflag:s26], $0x28A0  }
0x46: {  	[sflag:s26] =	ssyncset.done $0x0  }
0x47: {  	[sflag:s26] =	ssyncadd.s32 $0xFFFFD760  }
0x48: {  	_ =	swait.ge [sflag:s26], $0x28A0  }
0x49: {  	[sflag:s26] =	ssyncset.done $0x0  }
0x4a: {  	[sflag:s26] =	ssyncadd.s32 $0xFFFFD760  }
0x4b: {  	_ =	swait.ge [sflag:s28], $0x1800  }
0x4c: {  	[sflag:s28] =	ssyncset.done $0x0  }
0x4d: {  	[sflag:s28] =	ssyncadd.s32 $0xFFFFE800  }
0x4e: {  	_ =	swait.ge [sflag:s28], $0x1800  }
0x4f: {  	[sflag:s28] =	ssyncset.done $0x0  }
0x50: {  	[sflag:s28] =	ssyncadd.s32 $0xFFFFE800  }
0x51: {  	_ =	swait.ge [sflag:s28], $0x1800  }
0x52: {  	[sflag:s28] =	ssyncset.done $0x0  }
0x53: {  	[sflag:s28] =	ssyncadd.s32 $0xFFFFE800  }
0x54: {  	_ =	swait.ge [sflag:s28], $0x1800  }
0x55: {  	[sflag:s28] =	ssyncset.done $0x0  }
0x56: {  	[sflag:s28] =	ssyncadd.s32 $0xFFFFE800  }
0x57: {  	_ =	swait.ge [sflag:s28], $0x1800  }
0x58: {  	[sflag:s28] =	ssyncset.done $0x0  }
0x59: {  	[sflag:s28] =	ssyncadd.s32 $0xFFFFE800  }
0x5a: {  	_ =	swait.ge [sflag:s28], $0x1800  }
0x5b: {  	[sflag:s28] =	ssyncset.done $0x0  }
0x5c: {  	[sflag:s28] =	ssyncadd.s32 $0xFFFFE800  }
0x5d: {  	_ =	swait.ge [sflag:s28], $0x1800  }
0x5e: {  	[sflag:s28] =	ssyncset.done $0x0  }
0x5f: {  	[sflag:s28] =	ssyncadd.s32 $0xFFFFE800  }
0x60: {  	_ =	swait.ge [sflag:s28], $0x1800  }
0x61: {  	[sflag:s28] =	ssyncset.done $0x0  }
0x62: {  	[sflag:s28] =	ssyncadd.s32 $0xFFFFE800  }
0x63: {  	_ =	swait.ge [sflag:s28], $0x1800  }
0x64: {  	[sflag:s28] =	ssyncset.done $0x0  }
0x65: {  	[sflag:s28] =	ssyncadd.s32 $0xFFFFE800  }
0x66: {  	_ =	swait.ge [sflag:s28], $0x1800  }
0x67: {  	[sflag:s28] =	ssyncset.done $0x0  }
0x68: {  	[sflag:s28] =	ssyncadd.s32 $0xFFFFE800  }
0x69: {  	_ =	swait.ge [sflag:s28], $0x1800  }
0x6a: {  	[sflag:s28] =	ssyncset.done $0x0  }
0x6b: {  	[sflag:s28] =	ssyncadd.s32 $0xFFFFE800  }
0x6c: {  	_ =	swait.ge [sflag:s28], $0x1800  }
0x6d: {  	[sflag:s28] =	ssyncset.done $0x0  }
0x6e: {  	[sflag:s28] =	ssyncadd.s32 $0xFFFFE800  }
0x6f: {  	_ =	swait.ge [sflag:s28], $0x1800  }
0x70: {  	[sflag:s28] =	ssyncset.done $0x0  }
0x71: {  	s9 =	simm.s32 $0x1;
	s0 =	simm.s32 @!p0 $0x2;
	[sflag:s28] =	ssyncadd.s32 $0xFFFFE800  }
0x72: {  	s2 =	sand.u32 $0x1, s9;
	_ =	swait.ge @!p0 [sflag:s0], $0x800  }
0x73: {  	s24 =	simm.s32 $0x0;
	s5 =	smul.u32 $0xC800, s2;
	[sflag:s0] =	ssyncset.done @!p0 $0x0  }
0x74: {  	s10 =	sand.u32 $0x1, s24;
	[sflag:s0] =	ssyncadd.s32 @!p0 $0xFFFFF800;
	s0 =	smin.u32 s9, $0x63  }
0x75: {  	s5 =	sshrl.u32 s5, $0x2;
	[bflag:$0x0] =	sbarrier.arrive $0xFFFF;
	s0 =	smul.u32 $0x1A0, s0  }
0x76: {  	[tilespmem:s25], [sflag:$0x1] =	stream.indirect.gather [hbm4b:s4+s29], $0x80, s3, s29, $0xb8;
	[tilespmem:$0x1EDC0] =	vst v63  }
0x77: {  	s2 =	sadd.s32 $0x1, s2;
	s5 =	sadd.s32 $0x5140, s5;
	s0 =	sshrl.u32 s0, $0x2  }
0x78: {  	[tilespmem:s5], [sflag:s2] =	stream.indirect.gather [hbm4b:s4+s29], $0x80, s0, s29, $0xb8;
	[tilespmem:$0x1EDC0] =	vst v63  }
0x79: {  	s11 =	smul.u32 $0xC800, s10;
	s0 =	sadd.s32 $0x1, s10  }
0x7a: {  	_ =	swait.ge [sflag:s0], $0x3200  }
0x7b: {  	s2 =	sshrl.u32 s11, $0x2;
	[sflag:s0] =	ssyncset.done $0x0  }
0x7c: {  	s24 =	simm.s32 $0x28A0;
	s2 =	sadd.s32 $0x5140, s2;
	[sflag:s0] =	ssyncadd.s32 $0xFFFFCE00  }
0x7d: {  	[spmem:s1] =	stream.indirect.scatter.add.f32 [tilespmem:s2], [sflag:$0x3], $0x80, s24, s29, $0xb8;
	[tilespmem:$0x1EDC0] =	vst v63  }
0x7e: {  	s2 =	simm.s32 $0x2  }
0x7f: {  	s5 =	simm.s32 $0x3;
	s0 =	simm.s32 $0x2908;
	s24 =	sand.u32 $0x1, s2  }
.LBB2_4:
0x80: {  	s6 =	smin.u32 s2, $0x63  }
0x81: {  	s8 =	smul.u32 $0xC800, s24;
	_ =	swait.ge [sflag:s30], $0x3200;
	s9 =	smov.u32 s5  }
0x82: {  	s10 =	smov.u32 s0;
	s11 =	sadd.s32 $0x1, s5;
	s2 =	sadd.s32 $0xFFFFFFFF, s2  }
0x83: {  	s24 =	sadd.s32 $0x1, s24;
	s6 =	smul.u32 $0x1A0, s6;
	[sflag:s30] =	ssyncset.done $0x0  }
0x84: {  	p1 =	sne.s32 s5, $0x64;
	s8 =	sshrl.u32 s8, $0x2;
	[sflag:s30] =	ssyncadd.s32 $0xFFFFCE00  }
0x85: {  	s5 =	sand.u32 $0x1, s2;
	s8 =	sadd.s32 $0x5140, s8;
	s6 =	sshrl.u32 s6, $0x2  }
0x86: {  	[tilespmem:s8], [sflag:s24] =	stream.indirect.gather [hbm4b:s4+s29], $0x80, s6, s29, $0xb8;
	[tilespmem:$0x1EDC0] =	vst v63  }
0x87: {  	s2 =	smov.u32 s9;
	s6 =	smul.u32 $0xC800, s5  }
.Ltmp1:
0x88: {  	s5 =	sadd.s32 $0x1, s5;
	(pc) =	sbr.rel @p1 .LBB2_4-.Ltmp1, $4  }
0x89: {  	s0 =	sadd.s32 $0x68, s0;
	_ =	swait.ge [sflag:s5], $0x3200  }
0x8a: {  	s24 =	sand.u32 $0x1, s2;
	s6 =	sshrl.u32 s6, $0x2;
	[sflag:s5] =	ssyncset.done $0x0  }
0x8b: {  	s6 =	sadd.s32 $0x5140, s6;
	[sflag:s5] =	ssyncadd.s32 $0xFFFFCE00;
	s5 =	smov.u32 s11  }
0x8c: {  	[spmem:s1] =	stream.indirect.scatter.add.f32 [tilespmem:s6], [sflag:$0x3], $0x80, s10, s29, $0xb8;
	[tilespmem:$0x1EDC0] =	vst v63  }
0x8d: {  	s5 =	smin.u32 s2, $0x63;
	s6 =	smul.u32 $0xC800, s24  }
0x8e: {  	_ =	swait.ge [sflag:s30], $0x3200;
	s9 =	sadd.s32 $0xFFFFFFFF, s2;
	s8 =	sadd.s32 $0x1, s24  }
0x8f: {  	s5 =	smul.u32 $0x1A0, s5;
	[sflag:s30] =	ssyncset.done $0x0;
	s2 =	sand.u32 $0x1, s9  }
0x90: {  	s6 =	sshrl.u32 s6, $0x2;
	[sflag:s30] =	ssyncadd.s32 $0xFFFFCE00;
	s10 =	smul.u32 $0xC800, s2  }
0x91: {  	s2 =	sadd.s32 $0x1, s2;
	s6 =	sadd.s32 $0x5140, s6;
	s5 =	sshrl.u32 s5, $0x2  }
0x92: {  	[tilespmem:s6], [sflag:s8] =	stream.indirect.gather [hbm4b:s4+s29], $0x80, s5, s29, $0xb8;
	[tilespmem:$0x1EDC0] =	vst v63  }
0x93: {  	_ =	swait.ge [sflag:s2], $0x3200  }
0x94: {  	s5 =	sshrl.u32 s10, $0x2;
	[sflag:s2] =	ssyncset.done $0x0  }
0x95: {  	s5 =	sadd.s32 $0x5140, s5;
	[sflag:s2] =	ssyncadd.s32 $0xFFFFCE00  }
0x96: {  	[spmem:s1] =	stream.indirect.scatter.add.f32 [tilespmem:s5], [sflag:$0x3], $0x80, s0, s29, $0xb8;
	[tilespmem:$0x1EDC0] =	vst v63  }
0x97: {  	_ =	swait.ge [sflag:s30], $0x3200  }
0x98: {  	[sflag:s30] =	ssyncset.done $0x0  }
0x99: {  	[sflag:s30] =	ssyncadd.s32 $0xFFFFCE00  }
0x9a: {  	_ =	swait.ge [sflag:s26], $0x3200  }
0x9b: {  	s11 =	stileid.u32;
	[sflag:s26] =	ssyncset.done $0x0  }
0x9c: {  	s0 =	sshll.u32 s11, $0x6;
	[sflag:s26] =	ssyncadd.s32 $0xFFFFCE00  }
0x9d: {  	s24 =	sshrl.u32 s7, $0x3;
	s0 =	sor.u32 $0x1C03, s0;
	[bflag:$0x0] =	sbarrier.arrive $0xFFFF  }
0x9e: {  	[hbm:s21], [sflag:s0] =	dma.local [spmem:s24], $0x2700  }
0x9f: {  	_ =	swait.ge [sflag:s30], $0x2700  }
0xa0: {  	s31 =	sadd.s32 $0x1, s31;
	[sflag:s30] =	ssyncset.done $0x0  }
0xa1: {  	p1 =	sne.s32 s31, s23;
	s2 =	sshrl.u32 @!p0 s20, $0x3;
	[sflag:s30] =	ssyncadd.s32 $0xFFFFD900  }
0xa2: {  	[hbm:s22], [sflag:s0] =	dma.local @!p0 [spmem:s2], $0x100  }
.Ltmp2:
0xa3: {  	_ = 	snop;
	(pc) =	sbr.rel @p1 .LBB2_1-.Ltmp2, $4  }
0xa4: {  	s0 =	simm.s32 @!p0 $0x3  }
0xa5: {  	_ =	swait.ge @!p0 [sflag:s0], $0x100  }
0xa6: {  	[sflag:s0] =	ssyncset.done @!p0 $0x0  }
0xa7: {  	[sflag:s0] =	ssyncadd.s32 @!p0 $0xFFFFFF00  }
0xa8: {  	_ =	sfence.sel $0x180000  }
0xa9: {  	[bflag:$0x0] =	sbarrier.arrive $0xFFFF  }
0xaa: {  	_ =	strace $0x9000004A  }
0xab: {  	[bflag:$0x2] =	sbarrier.arrive $0xFFFF  }
0xac: {  	s0 =	rddreg [dreg:$0x2]  }
0xad: {  	s0 =	sadd.s32 @!p0 $0x100000, s0  }
0xae: {  	[sflag:s0] =	ssyncadd.tile.s32 @!p0 $0x1;
	_ =	shalt  }
.Lfunc_end2:
_tile_overlayer_lowered:
.L_overlay_start_2:
0xaf: {  	(tag) =	ssettag $0x2  }
0xb0: {  	s0 =	rddreg [dreg:$0x0];
	s2 =	stileid.u32  }
0xb1: {  	s1 =	rddreg [dreg:$0x1];
	p0 =	sne.s32 s2, $0x0  }
0xb2: {  	s3 =	rddreg [dreg:$0x2];
	[bflag:$0x3] =	sbarrier.arrive $0xFFFF;
	s2 =	simm.s32 @!p0 $0x1C03  }
0xb3: {  	[timem:s3], [sflag:s2] =	dma.local @!p0 [hbm:s0], s1  }
0xb4: {  	s0 =	simm.s32 @!p0 $0x3  }
0xb5: {  	_ =	swait.ge @!p0 [sflag:s0], s1  }
0xb6: {  	s1 =	ssub.s32 @!p0 $0x0, s1;
	[sflag:s0] =	ssyncset.done @!p0 $0x0  }
0xb7: {  	[sflag:s0] =	ssyncadd.s32 @!p0 s1  }
0xb8: {  	[bflag:$0x3] =	sbarrier.arrive $0xFFFF  }
0xb9: {  	_ =	shalt  }

// kernel: kernel.16.cloned.1.call-start
scs
__scs_entry_jumppad:
0x0: {  	(pc) =	sbr.rel $0x88, $3  }
0x1: {  	(tag) =	ssettag $0x0;
	lr =	simm.s32 $0x1  }
0x2: {  	[smem:$0x3F92] =	sst lr;
	_ =	strace $0xD0000000  }
0x3: {  	_ = 	snop  }
0x4: {  	_ = 	snop  }
0x5: {  	_ = 	snop  }
0x6: {  	_ = 	snop  }
0x7: {  	_ = 	snop  }
__scs_overlays_trampoline_lowered:
0x8: {  	[smem:$0x3FA1] =	sst s0  }
0x9: {  	[smem:$0x3FA2] =	sst s1  }
0xa: {  	[smem:$0x3FA3] =	sst s2  }
0xb: {  	[smem:$0x3FA4] =	sst s3  }
0xc: {  	[smem:$0x3FA5] =	sst s4  }
0xd: {  	[smem:$0x3FA6] =	sst s5  }
0xe: {  	[smem:$0x3FA7] =	sst s6  }
0xf: {  	[smem:$0x3FA8] =	sst s7  }
0x10: {  	[smem:$0x3FA9] =	sst s8  }
0x11: {  	[smem:$0x3FAA] =	sst s9;
	s0 =	simm.s32 @!p0 $0x0  }
0x12: {  	s1 =	sld [smem:$0x3F90];
	s0 =	simm.s32 @p0 $0x1  }
0x13: {  	[smem:$0x3FAB] =	sst s0;
	s0 =	simm.s32 @!p1 $0x0  }
0x14: {  	s2 =	sld [smem:$0x3F8F];
	s0 =	simm.s32 @p1 $0x1  }
0x15: {  	[smem:$0x3FAC] =	sst s0;
	s0 =	simm.s32 @!p2 $0x0  }
0x16: {  	s3 =	sld [smem:$0x3FDB];
	s0 =	simm.s32 @p2 $0x1  }
0x17: {  	s4 =	simm.s32 $0x1BF5;
	[smem:$0x3FAE] =	sst s0  }
0x18: {  	s0 =	sld [smem:$0x3F91];
	_ =	swait.ge [sflag:s4], $0x0  }
0x19: {  	s7 =	sld [smem:$0x3F92]  }
0x1a: {  	s8 =	sadd.s32 $0xFFFFE003, lr  }
0x1b: {  	s9 =	sadd.s32 $0xFFFFFEF7, lr;
	s5 =	simm.s32 $0xFFFFFFFF;
	p2 =	slt.u32 s8, $0xFFFFF086  }
0x1c: {  	p1 =	slt.u32 s9, $0xF7A;
	s5 =	simm.s32 @!p2 $0x0  }
0x1d: {  	s5 =	simm.s32 @p1 $0x1;
	p0 =	seq.s32 s7, s2  }
0x1e: {  	s7 =	smul.u32 @!p0 $0xF7A, s2;
	p2 =	seq.s32 @!p0 s5, $0x0  }
0x1f: {  	s9 =	smul.u32 $0xF7A, s1;
	s8 =	simm.s32 @!p0 $0x1BF5;
	p2 =	por !p2, p0  }
0x20: {  	[sflag:s8] =	ssyncset.s32 @!p0 $0xFFFFF086;
	s6 =	sadd.s32 @!p0 s3, s7;
	s7 =	simm.s32 @!p0 $0x108  }
0x21: {  	s3 =	sadd.s32 s3, s9;
	s6 =	sadd.s32 @!p0 $0x88, s6;
	s7 =	simm.s32 @p2 $0x1082  }
0x22: {  	[simem:s7], [sflag:s8] =	dma.local @!p0 [hbm:s6], $0xF7A  }
0x23: {  	s9 =	sor.u32 $0xD0000000, s2;
	s6 =	simm.s32 $0x108;
	_ =	swait.ge @!p0 [sflag:s8], $0x0  }
0x24: {  	s3 =	sadd.s32 $0x88, s3;
	s6 =	simm.s32 @!p1 $0x1082;
	[sflag:s4] =	ssyncset.s32 $0xFFFFF086  }
0x25: {  	[simem:s6], [sflag:s4] =	dma.local [hbm:s3], $0xF7A  }
0x26: {  	[smem:$0x3F92] =	sst s1;
	(tag) =	ssettag s2;
	_ =	strace s9  }
0x27: {  	s1 =	sld [smem:$0x3FA2]  }
0x28: {  	s2 =	sld [smem:$0x3FA3]  }
0x29: {  	s4 =	sld [smem:$0x3FA5]  }
0x2a: {  	p0 =	seq.s32 s5, $0x0;
	s5 =	sld [smem:$0x3FA6]  }
0x2b: {  	s6 =	sld [smem:$0x3FA7]  }
0x2c: {  	s7 =	sld [smem:$0x3FA8]  }
0x2d: {  	s3 =	simm.s32 $0x108;
	s8 =	sld [smem:$0x3FA9]  }
0x2e: {  	s3 =	simm.s32 @!p0 $0x1082;
	s9 =	sld [smem:$0x3FAA]  }
0x2f: {  	lr =	sadd.s32 s0, s3;
	s0 =	sld [smem:$0x3FA1]  }
0x30: {  	s3 =	sld [smem:$0x3FA4]  }
0x31: {  	[smem:$0x3FAD] =	sst s10  }
0x32: {  	s10 =	sld [smem:$0x3FAB];
	_ =	sdelay $0x3  }
0x33: {  	p0 =	seq.s32 s10, $0x1;
	s10 =	sld [smem:$0x3FAD];
	_ =	sdelay $0x3  }
0x34: {  	[smem:$0x3FAD] =	sst s10  }
0x35: {  	s10 =	sld [smem:$0x3FAC];
	_ =	sdelay $0x3  }
0x36: {  	p1 =	seq.s32 s10, $0x1;
	s10 =	sld [smem:$0x3FAD];
	_ =	sdelay $0x3  }
0x37: {  	[smem:$0x3FAD] =	sst s10  }
0x38: {  	s10 =	sld [smem:$0x3FAE]  }
0x39: {  	_ = 	snop;
	(pc) =	sbr.ind lr, $3  }
0x3a: {  	_ = 	snop  }
0x3b: {  	_ = 	snop  }
0x3c: {  	p2 =	seq.s32 s10, $0x1;
	s10 =	sld [smem:$0x3FAD]  }
0x3d: {  	_ =	shalt  }
0x3e: {  	_ =	shalt  }
0x3f: {  	_ =	shalt  }
0x40: {  	_ =	shalt  }
0x41: {  	_ =	shalt  }
0x42: {  	_ =	shalt  }
0x43: {  	_ =	shalt  }
0x44: {  	_ =	shalt  }
0x45: {  	_ =	shalt  }
0x46: {  	_ =	shalt  }
0x47: {  	_ =	shalt  }
0x48: {  	_ =	shalt  }
0x49: {  	_ =	shalt  }
0x4a: {  	_ =	shalt  }
0x4b: {  	_ =	shalt  }
0x4c: {  	_ =	shalt  }
0x4d: {  	_ =	shalt  }
0x4e: {  	_ =	shalt  }
0x4f: {  	_ =	shalt  }
0x50: {  	_ =	shalt  }
0x51: {  	_ =	shalt  }
0x52: {  	_ =	shalt  }
0x53: {  	_ =	shalt  }
0x54: {  	_ =	shalt  }
0x55: {  	_ =	shalt  }
0x56: {  	_ =	shalt  }
0x57: {  	_ =	shalt  }
0x58: {  	_ =	shalt  }
0x59: {  	_ =	shalt  }
0x5a: {  	_ =	shalt  }
0x5b: {  	_ =	shalt  }
0x5c: {  	_ =	shalt  }
0x5d: {  	_ =	shalt  }
0x5e: {  	_ =	shalt  }
0x5f: {  	_ =	shalt  }
0x60: {  	_ =	shalt  }
0x61: {  	_ =	shalt  }
0x62: {  	_ =	shalt  }
0x63: {  	_ =	shalt  }
0x64: {  	_ =	shalt  }
0x65: {  	_ =	shalt  }
0x66: {  	_ =	shalt  }
0x67: {  	_ =	shalt  }
0x68: {  	_ =	shalt  }
0x69: {  	_ =	shalt  }
0x6a: {  	_ =	shalt  }
0x6b: {  	_ =	shalt  }
0x6c: {  	_ =	shalt  }
0x6d: {  	_ =	shalt  }
0x6e: {  	_ =	shalt  }
0x6f: {  	_ =	shalt  }
0x70: {  	_ =	shalt  }
0x71: {  	_ =	shalt  }
0x72: {  	_ =	shalt  }
0x73: {  	_ =	shalt  }
0x74: {  	_ =	shalt  }
0x75: {  	_ =	shalt  }
0x76: {  	_ =	shalt  }
0x77: {  	_ =	shalt  }
0x78: {  	_ =	shalt  }
0x79: {  	_ =	shalt  }
0x7a: {  	_ =	shalt  }
0x7b: {  	_ =	shalt  }
0x7c: {  	_ =	shalt  }
0x7d: {  	_ =	shalt  }
0x7e: {  	_ =	shalt  }
0x7f: {  	_ =	shalt  }
0x80: {  	_ =	shalt  }
0x81: {  	_ =	shalt  }
0x82: {  	_ =	shalt  }
0x83: {  	_ =	shalt  }
0x84: {  	_ =	shalt  }
0x85: {  	_ =	shalt  }
0x86: {  	_ =	shalt  }
0x87: {  	_ =	shalt  }
.Lfunc_end0:
.L_simem_size_0:
called_computation.2_lowered:
.L_overlay_start_0:
0x88: {  	s2 =	sld [smem:$0x3FD9]  }
0x89: {  	s3 =	sld [smem:$0x3FFE];
	_ =	sdelay $0x1  }
0x8a: {  	s1 =	srdreg.scid  }
0x8b: {  	s0 =	sand.u32 $0x1, s1  }
0x8c: {  	s16 =	sshll.u32 s0, $0xA;
	s2 =	sadd.s32 s3, s2  }
0x8d: {  	s2 =	sadd.s32 s2, s16  }
0x8e: {  	[smem:$0x3FB9] =	sst s2  }
0x8f: {  	_ = 	snop  }
0x90: {  	(tm) =	ssettm $0x1  }
0x91: {  	s17 =	sld [smem:$0x3FFB];
	_ =	sdelay $0x3  }
0x92: {  	_ =	strace s17  }
0x93: {  	s2 =	sld [smem:$0x3FFC];
	_ =	sdelay $0x3  }
0x94: {  	_ =	strace s2  }
0x95: {  	s2 =	sld [smem:$0x3FFD];
	_ =	sdelay $0x3  }
0x96: {  	_ =	strace s2  }
0x97: {  	_ =	strace $0x8FFFFFFF  }
0x98: {  	s18 =	sld [smem:$0x3FDB];
	_ =	sdelay $0x1  }
0x99: {  	s19 =	simm.s32 $_scs_section_size  }
0x9a: {  	s4 =	simm.s32 $_size__tile_overlayer_lowered;
	s5 =	simm.s32 $_tile_overlayer_lowered  }
0x9b: {  	s22 =	simm.s32 $0x1BFF;
	s21 =	sshll.u32 s5, $0x1;
	s2 =	sadd.s32 s19, s18  }
0x9c: {  	s6 =	simm.s32 $0x0;
	s20 =	sshll.u32 s4, $0x1;
	s4 =	sadd.s32 s21, s2  }
0x9d: {  	[timem:s6], [sflag:s22] =	dma.local [hbm:s4], s20  }
0x9e: {  	_ =	swait.ge [sflag:s22], s20  }
0x9f: {  	s3 =	ssub.s32 $0x0, s20;
	[sflag:s22] =	ssyncset.done $0x0  }
0xa0: {  	[sflag:s22] =	ssyncadd.s32 s3;
	_ =	sdelay $0x1  }
0xa1: {  	s23 =	simm.s32 $0x1B8B  }
0xa2: {  	_ =	swait.ge [sflag:s23], $0x1  }
0xa3: {  	[sflag:s23] =	ssyncset.done $0x0  }
0xa4: {  	s25 =	simm.s32 $0x1B8E;
	s24 =	sld [smem:$0x3FFE];
	[sflag:s23] =	ssyncadd.s32 $0xFFFFFFFF  }
0xa5: {  	s26 =	simm.s32 $execute0_lowered;
	[smem:$0x3FD2] =	sst s25  }
0xa6: {  	s4 =	sshll.u32 s26, $0x1;
	_ =	strace $0x8000004C;
	[dreg:$0x1] =	wrdreg $0xFFFFFFFF  }
0xa7: {  	s28 =	simm.s32 $_size_execute0_lowered;
	s2 =	sadd.s32 s2, s4;
	[dreg:$0x0] =	wrdreg $0x0  }
0xa8: {  	s4 =	sshll.u32 s28, $0x1;
	[dreg:$0x2] =	wrdreg s2  }
0xa9: {  	[dreg:$0x3] =	wrdreg s4  }
0xaa: {  	[dreg:$0x4] =	wrdreg $0xC0  }
0xab: {  	_ =	task [dreg:s6], $0x5FFFF  }
0xac: {  	[dreg:$0x1] =	wrdreg $0xFFFFFFFF  }
0xad: {  	[dreg:$0x0] =	wrdreg $0x60  }
0xae: {  	[dreg:$0x2] =	wrdreg s24  }
0xaf: {  	[dreg:$0x3] =	wrdreg $0xB5400  }
0xb0: {  	[dreg:$0x4] =	wrdreg $0x9  }
0xb1: {  	_ =	task.clear_ibuf [dreg:s6], $0x5FFFF;
	_ =	strace $0x9000004C  }
0xb2: {  	s29 =	simm.s32 $0x9;
	_ =	strace $0x8000004E  }
0xb3: {  	_ =	swait.ge [sflag:s29], $0x1  }
0xb4: {  	[sflag:s29] =	ssyncadd.s32 $0xFFFFFFFF  }
0xb5: {  	_ =	strace $0x9000004E  }
0xb6: {  	_ =	sfence  }
0xb7: {  	s30 =	sld [smem:$0x0];
	_ =	sdelay $0x2  }
0xb8: {  	s31 =	sshll.u32 s1, $0xD;
	s1 =	sshrl.u32 s1, $0x2  }
0xb9: {  	s3 =	sand.u32 $0x4000, s31;
	s1 =	sadd.s32 s1, s30  }
0xba: {  	s0 =	sor.u32 s3, s0;
	s1 =	sshll.u32 s1, $0x11  }
0xbb: {  	s0 =	sor.u32 s1, s0  }
0xbc: {  	s0 =	sadd.s32 $0x8F2B, s0  }
0xbd: {  	[sflag:s0] =	ssyncadd.remote.s32 $0x1  }
0xbe: {  	_ =	sfence.sel $0xFFFF  }
0xbf: {  	[dreg:$0x0] =	wrdreg $0xFFFFFFFF;
	(pc) =	sbr.abs _section_cstart, $3  }
0xc0: {  	[dreg:$0x1] =	wrdreg $0xFFFFFFFF  }
0xc1: {  	_ =	task.clear_ibuf [dreg:s6], $0x2FFFF;
	_ =	strace $0x9FFFFFFF  }
0xc2: {  	(tm) =	ssettm $0x7FFFFFFF  }
0xc3: {  	_ =	shalt  }
tec
execute0_lowered:
.L_overlay_start_1:
0x0: {  	(tag) =	ssettag $0x1  }
0x1: {  	s0 =	rddreg [dreg:$0x0];
	s2 =	srdreg.scid  }
0x2: {  	s1 =	rddreg [dreg:$0x1];
	s9 =	stileid.u32;
	s3 =	simm.s32 $0x0  }
0x3: {  	s28 =	simm.s32 $0x2;
	s29 =	simm.s32 $0x64;
	s6 =	smul.u32 $0x28A0, s9  }
0x4: {  	s30 =	simm.s32 $0x3;
	s31 =	simm.s32 $0x0;
	s7 =	smul.u32 $0x4E000, s9  }
0x5: {  	s2 =	sand.u32 $0x1, s2;
	[smem:$0x7FF] =	sst s3;
	s19 =	smul.u32 $0x13800, s9  }
0x6: {  	s4 =	sadd.s32 $0x2D200, s0;
	p0 =	sne.s32 s9, $0x0;
	s5 =	smul.u32 $0x28A00, s2  }
0x7: {  	_ =	strace $0x8000004D;
	s26 =	ssub.s32 $0x2, s2;
	s2 =	smul.u32 $0x138800, s2  }
0x8: {  	s8 =	sshrl.u32 s26, $0x1;
	s7 =	sshrl.u32 s7, $0x2;
	s5 =	sadd.s32 s6, s5  }
0x9: {  	s23 =	ssub.s32 s26, s8;
	s11 =	sadd.s32 s7, s1;
	s7 =	sadd.s32 s19, s1  }
0xa: {  	s20 =	sadd.s32 s19, s2;
	s2 =	sshrl.u32 s2, $0x3;
	s5 =	sshrl.u32 s5, $0x3  }
0xb: {  	s21 =	sadd.s32 $0x1800, s11;
	s22 =	sadd.s32 $0x3000, s11;
	s24 =	sadd.s32 $0x4800, s11  }
0xc: {  	s25 =	sadd.s32 $0x6000, s11;
	s12 =	sadd.s32 $0x7800, s11;
	s13 =	sadd.s32 $0x9000, s11  }
0xd: {  	s14 =	sadd.s32 $0xA800, s11;
	s15 =	sadd.s32 $0xC000, s11;
	s16 =	sadd.s32 $0xD800, s11  }
0xe: {  	s17 =	sadd.s32 $0xF000, s11;
	s18 =	sadd.s32 $0x10800, s11;
	[dreg:$0x5] =	wrdreg s21  }
0xf: {  	s19 =	sadd.s32 $0x12000, s11;
	s26 =	sshrl.u32 s20, $0x3;
	[dreg:$0x6] =	wrdreg s22  }
0x10: {  	s20 =	sadd.s32 $0x138000, s1;
	s23 =	smax.u32 s23, $0x1;
	[dreg:$0x7] =	wrdreg s24  }
0x11: {  	s5 =	sadd.s32 s5, s0;
	s0 =	sadd.s32 $0x54400, s0;
	[dreg:$0x8] =	wrdreg s25  }
0x12: {  	s25 =	simm.s32 $0x5140;
	s10 =	sadd.s32 $0x22E00, s5;
	s5 =	sadd.s32 $0x18A00, s5  }
0x13: {  	s2 =	sadd.s32 s0, s2;
	s21 =	sadd.s32 s0, s26;
	[dreg:$0x3] =	wrdreg s10  }
0x14: {  	v0 =	vimm.f32 $0.0e+00;
	s26 =	simm.s32 $0x1;
	[dreg:$0x4] =	wrdreg s5;
	s22 =	sadd.s32 $0x27000, s2  }
.LBB2_1:
0x15: {  	s0 =	rddreg [dreg:$0x3]  }
0x16: {  	[tilespmem:s3], [sflag:$0x1] =	stream.linear.gather [hbm4b:s0+s3], $0x28A0, $0x38;
	[tilespmem:$0x1EDC0] =	vst v63  }
0x17: {  	s24 =	rddreg [dreg:$0x4];
	s2 =	simm.s32 $0x28A0  }
0x18: {  	[tilespmem:s2], [sflag:$0x1] =	stream.linear.gather [hbm4b:s24+s3], $0x28A0, $0x38;
	[tilespmem:$0x1EDC0] =	vst v63  }
0x19: {  	s0 =	simm.s32 $0x0;
	s2 =	simm.s32 $0x200  }
.LBB2_2:
0x1a: {  	p1 =	sne.s32 s2, $0x5E00;
	[tilespmem:s0+$0x51B0] =	vst v0  }
0x1b: {  	[tilespmem:s0+$0x5140] =	vst v0  }
0x1c: {  	[tilespmem:s0+$0x5150] =	vst v0  }
.Ltmp0:
0x1d: {  	[tilespmem:s0+$0x5160] =	vst v0;
	(pc) =	sbr.rel @p1 .LBB2_2-.Ltmp0, $4  }
0x1e: {  	[tilespmem:s0+$0x5170] =	vst v0  }
0x1f: {  	[tilespmem:s0+$0x5180] =	vst v0  }
0x20: {  	[tilespmem:s0+$0x5190] =	vst v0  }
0x21: {  	[tilespmem:s0+$0x51A0] =	vst v0;
	s0 =	sshra.s32 s2, $0x2;
	s2 =	sadd.s32 $0x200, s2  }
0x22: {  	[tilespmem:s0+$0x51B0] =	vst v0  }
0x23: {  	[tilespmem:s0+$0x5140] =	vst v0  }
0x24: {  	[tilespmem:s0+$0x5150] =	vst v0  }
0x25: {  	[tilespmem:s0+$0x5160] =	vst v0  }
0x26: {  	[tilespmem:s0+$0x5170] =	vst v0  }
0x27: {  	[tilespmem:s0+$0x5180] =	vst v0  }
0x28: {  	[tilespmem:s0+$0x5190] =	vst v0  }
0x29: {  	[tilespmem:s0+$0x51A0] =	vst v0  }
0x2a: {  	[spmem:s7] =	stream.linear.scatter [tilespmem:s25], [sflag:$0x2], $0x1800, $0x38;
	[tilespmem:$0x1EDC0] =	vst v63  }
0x2b: {  	s2 =	rddreg [dreg:$0x5]  }
0x2c: {  	[spmem:s2] =	stream.linear.scatter [tilespmem:s25], [sflag:$0x2], $0x1800, $0x38;
	[tilespmem:$0x1EDC0] =	vst v63  }
0x2d: {  	s5 =	rddreg [dreg:$0x6]  }
0x2e: {  	[spmem:s5] =	stream.linear.scatter [tilespmem:s25], [sflag:$0x2], $0x1800, $0x38;
	[tilespmem:$0x1EDC0] =	vst v63  }
0x2f: {  	s6 =	rddreg [dreg:$0x7]  }
0x30: {  	[spmem:s6] =	stream.linear.scatter [tilespmem:s25], [sflag:$0x2], $0x1800, $0x38;
	[tilespmem:$0x1EDC0] =	vst v63  }
0x31: {  	s8 =	rddreg [dreg:$0x8]  }
0x32: {  	[spmem:s8] =	stream.linear.scatter [tilespmem:s25], [sflag:$0x2], $0x1800, $0x38;
	[tilespmem:$0x1EDC0] =	vst v63  }
0x33: {  	_ = 	snop  }
0x34: {  	[spmem:s12] =	stream.linear.scatter [tilespmem:s25], [sflag:$0x2], $0x1800, $0x38;
	[tilespmem:$0x1EDC0] =	vst v63  }
0x35: {  	_ = 	snop  }
0x36: {  	[spmem:s13] =	stream.linear.scatter [tilespmem:s25], [sflag:$0x2], $0x1800, $0x38;
	[tilespmem:$0x1EDC0] =	vst v63  }
0x37: {  	_ = 	snop  }
0x38: {  	[spmem:s14] =	stream.linear.scatter [tilespmem:s25], [sflag:$0x2], $0x1800, $0x38;
	[tilespmem:$0x1EDC0] =	vst v63  }
0x39: {  	_ = 	snop  }
0x3a: {  	[spmem:s15] =	stream.linear.scatter [tilespmem:s25], [sflag:$0x2], $0x1800, $0x38;
	[tilespmem:$0x1EDC0] =	vst v63  }
0x3b: {  	_ = 	snop  }
0x3c: {  	[spmem:s16] =	stream.linear.scatter [tilespmem:s25], [sflag:$0x2], $0x1800, $0x38;
	[tilespmem:$0x1EDC0] =	vst v63  }
0x3d: {  	_ = 	snop  }
0x3e: {  	[spmem:s17] =	stream.linear.scatter [tilespmem:s25], [sflag:$0x2], $0x1800, $0x38;
	[tilespmem:$0x1EDC0] =	vst v63  }
0x3f: {  	_ = 	snop  }
0x40: {  	[spmem:s18] =	stream.linear.scatter [tilespmem:s25], [sflag:$0x2], $0x1800, $0x38;
	[tilespmem:$0x1EDC0] =	vst v63  }
0x41: {  	_ = 	snop  }
0x42: {  	[spmem:s19] =	stream.linear.scatter [tilespmem:s25], [sflag:$0x2], $0x1800, $0x38;
	[tilespmem:$0x1EDC0] =	vst v63  }
0x43: {  	s0 =	simm.s32 @!p0 $0x5140  }
0x44: {  	[spmem:s20] =	stream.linear.scatter @!p0 [tilespmem:s0], [sflag:$0x2], $0x800, $0x38;
	[tilespmem:$0x1EDC0] =	vst v63  }
0x45: {  	_ =	swait.ge [sflag:s26], $0x28A0  }
0x46: {  	[sflag:s26] =	ssyncset.done $0x0  }
0x47: {  	[sflag:s26] =	ssyncadd.s32 $0xFFFFD760  }
0x48: {  	_ =	swait.ge [sflag:s26], $0x28A0  }
0x49: {  	[sflag:s26] =	ssyncset.done $0x0  }
0x4a: {  	[sflag:s26] =	ssyncadd.s32 $0xFFFFD760  }
0x4b: {  	_ =	swait.ge [sflag:s28], $0x1800  }
0x4c: {  	[sflag:s28] =	ssyncset.done $0x0  }
0x4d: {  	[sflag:s28] =	ssyncadd.s32 $0xFFFFE800  }
0x4e: {  	_ =	swait.ge [sflag:s28], $0x1800  }
0x4f: {  	[sflag:s28] =	ssyncset.done $0x0  }
0x50: {  	[sflag:s28] =	ssyncadd.s32 $0xFFFFE800  }
0x51: {  	_ =	swait.ge [sflag:s28], $0x1800  }
0x52: {  	[sflag:s28] =	ssyncset.done $0x0  }
0x53: {  	[sflag:s28] =	ssyncadd.s32 $0xFFFFE800  }
0x54: {  	_ =	swait.ge [sflag:s28], $0x1800  }
0x55: {  	[sflag:s28] =	ssyncset.done $0x0  }
0x56: {  	[sflag:s28] =	ssyncadd.s32 $0xFFFFE800  }
0x57: {  	_ =	swait.ge [sflag:s28], $0x1800  }
0x58: {  	[sflag:s28] =	ssyncset.done $0x0  }
0x59: {  	[sflag:s28] =	ssyncadd.s32 $0xFFFFE800  }
0x5a: {  	_ =	swait.ge [sflag:s28], $0x1800  }
0x5b: {  	[sflag:s28] =	ssyncset.done $0x0  }
0x5c: {  	[sflag:s28] =	ssyncadd.s32 $0xFFFFE800  }
0x5d: {  	_ =	swait.ge [sflag:s28], $0x1800  }
0x5e: {  	[sflag:s28] =	ssyncset.done $0x0  }
0x5f: {  	[sflag:s28] =	ssyncadd.s32 $0xFFFFE800  }
0x60: {  	_ =	swait.ge [sflag:s28], $0x1800  }
0x61: {  	[sflag:s28] =	ssyncset.done $0x0  }
0x62: {  	[sflag:s28] =	ssyncadd.s32 $0xFFFFE800  }
0x63: {  	_ =	swait.ge [sflag:s28], $0x1800  }
0x64: {  	[sflag:s28] =	ssyncset.done $0x0  }
0x65: {  	[sflag:s28] =	ssyncadd.s32 $0xFFFFE800  }
0x66: {  	_ =	swait.ge [sflag:s28], $0x1800  }
0x67: {  	[sflag:s28] =	ssyncset.done $0x0  }
0x68: {  	[sflag:s28] =	ssyncadd.s32 $0xFFFFE800  }
0x69: {  	_ =	swait.ge [sflag:s28], $0x1800  }
0x6a: {  	[sflag:s28] =	ssyncset.done $0x0  }
0x6b: {  	[sflag:s28] =	ssyncadd.s32 $0xFFFFE800  }
0x6c: {  	_ =	swait.ge [sflag:s28], $0x1800  }
0x6d: {  	[sflag:s28] =	ssyncset.done $0x0  }
0x6e: {  	[sflag:s28] =	ssyncadd.s32 $0xFFFFE800  }
0x6f: {  	_ =	swait.ge [sflag:s28], $0x1800  }
0x70: {  	[sflag:s28] =	ssyncset.done $0x0  }
0x71: {  	s9 =	simm.s32 $0x1;
	s0 =	simm.s32 @!p0 $0x2;
	[sflag:s28] =	ssyncadd.s32 $0xFFFFE800  }
0x72: {  	s2 =	sand.u32 $0x1, s9;
	_ =	swait.ge @!p0 [sflag:s0], $0x800  }
0x73: {  	s24 =	simm.s32 $0x0;
	s5 =	smul.u32 $0xC800, s2;
	[sflag:s0] =	ssyncset.done @!p0 $0x0  }
0x74: {  	s10 =	sand.u32 $0x1, s24;
	[sflag:s0] =	ssyncadd.s32 @!p0 $0xFFFFF800;
	s0 =	smin.u32 s9, $0x63  }
0x75: {  	s5 =	sshrl.u32 s5, $0x2;
	[bflag:$0x0] =	sbarrier.arrive $0xFFFF;
	s0 =	smul.u32 $0x1A0, s0  }
0x76: {  	[tilespmem:s25], [sflag:$0x1] =	stream.indirect.gather [hbm4b:s4+s29], $0x80, s3, s29, $0xb8;
	[tilespmem:$0x1EDC0] =	vst v63  }
0x77: {  	s2 =	sadd.s32 $0x1, s2;
	s5 =	sadd.s32 $0x5140, s5;
	s0 =	sshrl.u32 s0, $0x2  }
0x78: {  	[tilespmem:s5], [sflag:s2] =	stream.indirect.gather [hbm4b:s4+s29], $0x80, s0, s29, $0xb8;
	[tilespmem:$0x1EDC0] =	vst v63  }
0x79: {  	s11 =	smul.u32 $0xC800, s10;
	s0 =	sadd.s32 $0x1, s10  }
0x7a: {  	_ =	swait.ge [sflag:s0], $0x3200  }
0x7b: {  	s2 =	sshrl.u32 s11, $0x2;
	[sflag:s0] =	ssyncset.done $0x0  }
0x7c: {  	s24 =	simm.s32 $0x28A0;
	s2 =	sadd.s32 $0x5140, s2;
	[sflag:s0] =	ssyncadd.s32 $0xFFFFCE00  }
0x7d: {  	[spmem:s1] =	stream.indirect.scatter.add.f32 [tilespmem:s2], [sflag:$0x3], $0x80, s24, s29, $0xb8;
	[tilespmem:$0x1EDC0] =	vst v63  }
0x7e: {  	s2 =	simm.s32 $0x2  }
0x7f: {  	s5 =	simm.s32 $0x3;
	s0 =	simm.s32 $0x2908;
	s24 =	sand.u32 $0x1, s2  }
.LBB2_4:
0x80: {  	s6 =	smin.u32 s2, $0x63  }
0x81: {  	s8 =	smul.u32 $0xC800, s24;
	_ =	swait.ge [sflag:s30], $0x3200;
	s9 =	smov.u32 s5  }
0x82: {  	s10 =	smov.u32 s0;
	s11 =	sadd.s32 $0x1, s5;
	s2 =	sadd.s32 $0xFFFFFFFF, s2  }
0x83: {  	s24 =	sadd.s32 $0x1, s24;
	s6 =	smul.u32 $0x1A0, s6;
	[sflag:s30] =	ssyncset.done $0x0  }
0x84: {  	p1 =	sne.s32 s5, $0x64;
	s8 =	sshrl.u32 s8, $0x2;
	[sflag:s30] =	ssyncadd.s32 $0xFFFFCE00  }
0x85: {  	s5 =	sand.u32 $0x1, s2;
	s8 =	sadd.s32 $0x5140, s8;
	s6 =	sshrl.u32 s6, $0x2  }
0x86: {  	[tilespmem:s8], [sflag:s24] =	stream.indirect.gather [hbm4b:s4+s29], $0x80, s6, s29, $0xb8;
	[tilespmem:$0x1EDC0] =	vst v63  }
0x87: {  	s2 =	smov.u32 s9;
	s6 =	smul.u32 $0xC800, s5  }
.Ltmp1:
0x88: {  	s5 =	sadd.s32 $0x1, s5;
	(pc) =	sbr.rel @p1 .LBB2_4-.Ltmp1, $4  }
0x89: {  	s0 =	sadd.s32 $0x68, s0;
	_ =	swait.ge [sflag:s5], $0x3200  }
0x8a: {  	s24 =	sand.u32 $0x1, s2;
	s6 =	sshrl.u32 s6, $0x2;
	[sflag:s5] =	ssyncset.done $0x0  }
0x8b: {  	s6 =	sadd.s32 $0x5140, s6;
	[sflag:s5] =	ssyncadd.s32 $0xFFFFCE00;
	s5 =	smov.u32 s11  }
0x8c: {  	[spmem:s1] =	stream.indirect.scatter.add.f32 [tilespmem:s6], [sflag:$0x3], $0x80, s10, s29, $0xb8;
	[tilespmem:$0x1EDC0] =	vst v63  }
0x8d: {  	s5 =	smin.u32 s2, $0x63;
	s6 =	smul.u32 $0xC800, s24  }
0x8e: {  	_ =	swait.ge [sflag:s30], $0x3200;
	s9 =	sadd.s32 $0xFFFFFFFF, s2;
	s8 =	sadd.s32 $0x1, s24  }
0x8f: {  	s5 =	smul.u32 $0x1A0, s5;
	[sflag:s30] =	ssyncset.done $0x0;
	s2 =	sand.u32 $0x1, s9  }
0x90: {  	s6 =	sshrl.u32 s6, $0x2;
	[sflag:s30] =	ssyncadd.s32 $0xFFFFCE00;
	s10 =	smul.u32 $0xC800, s2  }
0x91: {  	s2 =	sadd.s32 $0x1, s2;
	s6 =	sadd.s32 $0x5140, s6;
	s5 =	sshrl.u32 s5, $0x2  }
0x92: {  	[tilespmem:s6], [sflag:s8] =	stream.indirect.gather [hbm4b:s4+s29], $0x80, s5, s29, $0xb8;
	[tilespmem:$0x1EDC0] =	vst v63  }
0x93: {  	_ =	swait.ge [sflag:s2], $0x3200  }
0x94: {  	s5 =	sshrl.u32 s10, $0x2;
	[sflag:s2] =	ssyncset.done $0x0  }
0x95: {  	s5 =	sadd.s32 $0x5140, s5;
	[sflag:s2] =	ssyncadd.s32 $0xFFFFCE00  }
0x96: {  	[spmem:s1] =	stream.indirect.scatter.add.f32 [tilespmem:s5], [sflag:$0x3], $0x80, s0, s29, $0xb8;
	[tilespmem:$0x1EDC0] =	vst v63  }
0x97: {  	_ =	swait.ge [sflag:s30], $0x3200  }
0x98: {  	[sflag:s30] =	ssyncset.done $0x0  }
0x99: {  	[sflag:s30] =	ssyncadd.s32 $0xFFFFCE00  }
0x9a: {  	_ =	swait.ge [sflag:s26], $0x3200  }
0x9b: {  	s11 =	stileid.u32;
	[sflag:s26] =	ssyncset.done $0x0  }
0x9c: {  	s0 =	sshll.u32 s11, $0x6;
	[sflag:s26] =	ssyncadd.s32 $0xFFFFCE00  }
0x9d: {  	s24 =	sshrl.u32 s7, $0x3;
	s0 =	sor.u32 $0x1C03, s0;
	[bflag:$0x0] =	sbarrier.arrive $0xFFFF  }
0x9e: {  	[hbm:s21], [sflag:s0] =	dma.local [spmem:s24], $0x2700  }
0x9f: {  	_ =	swait.ge [sflag:s30], $0x2700  }
0xa0: {  	s31 =	sadd.s32 $0x1, s31;
	[sflag:s30] =	ssyncset.done $0x0  }
0xa1: {  	p1 =	sne.s32 s31, s23;
	s2 =	sshrl.u32 @!p0 s20, $0x3;
	[sflag:s30] =	ssyncadd.s32 $0xFFFFD900  }
0xa2: {  	[hbm:s22], [sflag:s0] =	dma.local @!p0 [spmem:s2], $0x100  }
.Ltmp2:
0xa3: {  	_ = 	snop;
	(pc) =	sbr.rel @p1 .LBB2_1-.Ltmp2, $4  }
0xa4: {  	s0 =	simm.s32 @!p0 $0x3  }
0xa5: {  	_ =	swait.ge @!p0 [sflag:s0], $0x100  }
0xa6: {  	[sflag:s0] =	ssyncset.done @!p0 $0x0  }
0xa7: {  	[sflag:s0] =	ssyncadd.s32 @!p0 $0xFFFFFF00  }
0xa8: {  	_ =	sfence.sel $0x180000  }
0xa9: {  	[bflag:$0x0] =	sbarrier.arrive $0xFFFF  }
0xaa: {  	_ =	strace $0x9000004D  }
0xab: {  	[bflag:$0x2] =	sbarrier.arrive $0xFFFF  }
0xac: {  	s0 =	rddreg [dreg:$0x2]  }
0xad: {  	s0 =	sadd.s32 @!p0 $0x100000, s0  }
0xae: {  	[sflag:s0] =	ssyncadd.tile.s32 @!p0 $0x1;
	_ =	shalt  }
.Lfunc_end2:
_tile_overlayer_lowered:
.L_overlay_start_2:
0xaf: {  	(tag) =	ssettag $0x2  }
0xb0: {  	s0 =	rddreg [dreg:$0x0];
	s2 =	stileid.u32  }
0xb1: {  	s1 =	rddreg [dreg:$0x1];
	p0 =	sne.s32 s2, $0x0  }
0xb2: {  	s3 =	rddreg [dreg:$0x2];
	[bflag:$0x3] =	sbarrier.arrive $0xFFFF;
	s2 =	simm.s32 @!p0 $0x1C03  }
0xb3: {  	[timem:s3], [sflag:s2] =	dma.local @!p0 [hbm:s0], s1  }
0xb4: {  	s0 =	simm.s32 @!p0 $0x3  }
0xb5: {  	_ =	swait.ge @!p0 [sflag:s0], s1  }
0xb6: {  	s1 =	ssub.s32 @!p0 $0x0, s1;
	[sflag:s0] =	ssyncset.done @!p0 $0x0  }
0xb7: {  	[sflag:s0] =	ssyncadd.s32 @!p0 s1  }
0xb8: {  	[bflag:$0x3] =	sbarrier.arrive $0xFFFF  }
0xb9: {  	_ =	shalt  }

// kernel: kernel.19.cloned.1.call-start
scs
__scs_entry_jumppad:
0x0: {  	(pc) =	sbr.rel $0x88, $3  }
0x1: {  	(tag) =	ssettag $0x0;
	lr =	simm.s32 $0x1  }
0x2: {  	[smem:$0x3F92] =	sst lr;
	_ =	strace $0xD0000000  }
0x3: {  	_ = 	snop  }
0x4: {  	_ = 	snop  }
0x5: {  	_ = 	snop  }
0x6: {  	_ = 	snop  }
0x7: {  	_ = 	snop  }
__scs_overlays_trampoline_lowered:
0x8: {  	[smem:$0x3FA1] =	sst s0  }
0x9: {  	[smem:$0x3FA2] =	sst s1  }
0xa: {  	[smem:$0x3FA3] =	sst s2  }
0xb: {  	[smem:$0x3FA4] =	sst s3  }
0xc: {  	[smem:$0x3FA5] =	sst s4  }
0xd: {  	[smem:$0x3FA6] =	sst s5  }
0xe: {  	[smem:$0x3FA7] =	sst s6  }
0xf: {  	[smem:$0x3FA8] =	sst s7  }
0x10: {  	[smem:$0x3FA9] =	sst s8  }
0x11: {  	[smem:$0x3FAA] =	sst s9;
	s0 =	simm.s32 @!p0 $0x0  }
0x12: {  	s1 =	sld [smem:$0x3F90];
	s0 =	simm.s32 @p0 $0x1  }
0x13: {  	[smem:$0x3FAB] =	sst s0;
	s0 =	simm.s32 @!p1 $0x0  }
0x14: {  	s2 =	sld [smem:$0x3F8F];
	s0 =	simm.s32 @p1 $0x1  }
0x15: {  	[smem:$0x3FAC] =	sst s0;
	s0 =	simm.s32 @!p2 $0x0  }
0x16: {  	s3 =	sld [smem:$0x3FDB];
	s0 =	simm.s32 @p2 $0x1  }
0x17: {  	s4 =	simm.s32 $0x1BF5;
	[smem:$0x3FAE] =	sst s0  }
0x18: {  	s0 =	sld [smem:$0x3F91];
	_ =	swait.ge [sflag:s4], $0x0  }
0x19: {  	s7 =	sld [smem:$0x3F92]  }
0x1a: {  	s8 =	sadd.s32 $0xFFFFE003, lr  }
0x1b: {  	s9 =	sadd.s32 $0xFFFFFEF7, lr;
	s5 =	simm.s32 $0xFFFFFFFF;
	p2 =	slt.u32 s8, $0xFFFFF086  }
0x1c: {  	p1 =	slt.u32 s9, $0xF7A;
	s5 =	simm.s32 @!p2 $0x0  }
0x1d: {  	s5 =	simm.s32 @p1 $0x1;
	p0 =	seq.s32 s7, s2  }
0x1e: {  	s7 =	smul.u32 @!p0 $0xF7A, s2;
	p2 =	seq.s32 @!p0 s5, $0x0  }
0x1f: {  	s9 =	smul.u32 $0xF7A, s1;
	s8 =	simm.s32 @!p0 $0x1BF5;
	p2 =	por !p2, p0  }
0x20: {  	[sflag:s8] =	ssyncset.s32 @!p0 $0xFFFFF086;
	s6 =	sadd.s32 @!p0 s3, s7;
	s7 =	simm.s32 @!p0 $0x108  }
0x21: {  	s3 =	sadd.s32 s3, s9;
	s6 =	sadd.s32 @!p0 $0x88, s6;
	s7 =	simm.s32 @p2 $0x1082  }
0x22: {  	[simem:s7], [sflag:s8] =	dma.local @!p0 [hbm:s6], $0xF7A  }
0x23: {  	s9 =	sor.u32 $0xD0000000, s2;
	s6 =	simm.s32 $0x108;
	_ =	swait.ge @!p0 [sflag:s8], $0x0  }
0x24: {  	s3 =	sadd.s32 $0x88, s3;
	s6 =	simm.s32 @!p1 $0x1082;
	[sflag:s4] =	ssyncset.s32 $0xFFFFF086  }
0x25: {  	[simem:s6], [sflag:s4] =	dma.local [hbm:s3], $0xF7A  }
0x26: {  	[smem:$0x3F92] =	sst s1;
	(tag) =	ssettag s2;
	_ =	strace s9  }
0x27: {  	s1 =	sld [smem:$0x3FA2]  }
0x28: {  	s2 =	sld [smem:$0x3FA3]  }
0x29: {  	s4 =	sld [smem:$0x3FA5]  }
0x2a: {  	p0 =	seq.s32 s5, $0x0;
	s5 =	sld [smem:$0x3FA6]  }
0x2b: {  	s6 =	sld [smem:$0x3FA7]  }
0x2c: {  	s7 =	sld [smem:$0x3FA8]  }
0x2d: {  	s3 =	simm.s32 $0x108;
	s8 =	sld [smem:$0x3FA9]  }
0x2e: {  	s3 =	simm.s32 @!p0 $0x1082;
	s9 =	sld [smem:$0x3FAA]  }
0x2f: {  	lr =	sadd.s32 s0, s3;
	s0 =	sld [smem:$0x3FA1]  }
0x30: {  	s3 =	sld [smem:$0x3FA4]  }
0x31: {  	[smem:$0x3FAD] =	sst s10  }
0x32: {  	s10 =	sld [smem:$0x3FAB];
	_ =	sdelay $0x3  }
0x33: {  	p0 =	seq.s32 s10, $0x1;
	s10 =	sld [smem:$0x3FAD];
	_ =	sdelay $0x3  }
0x34: {  	[smem:$0x3FAD] =	sst s10  }
0x35: {  	s10 =	sld [smem:$0x3FAC];
	_ =	sdelay $0x3  }
0x36: {  	p1 =	seq.s32 s10, $0x1;
	s10 =	sld [smem:$0x3FAD];
	_ =	sdelay $0x3  }
0x37: {  	[smem:$0x3FAD] =	sst s10  }
0x38: {  	s10 =	sld [smem:$0x3FAE]  }
0x39: {  	_ = 	snop;
	(pc) =	sbr.ind lr, $3  }
0x3a: {  	_ = 	snop  }
0x3b: {  	_ = 	snop  }
0x3c: {  	p2 =	seq.s32 s10, $0x1;
	s10 =	sld [smem:$0x3FAD]  }
0x3d: {  	_ =	shalt  }
0x3e: {  	_ =	shalt  }
0x3f: {  	_ =	shalt  }
0x40: {  	_ =	shalt  }
0x41: {  	_ =	shalt  }
0x42: {  	_ =	shalt  }
0x43: {  	_ =	shalt  }
0x44: {  	_ =	shalt  }
0x45: {  	_ =	shalt  }
0x46: {  	_ =	shalt  }
0x47: {  	_ =	shalt  }
0x48: {  	_ =	shalt  }
0x49: {  	_ =	shalt  }
0x4a: {  	_ =	shalt  }
0x4b: {  	_ =	shalt  }
0x4c: {  	_ =	shalt  }
0x4d: {  	_ =	shalt  }
0x4e: {  	_ =	shalt  }
0x4f: {  	_ =	shalt  }
0x50: {  	_ =	shalt  }
0x51: {  	_ =	shalt  }
0x52: {  	_ =	shalt  }
0x53: {  	_ =	shalt  }
0x54: {  	_ =	shalt  }
0x55: {  	_ =	shalt  }
0x56: {  	_ =	shalt  }
0x57: {  	_ =	shalt  }
0x58: {  	_ =	shalt  }
0x59: {  	_ =	shalt  }
0x5a: {  	_ =	shalt  }
0x5b: {  	_ =	shalt  }
0x5c: {  	_ =	shalt  }
0x5d: {  	_ =	shalt  }
0x5e: {  	_ =	shalt  }
0x5f: {  	_ =	shalt  }
0x60: {  	_ =	shalt  }
0x61: {  	_ =	shalt  }
0x62: {  	_ =	shalt  }
0x63: {  	_ =	shalt  }
0x64: {  	_ =	shalt  }
0x65: {  	_ =	shalt  }
0x66: {  	_ =	shalt  }
0x67: {  	_ =	shalt  }
0x68: {  	_ =	shalt  }
0x69: {  	_ =	shalt  }
0x6a: {  	_ =	shalt  }
0x6b: {  	_ =	shalt  }
0x6c: {  	_ =	shalt  }
0x6d: {  	_ =	shalt  }
0x6e: {  	_ =	shalt  }
0x6f: {  	_ =	shalt  }
0x70: {  	_ =	shalt  }
0x71: {  	_ =	shalt  }
0x72: {  	_ =	shalt  }
0x73: {  	_ =	shalt  }
0x74: {  	_ =	shalt  }
0x75: {  	_ =	shalt  }
0x76: {  	_ =	shalt  }
0x77: {  	_ =	shalt  }
0x78: {  	_ =	shalt  }
0x79: {  	_ =	shalt  }
0x7a: {  	_ =	shalt  }
0x7b: {  	_ =	shalt  }
0x7c: {  	_ =	shalt  }
0x7d: {  	_ =	shalt  }
0x7e: {  	_ =	shalt  }
0x7f: {  	_ =	shalt  }
0x80: {  	_ =	shalt  }
0x81: {  	_ =	shalt  }
0x82: {  	_ =	shalt  }
0x83: {  	_ =	shalt  }
0x84: {  	_ =	shalt  }
0x85: {  	_ =	shalt  }
0x86: {  	_ =	shalt  }
0x87: {  	_ =	shalt  }
.Lfunc_end0:
.L_simem_size_0:
called_computation.3_lowered:
.L_overlay_start_0:
0x88: {  	s2 =	sld [smem:$0x3FD9]  }
0x89: {  	s3 =	sld [smem:$0x3FFE];
	_ =	sdelay $0x1  }
0x8a: {  	s1 =	srdreg.scid  }
0x8b: {  	s0 =	sand.u32 $0x1, s1  }
0x8c: {  	s16 =	sshll.u32 s0, $0xA;
	s2 =	sadd.s32 s3, s2  }
0x8d: {  	s2 =	sadd.s32 s2, s16  }
0x8e: {  	[smem:$0x3FB9] =	sst s2  }
0x8f: {  	_ = 	snop  }
0x90: {  	(tm) =	ssettm $0x1  }
0x91: {  	s17 =	sld [smem:$0x3FFB];
	_ =	sdelay $0x3  }
0x92: {  	_ =	strace s17  }
0x93: {  	s2 =	sld [smem:$0x3FFC];
	_ =	sdelay $0x3  }
0x94: {  	_ =	strace s2  }
0x95: {  	s2 =	sld [smem:$0x3FFD];
	_ =	sdelay $0x3  }
0x96: {  	_ =	strace s2  }
0x97: {  	_ =	strace $0x8FFFFFFF  }
0x98: {  	s18 =	sld [smem:$0x3FDB];
	_ =	sdelay $0x1  }
0x99: {  	s19 =	simm.s32 $_scs_section_size  }
0x9a: {  	s4 =	simm.s32 $_size__tile_overlayer_lowered;
	s5 =	simm.s32 $_tile_overlayer_lowered  }
0x9b: {  	s22 =	simm.s32 $0x1BFF;
	s21 =	sshll.u32 s5, $0x1;
	s2 =	sadd.s32 s19, s18  }
0x9c: {  	s6 =	simm.s32 $0x0;
	s20 =	sshll.u32 s4, $0x1;
	s4 =	sadd.s32 s21, s2  }
0x9d: {  	[timem:s6], [sflag:s22] =	dma.local [hbm:s4], s20  }
0x9e: {  	_ =	swait.ge [sflag:s22], s20  }
0x9f: {  	s3 =	ssub.s32 $0x0, s20;
	[sflag:s22] =	ssyncset.done $0x0  }
0xa0: {  	[sflag:s22] =	ssyncadd.s32 s3;
	_ =	sdelay $0x1  }
0xa1: {  	s23 =	simm.s32 $0x1B8B  }
0xa2: {  	_ =	swait.ge [sflag:s23], $0x1  }
0xa3: {  	[sflag:s23] =	ssyncset.done $0x0  }
0xa4: {  	s25 =	simm.s32 $0x1B8E;
	s24 =	sld [smem:$0x3FFE];
	[sflag:s23] =	ssyncadd.s32 $0xFFFFFFFF  }
0xa5: {  	s26 =	simm.s32 $execute0_lowered;
	[smem:$0x3FD2] =	sst s25  }
0xa6: {  	s4 =	sshll.u32 s26, $0x1;
	_ =	strace $0x8000004F;
	[dreg:$0x1] =	wrdreg $0xFFFFFFFF  }
0xa7: {  	s28 =	simm.s32 $_size_execute0_lowered;
	s2 =	sadd.s32 s2, s4;
	[dreg:$0x0] =	wrdreg $0x0  }
0xa8: {  	s4 =	sshll.u32 s28, $0x1;
	[dreg:$0x2] =	wrdreg s2  }
0xa9: {  	[dreg:$0x3] =	wrdreg s4  }
0xaa: {  	[dreg:$0x4] =	wrdreg $0xC0  }
0xab: {  	_ =	task [dreg:s6], $0x5FFFF  }
0xac: {  	[dreg:$0x1] =	wrdreg $0xFFFFFFFF  }
0xad: {  	[dreg:$0x0] =	wrdreg $0x60  }
0xae: {  	[dreg:$0x2] =	wrdreg s24  }
0xaf: {  	[dreg:$0x3] =	wrdreg $0xB5400  }
0xb0: {  	[dreg:$0x4] =	wrdreg $0x9  }
0xb1: {  	_ =	task.clear_ibuf [dreg:s6], $0x5FFFF;
	_ =	strace $0x9000004F  }
0xb2: {  	s29 =	simm.s32 $0x9;
	_ =	strace $0x80000051  }
0xb3: {  	_ =	swait.ge [sflag:s29], $0x1  }
0xb4: {  	[sflag:s29] =	ssyncadd.s32 $0xFFFFFFFF  }
0xb5: {  	_ =	strace $0x90000051  }
0xb6: {  	_ =	sfence  }
0xb7: {  	s30 =	sld [smem:$0x0];
	_ =	sdelay $0x2  }
0xb8: {  	s31 =	sshll.u32 s1, $0xD;
	s1 =	sshrl.u32 s1, $0x2  }
0xb9: {  	s3 =	sand.u32 $0x4000, s31;
	s1 =	sadd.s32 s1, s30  }
0xba: {  	s0 =	sor.u32 s3, s0;
	s1 =	sshll.u32 s1, $0x11  }
0xbb: {  	s0 =	sor.u32 s1, s0  }
0xbc: {  	s0 =	sadd.s32 $0x8F2B, s0  }
0xbd: {  	[sflag:s0] =	ssyncadd.remote.s32 $0x1  }
0xbe: {  	_ =	sfence.sel $0xFFFF  }
0xbf: {  	[dreg:$0x0] =	wrdreg $0xFFFFFFFF;
	(pc) =	sbr.abs _section_cstart, $3  }
0xc0: {  	[dreg:$0x1] =	wrdreg $0xFFFFFFFF  }
0xc1: {  	_ =	task.clear_ibuf [dreg:s6], $0x2FFFF;
	_ =	strace $0x9FFFFFFF  }
0xc2: {  	(tm) =	ssettm $0x7FFFFFFF  }
0xc3: {  	_ =	shalt  }
tec
execute0_lowered:
.L_overlay_start_1:
0x0: {  	(tag) =	ssettag $0x1  }
0x1: {  	s0 =	rddreg [dreg:$0x0];
	s2 =	srdreg.scid  }
0x2: {  	s1 =	rddreg [dreg:$0x1];
	s9 =	stileid.u32;
	s3 =	simm.s32 $0x0  }
0x3: {  	s28 =	simm.s32 $0x2;
	s29 =	simm.s32 $0x64;
	s6 =	smul.u32 $0x28A0, s9  }
0x4: {  	s30 =	simm.s32 $0x3;
	s31 =	simm.s32 $0x0;
	s7 =	smul.u32 $0x4E000, s9  }
0x5: {  	s2 =	sand.u32 $0x1, s2;
	[smem:$0x7FF] =	sst s3;
	s19 =	smul.u32 $0x13800, s9  }
0x6: {  	s4 =	sadd.s32 $0x2D200, s0;
	p0 =	sne.s32 s9, $0x0;
	s5 =	smul.u32 $0x28A00, s2  }
0x7: {  	_ =	strace $0x80000050;
	s26 =	ssub.s32 $0x2, s2;
	s2 =	smul.u32 $0x138800, s2  }
0x8: {  	s8 =	sshrl.u32 s26, $0x1;
	s7 =	sshrl.u32 s7, $0x2;
	s5 =	sadd.s32 s6, s5  }
0x9: {  	s23 =	ssub.s32 s26, s8;
	s11 =	sadd.s32 s7, s1;
	s7 =	sadd.s32 s19, s1  }
0xa: {  	s20 =	sadd.s32 s19, s2;
	s2 =	sshrl.u32 s2, $0x3;
	s5 =	sshrl.u32 s5, $0x3  }
0xb: {  	s21 =	sadd.s32 $0x1800, s11;
	s22 =	sadd.s32 $0x3000, s11;
	s24 =	sadd.s32 $0x4800, s11  }
0xc: {  	s25 =	sadd.s32 $0x6000, s11;
	s12 =	sadd.s32 $0x7800, s11;
	s13 =	sadd.s32 $0x9000, s11  }
0xd: {  	s14 =	sadd.s32 $0xA800, s11;
	s15 =	sadd.s32 $0xC000, s11;
	s16 =	sadd.s32 $0xD800, s11  }
0xe: {  	s17 =	sadd.s32 $0xF000, s11;
	s18 =	sadd.s32 $0x10800, s11;
	[dreg:$0x5] =	wrdreg s21  }
0xf: {  	s19 =	sadd.s32 $0x12000, s11;
	s26 =	sshrl.u32 s20, $0x3;
	[dreg:$0x6] =	wrdreg s22  }
0x10: {  	s20 =	sadd.s32 $0x138000, s1;
	s23 =	smax.u32 s23, $0x1;
	[dreg:$0x7] =	wrdreg s24  }
0x11: {  	s5 =	sadd.s32 s5, s0;
	s0 =	sadd.s32 $0x54400, s0;
	[dreg:$0x8] =	wrdreg s25  }
0x12: {  	s25 =	simm.s32 $0x5140;
	s10 =	sadd.s32 $0x22E00, s5;
	s5 =	sadd.s32 $0x18A00, s5  }
0x13: {  	s2 =	sadd.s32 s0, s2;
	s21 =	sadd.s32 s0, s26;
	[dreg:$0x3] =	wrdreg s10  }
0x14: {  	v0 =	vimm.f32 $0.0e+00;
	s26 =	simm.s32 $0x1;
	[dreg:$0x4] =	wrdreg s5;
	s22 =	sadd.s32 $0x27000, s2  }
.LBB2_1:
0x15: {  	s0 =	rddreg [dreg:$0x3]  }
0x16: {  	[tilespmem:s3], [sflag:$0x1] =	stream.linear.gather [hbm4b:s0+s3], $0x28A0, $0x38;
	[tilespmem:$0x1EDC0] =	vst v63  }
0x17: {  	s24 =	rddreg [dreg:$0x4];
	s2 =	simm.s32 $0x28A0  }
0x18: {  	[tilespmem:s2], [sflag:$0x1] =	stream.linear.gather [hbm4b:s24+s3], $0x28A0, $0x38;
	[tilespmem:$0x1EDC0] =	vst v63  }
0x19: {  	s0 =	simm.s32 $0x0;
	s2 =	simm.s32 $0x200  }
.LBB2_2:
0x1a: {  	p1 =	sne.s32 s2, $0x5E00;
	[tilespmem:s0+$0x51B0] =	vst v0  }
0x1b: {  	[tilespmem:s0+$0x5140] =	vst v0  }
0x1c: {  	[tilespmem:s0+$0x5150] =	vst v0  }
.Ltmp0:
0x1d: {  	[tilespmem:s0+$0x5160] =	vst v0;
	(pc) =	sbr.rel @p1 .LBB2_2-.Ltmp0, $4  }
0x1e: {  	[tilespmem:s0+$0x5170] =	vst v0  }
0x1f: {  	[tilespmem:s0+$0x5180] =	vst v0  }
0x20: {  	[tilespmem:s0+$0x5190] =	vst v0  }
0x21: {  	[tilespmem:s0+$0x51A0] =	vst v0;
	s0 =	sshra.s32 s2, $0x2;
	s2 =	sadd.s32 $0x200, s2  }
0x22: {  	[tilespmem:s0+$0x51B0] =	vst v0  }
0x23: {  	[tilespmem:s0+$0x5140] =	vst v0  }
0x24: {  	[tilespmem:s0+$0x5150] =	vst v0  }
0x25: {  	[tilespmem:s0+$0x5160] =	vst v0  }
0x26: {  	[tilespmem:s0+$0x5170] =	vst v0  }
0x27: {  	[tilespmem:s0+$0x5180] =	vst v0  }
0x28: {  	[tilespmem:s0+$0x5190] =	vst v0  }
0x29: {  	[tilespmem:s0+$0x51A0] =	vst v0  }
0x2a: {  	[spmem:s7] =	stream.linear.scatter [tilespmem:s25], [sflag:$0x2], $0x1800, $0x38;
	[tilespmem:$0x1EDC0] =	vst v63  }
0x2b: {  	s2 =	rddreg [dreg:$0x5]  }
0x2c: {  	[spmem:s2] =	stream.linear.scatter [tilespmem:s25], [sflag:$0x2], $0x1800, $0x38;
	[tilespmem:$0x1EDC0] =	vst v63  }
0x2d: {  	s5 =	rddreg [dreg:$0x6]  }
0x2e: {  	[spmem:s5] =	stream.linear.scatter [tilespmem:s25], [sflag:$0x2], $0x1800, $0x38;
	[tilespmem:$0x1EDC0] =	vst v63  }
0x2f: {  	s6 =	rddreg [dreg:$0x7]  }
0x30: {  	[spmem:s6] =	stream.linear.scatter [tilespmem:s25], [sflag:$0x2], $0x1800, $0x38;
	[tilespmem:$0x1EDC0] =	vst v63  }
0x31: {  	s8 =	rddreg [dreg:$0x8]  }
0x32: {  	[spmem:s8] =	stream.linear.scatter [tilespmem:s25], [sflag:$0x2], $0x1800, $0x38;
	[tilespmem:$0x1EDC0] =	vst v63  }
0x33: {  	_ = 	snop  }
0x34: {  	[spmem:s12] =	stream.linear.scatter [tilespmem:s25], [sflag:$0x2], $0x1800, $0x38;
	[tilespmem:$0x1EDC0] =	vst v63  }
0x35: {  	_ = 	snop  }
0x36: {  	[spmem:s13] =	stream.linear.scatter [tilespmem:s25], [sflag:$0x2], $0x1800, $0x38;
	[tilespmem:$0x1EDC0] =	vst v63  }
0x37: {  	_ = 	snop  }
0x38: {  	[spmem:s14] =	stream.linear.scatter [tilespmem:s25], [sflag:$0x2], $0x1800, $0x38;
	[tilespmem:$0x1EDC0] =	vst v63  }
0x39: {  	_ = 	snop  }
0x3a: {  	[spmem:s15] =	stream.linear.scatter [tilespmem:s25], [sflag:$0x2], $0x1800, $0x38;
	[tilespmem:$0x1EDC0] =	vst v63  }
0x3b: {  	_ = 	snop  }
0x3c: {  	[spmem:s16] =	stream.linear.scatter [tilespmem:s25], [sflag:$0x2], $0x1800, $0x38;
	[tilespmem:$0x1EDC0] =	vst v63  }
0x3d: {  	_ = 	snop  }
0x3e: {  	[spmem:s17] =	stream.linear.scatter [tilespmem:s25], [sflag:$0x2], $0x1800, $0x38;
	[tilespmem:$0x1EDC0] =	vst v63  }
0x3f: {  	_ = 	snop  }
0x40: {  	[spmem:s18] =	stream.linear.scatter [tilespmem:s25], [sflag:$0x2], $0x1800, $0x38;
	[tilespmem:$0x1EDC0] =	vst v63  }
0x41: {  	_ = 	snop  }
0x42: {  	[spmem:s19] =	stream.linear.scatter [tilespmem:s25], [sflag:$0x2], $0x1800, $0x38;
	[tilespmem:$0x1EDC0] =	vst v63  }
0x43: {  	s0 =	simm.s32 @!p0 $0x5140  }
0x44: {  	[spmem:s20] =	stream.linear.scatter @!p0 [tilespmem:s0], [sflag:$0x2], $0x800, $0x38;
	[tilespmem:$0x1EDC0] =	vst v63  }
0x45: {  	_ =	swait.ge [sflag:s26], $0x28A0  }
0x46: {  	[sflag:s26] =	ssyncset.done $0x0  }
0x47: {  	[sflag:s26] =	ssyncadd.s32 $0xFFFFD760  }
0x48: {  	_ =	swait.ge [sflag:s26], $0x28A0  }
0x49: {  	[sflag:s26] =	ssyncset.done $0x0  }
0x4a: {  	[sflag:s26] =	ssyncadd.s32 $0xFFFFD760  }
0x4b: {  	_ =	swait.ge [sflag:s28], $0x1800  }
0x4c: {  	[sflag:s28] =	ssyncset.done $0x0  }
0x4d: {  	[sflag:s28] =	ssyncadd.s32 $0xFFFFE800  }
0x4e: {  	_ =	swait.ge [sflag:s28], $0x1800  }
0x4f: {  	[sflag:s28] =	ssyncset.done $0x0  }
0x50: {  	[sflag:s28] =	ssyncadd.s32 $0xFFFFE800  }
0x51: {  	_ =	swait.ge [sflag:s28], $0x1800  }
0x52: {  	[sflag:s28] =	ssyncset.done $0x0  }
0x53: {  	[sflag:s28] =	ssyncadd.s32 $0xFFFFE800  }
0x54: {  	_ =	swait.ge [sflag:s28], $0x1800  }
0x55: {  	[sflag:s28] =	ssyncset.done $0x0  }
0x56: {  	[sflag:s28] =	ssyncadd.s32 $0xFFFFE800  }
0x57: {  	_ =	swait.ge [sflag:s28], $0x1800  }
0x58: {  	[sflag:s28] =	ssyncset.done $0x0  }
0x59: {  	[sflag:s28] =	ssyncadd.s32 $0xFFFFE800  }
0x5a: {  	_ =	swait.ge [sflag:s28], $0x1800  }
0x5b: {  	[sflag:s28] =	ssyncset.done $0x0  }
0x5c: {  	[sflag:s28] =	ssyncadd.s32 $0xFFFFE800  }
0x5d: {  	_ =	swait.ge [sflag:s28], $0x1800  }
0x5e: {  	[sflag:s28] =	ssyncset.done $0x0  }
0x5f: {  	[sflag:s28] =	ssyncadd.s32 $0xFFFFE800  }
0x60: {  	_ =	swait.ge [sflag:s28], $0x1800  }
0x61: {  	[sflag:s28] =	ssyncset.done $0x0  }
0x62: {  	[sflag:s28] =	ssyncadd.s32 $0xFFFFE800  }
0x63: {  	_ =	swait.ge [sflag:s28], $0x1800  }
0x64: {  	[sflag:s28] =	ssyncset.done $0x0  }
0x65: {  	[sflag:s28] =	ssyncadd.s32 $0xFFFFE800  }
0x66: {  	_ =	swait.ge [sflag:s28], $0x1800  }
0x67: {  	[sflag:s28] =	ssyncset.done $0x0  }
0x68: {  	[sflag:s28] =	ssyncadd.s32 $0xFFFFE800  }
0x69: {  	_ =	swait.ge [sflag:s28], $0x1800  }
0x6a: {  	[sflag:s28] =	ssyncset.done $0x0  }
0x6b: {  	[sflag:s28] =	ssyncadd.s32 $0xFFFFE800  }
0x6c: {  	_ =	swait.ge [sflag:s28], $0x1800  }
0x6d: {  	[sflag:s28] =	ssyncset.done $0x0  }
0x6e: {  	[sflag:s28] =	ssyncadd.s32 $0xFFFFE800  }
0x6f: {  	_ =	swait.ge [sflag:s28], $0x1800  }
0x70: {  	[sflag:s28] =	ssyncset.done $0x0  }
0x71: {  	s9 =	simm.s32 $0x1;
	s0 =	simm.s32 @!p0 $0x2;
	[sflag:s28] =	ssyncadd.s32 $0xFFFFE800  }
0x72: {  	s2 =	sand.u32 $0x1, s9;
	_ =	swait.ge @!p0 [sflag:s0], $0x800  }
0x73: {  	s24 =	simm.s32 $0x0;
	s5 =	smul.u32 $0xC800, s2;
	[sflag:s0] =	ssyncset.done @!p0 $0x0  }
0x74: {  	s10 =	sand.u32 $0x1, s24;
	[sflag:s0] =	ssyncadd.s32 @!p0 $0xFFFFF800;
	s0 =	smin.u32 s9, $0x63  }
0x75: {  	s5 =	sshrl.u32 s5, $0x2;
	[bflag:$0x0] =	sbarrier.arrive $0xFFFF;
	s0 =	smul.u32 $0x1A0, s0  }
0x76: {  	[tilespmem:s25], [sflag:$0x1] =	stream.indirect.gather [hbm4b:s4+s29], $0x80, s3, s29, $0xb8;
	[tilespmem:$0x1EDC0] =	vst v63  }
0x77: {  	s2 =	sadd.s32 $0x1, s2;
	s5 =	sadd.s32 $0x5140, s5;
	s0 =	sshrl.u32 s0, $0x2  }
0x78: {  	[tilespmem:s5], [sflag:s2] =	stream.indirect.gather [hbm4b:s4+s29], $0x80, s0, s29, $0xb8;
	[tilespmem:$0x1EDC0] =	vst v63  }
0x79: {  	s11 =	smul.u32 $0xC800, s10;
	s0 =	sadd.s32 $0x1, s10  }
0x7a: {  	_ =	swait.ge [sflag:s0], $0x3200  }
0x7b: {  	s2 =	sshrl.u32 s11, $0x2;
	[sflag:s0] =	ssyncset.done $0x0  }
0x7c: {  	s24 =	simm.s32 $0x28A0;
	s2 =	sadd.s32 $0x5140, s2;
	[sflag:s0] =	ssyncadd.s32 $0xFFFFCE00  }
0x7d: {  	[spmem:s1] =	stream.indirect.scatter.add.f32 [tilespmem:s2], [sflag:$0x3], $0x80, s24, s29, $0xb8;
	[tilespmem:$0x1EDC0] =	vst v63  }
0x7e: {  	s2 =	simm.s32 $0x2  }
0x7f: {  	s5 =	simm.s32 $0x3;
	s0 =	simm.s32 $0x2908;
	s24 =	sand.u32 $0x1, s2  }
.LBB2_4:
0x80: {  	s6 =	smin.u32 s2, $0x63  }
0x81: {  	s8 =	smul.u32 $0xC800, s24;
	_ =	swait.ge [sflag:s30], $0x3200;
	s9 =	smov.u32 s5  }
0x82: {  	s10 =	smov.u32 s0;
	s11 =	sadd.s32 $0x1, s5;
	s2 =	sadd.s32 $0xFFFFFFFF, s2  }
0x83: {  	s24 =	sadd.s32 $0x1, s24;
	s6 =	smul.u32 $0x1A0, s6;
	[sflag:s30] =	ssyncset.done $0x0  }
0x84: {  	p1 =	sne.s32 s5, $0x64;
	s8 =	sshrl.u32 s8, $0x2;
	[sflag:s30] =	ssyncadd.s32 $0xFFFFCE00  }
0x85: {  	s5 =	sand.u32 $0x1, s2;
	s8 =	sadd.s32 $0x5140, s8;
	s6 =	sshrl.u32 s6, $0x2  }
0x86: {  	[tilespmem:s8], [sflag:s24] =	stream.indirect.gather [hbm4b:s4+s29], $0x80, s6, s29, $0xb8;
	[tilespmem:$0x1EDC0] =	vst v63  }
0x87: {  	s2 =	smov.u32 s9;
	s6 =	smul.u32 $0xC800, s5  }
.Ltmp1:
0x88: {  	s5 =	sadd.s32 $0x1, s5;
	(pc) =	sbr.rel @p1 .LBB2_4-.Ltmp1, $4  }
0x89: {  	s0 =	sadd.s32 $0x68, s0;
	_ =	swait.ge [sflag:s5], $0x3200  }
0x8a: {  	s24 =	sand.u32 $0x1, s2;
	s6 =	sshrl.u32 s6, $0x2;
	[sflag:s5] =	ssyncset.done $0x0  }
0x8b: {  	s6 =	sadd.s32 $0x5140, s6;
	[sflag:s5] =	ssyncadd.s32 $0xFFFFCE00;
	s5 =	smov.u32 s11  }
0x8c: {  	[spmem:s1] =	stream.indirect.scatter.add.f32 [tilespmem:s6], [sflag:$0x3], $0x80, s10, s29, $0xb8;
	[tilespmem:$0x1EDC0] =	vst v63  }
0x8d: {  	s5 =	smin.u32 s2, $0x63;
	s6 =	smul.u32 $0xC800, s24  }
0x8e: {  	_ =	swait.ge [sflag:s30], $0x3200;
	s9 =	sadd.s32 $0xFFFFFFFF, s2;
	s8 =	sadd.s32 $0x1, s24  }
0x8f: {  	s5 =	smul.u32 $0x1A0, s5;
	[sflag:s30] =	ssyncset.done $0x0;
	s2 =	sand.u32 $0x1, s9  }
0x90: {  	s6 =	sshrl.u32 s6, $0x2;
	[sflag:s30] =	ssyncadd.s32 $0xFFFFCE00;
	s10 =	smul.u32 $0xC800, s2  }
0x91: {  	s2 =	sadd.s32 $0x1, s2;
	s6 =	sadd.s32 $0x5140, s6;
	s5 =	sshrl.u32 s5, $0x2  }
0x92: {  	[tilespmem:s6], [sflag:s8] =	stream.indirect.gather [hbm4b:s4+s29], $0x80, s5, s29, $0xb8;
	[tilespmem:$0x1EDC0] =	vst v63  }
0x93: {  	_ =	swait.ge [sflag:s2], $0x3200  }
0x94: {  	s5 =	sshrl.u32 s10, $0x2;
	[sflag:s2] =	ssyncset.done $0x0  }
0x95: {  	s5 =	sadd.s32 $0x5140, s5;
	[sflag:s2] =	ssyncadd.s32 $0xFFFFCE00  }
0x96: {  	[spmem:s1] =	stream.indirect.scatter.add.f32 [tilespmem:s5], [sflag:$0x3], $0x80, s0, s29, $0xb8;
	[tilespmem:$0x1EDC0] =	vst v63  }
0x97: {  	_ =	swait.ge [sflag:s30], $0x3200  }
0x98: {  	[sflag:s30] =	ssyncset.done $0x0  }
0x99: {  	[sflag:s30] =	ssyncadd.s32 $0xFFFFCE00  }
0x9a: {  	_ =	swait.ge [sflag:s26], $0x3200  }
0x9b: {  	s11 =	stileid.u32;
	[sflag:s26] =	ssyncset.done $0x0  }
0x9c: {  	s0 =	sshll.u32 s11, $0x6;
	[sflag:s26] =	ssyncadd.s32 $0xFFFFCE00  }
0x9d: {  	s24 =	sshrl.u32 s7, $0x3;
	s0 =	sor.u32 $0x1C03, s0;
	[bflag:$0x0] =	sbarrier.arrive $0xFFFF  }
0x9e: {  	[hbm:s21], [sflag:s0] =	dma.local [spmem:s24], $0x2700  }
0x9f: {  	_ =	swait.ge [sflag:s30], $0x2700  }
0xa0: {  	s31 =	sadd.s32 $0x1, s31;
	[sflag:s30] =	ssyncset.done $0x0  }
0xa1: {  	p1 =	sne.s32 s31, s23;
	s2 =	sshrl.u32 @!p0 s20, $0x3;
	[sflag:s30] =	ssyncadd.s32 $0xFFFFD900  }
0xa2: {  	[hbm:s22], [sflag:s0] =	dma.local @!p0 [spmem:s2], $0x100  }
.Ltmp2:
0xa3: {  	_ = 	snop;
	(pc) =	sbr.rel @p1 .LBB2_1-.Ltmp2, $4  }
0xa4: {  	s0 =	simm.s32 @!p0 $0x3  }
0xa5: {  	_ =	swait.ge @!p0 [sflag:s0], $0x100  }
0xa6: {  	[sflag:s0] =	ssyncset.done @!p0 $0x0  }
0xa7: {  	[sflag:s0] =	ssyncadd.s32 @!p0 $0xFFFFFF00  }
0xa8: {  	_ =	sfence.sel $0x180000  }
0xa9: {  	[bflag:$0x0] =	sbarrier.arrive $0xFFFF  }
0xaa: {  	_ =	strace $0x90000050  }
0xab: {  	[bflag:$0x2] =	sbarrier.arrive $0xFFFF  }
0xac: {  	s0 =	rddreg [dreg:$0x2]  }
0xad: {  	s0 =	sadd.s32 @!p0 $0x100000, s0  }
0xae: {  	[sflag:s0] =	ssyncadd.tile.s32 @!p0 $0x1;
	_ =	shalt  }
.Lfunc_end2:
_tile_overlayer_lowered:
.L_overlay_start_2:
0xaf: {  	(tag) =	ssettag $0x2  }
0xb0: {  	s0 =	rddreg [dreg:$0x0];
	s2 =	stileid.u32  }
0xb1: {  	s1 =	rddreg [dreg:$0x1];
	p0 =	sne.s32 s2, $0x0  }
0xb2: {  	s3 =	rddreg [dreg:$0x2];
	[bflag:$0x3] =	sbarrier.arrive $0xFFFF;
	s2 =	simm.s32 @!p0 $0x1C03  }
0xb3: {  	[timem:s3], [sflag:s2] =	dma.local @!p0 [hbm:s0], s1  }
0xb4: {  	s0 =	simm.s32 @!p0 $0x3  }
0xb5: {  	_ =	swait.ge @!p0 [sflag:s0], s1  }
0xb6: {  	s1 =	ssub.s32 @!p0 $0x0, s1;
	[sflag:s0] =	ssyncset.done @!p0 $0x0  }
0xb7: {  	[sflag:s0] =	ssyncadd.s32 @!p0 s1  }
0xb8: {  	[bflag:$0x3] =	sbarrier.arrive $0xFFFF  }
0xb9: {  	_ =	shalt  }

</sc_bundles>
